<compile_context>
chip_gen: v7x
topology: tpu7x:2x2x1
jax: 0.10.2.dev20260603
libtpu: 0.0.44.dev20260713+nightly
codegen_flags: <defaults>
</compile_context>

<pallas_src>
import functools

import jax
import jax.numpy as jnp
from jax import lax
from jax.experimental import pallas as pl
from jax.experimental.pallas import tpu as pltpu
from jax.experimental.pallas import tpu_sc as plsc

G = 10000
GP = 10240
B = 128
E = 160000
T = 128

NC = 2
NS = 16
NW = NC * NS
CH = 128
NCHUNK = E // CH
RPT = GP // NS
PCHW = 40
NCHUNK_PAD = NW * PCHW
NB = 3
SNB = 2

_f32 = jnp.float32
_bf16 = jnp.bfloat16

_mesh = plsc.VectorSubcoreMesh(
    core_axis_name="c", subcore_axis_name="s", num_cores=NC, num_subcores=NS)



@functools.partial(
    pl.kernel,
    out_type=[jax.ShapeDtypeStruct((E, B), _f32),
              jax.ShapeDtypeStruct((E, B), _f32)],
    mesh=_mesh,
    scratch_types=[
        pltpu.VMEM((PCHW * CH,), jnp.int32),
        pltpu.VMEM((PCHW * CH,), jnp.int32),
        pltpu.VMEM((NB, CH, B), _f32),
        pltpu.VMEM((NB, CH, B), _f32),
        pltpu.SemaphoreType.DMA((NB,)),
        pltpu.SemaphoreType.DMA((NB,)),
    ],
)
def _gather_sc(h_hbm, dstf_hbm, srcf_hbm, hd_out, hs_out,
               idx_d, idx_s, rows_d, rows_s, sem_g, sem_w):
    w = lax.axis_index("s") * NC + lax.axis_index("c")
    start = w * PCHW
    n = jnp.minimum(NCHUNK - start, PCHW)

    pltpu.sync_copy(dstf_hbm.at[pl.ds(start * CH, PCHW * CH)], idx_d)
    pltpu.sync_copy(srcf_hbm.at[pl.ds(start * CH, PCHW * CH)], idx_s)

    def step(o, carry):
        for u in range(NB):
            i = o * NB + u
            b = u
            bw = (u - 1) % NB
            jf = i - NB

            @pl.when((jf >= 0) & (jf < n))
            def _():
                pltpu.make_async_copy(
                    rows_d.at[b], hd_out.at[pl.ds(0, CH)], sem_w.at[b]).wait()
                pltpu.make_async_copy(
                    rows_s.at[b], hs_out.at[pl.ds(0, CH)], sem_w.at[b]).wait()

            @pl.when(i < n)
            def _():
                pltpu.async_copy(
                    h_hbm.at[idx_d.at[pl.ds(i * CH, CH)]],
                    rows_d.at[b], sem_g.at[b])
                pltpu.async_copy(
                    h_hbm.at[idx_s.at[pl.ds(i * CH, CH)]],
                    rows_s.at[b], sem_g.at[b])

            bw2 = (u - 2) % NB

            @pl.when((i >= 2) & (i - 2 < n))
            def _():
                base = (start + i - 2) * CH
                pltpu.make_async_copy(
                    h_hbm.at[pl.ds(0, CH)], rows_d.at[bw2], sem_g.at[bw2]).wait()
                pltpu.make_async_copy(
                    h_hbm.at[pl.ds(0, CH)], rows_s.at[bw2], sem_g.at[bw2]).wait()
                pltpu.async_copy(
                    rows_d.at[bw2], hd_out.at[pl.ds(base, CH)], sem_w.at[bw2])
                pltpu.async_copy(
                    rows_s.at[bw2], hs_out.at[pl.ds(base, CH)], sem_w.at[bw2])

        return carry

    lax.fori_loop(0, (PCHW + NB + NB - 1) // NB + 1, step, 0)



@functools.partial(
    pl.kernel,
    out_type=jax.ShapeDtypeStruct((2, GP, B), _f32),
    mesh=_mesh,
    scratch_types=[
        pltpu.VMEM((SNB, CH), jnp.int32),
        pltpu.VMEM((SNB, CH, B), _f32),
        pltpu.VMEM_SHARED((GP, B), _f32),
        pltpu.SemaphoreType.DMA((SNB,)),
    ],
)
def _scatter_sc(hz_hbm, m_hbm, dstf_hbm, out_hbm,
                idx_ring, mbuf, acc_sh, sem_m):
    cc = lax.axis_index("c")
    ss = lax.axis_index("s")
    w = ss * NC + cc
    start = w * PCHW
    n = jnp.minimum(NCHUNK - start, PCHW)

    r0 = ss * RPT
    NKI = RPT // CH
    for k in range(NKI + 1):
        b = k % SNB
        bp = (k - 1) % SNB
        if k < NKI:
            rr = r0 + k * CH
            pltpu.async_copy(
                hz_hbm.at[cc, pl.ds(rr, CH)], mbuf.at[b], sem_m.at[b])
        if k >= 1:
            rrp = r0 + (k - 1) * CH
            pltpu.make_async_copy(
                hz_hbm.at[0, pl.ds(0, CH)], mbuf.at[bp], sem_m.at[bp]).wait()
            pltpu.sync_copy(mbuf.at[bp], acc_sh.at[pl.ds(rrp, CH)])

    plsc.subcore_barrier()

    def body(o, carry):
        for u in range(SNB):
            i = o * SNB + u
            b = u
            bp = (u - 1) % SNB

            @pl.when(i < n)
            def _():
                base = (start + i) * CH
                pltpu.async_copy(
                    m_hbm.at[pl.ds(base, CH)], mbuf.at[b], sem_m.at[b])
                pltpu.async_copy(
                    dstf_hbm.at[pl.ds(base, CH)], idx_ring.at[b], sem_m.at[b])

            @pl.when((i >= 1) & (i - 1 < n))
            def _():
                pltpu.make_async_copy(
                    m_hbm.at[pl.ds(0, CH)], mbuf.at[bp], sem_m.at[bp]).wait()
                pltpu.make_async_copy(
                    dstf_hbm.at[pl.ds(0, CH)], idx_ring.at[bp],
                    sem_m.at[bp]).wait()
                pltpu.sync_copy(mbuf.at[bp], acc_sh.at[idx_ring.at[bp]],
                                add=True)

        return carry

    lax.fori_loop(0, (PCHW + SNB) // SNB + 1, body, 0)
    plsc.subcore_barrier()

    for k in range(NKI):
        b = k % SNB
        rr = r0 + k * CH
        if k >= SNB:
            pltpu.make_async_copy(
                mbuf.at[b], out_hbm.at[0, pl.ds(0, CH)], sem_m.at[b]).wait()
        pltpu.sync_copy(acc_sh.at[pl.ds(rr, CH)], mbuf.at[b])
        pltpu.async_copy(mbuf.at[b], out_hbm.at[cc, pl.ds(rr, CH)], sem_m.at[b])
    for k in range(NKI - SNB, NKI):
        b = k % SNB
        pltpu.make_async_copy(
            mbuf.at[b], out_hbm.at[0, pl.ds(0, CH)], sem_m.at[b]).wait()



def _sigmoid(a):
    return 1.0 / (1.0 + jnp.exp(-a))


def _softplus(a):
    return jnp.maximum(a, 0.0) + jnp.log(1.0 + jnp.exp(-jnp.abs(a)))


def _celu(a):
    return jnp.where(a > 0, a, jnp.exp(a) - 1.0)


def _edge_body(hd_ref, hs_ref, wfa, wfb, wsa, wsb, bf, bs, m_ref):
    hd = hd_ref[...]
    hs = hs_ref[...]
    dot = functools.partial(
        lax.dot_general,
        dimension_numbers=(((1,), (0,)), ((), ())),
        precision=lax.Precision.DEFAULT,
        preferred_element_type=_f32)
    f = dot(hd, wfa[...]) + dot(hs, wfb[...])
    s = dot(hd, wsa[...]) + dot(hs, wsb[...])
    m_ref[...] = _sigmoid(f + bf[...]) * _softplus(s + bs[...])


_EB = 8000


def _edge_mlp(hd, hs, wfa, wfb, wsa, wsb, bf, bs):
    grid = E // _EB
    full = pl.BlockSpec((B, B), lambda i: (0, 0))
    bias = pl.BlockSpec((1, B), lambda i: (0, 0))
    eblk = pl.BlockSpec((_EB, B), lambda i: (i, 0))
    return pl.pallas_call(
        _edge_body,
        grid=(grid,),
        in_specs=[eblk, eblk, full, full, full, full, bias, bias],
        out_specs=eblk,
        out_shape=jax.ShapeDtypeStruct((E, B), _f32),
    )(hd, hs, wfa, wfb, wsa, wsb, bf, bs)



_GB = 1280


def _merge_body(p_ref, o_ref):
    v = _celu(p_ref[0] + p_ref[1])
    o_ref[0] = v
    o_ref[1] = jnp.zeros_like(v)


def _merge_celu(p):
    return pl.pallas_call(
        _merge_body,
        grid=(GP // _GB,),
        in_specs=[pl.BlockSpec((2, _GB, B), lambda i: (0, i, 0))],
        out_specs=pl.BlockSpec((2, _GB, B), lambda i: (0, i, 0)),
        out_shape=jax.ShapeDtypeStruct((2, GP, B), _f32),
    )(p)



def _tail1_body(q_ref, wd1_ref, bd1, wd2, wr1, br1, bd2,
                z_ref, ya_ref, acc):
    i = pl.program_id(0)

    @pl.when(i == 0)
    def _():
        acc[...] = jnp.zeros_like(acc)

    c = _celu(q_ref[0] + q_ref[1])
    acc[...] += lax.dot_general(
        c, wd1_ref[...], (((0,), (0,)), ((), ())),
        preferred_element_type=_f32)

    @pl.when(i == pl.num_programs(0) - 1)
    def _():
        z1 = _celu(acc[...] + bd1[...])
        z2 = jnp.dot(z1, wd2[...], preferred_element_type=_f32) + bd2[...]
        z_ref[...] = z2
        ya_ref[...] = _celu(
            jnp.dot(z2, wr1[...], preferred_element_type=_f32) + br1[...])


def _tail1(q, wd1, bd1, wd2, wr1, br1, bd2):
    full = pl.BlockSpec((B, T), lambda i: (0, 0))
    bias = pl.BlockSpec((1, T), lambda i: (0, 0))
    return pl.pallas_call(
        _tail1_body,
        grid=(GP // _GB,),
        in_specs=[pl.BlockSpec((2, _GB, B), lambda i: (0, i, 0)),
                  pl.BlockSpec((_GB, T), lambda i: (i, 0)),
                  bias, full, full, bias, bias],
        out_specs=[full, full],
        out_shape=[jax.ShapeDtypeStruct((B, T), _f32),
                   jax.ShapeDtypeStruct((B, T), _f32)],
        scratch_shapes=[pltpu.VMEM((B, T), _f32)],
    )(q, wd1, bd1, wd2, wr1, br1, bd2)



def _tail2_body(ya_ref, wr2_ref, br2_ref, y_ref):
    y_ref[...] = _softplus(
        jnp.dot(ya_ref[...], wr2_ref[...], preferred_element_type=_f32)
        + br2_ref[...])


def _tail2(ya, wr2, br2):
    return pl.pallas_call(
        _tail2_body,
        out_shape=jax.ShapeDtypeStruct((B, G), _f32),
    )(ya, wr2, br2)



def kernel(x, edge_index, Wf1, bf1, Ws1, bs1, Wf2, bf2, Ws2, bs2,
           Wd1, bd1, Wd2, bd2, Wr1, br1, Wr2, br2):
    src = edge_index[0]
    dst = edge_index[1]
    dstp = jnp.pad(dst, (0, NCHUNK_PAD * CH - E))
    srcp = jnp.pad(src, (0, NCHUNK_PAD * CH - E))
    h0 = jnp.pad(x.T, ((0, GP - G), (0, 0)))
    hz0 = jnp.stack([h0, jnp.zeros_like(h0)])
    Wd1p = jnp.pad(Wd1, ((0, GP - G), (0, 0)))

    bf1r = bf1.reshape(1, B)
    bs1r = bs1.reshape(1, B)
    bf2r = bf2.reshape(1, B)
    bs2r = bs2.reshape(1, B)

    hd, hs = _gather_sc(hz0[0], dstp, srcp)
    m1 = _edge_mlp(hd, hs, Wf1[:B].astype(_bf16), Wf1[B:].astype(_bf16),
                   Ws1[:B].astype(_bf16), Ws1[B:].astype(_bf16), bf1r, bs1r)
    p = _scatter_sc(hz0, m1, dstp)
    hz2 = _merge_celu(p)

    hd2, hs2 = _gather_sc(hz2[0], dstp, srcp)
    m2 = _edge_mlp(hd2, hs2, Wf2[:B].astype(_bf16), Wf2[B:].astype(_bf16),
                   Ws2[:B].astype(_bf16), Ws2[B:].astype(_bf16), bf2r, bs2r)
    q = _scatter_sc(hz2, m2, dstp)

    z, ya = _tail1(q, Wd1p, bd1.reshape(1, T), Wd2, Wr1,
                   br1.reshape(1, T), bd2.reshape(1, T))
    y = _tail2(ya, Wr2, br2.reshape(1, G))
    return (z, y)

# --- scband reference (transcript-rebuilt; emitter-appended) ---
"""Pipeline reference for scband-gdr-2808908612123 (READ-ONLY COPY).

The authoritative reference and input builder live on the scoring server;
editing this copy changes nothing except your own understanding.
"""

import jax, jax.numpy as jnp
import numpy as np

G = 10000   # in_genes = number of graph nodes
B = 128     # batch_size = node feature dim after transpose
E = 160000  # number of edges (avg degree 16)
T = 128     # target_dims
MID = 1     # mid_channel (must be 1 for the conv channel dims to be consistent)


def _lin_init(key, fan_in, shape):
    s = 1.0 / np.sqrt(fan_in)
    return jax.random.uniform(key, shape, jnp.float32, -s, s)


def setup_inputs(seed: int = 0) -> dict:
    key = jax.random.key(seed)
    ks = jax.random.split(key, 22)
    inp = {}
    inp["x"] = jax.random.normal(ks[0], (B, G), dtype=jnp.float32)
    inp["edge_index"] = jax.random.randint(ks[1], (2, E), 0, G, dtype=jnp.int32)
    # CGConv 1 (channels = B, edge_attr is None so lin in-features = 2*B)
    inp["Wf1"] = _lin_init(ks[2], 2 * B, (2 * B, B))
    inp["bf1"] = _lin_init(ks[3], 2 * B, (B,))
    inp["Ws1"] = _lin_init(ks[4], 2 * B, (2 * B, B))
    inp["bs1"] = _lin_init(ks[5], 2 * B, (B,))
    # CGConv 2
    inp["Wf2"] = _lin_init(ks[6], 2 * B, (2 * B, B))
    inp["bf2"] = _lin_init(ks[7], 2 * B, (B,))
    inp["Ws2"] = _lin_init(ks[8], 2 * B, (2 * B, B))
    inp["bs2"] = _lin_init(ks[9], 2 * B, (B,))
    # dr MLP: CELU -> Linear(G, MID*T) -> CELU -> Linear(MID*T, T)
    inp["Wd1"] = _lin_init(ks[10], G, (G, MID * T))
    inp["bd1"] = _lin_init(ks[11], G, (MID * T,))
    inp["Wd2"] = _lin_init(ks[12], MID * T, (MID * T, T))
    inp["bd2"] = _lin_init(ks[13], MID * T, (T,))
    # recon MLP: Linear(T, MID*T) -> CELU -> Linear(MID*T, G) -> Softplus
    inp["Wr1"] = _lin_init(ks[14], T, (T, MID * T))
    inp["br1"] = _lin_init(ks[15], T, (MID * T,))
    inp["Wr2"] = _lin_init(ks[16], MID * T, (MID * T, G))
    inp["br2"] = _lin_init(ks[17], MID * T, (G,))
    return inp


def _cgconv(x, src, dst, Wf, bf, Ws, bs):
    # PyG CGConv with edge_attr=None, aggr='add', no batch norm:
    # z = cat([x_i, x_j]); out = x + scatter_add(sigmoid(lin_f(z)) * softplus(lin_s(z)), dst)
    z = jnp.concatenate([x[dst], x[src]], axis=-1)
    m = jax.nn.sigmoid(z @ Wf + bf) * jax.nn.softplus(z @ Ws + bs)
    return x + jnp.zeros_like(x).at[dst].add(m)


def reference(x, edge_index, Wf1, bf1, Ws1, bs1, Wf2, bf2, Ws2, bs2,
              Wd1, bd1, Wd2, bd2, Wr1, br1, Wr2, br2):
    src = edge_index[0]
    dst = edge_index[1]
    h = x.T  # [G, B]
    h = _cgconv(h, src, dst, Wf1, bf1, Ws1, bs1)
    h = jax.nn.celu(h)
    h = _cgconv(h, src, dst, Wf2, bf2, Ws2, bs2)
    h = h.T  # [B, G]
    # dr
    h = jax.nn.celu(h)
    z = jax.nn.celu(h @ Wd1 + bd1)
    z = z @ Wd2 + bd2  # [B, T]
    # recon
    y = jax.nn.celu(z @ Wr1 + br1)
    y = jax.nn.softplus(y @ Wr2 + br2)  # [B, G]
    return (z, y)

if __name__ == "__main__":
    import jax
    _d = setup_inputs()
    print(jax.jit(kernel)(*tuple(_d.values())))

</pallas_src>

<mosaic_0001>
#map = affine_map<(d0, d1) -> (0, 0)>
#map1 = affine_map<(d0, d1) -> (0)>
module attributes {stable_mosaic.version = 14 : i64} {
  func.func @_gather_sc(%arg0: i32, %arg1: i32, %arg2: memref<10240x128xf32, #tpu.memory_space<hbm>>, %arg3: memref<163840xi32, #tpu.memory_space<hbm>>, %arg4: memref<163840xi32, #tpu.memory_space<hbm>>, %arg5: memref<160000x128xf32, #tpu.memory_space<hbm>>, %arg6: memref<160000x128xf32, #tpu.memory_space<hbm>>, %arg7: memref<5120xi32, #tpu.memory_space<vmem>>, %arg8: memref<5120xi32, #tpu.memory_space<vmem>>, %arg9: memref<3x128x128xf32, #tpu.memory_space<vmem>>, %arg10: memref<3x128x128xf32, #tpu.memory_space<vmem>>, %arg11: memref<3x!tpu.dma_semaphore, #tpu.memory_space<semaphore_mem>>, %arg12: memref<3x!tpu.dma_semaphore, #tpu.memory_space<semaphore_mem>>) attributes {dimension_semantics = [#tpu.dimension_semantics<core_parallel>, #tpu.dimension_semantics<subcore_parallel>], iteration_bounds = array<i64: 2, 16>, scalar_prefetch = 0 : i64, scratch_operands = 6 : i64, tpu.core_type = #tpu.core_type<sc_vector_subcore>, window_params = [{transform_indices = #map}, {transform_indices = #map1}, {transform_indices = #map1}, {transform_indices = #map}, {transform_indices = #map}]} {
    %mul3A = arith.constant 2 : i32
    %mul3A_0 = arith.muli %arg1, %mul3A : i32
    %add3A = arith.addi %mul3A_0, %arg0 : i32
    %mul3A_1 = arith.constant 40 : i32
    %mul3A_2 = arith.muli %add3A, %mul3A_1 : i32
    %sub3A = arith.constant 1250 : i32
    %sub3A_3 = arith.subi %sub3A, %mul3A_2 : i32
    %min3A = arith.constant 40 : i32
    %min3A_4 = arith.minsi %sub3A_3, %min3A : i32
    %mul3A_5 = arith.constant 128 : i32
    %mul3A_6 = arith.muli %mul3A_2, %mul3A_5 : i32
    "tpu.region"() ({
      %run_scoped3A = tpu.sem_alloc : memref<!tpu.dma_semaphore, #tpu.memory_space<semaphore_mem>>
      %dma_start3A = tpu.memref_slice %arg3[%mul3A_6] : memref<163840xi32, #tpu.memory_space<hbm>> -> memref<5120xi32, #tpu.memory_space<hbm>>
      %dma_start3A_14 = tpu.memref_slice %arg3[%mul3A_6] : memref<163840xi32, #tpu.memory_space<hbm>> -> memref<5120xi32, #tpu.memory_space<hbm>>
      tpu.enqueue_dma source(%dma_start3A_14 : memref<5120xi32, #tpu.memory_space<hbm>>) target(%arg7 : memref<5120xi32, #tpu.memory_space<vmem>>) target_semaphore(%run_scoped3A : memref<!tpu.dma_semaphore, #tpu.memory_space<semaphore_mem>>)
      %dma_wait3A = tpu.memref_slice %arg3[%mul3A_6] : memref<163840xi32, #tpu.memory_space<hbm>> -> memref<5120xi32, #tpu.memory_space<hbm>>
      %dma_wait3A_15 = tpu.memref_slice %arg3[%mul3A_6] : memref<163840xi32, #tpu.memory_space<hbm>> -> memref<5120xi32, #tpu.memory_space<hbm>>
      tpu.wait_dma2 semaphore(%run_scoped3A : memref<!tpu.dma_semaphore, #tpu.memory_space<semaphore_mem>>) src(%dma_wait3A_15 : memref<5120xi32, #tpu.memory_space<hbm>>) dst(%arg7 : memref<5120xi32, #tpu.memory_space<vmem>>)
      tpu.yield
    }) : () -> ()
    %mul3A_7 = arith.constant 128 : i32
    %mul3A_8 = arith.muli %mul3A_2, %mul3A_7 : i32
    "tpu.region"() ({
      %run_scoped3A = tpu.sem_alloc : memref<!tpu.dma_semaphore, #tpu.memory_space<semaphore_mem>>
      %dma_start3A = tpu.memref_slice %arg4[%mul3A_8] : memref<163840xi32, #tpu.memory_space<hbm>> -> memref<5120xi32, #tpu.memory_space<hbm>>
      %dma_start3A_14 = tpu.memref_slice %arg4[%mul3A_8] : memref<163840xi32, #tpu.memory_space<hbm>> -> memref<5120xi32, #tpu.memory_space<hbm>>
      tpu.enqueue_dma source(%dma_start3A_14 : memref<5120xi32, #tpu.memory_space<hbm>>) target(%arg8 : memref<5120xi32, #tpu.memory_space<vmem>>) target_semaphore(%run_scoped3A : memref<!tpu.dma_semaphore, #tpu.memory_space<semaphore_mem>>)
      %dma_wait3A = tpu.memref_slice %arg4[%mul3A_8] : memref<163840xi32, #tpu.memory_space<hbm>> -> memref<5120xi32, #tpu.memory_space<hbm>>
      %dma_wait3A_15 = tpu.memref_slice %arg4[%mul3A_8] : memref<163840xi32, #tpu.memory_space<hbm>> -> memref<5120xi32, #tpu.memory_space<hbm>>
      tpu.wait_dma2 semaphore(%run_scoped3A : memref<!tpu.dma_semaphore, #tpu.memory_space<semaphore_mem>>) src(%dma_wait3A_15 : memref<5120xi32, #tpu.memory_space<hbm>>) dst(%arg8 : memref<5120xi32, #tpu.memory_space<vmem>>)
      tpu.yield
    }) : () -> ()
    %scan3A = arith.constant 0 : i32
    %scan3A_9 = arith.constant 0 : i32
    %scan3A_10 = arith.constant 16 : i32
    %scan3A_11 = arith.addi %scan3A_9, %scan3A_10 : i32
    %scan3A_12 = arith.constant 1 : i32
    scf.for %scan3A_14 = %scan3A_9 to %scan3A_11 step %scan3A_12  : i32 {
      %mul3A_15 = arith.constant 3 : i32
      %mul3A_16 = arith.muli %scan3A_14, %mul3A_15 : i32
      %add3A_17 = arith.constant 0 : i32
      %add3A_18 = arith.addi %mul3A_16, %add3A_17 : i32
      %sub3A_19 = arith.constant 3 : i32
      %sub3A_20 = arith.subi %add3A_18, %sub3A_19 : i32
      %ge3A = arith.constant 0 : i32
      %ge3A_21 = arith.cmpi sge, %sub3A_20, %ge3A : i32
      %lt3A = arith.cmpi slt, %sub3A_20, %min3A_4 : i32
      %and3A = arith.andi %ge3A_21, %lt3A : i1
      %convert_element_type3A = arith.extui %and3A : i1 to i32
      %cond3A = arith.constant 0 : i32
      %cond3A_22 = arith.cmpi ne, %convert_element_type3A, %cond3A : i32
      scf.if %cond3A_22 {
        %dma_wait3A = arith.constant 0 : i32
        %dma_wait3A_88 = arith.constant 0 : i32
        %dma_wait3A_89 = arith.constant 0 : i32
        %dma_wait3A_90 = arith.constant 0 : i32
        %dma_wait3A_91 = tpu.memref_slice %arg9[%dma_wait3A, %dma_wait3A_89, %dma_wait3A_90] : memref<3x128x128xf32, #tpu.memory_space<vmem>> -> memref<1x128x128xf32, #tpu.memory_space<vmem>>
        %dma_wait3A_92 = tpu.memref_squeeze %dma_wait3A_91 : memref<1x128x128xf32, #tpu.memory_space<vmem>> -> memref<128x128xf32, #tpu.memory_space<vmem>>
        %dma_wait3A_93 = arith.constant 0 : i32
        %dma_wait3A_94 = arith.constant 0 : i32
        %dma_wait3A_95 = tpu.memref_slice %arg5[%dma_wait3A_93, %dma_wait3A_94] : memref<160000x128xf32, #tpu.memory_space<hbm>> -> memref<128x128xf32, #tpu.memory_space<hbm>>
        %dma_wait3A_96 = tpu.memref_slice %arg12[%dma_wait3A_88] : memref<3x!tpu.dma_semaphore, #tpu.memory_space<semaphore_mem>> -> memref<1x!tpu.dma_semaphore, #tpu.memory_space<semaphore_mem>>
        %dma_wait3A_97 = tpu.memref_squeeze %dma_wait3A_96 : memref<1x!tpu.dma_semaphore, #tpu.memory_space<semaphore_mem>> -> memref<!tpu.dma_semaphore, #tpu.memory_space<semaphore_mem>>
        %dma_wait3A_98 = arith.constant 0 : i32
        %dma_wait3A_99 = arith.constant 0 : i32
        %dma_wait3A_100 = tpu.memref_slice %arg5[%dma_wait3A_98, %dma_wait3A_99] : memref<160000x128xf32, #tpu.memory_space<hbm>> -> memref<128x128xf32, #tpu.memory_space<hbm>>
        %dma_wait3A_101 = arith.constant 0 : i32
        %dma_wait3A_102 = arith.constant 0 : i32
        %dma_wait3A_103 = tpu.memref_slice %arg9[%dma_wait3A, %dma_wait3A_101, %dma_wait3A_102] : memref<3x128x128xf32, #tpu.memory_space<vmem>> -> memref<1x128x128xf32, #tpu.memory_space<vmem>>
        %dma_wait3A_104 = tpu.memref_squeeze %dma_wait3A_103 : memref<1x128x128xf32, #tpu.memory_space<vmem>> -> memref<128x128xf32, #tpu.memory_space<vmem>>
        tpu.wait_dma2 semaphore(%dma_wait3A_97 : memref<!tpu.dma_semaphore, #tpu.memory_space<semaphore_mem>>) src(%dma_wait3A_104 : memref<128x128xf32, #tpu.memory_space<vmem>>) dst(%dma_wait3A_100 : memref<128x128xf32, #tpu.memory_space<hbm>>)
        %dma_wait3A_105 = arith.constant 0 : i32
        %dma_wait3A_106 = arith.constant 0 : i32
        %dma_wait3A_107 = arith.constant 0 : i32
        %dma_wait3A_108 = arith.constant 0 : i32
        %dma_wait3A_109 = tpu.memref_slice %arg10[%dma_wait3A_105, %dma_wait3A_107, %dma_wait3A_108] : memref<3x128x128xf32, #tpu.memory_space<vmem>> -> memref<1x128x128xf32, #tpu.memory_space<vmem>>
        %dma_wait3A_110 = tpu.memref_squeeze %dma_wait3A_109 : memref<1x128x128xf32, #tpu.memory_space<vmem>> -> memref<128x128xf32, #tpu.memory_space<vmem>>
        %dma_wait3A_111 = arith.constant 0 : i32
        %dma_wait3A_112 = arith.constant 0 : i32
        %dma_wait3A_113 = tpu.memref_slice %arg6[%dma_wait3A_111, %dma_wait3A_112] : memref<160000x128xf32, #tpu.memory_space<hbm>> -> memref<128x128xf32, #tpu.memory_space<hbm>>
        %dma_wait3A_114 = tpu.memref_slice %arg12[%dma_wait3A_106] : memref<3x!tpu.dma_semaphore, #tpu.memory_space<semaphore_mem>> -> memref<1x!tpu.dma_semaphore, #tpu.memory_space<semaphore_mem>>
        %dma_wait3A_115 = tpu.memref_squeeze %dma_wait3A_114 : memref<1x!tpu.dma_semaphore, #tpu.memory_space<semaphore_mem>> -> memref<!tpu.dma_semaphore, #tpu.memory_space<semaphore_mem>>
        %dma_wait3A_116 = arith.constant 0 : i32
        %dma_wait3A_117 = arith.constant 0 : i32
        %dma_wait3A_118 = tpu.memref_slice %arg6[%dma_wait3A_116, %dma_wait3A_117] : memref<160000x128xf32, #tpu.memory_space<hbm>> -> memref<128x128xf32, #tpu.memory_space<hbm>>
        %dma_wait3A_119 = arith.constant 0 : i32
        %dma_wait3A_120 = arith.constant 0 : i32
        %dma_wait3A_121 = tpu.memref_slice %arg10[%dma_wait3A_105, %dma_wait3A_119, %dma_wait3A_120] : memref<3x128x128xf32, #tpu.memory_space<vmem>> -> memref<1x128x128xf32, #tpu.memory_space<vmem>>
        %dma_wait3A_122 = tpu.memref_squeeze %dma_wait3A_121 : memref<1x128x128xf32, #tpu.memory_space<vmem>> -> memref<128x128xf32, #tpu.memory_space<vmem>>
        tpu.wait_dma2 semaphore(%dma_wait3A_115 : memref<!tpu.dma_semaphore, #tpu.memory_space<semaphore_mem>>) src(%dma_wait3A_122 : memref<128x128xf32, #tpu.memory_space<vmem>>) dst(%dma_wait3A_118 : memref<128x128xf32, #tpu.memory_space<hbm>>)
      } else {
      }
      %lt3A_23 = arith.cmpi slt, %add3A_18, %min3A_4 : i32
      %convert_element_type3A_24 = arith.extui %lt3A_23 : i1 to i32
      %cond3A_25 = arith.constant 0 : i32
      %cond3A_26 = arith.cmpi ne, %convert_element_type3A_24, %cond3A_25 : i32
      scf.if %cond3A_26 {
        %mul3A_88 = arith.constant 128 : i32
        %mul3A_89 = arith.muli %add3A_18, %mul3A_88 : i32
        %dma_start3A = arith.constant 0 : i32
        %dma_start3A_90 = arith.constant 0 : i32
        %dma_start3A_91 = arith.constant 0 : i32
        %dma_start3A_92 = arith.constant 0 : i32
        %dma_start3A_93 = tpu.memref_slice %arg9[%dma_start3A, %dma_start3A_91, %dma_start3A_92] : memref<3x128x128xf32, #tpu.memory_space<vmem>> -> memref<1x128x128xf32, #tpu.memory_space<vmem>>
        %dma_start3A_94 = tpu.memref_squeeze %dma_start3A_93 : memref<1x128x128xf32, #tpu.memory_space<vmem>> -> memref<128x128xf32, #tpu.memory_space<vmem>>
        %dma_start3A_95 = tpu.memref_slice %arg7[%mul3A_89] : memref<5120xi32, #tpu.memory_space<vmem>> -> memref<128xi32, #tpu.memory_space<vmem>>
        %dma_start3A_96 = arith.constant 0 : i32
        %dma_start3A_97 = arith.constant 0 : i32
        %dma_start3A_98 = tpu.memref_slice %arg2[%dma_start3A_96, %dma_start3A_97] : memref<10240x128xf32, #tpu.memory_space<hbm>> -> memref<10240x128xf32, #tpu.memory_space<hbm>>
        %dma_start3A_99 = tpu.memref_slice %arg11[%dma_start3A_90] : memref<3x!tpu.dma_semaphore, #tpu.memory_space<semaphore_mem>> -> memref<1x!tpu.dma_semaphore, #tpu.memory_space<semaphore_mem>>
        %dma_start3A_100 = tpu.memref_squeeze %dma_start3A_99 : memref<1x!tpu.dma_semaphore, #tpu.memory_space<semaphore_mem>> -> memref<!tpu.dma_semaphore, #tpu.memory_space<semaphore_mem>>
        tpu.enqueue_indirect_dma source(%dma_start3A_98 : memref<10240x128xf32, #tpu.memory_space<hbm>>) target(%dma_start3A_94 : memref<128x128xf32, #tpu.memory_space<vmem>>) offsets(%dma_start3A_95 : memref<128xi32, #tpu.memory_space<vmem>>) semaphore(%dma_start3A_100 : memref<!tpu.dma_semaphore, #tpu.memory_space<semaphore_mem>>)
        %mul3A_101 = arith.constant 128 : i32
        %mul3A_102 = arith.muli %add3A_18, %mul3A_101 : i32
        %dma_start3A_103 = arith.constant 0 : i32
        %dma_start3A_104 = arith.constant 0 : i32
        %dma_start3A_105 = arith.constant 0 : i32
        %dma_start3A_106 = arith.constant 0 : i32
        %dma_start3A_107 = tpu.memref_slice %arg10[%dma_start3A_103, %dma_start3A_105, %dma_start3A_106] : memref<3x128x128xf32, #tpu.memory_space<vmem>> -> memref<1x128x128xf32, #tpu.memory_space<vmem>>
        %dma_start3A_108 = tpu.memref_squeeze %dma_start3A_107 : memref<1x128x128xf32, #tpu.memory_space<vmem>> -> memref<128x128xf32, #tpu.memory_space<vmem>>
        %dma_start3A_109 = tpu.memref_slice %arg8[%mul3A_102] : memref<5120xi32, #tpu.memory_space<vmem>> -> memref<128xi32, #tpu.memory_space<vmem>>
        %dma_start3A_110 = arith.constant 0 : i32
        %dma_start3A_111 = arith.constant 0 : i32
        %dma_start3A_112 = tpu.memref_slice %arg2[%dma_start3A_110, %dma_start3A_111] : memref<10240x128xf32, #tpu.memory_space<hbm>> -> memref<10240x128xf32, #tpu.memory_space<hbm>>
        %dma_start3A_113 = tpu.memref_slice %arg11[%dma_start3A_104] : memref<3x!tpu.dma_semaphore, #tpu.memory_space<semaphore_mem>> -> memref<1x!tpu.dma_semaphore, #tpu.memory_space<semaphore_mem>>
        %dma_start3A_114 = tpu.memref_squeeze %dma_start3A_113 : memref<1x!tpu.dma_semaphore, #tpu.memory_space<semaphore_mem>> -> memref<!tpu.dma_semaphore, #tpu.memory_space<semaphore_mem>>
        tpu.enqueue_indirect_dma source(%dma_start3A_112 : memref<10240x128xf32, #tpu.memory_space<hbm>>) target(%dma_start3A_108 : memref<128x128xf32, #tpu.memory_space<vmem>>) offsets(%dma_start3A_109 : memref<128xi32, #tpu.memory_space<vmem>>) semaphore(%dma_start3A_114 : memref<!tpu.dma_semaphore, #tpu.memory_space<semaphore_mem>>)
      } else {
      }
      %ge3A_27 = arith.constant 2 : i32
      %ge3A_28 = arith.cmpi sge, %add3A_18, %ge3A_27 : i32
      %sub3A_29 = arith.constant 2 : i32
      %sub3A_30 = arith.subi %add3A_18, %sub3A_29 : i32
      %lt3A_31 = arith.cmpi slt, %sub3A_30, %min3A_4 : i32
      %and3A_32 = arith.andi %ge3A_28, %lt3A_31 : i1
      %convert_element_type3A_33 = arith.extui %and3A_32 : i1 to i32
      %cond3A_34 = arith.constant 0 : i32
      %cond3A_35 = arith.cmpi ne, %convert_element_type3A_33, %cond3A_34 : i32
      scf.if %cond3A_35 {
        %add3A_88 = arith.addi %mul3A_2, %add3A_18 : i32
        %sub3A_89 = arith.constant 2 : i32
        %sub3A_90 = arith.subi %add3A_88, %sub3A_89 : i32
        %mul3A_91 = arith.constant 128 : i32
        %mul3A_92 = arith.muli %sub3A_90, %mul3A_91 : i32
        %dma_wait3A = arith.constant 1 : i32
        %dma_wait3A_93 = arith.constant 1 : i32
        %dma_wait3A_94 = arith.constant 0 : i32
        %dma_wait3A_95 = arith.constant 0 : i32
        %dma_wait3A_96 = tpu.memref_slice %arg9[%dma_wait3A, %dma_wait3A_94, %dma_wait3A_95] : memref<3x128x128xf32, #tpu.memory_space<vmem>> -> memref<1x128x128xf32, #tpu.memory_space<vmem>>
        %dma_wait3A_97 = tpu.memref_squeeze %dma_wait3A_96 : memref<1x128x128xf32, #tpu.memory_space<vmem>> -> memref<128x128xf32, #tpu.memory_space<vmem>>
        %dma_wait3A_98 = arith.constant 0 : i32
        %dma_wait3A_99 = arith.constant 0 : i32
        %dma_wait3A_100 = tpu.memref_slice %arg2[%dma_wait3A_98, %dma_wait3A_99] : memref<10240x128xf32, #tpu.memory_space<hbm>> -> memref<128x128xf32, #tpu.memory_space<hbm>>
        %dma_wait3A_101 = tpu.memref_slice %arg11[%dma_wait3A_93] : memref<3x!tpu.dma_semaphore, #tpu.memory_space<semaphore_mem>> -> memref<1x!tpu.dma_semaphore, #tpu.memory_space<semaphore_mem>>
        %dma_wait3A_102 = tpu.memref_squeeze %dma_wait3A_101 : memref<1x!tpu.dma_semaphore, #tpu.memory_space<semaphore_mem>> -> memref<!tpu.dma_semaphore, #tpu.memory_space<semaphore_mem>>
        %dma_wait3A_103 = arith.constant 0 : i32
        %dma_wait3A_104 = arith.constant 0 : i32
        %dma_wait3A_105 = tpu.memref_slice %arg9[%dma_wait3A, %dma_wait3A_103, %dma_wait3A_104] : memref<3x128x128xf32, #tpu.memory_space<vmem>> -> memref<1x128x128xf32, #tpu.memory_space<vmem>>
        %dma_wait3A_106 = tpu.memref_squeeze %dma_wait3A_105 : memref<1x128x128xf32, #tpu.memory_space<vmem>> -> memref<128x128xf32, #tpu.memory_space<vmem>>
        %dma_wait3A_107 = arith.constant 0 : i32
        %dma_wait3A_108 = arith.constant 0 : i32
        %dma_wait3A_109 = tpu.memref_slice %arg2[%dma_wait3A_107, %dma_wait3A_108] : memref<10240x128xf32, #tpu.memory_space<hbm>> -> memref<128x128xf32, #tpu.memory_space<hbm>>
        tpu.wait_dma2 semaphore(%dma_wait3A_102 : memref<!tpu.dma_semaphore, #tpu.memory_space<semaphore_mem>>) src(%dma_wait3A_109 : memref<128x128xf32, #tpu.memory_space<hbm>>) dst(%dma_wait3A_106 : memref<128x128xf32, #tpu.memory_space<vmem>>)
        %dma_wait3A_110 = arith.constant 1 : i32
        %dma_wait3A_111 = arith.constant 1 : i32
        %dma_wait3A_112 = arith.constant 0 : i32
        %dma_wait3A_113 = arith.constant 0 : i32
        %dma_wait3A_114 = tpu.memref_slice %arg10[%dma_wait3A_110, %dma_wait3A_112, %dma_wait3A_113] : memref<3x128x128xf32, #tpu.memory_space<vmem>> -> memref<1x128x128xf32, #tpu.memory_space<vmem>>
        %dma_wait3A_115 = tpu.memref_squeeze %dma_wait3A_114 : memref<1x128x128xf32, #tpu.memory_space<vmem>> -> memref<128x128xf32, #tpu.memory_space<vmem>>
        %dma_wait3A_116 = arith.constant 0 : i32
        %dma_wait3A_117 = arith.constant 0 : i32
        %dma_wait3A_118 = tpu.memref_slice %arg2[%dma_wait3A_116, %dma_wait3A_117] : memref<10240x128xf32, #tpu.memory_space<hbm>> -> memref<128x128xf32, #tpu.memory_space<hbm>>
        %dma_wait3A_119 = tpu.memref_slice %arg11[%dma_wait3A_111] : memref<3x!tpu.dma_semaphore, #tpu.memory_space<semaphore_mem>> -> memref<1x!tpu.dma_semaphore, #tpu.memory_space<semaphore_mem>>
        %dma_wait3A_120 = tpu.memref_squeeze %dma_wait3A_119 : memref<1x!tpu.dma_semaphore, #tpu.memory_space<semaphore_mem>> -> memref<!tpu.dma_semaphore, #tpu.memory_space<semaphore_mem>>
        %dma_wait3A_121 = arith.constant 0 : i32
        %dma_wait3A_122 = arith.constant 0 : i32
        %dma_wait3A_123 = tpu.memref_slice %arg10[%dma_wait3A_110, %dma_wait3A_121, %dma_wait3A_122] : memref<3x128x128xf32, #tpu.memory_space<vmem>> -> memref<1x128x128xf32, #tpu.memory_space<vmem>>
        %dma_wait3A_124 = tpu.memref_squeeze %dma_wait3A_123 : memref<1x128x128xf32, #tpu.memory_space<vmem>> -> memref<128x128xf32, #tpu.memory_space<vmem>>
        %dma_wait3A_125 = arith.constant 0 : i32
        %dma_wait3A_126 = arith.constant 0 : i32
        %dma_wait3A_127 = tpu.memref_slice %arg2[%dma_wait3A_125, %dma_wait3A_126] : memref<10240x128xf32, #tpu.memory_space<hbm>> -> memref<128x128xf32, #tpu.memory_space<hbm>>
        tpu.wait_dma2 semaphore(%dma_wait3A_120 : memref<!tpu.dma_semaphore, #tpu.memory_space<semaphore_mem>>) src(%dma_wait3A_127 : memref<128x128xf32, #tpu.memory_space<hbm>>) dst(%dma_wait3A_124 : memref<128x128xf32, #tpu.memory_space<vmem>>)
        %dma_start3A = arith.constant 1 : i32
        %dma_start3A_128 = arith.constant 1 : i32
        %dma_start3A_129 = arith.constant 0 : i32
        %dma_start3A_130 = arith.constant 0 : i32
        %dma_start3A_131 = tpu.memref_slice %arg9[%dma_start3A, %dma_start3A_129, %dma_start3A_130] : memref<3x128x128xf32, #tpu.memory_space<vmem>> -> memref<1x128x128xf32, #tpu.memory_space<vmem>>
        %dma_start3A_132 = tpu.memref_squeeze %dma_start3A_131 : memref<1x128x128xf32, #tpu.memory_space<vmem>> -> memref<128x128xf32, #tpu.memory_space<vmem>>
        %dma_start3A_133 = arith.constant 0 : i32
        %dma_start3A_134 = tpu.memref_slice %arg5[%mul3A_92, %dma_start3A_133] : memref<160000x128xf32, #tpu.memory_space<hbm>> -> memref<128x128xf32, #tpu.memory_space<hbm>>
        %dma_start3A_135 = tpu.memref_slice %arg12[%dma_start3A_128] : memref<3x!tpu.dma_semaphore, #tpu.memory_space<semaphore_mem>> -> memref<1x!tpu.dma_semaphore, #tpu.memory_space<semaphore_mem>>
        %dma_start3A_136 = tpu.memref_squeeze %dma_start3A_135 : memref<1x!tpu.dma_semaphore, #tpu.memory_space<semaphore_mem>> -> memref<!tpu.dma_semaphore, #tpu.memory_space<semaphore_mem>>
        %dma_start3A_137 = arith.constant 0 : i32
        %dma_start3A_138 = tpu.memref_slice %arg5[%mul3A_92, %dma_start3A_137] : memref<160000x128xf32, #tpu.memory_space<hbm>> -> memref<128x128xf32, #tpu.memory_space<hbm>>
        %dma_start3A_139 = arith.constant 0 : i32
        %dma_start3A_140 = arith.constant 0 : i32
        %dma_start3A_141 = tpu.memref_slice %arg9[%dma_start3A, %dma_start3A_139, %dma_start3A_140] : memref<3x128x128xf32, #tpu.memory_space<vmem>> -> memref<1x128x128xf32, #tpu.memory_space<vmem>>
        %dma_start3A_142 = tpu.memref_squeeze %dma_start3A_141 : memref<1x128x128xf32, #tpu.memory_space<vmem>> -> memref<128x128xf32, #tpu.memory_space<vmem>>
        tpu.enqueue_dma source(%dma_start3A_142 : memref<128x128xf32, #tpu.memory_space<vmem>>) target(%dma_start3A_138 : memref<128x128xf32, #tpu.memory_space<hbm>>) target_semaphore(%dma_start3A_136 : memref<!tpu.dma_semaphore, #tpu.memory_space<semaphore_mem>>)
        %dma_start3A_143 = arith.constant 1 : i32
        %dma_start3A_144 = arith.constant 1 : i32
        %dma_start3A_145 = arith.constant 0 : i32
        %dma_start3A_146 = arith.constant 0 : i32
        %dma_start3A_147 = tpu.memref_slice %arg10[%dma_start3A_143, %dma_start3A_145, %dma_start3A_146] : memref<3x128x128xf32, #tpu.memory_space<vmem>> -> memref<1x128x128xf32, #tpu.memory_space<vmem>>
        %dma_start3A_148 = tpu.memref_squeeze %dma_start3A_147 : memref<1x128x128xf32, #tpu.memory_space<vmem>> -> memref<128x128xf32, #tpu.memory_space<vmem>>
        %dma_start3A_149 = arith.constant 0 : i32
        %dma_start3A_150 = tpu.memref_slice %arg6[%mul3A_92, %dma_start3A_149] : memref<160000x128xf32, #tpu.memory_space<hbm>> -> memref<128x128xf32, #tpu.memory_space<hbm>>
        %dma_start3A_151 = tpu.memref_slice %arg12[%dma_start3A_144] : memref<3x!tpu.dma_semaphore, #tpu.memory_space<semaphore_mem>> -> memref<1x!tpu.dma_semaphore, #tpu.memory_space<semaphore_mem>>
        %dma_start3A_152 = tpu.memref_squeeze %dma_start3A_151 : memref<1x!tpu.dma_semaphore, #tpu.memory_space<semaphore_mem>> -> memref<!tpu.dma_semaphore, #tpu.memory_space<semaphore_mem>>
        %dma_start3A_153 = arith.constant 0 : i32
        %dma_start3A_154 = tpu.memref_slice %arg6[%mul3A_92, %dma_start3A_153] : memref<160000x128xf32, #tpu.memory_space<hbm>> -> memref<128x128xf32, #tpu.memory_space<hbm>>
        %dma_start3A_155 = arith.constant 0 : i32
        %dma_start3A_156 = arith.constant 0 : i32
        %dma_start3A_157 = tpu.memref_slice %arg10[%dma_start3A_143, %dma_start3A_155, %dma_start3A_156] : memref<3x128x128xf32, #tpu.memory_space<vmem>> -> memref<1x128x128xf32, #tpu.memory_space<vmem>>
        %dma_start3A_158 = tpu.memref_squeeze %dma_start3A_157 : memref<1x128x128xf32, #tpu.memory_space<vmem>> -> memref<128x128xf32, #tpu.memory_space<vmem>>
        tpu.enqueue_dma source(%dma_start3A_158 : memref<128x128xf32, #tpu.memory_space<vmem>>) target(%dma_start3A_154 : memref<128x128xf32, #tpu.memory_space<hbm>>) target_semaphore(%dma_start3A_152 : memref<!tpu.dma_semaphore, #tpu.memory_space<semaphore_mem>>)
      } else {
      }
      %mul3A_36 = arith.constant 3 : i32
      %mul3A_37 = arith.muli %scan3A_14, %mul3A_36 : i32
      %add3A_38 = arith.constant 1 : i32
      %add3A_39 = arith.addi %mul3A_37, %add3A_38 : i32
      %sub3A_40 = arith.constant 3 : i32
      %sub3A_41 = arith.subi %add3A_39, %sub3A_40 : i32
      %ge3A_42 = arith.constant 0 : i32
      %ge3A_43 = arith.cmpi sge, %sub3A_41, %ge3A_42 : i32
      %lt3A_44 = arith.cmpi slt, %sub3A_41, %min3A_4 : i32
      %and3A_45 = arith.andi %ge3A_43, %lt3A_44 : i1
      %convert_element_type3A_46 = arith.extui %and3A_45 : i1 to i32
      %cond3A_47 = arith.constant 0 : i32
      %cond3A_48 = arith.cmpi ne, %convert_element_type3A_46, %cond3A_47 : i32
      scf.if %cond3A_48 {
        %dma_wait3A = arith.constant 1 : i32
        %dma_wait3A_88 = arith.constant 1 : i32
        %dma_wait3A_89 = arith.constant 0 : i32
        %dma_wait3A_90 = arith.constant 0 : i32
        %dma_wait3A_91 = tpu.memref_slice %arg9[%dma_wait3A, %dma_wait3A_89, %dma_wait3A_90] : memref<3x128x128xf32, #tpu.memory_space<vmem>> -> memref<1x128x128xf32, #tpu.memory_space<vmem>>
        %dma_wait3A_92 = tpu.memref_squeeze %dma_wait3A_91 : memref<1x128x128xf32, #tpu.memory_space<vmem>> -> memref<128x128xf32, #tpu.memory_space<vmem>>
        %dma_wait3A_93 = arith.constant 0 : i32
        %dma_wait3A_94 = arith.constant 0 : i32
        %dma_wait3A_95 = tpu.memref_slice %arg5[%dma_wait3A_93, %dma_wait3A_94] : memref<160000x128xf32, #tpu.memory_space<hbm>> -> memref<128x128xf32, #tpu.memory_space<hbm>>
        %dma_wait3A_96 = tpu.memref_slice %arg12[%dma_wait3A_88] : memref<3x!tpu.dma_semaphore, #tpu.memory_space<semaphore_mem>> -> memref<1x!tpu.dma_semaphore, #tpu.memory_space<semaphore_mem>>
        %dma_wait3A_97 = tpu.memref_squeeze %dma_wait3A_96 : memref<1x!tpu.dma_semaphore, #tpu.memory_space<semaphore_mem>> -> memref<!tpu.dma_semaphore, #tpu.memory_space<semaphore_mem>>
        %dma_wait3A_98 = arith.constant 0 : i32
        %dma_wait3A_99 = arith.constant 0 : i32
        %dma_wait3A_100 = tpu.memref_slice %arg5[%dma_wait3A_98, %dma_wait3A_99] : memref<160000x128xf32, #tpu.memory_space<hbm>> -> memref<128x128xf32, #tpu.memory_space<hbm>>
        %dma_wait3A_101 = arith.constant 0 : i32
        %dma_wait3A_102 = arith.constant 0 : i32
        %dma_wait3A_103 = tpu.memref_slice %arg9[%dma_wait3A, %dma_wait3A_101, %dma_wait3A_102] : memref<3x128x128xf32, #tpu.memory_space<vmem>> -> memref<1x128x128xf32, #tpu.memory_space<vmem>>
        %dma_wait3A_104 = tpu.memref_squeeze %dma_wait3A_103 : memref<1x128x128xf32, #tpu.memory_space<vmem>> -> memref<128x128xf32, #tpu.memory_space<vmem>>
        tpu.wait_dma2 semaphore(%dma_wait3A_97 : memref<!tpu.dma_semaphore, #tpu.memory_space<semaphore_mem>>) src(%dma_wait3A_104 : memref<128x128xf32, #tpu.memory_space<vmem>>) dst(%dma_wait3A_100 : memref<128x128xf32, #tpu.memory_space<hbm>>)
        %dma_wait3A_105 = arith.constant 1 : i32
        %dma_wait3A_106 = arith.constant 1 : i32
        %dma_wait3A_107 = arith.constant 0 : i32
        %dma_wait3A_108 = arith.constant 0 : i32
        %dma_wait3A_109 = tpu.memref_slice %arg10[%dma_wait3A_105, %dma_wait3A_107, %dma_wait3A_108] : memref<3x128x128xf32, #tpu.memory_space<vmem>> -> memref<1x128x128xf32, #tpu.memory_space<vmem>>
        %dma_wait3A_110 = tpu.memref_squeeze %dma_wait3A_109 : memref<1x128x128xf32, #tpu.memory_space<vmem>> -> memref<128x128xf32, #tpu.memory_space<vmem>>
        %dma_wait3A_111 = arith.constant 0 : i32
        %dma_wait3A_112 = arith.constant 0 : i32
        %dma_wait3A_113 = tpu.memref_slice %arg6[%dma_wait3A_111, %dma_wait3A_112] : memref<160000x128xf32, #tpu.memory_space<hbm>> -> memref<128x128xf32, #tpu.memory_space<hbm>>
        %dma_wait3A_114 = tpu.memref_slice %arg12[%dma_wait3A_106] : memref<3x!tpu.dma_semaphore, #tpu.memory_space<semaphore_mem>> -> memref<1x!tpu.dma_semaphore, #tpu.memory_space<semaphore_mem>>
        %dma_wait3A_115 = tpu.memref_squeeze %dma_wait3A_114 : memref<1x!tpu.dma_semaphore, #tpu.memory_space<semaphore_mem>> -> memref<!tpu.dma_semaphore, #tpu.memory_space<semaphore_mem>>
        %dma_wait3A_116 = arith.constant 0 : i32
        %dma_wait3A_117 = arith.constant 0 : i32
        %dma_wait3A_118 = tpu.memref_slice %arg6[%dma_wait3A_116, %dma_wait3A_117] : memref<160000x128xf32, #tpu.memory_space<hbm>> -> memref<128x128xf32, #tpu.memory_space<hbm>>
        %dma_wait3A_119 = arith.constant 0 : i32
        %dma_wait3A_120 = arith.constant 0 : i32
        %dma_wait3A_121 = tpu.memref_slice %arg10[%dma_wait3A_105, %dma_wait3A_119, %dma_wait3A_120] : memref<3x128x128xf32, #tpu.memory_space<vmem>> -> memref<1x128x128xf32, #tpu.memory_space<vmem>>
        %dma_wait3A_122 = tpu.memref_squeeze %dma_wait3A_121 : memref<1x128x128xf32, #tpu.memory_space<vmem>> -> memref<128x128xf32, #tpu.memory_space<vmem>>
        tpu.wait_dma2 semaphore(%dma_wait3A_115 : memref<!tpu.dma_semaphore, #tpu.memory_space<semaphore_mem>>) src(%dma_wait3A_122 : memref<128x128xf32, #tpu.memory_space<vmem>>) dst(%dma_wait3A_118 : memref<128x128xf32, #tpu.memory_space<hbm>>)
      } else {
      }
      %lt3A_49 = arith.cmpi slt, %add3A_39, %min3A_4 : i32
      %convert_element_type3A_50 = arith.extui %lt3A_49 : i1 to i32
      %cond3A_51 = arith.constant 0 : i32
      %cond3A_52 = arith.cmpi ne, %convert_element_type3A_50, %cond3A_51 : i32
      scf.if %cond3A_52 {
        %mul3A_88 = arith.constant 128 : i32
        %mul3A_89 = arith.muli %add3A_39, %mul3A_88 : i32
        %dma_start3A = arith.constant 1 : i32
        %dma_start3A_90 = arith.constant 1 : i32
        %dma_start3A_91 = arith.constant 0 : i32
        %dma_start3A_92 = arith.constant 0 : i32
        %dma_start3A_93 = tpu.memref_slice %arg9[%dma_start3A, %dma_start3A_91, %dma_start3A_92] : memref<3x128x128xf32, #tpu.memory_space<vmem>> -> memref<1x128x128xf32, #tpu.memory_space<vmem>>
        %dma_start3A_94 = tpu.memref_squeeze %dma_start3A_93 : memref<1x128x128xf32, #tpu.memory_space<vmem>> -> memref<128x128xf32, #tpu.memory_space<vmem>>
        %dma_start3A_95 = tpu.memref_slice %arg7[%mul3A_89] : memref<5120xi32, #tpu.memory_space<vmem>> -> memref<128xi32, #tpu.memory_space<vmem>>
        %dma_start3A_96 = arith.constant 0 : i32
        %dma_start3A_97 = arith.constant 0 : i32
        %dma_start3A_98 = tpu.memref_slice %arg2[%dma_start3A_96, %dma_start3A_97] : memref<10240x128xf32, #tpu.memory_space<hbm>> -> memref<10240x128xf32, #tpu.memory_space<hbm>>
        %dma_start3A_99 = tpu.memref_slice %arg11[%dma_start3A_90] : memref<3x!tpu.dma_semaphore, #tpu.memory_space<semaphore_mem>> -> memref<1x!tpu.dma_semaphore, #tpu.memory_space<semaphore_mem>>
        %dma_start3A_100 = tpu.memref_squeeze %dma_start3A_99 : memref<1x!tpu.dma_semaphore, #tpu.memory_space<semaphore_mem>> -> memref<!tpu.dma_semaphore, #tpu.memory_space<semaphore_mem>>
        tpu.enqueue_indirect_dma source(%dma_start3A_98 : memref<10240x128xf32, #tpu.memory_space<hbm>>) target(%dma_start3A_94 : memref<128x128xf32, #tpu.memory_space<vmem>>) offsets(%dma_start3A_95 : memref<128xi32, #tpu.memory_space<vmem>>) semaphore(%dma_start3A_100 : memref<!tpu.dma_semaphore, #tpu.memory_space<semaphore_mem>>)
        %mul3A_101 = arith.constant 128 : i32
        %mul3A_102 = arith.muli %add3A_39, %mul3A_101 : i32
        %dma_start3A_103 = arith.constant 1 : i32
        %dma_start3A_104 = arith.constant 1 : i32
        %dma_start3A_105 = arith.constant 0 : i32
        %dma_start3A_106 = arith.constant 0 : i32
        %dma_start3A_107 = tpu.memref_slice %arg10[%dma_start3A_103, %dma_start3A_105, %dma_start3A_106] : memref<3x128x128xf32, #tpu.memory_space<vmem>> -> memref<1x128x128xf32, #tpu.memory_space<vmem>>
        %dma_start3A_108 = tpu.memref_squeeze %dma_start3A_107 : memref<1x128x128xf32, #tpu.memory_space<vmem>> -> memref<128x128xf32, #tpu.memory_space<vmem>>
        %dma_start3A_109 = tpu.memref_slice %arg8[%mul3A_102] : memref<5120xi32, #tpu.memory_space<vmem>> -> memref<128xi32, #tpu.memory_space<vmem>>
        %dma_start3A_110 = arith.constant 0 : i32
        %dma_start3A_111 = arith.constant 0 : i32
        %dma_start3A_112 = tpu.memref_slice %arg2[%dma_start3A_110, %dma_start3A_111] : memref<10240x128xf32, #tpu.memory_space<hbm>> -> memref<10240x128xf32, #tpu.memory_space<hbm>>
        %dma_start3A_113 = tpu.memref_slice %arg11[%dma_start3A_104] : memref<3x!tpu.dma_semaphore, #tpu.memory_space<semaphore_mem>> -> memref<1x!tpu.dma_semaphore, #tpu.memory_space<semaphore_mem>>
        %dma_start3A_114 = tpu.memref_squeeze %dma_start3A_113 : memref<1x!tpu.dma_semaphore, #tpu.memory_space<semaphore_mem>> -> memref<!tpu.dma_semaphore, #tpu.memory_space<semaphore_mem>>
        tpu.enqueue_indirect_dma source(%dma_start3A_112 : memref<10240x128xf32, #tpu.memory_space<hbm>>) target(%dma_start3A_108 : memref<128x128xf32, #tpu.memory_space<vmem>>) offsets(%dma_start3A_109 : memref<128xi32, #tpu.memory_space<vmem>>) semaphore(%dma_start3A_114 : memref<!tpu.dma_semaphore, #tpu.memory_space<semaphore_mem>>)
      } else {
      }
      %ge3A_53 = arith.constant 2 : i32
      %ge3A_54 = arith.cmpi sge, %add3A_39, %ge3A_53 : i32
      %sub3A_55 = arith.constant 2 : i32
      %sub3A_56 = arith.subi %add3A_39, %sub3A_55 : i32
      %lt3A_57 = arith.cmpi slt, %sub3A_56, %min3A_4 : i32
      %and3A_58 = arith.andi %ge3A_54, %lt3A_57 : i1
      %convert_element_type3A_59 = arith.extui %and3A_58 : i1 to i32
      %cond3A_60 = arith.constant 0 : i32
      %cond3A_61 = arith.cmpi ne, %convert_element_type3A_59, %cond3A_60 : i32
      scf.if %cond3A_61 {
        %add3A_88 = arith.addi %mul3A_2, %add3A_39 : i32
        %sub3A_89 = arith.constant 2 : i32
        %sub3A_90 = arith.subi %add3A_88, %sub3A_89 : i32
        %mul3A_91 = arith.constant 128 : i32
        %mul3A_92 = arith.muli %sub3A_90, %mul3A_91 : i32
        %dma_wait3A = arith.constant 2 : i32
        %dma_wait3A_93 = arith.constant 2 : i32
        %dma_wait3A_94 = arith.constant 0 : i32
        %dma_wait3A_95 = arith.constant 0 : i32
        %dma_wait3A_96 = tpu.memref_slice %arg9[%dma_wait3A, %dma_wait3A_94, %dma_wait3A_95] : memref<3x128x128xf32, #tpu.memory_space<vmem>> -> memref<1x128x128xf32, #tpu.memory_space<vmem>>
        %dma_wait3A_97 = tpu.memref_squeeze %dma_wait3A_96 : memref<1x128x128xf32, #tpu.memory_space<vmem>> -> memref<128x128xf32, #tpu.memory_space<vmem>>
        %dma_wait3A_98 = arith.constant 0 : i32
        %dma_wait3A_99 = arith.constant 0 : i32
        %dma_wait3A_100 = tpu.memref_slice %arg2[%dma_wait3A_98, %dma_wait3A_99] : memref<10240x128xf32, #tpu.memory_space<hbm>> -> memref<128x128xf32, #tpu.memory_space<hbm>>
        %dma_wait3A_101 = tpu.memref_slice %arg11[%dma_wait3A_93] : memref<3x!tpu.dma_semaphore, #tpu.memory_space<semaphore_mem>> -> memref<1x!tpu.dma_semaphore, #tpu.memory_space<semaphore_mem>>
        %dma_wait3A_102 = tpu.memref_squeeze %dma_wait3A_101 : memref<1x!tpu.dma_semaphore, #tpu.memory_space<semaphore_mem>> -> memref<!tpu.dma_semaphore, #tpu.memory_space<semaphore_mem>>
        %dma_wait3A_103 = arith.constant 0 : i32
        %dma_wait3A_104 = arith.constant 0 : i32
        %dma_wait3A_105 = tpu.memref_slice %arg9[%dma_wait3A, %dma_wait3A_103, %dma_wait3A_104] : memref<3x128x128xf32, #tpu.memory_space<vmem>> -> memref<1x128x128xf32, #tpu.memory_space<vmem>>
        %dma_wait3A_106 = tpu.memref_squeeze %dma_wait3A_105 : memref<1x128x128xf32, #tpu.memory_space<vmem>> -> memref<128x128xf32, #tpu.memory_space<vmem>>
        %dma_wait3A_107 = arith.constant 0 : i32
        %dma_wait3A_108 = arith.constant 0 : i32
        %dma_wait3A_109 = tpu.memref_slice %arg2[%dma_wait3A_107, %dma_wait3A_108] : memref<10240x128xf32, #tpu.memory_space<hbm>> -> memref<128x128xf32, #tpu.memory_space<hbm>>
        tpu.wait_dma2 semaphore(%dma_wait3A_102 : memref<!tpu.dma_semaphore, #tpu.memory_space<semaphore_mem>>) src(%dma_wait3A_109 : memref<128x128xf32, #tpu.memory_space<hbm>>) dst(%dma_wait3A_106 : memref<128x128xf32, #tpu.memory_space<vmem>>)
        %dma_wait3A_110 = arith.constant 2 : i32
        %dma_wait3A_111 = arith.constant 2 : i32
        %dma_wait3A_112 = arith.constant 0 : i32
        %dma_wait3A_113 = arith.constant 0 : i32
        %dma_wait3A_114 = tpu.memref_slice %arg10[%dma_wait3A_110, %dma_wait3A_112, %dma_wait3A_113] : memref<3x128x128xf32, #tpu.memory_space<vmem>> -> memref<1x128x128xf32, #tpu.memory_space<vmem>>
        %dma_wait3A_115 = tpu.memref_squeeze %dma_wait3A_114 : memref<1x128x128xf32, #tpu.memory_space<vmem>> -> memref<128x128xf32, #tpu.memory_space<vmem>>
        %dma_wait3A_116 = arith.constant 0 : i32
        %dma_wait3A_117 = arith.constant 0 : i32
        %dma_wait3A_118 = tpu.memref_slice %arg2[%dma_wait3A_116, %dma_wait3A_117] : memref<10240x128xf32, #tpu.memory_space<hbm>> -> memref<128x128xf32, #tpu.memory_space<hbm>>
        %dma_wait3A_119 = tpu.memref_slice %arg11[%dma_wait3A_111] : memref<3x!tpu.dma_semaphore, #tpu.memory_space<semaphore_mem>> -> memref<1x!tpu.dma_semaphore, #tpu.memory_space<semaphore_mem>>
        %dma_wait3A_120 = tpu.memref_squeeze %dma_wait3A_119 : memref<1x!tpu.dma_semaphore, #tpu.memory_space<semaphore_mem>> -> memref<!tpu.dma_semaphore, #tpu.memory_space<semaphore_mem>>
        %dma_wait3A_121 = arith.constant 0 : i32
        %dma_wait3A_122 = arith.constant 0 : i32
        %dma_wait3A_123 = tpu.memref_slice %arg10[%dma_wait3A_110, %dma_wait3A_121, %dma_wait3A_122] : memref<3x128x128xf32, #tpu.memory_space<vmem>> -> memref<1x128x128xf32, #tpu.memory_space<vmem>>
        %dma_wait3A_124 = tpu.memref_squeeze %dma_wait3A_123 : memref<1x128x128xf32, #tpu.memory_space<vmem>> -> memref<128x128xf32, #tpu.memory_space<vmem>>
        %dma_wait3A_125 = arith.constant 0 : i32
        %dma_wait3A_126 = arith.constant 0 : i32
        %dma_wait3A_127 = tpu.memref_slice %arg2[%dma_wait3A_125, %dma_wait3A_126] : memref<10240x128xf32, #tpu.memory_space<hbm>> -> memref<128x128xf32, #tpu.memory_space<hbm>>
        tpu.wait_dma2 semaphore(%dma_wait3A_120 : memref<!tpu.dma_semaphore, #tpu.memory_space<semaphore_mem>>) src(%dma_wait3A_127 : memref<128x128xf32, #tpu.memory_space<hbm>>) dst(%dma_wait3A_124 : memref<128x128xf32, #tpu.memory_space<vmem>>)
        %dma_start3A = arith.constant 2 : i32
        %dma_start3A_128 = arith.constant 2 : i32
        %dma_start3A_129 = arith.constant 0 : i32
        %dma_start3A_130 = arith.constant 0 : i32
        %dma_start3A_131 = tpu.memref_slice %arg9[%dma_start3A, %dma_start3A_129, %dma_start3A_130] : memref<3x128x128xf32, #tpu.memory_space<vmem>> -> memref<1x128x128xf32, #tpu.memory_space<vmem>>
        %dma_start3A_132 = tpu.memref_squeeze %dma_start3A_131 : memref<1x128x128xf32, #tpu.memory_space<vmem>> -> memref<128x128xf32, #tpu.memory_space<vmem>>
        %dma_start3A_133 = arith.constant 0 : i32
        %dma_start3A_134 = tpu.memref_slice %arg5[%mul3A_92, %dma_start3A_133] : memref<160000x128xf32, #tpu.memory_space<hbm>> -> memref<128x128xf32, #tpu.memory_space<hbm>>
        %dma_start3A_135 = tpu.memref_slice %arg12[%dma_start3A_128] : memref<3x!tpu.dma_semaphore, #tpu.memory_space<semaphore_mem>> -> memref<1x!tpu.dma_semaphore, #tpu.memory_space<semaphore_mem>>
        %dma_start3A_136 = tpu.memref_squeeze %dma_start3A_135 : memref<1x!tpu.dma_semaphore, #tpu.memory_space<semaphore_mem>> -> memref<!tpu.dma_semaphore, #tpu.memory_space<semaphore_mem>>
        %dma_start3A_137 = arith.constant 0 : i32
        %dma_start3A_138 = tpu.memref_slice %arg5[%mul3A_92, %dma_start3A_137] : memref<160000x128xf32, #tpu.memory_space<hbm>> -> memref<128x128xf32, #tpu.memory_space<hbm>>
        %dma_start3A_139 = arith.constant 0 : i32
        %dma_start3A_140 = arith.constant 0 : i32
        %dma_start3A_141 = tpu.memref_slice %arg9[%dma_start3A, %dma_start3A_139, %dma_start3A_140] : memref<3x128x128xf32, #tpu.memory_space<vmem>> -> memref<1x128x128xf32, #tpu.memory_space<vmem>>
        %dma_start3A_142 = tpu.memref_squeeze %dma_start3A_141 : memref<1x128x128xf32, #tpu.memory_space<vmem>> -> memref<128x128xf32, #tpu.memory_space<vmem>>
        tpu.enqueue_dma source(%dma_start3A_142 : memref<128x128xf32, #tpu.memory_space<vmem>>) target(%dma_start3A_138 : memref<128x128xf32, #tpu.memory_space<hbm>>) target_semaphore(%dma_start3A_136 : memref<!tpu.dma_semaphore, #tpu.memory_space<semaphore_mem>>)
        %dma_start3A_143 = arith.constant 2 : i32
        %dma_start3A_144 = arith.constant 2 : i32
        %dma_start3A_145 = arith.constant 0 : i32
        %dma_start3A_146 = arith.constant 0 : i32
        %dma_start3A_147 = tpu.memref_slice %arg10[%dma_start3A_143, %dma_start3A_145, %dma_start3A_146] : memref<3x128x128xf32, #tpu.memory_space<vmem>> -> memref<1x128x128xf32, #tpu.memory_space<vmem>>
        %dma_start3A_148 = tpu.memref_squeeze %dma_start3A_147 : memref<1x128x128xf32, #tpu.memory_space<vmem>> -> memref<128x128xf32, #tpu.memory_space<vmem>>
        %dma_start3A_149 = arith.constant 0 : i32
        %dma_start3A_150 = tpu.memref_slice %arg6[%mul3A_92, %dma_start3A_149] : memref<160000x128xf32, #tpu.memory_space<hbm>> -> memref<128x128xf32, #tpu.memory_space<hbm>>
        %dma_start3A_151 = tpu.memref_slice %arg12[%dma_start3A_144] : memref<3x!tpu.dma_semaphore, #tpu.memory_space<semaphore_mem>> -> memref<1x!tpu.dma_semaphore, #tpu.memory_space<semaphore_mem>>
        %dma_start3A_152 = tpu.memref_squeeze %dma_start3A_151 : memref<1x!tpu.dma_semaphore, #tpu.memory_space<semaphore_mem>> -> memref<!tpu.dma_semaphore, #tpu.memory_space<semaphore_mem>>
        %dma_start3A_153 = arith.constant 0 : i32
        %dma_start3A_154 = tpu.memref_slice %arg6[%mul3A_92, %dma_start3A_153] : memref<160000x128xf32, #tpu.memory_space<hbm>> -> memref<128x128xf32, #tpu.memory_space<hbm>>
        %dma_start3A_155 = arith.constant 0 : i32
        %dma_start3A_156 = arith.constant 0 : i32
        %dma_start3A_157 = tpu.memref_slice %arg10[%dma_start3A_143, %dma_start3A_155, %dma_start3A_156] : memref<3x128x128xf32, #tpu.memory_space<vmem>> -> memref<1x128x128xf32, #tpu.memory_space<vmem>>
        %dma_start3A_158 = tpu.memref_squeeze %dma_start3A_157 : memref<1x128x128xf32, #tpu.memory_space<vmem>> -> memref<128x128xf32, #tpu.memory_space<vmem>>
        tpu.enqueue_dma source(%dma_start3A_158 : memref<128x128xf32, #tpu.memory_space<vmem>>) target(%dma_start3A_154 : memref<128x128xf32, #tpu.memory_space<hbm>>) target_semaphore(%dma_start3A_152 : memref<!tpu.dma_semaphore, #tpu.memory_space<semaphore_mem>>)
      } else {
      }
      %mul3A_62 = arith.constant 3 : i32
      %mul3A_63 = arith.muli %scan3A_14, %mul3A_62 : i32
      %add3A_64 = arith.constant 2 : i32
      %add3A_65 = arith.addi %mul3A_63, %add3A_64 : i32
      %sub3A_66 = arith.constant 3 : i32
      %sub3A_67 = arith.subi %add3A_65, %sub3A_66 : i32
      %ge3A_68 = arith.constant 0 : i32
      %ge3A_69 = arith.cmpi sge, %sub3A_67, %ge3A_68 : i32
      %lt3A_70 = arith.cmpi slt, %sub3A_67, %min3A_4 : i32
      %and3A_71 = arith.andi %ge3A_69, %lt3A_70 : i1
      %convert_element_type3A_72 = arith.extui %and3A_71 : i1 to i32
      %cond3A_73 = arith.constant 0 : i32
      %cond3A_74 = arith.cmpi ne, %convert_element_type3A_72, %cond3A_73 : i32
      scf.if %cond3A_74 {
        %dma_wait3A = arith.constant 2 : i32
        %dma_wait3A_88 = arith.constant 2 : i32
        %dma_wait3A_89 = arith.constant 0 : i32
        %dma_wait3A_90 = arith.constant 0 : i32
        %dma_wait3A_91 = tpu.memref_slice %arg9[%dma_wait3A, %dma_wait3A_89, %dma_wait3A_90] : memref<3x128x128xf32, #tpu.memory_space<vmem>> -> memref<1x128x128xf32, #tpu.memory_space<vmem>>
        %dma_wait3A_92 = tpu.memref_squeeze %dma_wait3A_91 : memref<1x128x128xf32, #tpu.memory_space<vmem>> -> memref<128x128xf32, #tpu.memory_space<vmem>>
        %dma_wait3A_93 = arith.constant 0 : i32
        %dma_wait3A_94 = arith.constant 0 : i32
        %dma_wait3A_95 = tpu.memref_slice %arg5[%dma_wait3A_93, %dma_wait3A_94] : memref<160000x128xf32, #tpu.memory_space<hbm>> -> memref<128x128xf32, #tpu.memory_space<hbm>>
        %dma_wait3A_96 = tpu.memref_slice %arg12[%dma_wait3A_88] : memref<3x!tpu.dma_semaphore, #tpu.memory_space<semaphore_mem>> -> memref<1x!tpu.dma_semaphore, #tpu.memory_space<semaphore_mem>>
        %dma_wait3A_97 = tpu.memref_squeeze %dma_wait3A_96 : memref<1x!tpu.dma_semaphore, #tpu.memory_space<semaphore_mem>> -> memref<!tpu.dma_semaphore, #tpu.memory_space<semaphore_mem>>
        %dma_wait3A_98 = arith.constant 0 : i32
        %dma_wait3A_99 = arith.constant 0 : i32
        %dma_wait3A_100 = tpu.memref_slice %arg5[%dma_wait3A_98, %dma_wait3A_99] : memref<160000x128xf32, #tpu.memory_space<hbm>> -> memref<128x128xf32, #tpu.memory_space<hbm>>
        %dma_wait3A_101 = arith.constant 0 : i32
        %dma_wait3A_102 = arith.constant 0 : i32
        %dma_wait3A_103 = tpu.memref_slice %arg9[%dma_wait3A, %dma_wait3A_101, %dma_wait3A_102] : memref<3x128x128xf32, #tpu.memory_space<vmem>> -> memref<1x128x128xf32, #tpu.memory_space<vmem>>
        %dma_wait3A_104 = tpu.memref_squeeze %dma_wait3A_103 : memref<1x128x128xf32, #tpu.memory_space<vmem>> -> memref<128x128xf32, #tpu.memory_space<vmem>>
        tpu.wait_dma2 semaphore(%dma_wait3A_97 : memref<!tpu.dma_semaphore, #tpu.memory_space<semaphore_mem>>) src(%dma_wait3A_104 : memref<128x128xf32, #tpu.memory_space<vmem>>) dst(%dma_wait3A_100 : memref<128x128xf32, #tpu.memory_space<hbm>>)
        %dma_wait3A_105 = arith.constant 2 : i32
        %dma_wait3A_106 = arith.constant 2 : i32
        %dma_wait3A_107 = arith.constant 0 : i32
        %dma_wait3A_108 = arith.constant 0 : i32
        %dma_wait3A_109 = tpu.memref_slice %arg10[%dma_wait3A_105, %dma_wait3A_107, %dma_wait3A_108] : memref<3x128x128xf32, #tpu.memory_space<vmem>> -> memref<1x128x128xf32, #tpu.memory_space<vmem>>
        %dma_wait3A_110 = tpu.memref_squeeze %dma_wait3A_109 : memref<1x128x128xf32, #tpu.memory_space<vmem>> -> memref<128x128xf32, #tpu.memory_space<vmem>>
        %dma_wait3A_111 = arith.constant 0 : i32
        %dma_wait3A_112 = arith.constant 0 : i32
        %dma_wait3A_113 = tpu.memref_slice %arg6[%dma_wait3A_111, %dma_wait3A_112] : memref<160000x128xf32, #tpu.memory_space<hbm>> -> memref<128x128xf32, #tpu.memory_space<hbm>>
        %dma_wait3A_114 = tpu.memref_slice %arg12[%dma_wait3A_106] : memref<3x!tpu.dma_semaphore, #tpu.memory_space<semaphore_mem>> -> memref<1x!tpu.dma_semaphore, #tpu.memory_space<semaphore_mem>>
        %dma_wait3A_115 = tpu.memref_squeeze %dma_wait3A_114 : memref<1x!tpu.dma_semaphore, #tpu.memory_space<semaphore_mem>> -> memref<!tpu.dma_semaphore, #tpu.memory_space<semaphore_mem>>
        %dma_wait3A_116 = arith.constant 0 : i32
        %dma_wait3A_117 = arith.constant 0 : i32
        %dma_wait3A_118 = tpu.memref_slice %arg6[%dma_wait3A_116, %dma_wait3A_117] : memref<160000x128xf32, #tpu.memory_space<hbm>> -> memref<128x128xf32, #tpu.memory_space<hbm>>
        %dma_wait3A_119 = arith.constant 0 : i32
        %dma_wait3A_120 = arith.constant 0 : i32
        %dma_wait3A_121 = tpu.memref_slice %arg10[%dma_wait3A_105, %dma_wait3A_119, %dma_wait3A_120] : memref<3x128x128xf32, #tpu.memory_space<vmem>> -> memref<1x128x128xf32, #tpu.memory_space<vmem>>
        %dma_wait3A_122 = tpu.memref_squeeze %dma_wait3A_121 : memref<1x128x128xf32, #tpu.memory_space<vmem>> -> memref<128x128xf32, #tpu.memory_space<vmem>>
        tpu.wait_dma2 semaphore(%dma_wait3A_115 : memref<!tpu.dma_semaphore, #tpu.memory_space<semaphore_mem>>) src(%dma_wait3A_122 : memref<128x128xf32, #tpu.memory_space<vmem>>) dst(%dma_wait3A_118 : memref<128x128xf32, #tpu.memory_space<hbm>>)
      } else {
      }
      %lt3A_75 = arith.cmpi slt, %add3A_65, %min3A_4 : i32
      %convert_element_type3A_76 = arith.extui %lt3A_75 : i1 to i32
      %cond3A_77 = arith.constant 0 : i32
      %cond3A_78 = arith.cmpi ne, %convert_element_type3A_76, %cond3A_77 : i32
      scf.if %cond3A_78 {
        %mul3A_88 = arith.constant 128 : i32
        %mul3A_89 = arith.muli %add3A_65, %mul3A_88 : i32
        %dma_start3A = arith.constant 2 : i32
        %dma_start3A_90 = arith.constant 2 : i32
        %dma_start3A_91 = arith.constant 0 : i32
        %dma_start3A_92 = arith.constant 0 : i32
        %dma_start3A_93 = tpu.memref_slice %arg9[%dma_start3A, %dma_start3A_91, %dma_start3A_92] : memref<3x128x128xf32, #tpu.memory_space<vmem>> -> memref<1x128x128xf32, #tpu.memory_space<vmem>>
        %dma_start3A_94 = tpu.memref_squeeze %dma_start3A_93 : memref<1x128x128xf32, #tpu.memory_space<vmem>> -> memref<128x128xf32, #tpu.memory_space<vmem>>
        %dma_start3A_95 = tpu.memref_slice %arg7[%mul3A_89] : memref<5120xi32, #tpu.memory_space<vmem>> -> memref<128xi32, #tpu.memory_space<vmem>>
        %dma_start3A_96 = arith.constant 0 : i32
        %dma_start3A_97 = arith.constant 0 : i32
        %dma_start3A_98 = tpu.memref_slice %arg2[%dma_start3A_96, %dma_start3A_97] : memref<10240x128xf32, #tpu.memory_space<hbm>> -> memref<10240x128xf32, #tpu.memory_space<hbm>>
        %dma_start3A_99 = tpu.memref_slice %arg11[%dma_start3A_90] : memref<3x!tpu.dma_semaphore, #tpu.memory_space<semaphore_mem>> -> memref<1x!tpu.dma_semaphore, #tpu.memory_space<semaphore_mem>>
        %dma_start3A_100 = tpu.memref_squeeze %dma_start3A_99 : memref<1x!tpu.dma_semaphore, #tpu.memory_space<semaphore_mem>> -> memref<!tpu.dma_semaphore, #tpu.memory_space<semaphore_mem>>
        tpu.enqueue_indirect_dma source(%dma_start3A_98 : memref<10240x128xf32, #tpu.memory_space<hbm>>) target(%dma_start3A_94 : memref<128x128xf32, #tpu.memory_space<vmem>>) offsets(%dma_start3A_95 : memref<128xi32, #tpu.memory_space<vmem>>) semaphore(%dma_start3A_100 : memref<!tpu.dma_semaphore, #tpu.memory_space<semaphore_mem>>)
        %mul3A_101 = arith.constant 128 : i32
        %mul3A_102 = arith.muli %add3A_65, %mul3A_101 : i32
        %dma_start3A_103 = arith.constant 2 : i32
        %dma_start3A_104 = arith.constant 2 : i32
        %dma_start3A_105 = arith.constant 0 : i32
        %dma_start3A_106 = arith.constant 0 : i32
        %dma_start3A_107 = tpu.memref_slice %arg10[%dma_start3A_103, %dma_start3A_105, %dma_start3A_106] : memref<3x128x128xf32, #tpu.memory_space<vmem>> -> memref<1x128x128xf32, #tpu.memory_space<vmem>>
        %dma_start3A_108 = tpu.memref_squeeze %dma_start3A_107 : memref<1x128x128xf32, #tpu.memory_space<vmem>> -> memref<128x128xf32, #tpu.memory_space<vmem>>
        %dma_start3A_109 = tpu.memref_slice %arg8[%mul3A_102] : memref<5120xi32, #tpu.memory_space<vmem>> -> memref<128xi32, #tpu.memory_space<vmem>>
        %dma_start3A_110 = arith.constant 0 : i32
        %dma_start3A_111 = arith.constant 0 : i32
        %dma_start3A_112 = tpu.memref_slice %arg2[%dma_start3A_110, %dma_start3A_111] : memref<10240x128xf32, #tpu.memory_space<hbm>> -> memref<10240x128xf32, #tpu.memory_space<hbm>>
        %dma_start3A_113 = tpu.memref_slice %arg11[%dma_start3A_104] : memref<3x!tpu.dma_semaphore, #tpu.memory_space<semaphore_mem>> -> memref<1x!tpu.dma_semaphore, #tpu.memory_space<semaphore_mem>>
        %dma_start3A_114 = tpu.memref_squeeze %dma_start3A_113 : memref<1x!tpu.dma_semaphore, #tpu.memory_space<semaphore_mem>> -> memref<!tpu.dma_semaphore, #tpu.memory_space<semaphore_mem>>
        tpu.enqueue_indirect_dma source(%dma_start3A_112 : memref<10240x128xf32, #tpu.memory_space<hbm>>) target(%dma_start3A_108 : memref<128x128xf32, #tpu.memory_space<vmem>>) offsets(%dma_start3A_109 : memref<128xi32, #tpu.memory_space<vmem>>) semaphore(%dma_start3A_114 : memref<!tpu.dma_semaphore, #tpu.memory_space<semaphore_mem>>)
      } else {
      }
      %ge3A_79 = arith.constant 2 : i32
      %ge3A_80 = arith.cmpi sge, %add3A_65, %ge3A_79 : i32
      %sub3A_81 = arith.constant 2 : i32
      %sub3A_82 = arith.subi %add3A_65, %sub3A_81 : i32
      %lt3A_83 = arith.cmpi slt, %sub3A_82, %min3A_4 : i32
      %and3A_84 = arith.andi %ge3A_80, %lt3A_83 : i1
      %convert_element_type3A_85 = arith.extui %and3A_84 : i1 to i32
      %cond3A_86 = arith.constant 0 : i32
      %cond3A_87 = arith.cmpi ne, %convert_element_type3A_85, %cond3A_86 : i32
      scf.if %cond3A_87 {
        %add3A_88 = arith.addi %mul3A_2, %add3A_65 : i32
        %sub3A_89 = arith.constant 2 : i32
        %sub3A_90 = arith.subi %add3A_88, %sub3A_89 : i32
        %mul3A_91 = arith.constant 128 : i32
        %mul3A_92 = arith.muli %sub3A_90, %mul3A_91 : i32
        %dma_wait3A = arith.constant 0 : i32
        %dma_wait3A_93 = arith.constant 0 : i32
        %dma_wait3A_94 = arith.constant 0 : i32
        %dma_wait3A_95 = arith.constant 0 : i32
        %dma_wait3A_96 = tpu.memref_slice %arg9[%dma_wait3A, %dma_wait3A_94, %dma_wait3A_95] : memref<3x128x128xf32, #tpu.memory_space<vmem>> -> memref<1x128x128xf32, #tpu.memory_space<vmem>>
        %dma_wait3A_97 = tpu.memref_squeeze %dma_wait3A_96 : memref<1x128x128xf32, #tpu.memory_space<vmem>> -> memref<128x128xf32, #tpu.memory_space<vmem>>
        %dma_wait3A_98 = arith.constant 0 : i32
        %dma_wait3A_99 = arith.constant 0 : i32
        %dma_wait3A_100 = tpu.memref_slice %arg2[%dma_wait3A_98, %dma_wait3A_99] : memref<10240x128xf32, #tpu.memory_space<hbm>> -> memref<128x128xf32, #tpu.memory_space<hbm>>
        %dma_wait3A_101 = tpu.memref_slice %arg11[%dma_wait3A_93] : memref<3x!tpu.dma_semaphore, #tpu.memory_space<semaphore_mem>> -> memref<1x!tpu.dma_semaphore, #tpu.memory_space<semaphore_mem>>
        %dma_wait3A_102 = tpu.memref_squeeze %dma_wait3A_101 : memref<1x!tpu.dma_semaphore, #tpu.memory_space<semaphore_mem>> -> memref<!tpu.dma_semaphore, #tpu.memory_space<semaphore_mem>>
        %dma_wait3A_103 = arith.constant 0 : i32
        %dma_wait3A_104 = arith.constant 0 : i32
        %dma_wait3A_105 = tpu.memref_slice %arg9[%dma_wait3A, %dma_wait3A_103, %dma_wait3A_104] : memref<3x128x128xf32, #tpu.memory_space<vmem>> -> memref<1x128x128xf32, #tpu.memory_space<vmem>>
        %dma_wait3A_106 = tpu.memref_squeeze %dma_wait3A_105 : memref<1x128x128xf32, #tpu.memory_space<vmem>> -> memref<128x128xf32, #tpu.memory_space<vmem>>
        %dma_wait3A_107 = arith.constant 0 : i32
        %dma_wait3A_108 = arith.constant 0 : i32
        %dma_wait3A_109 = tpu.memref_slice %arg2[%dma_wait3A_107, %dma_wait3A_108] : memref<10240x128xf32, #tpu.memory_space<hbm>> -> memref<128x128xf32, #tpu.memory_space<hbm>>
        tpu.wait_dma2 semaphore(%dma_wait3A_102 : memref<!tpu.dma_semaphore, #tpu.memory_space<semaphore_mem>>) src(%dma_wait3A_109 : memref<128x128xf32, #tpu.memory_space<hbm>>) dst(%dma_wait3A_106 : memref<128x128xf32, #tpu.memory_space<vmem>>)
        %dma_wait3A_110 = arith.constant 0 : i32
        %dma_wait3A_111 = arith.constant 0 : i32
        %dma_wait3A_112 = arith.constant 0 : i32
        %dma_wait3A_113 = arith.constant 0 : i32
        %dma_wait3A_114 = tpu.memref_slice %arg10[%dma_wait3A_110, %dma_wait3A_112, %dma_wait3A_113] : memref<3x128x128xf32, #tpu.memory_space<vmem>> -> memref<1x128x128xf32, #tpu.memory_space<vmem>>
        %dma_wait3A_115 = tpu.memref_squeeze %dma_wait3A_114 : memref<1x128x128xf32, #tpu.memory_space<vmem>> -> memref<128x128xf32, #tpu.memory_space<vmem>>
        %dma_wait3A_116 = arith.constant 0 : i32
        %dma_wait3A_117 = arith.constant 0 : i32
        %dma_wait3A_118 = tpu.memref_slice %arg2[%dma_wait3A_116, %dma_wait3A_117] : memref<10240x128xf32, #tpu.memory_space<hbm>> -> memref<128x128xf32, #tpu.memory_space<hbm>>
        %dma_wait3A_119 = tpu.memref_slice %arg11[%dma_wait3A_111] : memref<3x!tpu.dma_semaphore, #tpu.memory_space<semaphore_mem>> -> memref<1x!tpu.dma_semaphore, #tpu.memory_space<semaphore_mem>>
        %dma_wait3A_120 = tpu.memref_squeeze %dma_wait3A_119 : memref<1x!tpu.dma_semaphore, #tpu.memory_space<semaphore_mem>> -> memref<!tpu.dma_semaphore, #tpu.memory_space<semaphore_mem>>
        %dma_wait3A_121 = arith.constant 0 : i32
        %dma_wait3A_122 = arith.constant 0 : i32
        %dma_wait3A_123 = tpu.memref_slice %arg10[%dma_wait3A_110, %dma_wait3A_121, %dma_wait3A_122] : memref<3x128x128xf32, #tpu.memory_space<vmem>> -> memref<1x128x128xf32, #tpu.memory_space<vmem>>
        %dma_wait3A_124 = tpu.memref_squeeze %dma_wait3A_123 : memref<1x128x128xf32, #tpu.memory_space<vmem>> -> memref<128x128xf32, #tpu.memory_space<vmem>>
        %dma_wait3A_125 = arith.constant 0 : i32
        %dma_wait3A_126 = arith.constant 0 : i32
        %dma_wait3A_127 = tpu.memref_slice %arg2[%dma_wait3A_125, %dma_wait3A_126] : memref<10240x128xf32, #tpu.memory_space<hbm>> -> memref<128x128xf32, #tpu.memory_space<hbm>>
        tpu.wait_dma2 semaphore(%dma_wait3A_120 : memref<!tpu.dma_semaphore, #tpu.memory_space<semaphore_mem>>) src(%dma_wait3A_127 : memref<128x128xf32, #tpu.memory_space<hbm>>) dst(%dma_wait3A_124 : memref<128x128xf32, #tpu.memory_space<vmem>>)
        %dma_start3A = arith.constant 0 : i32
        %dma_start3A_128 = arith.constant 0 : i32
        %dma_start3A_129 = arith.constant 0 : i32
        %dma_start3A_130 = arith.constant 0 : i32
        %dma_start3A_131 = tpu.memref_slice %arg9[%dma_start3A, %dma_start3A_129, %dma_start3A_130] : memref<3x128x128xf32, #tpu.memory_space<vmem>> -> memref<1x128x128xf32, #tpu.memory_space<vmem>>
        %dma_start3A_132 = tpu.memref_squeeze %dma_start3A_131 : memref<1x128x128xf32, #tpu.memory_space<vmem>> -> memref<128x128xf32, #tpu.memory_space<vmem>>
        %dma_start3A_133 = arith.constant 0 : i32
        %dma_start3A_134 = tpu.memref_slice %arg5[%mul3A_92, %dma_start3A_133] : memref<160000x128xf32, #tpu.memory_space<hbm>> -> memref<128x128xf32, #tpu.memory_space<hbm>>
        %dma_start3A_135 = tpu.memref_slice %arg12[%dma_start3A_128] : memref<3x!tpu.dma_semaphore, #tpu.memory_space<semaphore_mem>> -> memref<1x!tpu.dma_semaphore, #tpu.memory_space<semaphore_mem>>
        %dma_start3A_136 = tpu.memref_squeeze %dma_start3A_135 : memref<1x!tpu.dma_semaphore, #tpu.memory_space<semaphore_mem>> -> memref<!tpu.dma_semaphore, #tpu.memory_space<semaphore_mem>>
        %dma_start3A_137 = arith.constant 0 : i32
        %dma_start3A_138 = tpu.memref_slice %arg5[%mul3A_92, %dma_start3A_137] : memref<160000x128xf32, #tpu.memory_space<hbm>> -> memref<128x128xf32, #tpu.memory_space<hbm>>
        %dma_start3A_139 = arith.constant 0 : i32
        %dma_start3A_140 = arith.constant 0 : i32
        %dma_start3A_141 = tpu.memref_slice %arg9[%dma_start3A, %dma_start3A_139, %dma_start3A_140] : memref<3x128x128xf32, #tpu.memory_space<vmem>> -> memref<1x128x128xf32, #tpu.memory_space<vmem>>
        %dma_start3A_142 = tpu.memref_squeeze %dma_start3A_141 : memref<1x128x128xf32, #tpu.memory_space<vmem>> -> memref<128x128xf32, #tpu.memory_space<vmem>>
        tpu.enqueue_dma source(%dma_start3A_142 : memref<128x128xf32, #tpu.memory_space<vmem>>) target(%dma_start3A_138 : memref<128x128xf32, #tpu.memory_space<hbm>>) target_semaphore(%dma_start3A_136 : memref<!tpu.dma_semaphore, #tpu.memory_space<semaphore_mem>>)
        %dma_start3A_143 = arith.constant 0 : i32
        %dma_start3A_144 = arith.constant 0 : i32
        %dma_start3A_145 = arith.constant 0 : i32
        %dma_start3A_146 = arith.constant 0 : i32
        %dma_start3A_147 = tpu.memref_slice %arg10[%dma_start3A_143, %dma_start3A_145, %dma_start3A_146] : memref<3x128x128xf32, #tpu.memory_space<vmem>> -> memref<1x128x128xf32, #tpu.memory_space<vmem>>
        %dma_start3A_148 = tpu.memref_squeeze %dma_start3A_147 : memref<1x128x128xf32, #tpu.memory_space<vmem>> -> memref<128x128xf32, #tpu.memory_space<vmem>>
        %dma_start3A_149 = arith.constant 0 : i32
        %dma_start3A_150 = tpu.memref_slice %arg6[%mul3A_92, %dma_start3A_149] : memref<160000x128xf32, #tpu.memory_space<hbm>> -> memref<128x128xf32, #tpu.memory_space<hbm>>
        %dma_start3A_151 = tpu.memref_slice %arg12[%dma_start3A_144] : memref<3x!tpu.dma_semaphore, #tpu.memory_space<semaphore_mem>> -> memref<1x!tpu.dma_semaphore, #tpu.memory_space<semaphore_mem>>
        %dma_start3A_152 = tpu.memref_squeeze %dma_start3A_151 : memref<1x!tpu.dma_semaphore, #tpu.memory_space<semaphore_mem>> -> memref<!tpu.dma_semaphore, #tpu.memory_space<semaphore_mem>>
        %dma_start3A_153 = arith.constant 0 : i32
        %dma_start3A_154 = tpu.memref_slice %arg6[%mul3A_92, %dma_start3A_153] : memref<160000x128xf32, #tpu.memory_space<hbm>> -> memref<128x128xf32, #tpu.memory_space<hbm>>
        %dma_start3A_155 = arith.constant 0 : i32
        %dma_start3A_156 = arith.constant 0 : i32
        %dma_start3A_157 = tpu.memref_slice %arg10[%dma_start3A_143, %dma_start3A_155, %dma_start3A_156] : memref<3x128x128xf32, #tpu.memory_space<vmem>> -> memref<1x128x128xf32, #tpu.memory_space<vmem>>
        %dma_start3A_158 = tpu.memref_squeeze %dma_start3A_157 : memref<1x128x128xf32, #tpu.memory_space<vmem>> -> memref<128x128xf32, #tpu.memory_space<vmem>>
        tpu.enqueue_dma source(%dma_start3A_158 : memref<128x128xf32, #tpu.memory_space<vmem>>) target(%dma_start3A_154 : memref<128x128xf32, #tpu.memory_space<hbm>>) target_semaphore(%dma_start3A_152 : memref<!tpu.dma_semaphore, #tpu.memory_space<semaphore_mem>>)
      } else {
      }
    }
    %scan3A_13 = arith.constant 16 : i32
    return
  }
}

#map = affine_map<(d0, d1) -> (0, 0, 0)>
#map1 = affine_map<(d0, d1) -> (0, 0)>
#map2 = affine_map<(d0, d1) -> (0)>
module attributes {stable_mosaic.version = 14 : i64} {
  func.func @_scatter_sc(%arg0: i32, %arg1: i32, %arg2: memref<2x10240x128xf32, #tpu.memory_space<hbm>>, %arg3: memref<160000x128xf32, #tpu.memory_space<hbm>>, %arg4: memref<163840xi32, #tpu.memory_space<hbm>>, %arg5: memref<2x10240x128xf32, #tpu.memory_space<hbm>>, %arg6: memref<2x128xi32, #tpu.memory_space<vmem>>, %arg7: memref<2x128x128xf32, #tpu.memory_space<vmem>>, %arg8: memref<10240x128xf32, #tpu.memory_space<vmem_shared>>, %arg9: memref<2x!tpu.dma_semaphore, #tpu.memory_space<semaphore_mem>>) attributes {dimension_semantics = [#tpu.dimension_semantics<core_parallel>, #tpu.dimension_semantics<subcore_parallel>], iteration_bounds = array<i64: 2, 16>, scalar_prefetch = 0 : i64, scratch_operands = 4 : i64, tpu.core_type = #tpu.core_type<sc_vector_subcore>, window_params = [{transform_indices = #map}, {transform_indices = #map1}, {transform_indices = #map2}, {transform_indices = #map}]} {
    %mul3A = arith.constant 2 : i32
    %mul3A_0 = arith.muli %arg1, %mul3A : i32
    %add3A = arith.addi %mul3A_0, %arg0 : i32
    %mul3A_1 = arith.constant 40 : i32
    %mul3A_2 = arith.muli %add3A, %mul3A_1 : i32
    %sub3A = arith.constant 1250 : i32
    %sub3A_3 = arith.subi %sub3A, %mul3A_2 : i32
    %min3A = arith.constant 40 : i32
    %min3A_4 = arith.minsi %sub3A_3, %min3A : i32
    %mul3A_5 = arith.constant 640 : i32
    %mul3A_6 = arith.muli %arg1, %mul3A_5 : i32
    %add3A_7 = arith.constant 0 : i32
    %add3A_8 = arith.addi %mul3A_6, %add3A_7 : i32
    %dma_start3A = arith.constant 0 : i32
    %dma_start3A_9 = arith.constant 0 : i32
    %dma_start3A_10 = arith.constant 0 : i32
    %dma_start3A_11 = arith.constant 0 : i32
    %dma_start3A_12 = tpu.memref_slice %arg7[%dma_start3A, %dma_start3A_10, %dma_start3A_11] : memref<2x128x128xf32, #tpu.memory_space<vmem>> -> memref<1x128x128xf32, #tpu.memory_space<vmem>>
    %dma_start3A_13 = tpu.memref_squeeze %dma_start3A_12 : memref<1x128x128xf32, #tpu.memory_space<vmem>> -> memref<128x128xf32, #tpu.memory_space<vmem>>
    %dma_start3A_14 = arith.constant 0 : i32
    %dma_start3A_15 = tpu.memref_slice %arg2[%arg0, %add3A_8, %dma_start3A_14] : memref<2x10240x128xf32, #tpu.memory_space<hbm>> -> memref<1x128x128xf32, #tpu.memory_space<hbm>>
    %dma_start3A_16 = tpu.memref_squeeze %dma_start3A_15 : memref<1x128x128xf32, #tpu.memory_space<hbm>> -> memref<128x128xf32, #tpu.memory_space<hbm>>
    %dma_start3A_17 = tpu.memref_slice %arg9[%dma_start3A_9] : memref<2x!tpu.dma_semaphore, #tpu.memory_space<semaphore_mem>> -> memref<1x!tpu.dma_semaphore, #tpu.memory_space<semaphore_mem>>
    %dma_start3A_18 = tpu.memref_squeeze %dma_start3A_17 : memref<1x!tpu.dma_semaphore, #tpu.memory_space<semaphore_mem>> -> memref<!tpu.dma_semaphore, #tpu.memory_space<semaphore_mem>>
    %dma_start3A_19 = arith.constant 0 : i32
    %dma_start3A_20 = arith.constant 0 : i32
    %dma_start3A_21 = tpu.memref_slice %arg7[%dma_start3A, %dma_start3A_19, %dma_start3A_20] : memref<2x128x128xf32, #tpu.memory_space<vmem>> -> memref<1x128x128xf32, #tpu.memory_space<vmem>>
    %dma_start3A_22 = tpu.memref_squeeze %dma_start3A_21 : memref<1x128x128xf32, #tpu.memory_space<vmem>> -> memref<128x128xf32, #tpu.memory_space<vmem>>
    %dma_start3A_23 = arith.constant 0 : i32
    %dma_start3A_24 = tpu.memref_slice %arg2[%arg0, %add3A_8, %dma_start3A_23] : memref<2x10240x128xf32, #tpu.memory_space<hbm>> -> memref<1x128x128xf32, #tpu.memory_space<hbm>>
    %dma_start3A_25 = tpu.memref_squeeze %dma_start3A_24 : memref<1x128x128xf32, #tpu.memory_space<hbm>> -> memref<128x128xf32, #tpu.memory_space<hbm>>
    tpu.enqueue_dma source(%dma_start3A_25 : memref<128x128xf32, #tpu.memory_space<hbm>>) target(%dma_start3A_22 : memref<128x128xf32, #tpu.memory_space<vmem>>) target_semaphore(%dma_start3A_18 : memref<!tpu.dma_semaphore, #tpu.memory_space<semaphore_mem>>)
    %add3A_26 = arith.constant 128 : i32
    %add3A_27 = arith.addi %mul3A_6, %add3A_26 : i32
    %dma_start3A_28 = arith.constant 1 : i32
    %dma_start3A_29 = arith.constant 1 : i32
    %dma_start3A_30 = arith.constant 0 : i32
    %dma_start3A_31 = arith.constant 0 : i32
    %dma_start3A_32 = tpu.memref_slice %arg7[%dma_start3A_28, %dma_start3A_30, %dma_start3A_31] : memref<2x128x128xf32, #tpu.memory_space<vmem>> -> memref<1x128x128xf32, #tpu.memory_space<vmem>>
    %dma_start3A_33 = tpu.memref_squeeze %dma_start3A_32 : memref<1x128x128xf32, #tpu.memory_space<vmem>> -> memref<128x128xf32, #tpu.memory_space<vmem>>
    %dma_start3A_34 = arith.constant 0 : i32
    %dma_start3A_35 = tpu.memref_slice %arg2[%arg0, %add3A_27, %dma_start3A_34] : memref<2x10240x128xf32, #tpu.memory_space<hbm>> -> memref<1x128x128xf32, #tpu.memory_space<hbm>>
    %dma_start3A_36 = tpu.memref_squeeze %dma_start3A_35 : memref<1x128x128xf32, #tpu.memory_space<hbm>> -> memref<128x128xf32, #tpu.memory_space<hbm>>
    %dma_start3A_37 = tpu.memref_slice %arg9[%dma_start3A_29] : memref<2x!tpu.dma_semaphore, #tpu.memory_space<semaphore_mem>> -> memref<1x!tpu.dma_semaphore, #tpu.memory_space<semaphore_mem>>
    %dma_start3A_38 = tpu.memref_squeeze %dma_start3A_37 : memref<1x!tpu.dma_semaphore, #tpu.memory_space<semaphore_mem>> -> memref<!tpu.dma_semaphore, #tpu.memory_space<semaphore_mem>>
    %dma_start3A_39 = arith.constant 0 : i32
    %dma_start3A_40 = arith.constant 0 : i32
    %dma_start3A_41 = tpu.memref_slice %arg7[%dma_start3A_28, %dma_start3A_39, %dma_start3A_40] : memref<2x128x128xf32, #tpu.memory_space<vmem>> -> memref<1x128x128xf32, #tpu.memory_space<vmem>>
    %dma_start3A_42 = tpu.memref_squeeze %dma_start3A_41 : memref<1x128x128xf32, #tpu.memory_space<vmem>> -> memref<128x128xf32, #tpu.memory_space<vmem>>
    %dma_start3A_43 = arith.constant 0 : i32
    %dma_start3A_44 = tpu.memref_slice %arg2[%arg0, %add3A_27, %dma_start3A_43] : memref<2x10240x128xf32, #tpu.memory_space<hbm>> -> memref<1x128x128xf32, #tpu.memory_space<hbm>>
    %dma_start3A_45 = tpu.memref_squeeze %dma_start3A_44 : memref<1x128x128xf32, #tpu.memory_space<hbm>> -> memref<128x128xf32, #tpu.memory_space<hbm>>
    tpu.enqueue_dma source(%dma_start3A_45 : memref<128x128xf32, #tpu.memory_space<hbm>>) target(%dma_start3A_42 : memref<128x128xf32, #tpu.memory_space<vmem>>) target_semaphore(%dma_start3A_38 : memref<!tpu.dma_semaphore, #tpu.memory_space<semaphore_mem>>)
    %add3A_46 = arith.constant 0 : i32
    %add3A_47 = arith.addi %mul3A_6, %add3A_46 : i32
    %dma_wait3A = arith.constant 0 : i32
    %dma_wait3A_48 = arith.constant 0 : i32
    %dma_wait3A_49 = arith.constant 0 : i32
    %dma_wait3A_50 = arith.constant 0 : i32
    %dma_wait3A_51 = arith.constant 0 : i32
    %dma_wait3A_52 = tpu.memref_slice %arg7[%dma_wait3A_48, %dma_wait3A_50, %dma_wait3A_51] : memref<2x128x128xf32, #tpu.memory_space<vmem>> -> memref<1x128x128xf32, #tpu.memory_space<vmem>>
    %dma_wait3A_53 = tpu.memref_squeeze %dma_wait3A_52 : memref<1x128x128xf32, #tpu.memory_space<vmem>> -> memref<128x128xf32, #tpu.memory_space<vmem>>
    %dma_wait3A_54 = arith.constant 0 : i32
    %dma_wait3A_55 = arith.constant 0 : i32
    %dma_wait3A_56 = tpu.memref_slice %arg2[%dma_wait3A, %dma_wait3A_54, %dma_wait3A_55] : memref<2x10240x128xf32, #tpu.memory_space<hbm>> -> memref<1x128x128xf32, #tpu.memory_space<hbm>>
    %dma_wait3A_57 = tpu.memref_squeeze %dma_wait3A_56 : memref<1x128x128xf32, #tpu.memory_space<hbm>> -> memref<128x128xf32, #tpu.memory_space<hbm>>
    %dma_wait3A_58 = tpu.memref_slice %arg9[%dma_wait3A_49] : memref<2x!tpu.dma_semaphore, #tpu.memory_space<semaphore_mem>> -> memref<1x!tpu.dma_semaphore, #tpu.memory_space<semaphore_mem>>
    %dma_wait3A_59 = tpu.memref_squeeze %dma_wait3A_58 : memref<1x!tpu.dma_semaphore, #tpu.memory_space<semaphore_mem>> -> memref<!tpu.dma_semaphore, #tpu.memory_space<semaphore_mem>>
    %dma_wait3A_60 = arith.constant 0 : i32
    %dma_wait3A_61 = arith.constant 0 : i32
    %dma_wait3A_62 = tpu.memref_slice %arg7[%dma_wait3A_48, %dma_wait3A_60, %dma_wait3A_61] : memref<2x128x128xf32, #tpu.memory_space<vmem>> -> memref<1x128x128xf32, #tpu.memory_space<vmem>>
    %dma_wait3A_63 = tpu.memref_squeeze %dma_wait3A_62 : memref<1x128x128xf32, #tpu.memory_space<vmem>> -> memref<128x128xf32, #tpu.memory_space<vmem>>
    %dma_wait3A_64 = arith.constant 0 : i32
    %dma_wait3A_65 = arith.constant 0 : i32
    %dma_wait3A_66 = tpu.memref_slice %arg2[%dma_wait3A, %dma_wait3A_64, %dma_wait3A_65] : memref<2x10240x128xf32, #tpu.memory_space<hbm>> -> memref<1x128x128xf32, #tpu.memory_space<hbm>>
    %dma_wait3A_67 = tpu.memref_squeeze %dma_wait3A_66 : memref<1x128x128xf32, #tpu.memory_space<hbm>> -> memref<128x128xf32, #tpu.memory_space<hbm>>
    tpu.wait_dma2 semaphore(%dma_wait3A_59 : memref<!tpu.dma_semaphore, #tpu.memory_space<semaphore_mem>>) src(%dma_wait3A_67 : memref<128x128xf32, #tpu.memory_space<hbm>>) dst(%dma_wait3A_63 : memref<128x128xf32, #tpu.memory_space<vmem>>)
    %run_scoped3A = arith.constant 0 : i32
    "tpu.region"() ({
      %run_scoped3A_440 = tpu.sem_alloc : memref<!tpu.dma_semaphore, #tpu.memory_space<semaphore_mem>>
      %dma_start3A_441 = arith.constant 0 : i32
      %dma_start3A_442 = arith.constant 0 : i32
      %dma_start3A_443 = tpu.memref_slice %arg7[%run_scoped3A, %dma_start3A_441, %dma_start3A_442] : memref<2x128x128xf32, #tpu.memory_space<vmem>> -> memref<1x128x128xf32, #tpu.memory_space<vmem>>
      %dma_start3A_444 = tpu.memref_squeeze %dma_start3A_443 : memref<1x128x128xf32, #tpu.memory_space<vmem>> -> memref<128x128xf32, #tpu.memory_space<vmem>>
      %dma_start3A_445 = arith.constant 0 : i32
      %dma_start3A_446 = tpu.memref_slice %arg8[%add3A_47, %dma_start3A_445] : memref<10240x128xf32, #tpu.memory_space<vmem_shared>> -> memref<128x128xf32, #tpu.memory_space<vmem_shared>>
      %dma_start3A_447 = arith.constant 0 : i32
      %dma_start3A_448 = tpu.memref_slice %arg8[%add3A_47, %dma_start3A_447] : memref<10240x128xf32, #tpu.memory_space<vmem_shared>> -> memref<128x128xf32, #tpu.memory_space<vmem_shared>>
      %dma_start3A_449 = arith.constant 0 : i32
      %dma_start3A_450 = arith.constant 0 : i32
      %dma_start3A_451 = tpu.memref_slice %arg7[%run_scoped3A, %dma_start3A_449, %dma_start3A_450] : memref<2x128x128xf32, #tpu.memory_space<vmem>> -> memref<1x128x128xf32, #tpu.memory_space<vmem>>
      %dma_start3A_452 = tpu.memref_squeeze %dma_start3A_451 : memref<1x128x128xf32, #tpu.memory_space<vmem>> -> memref<128x128xf32, #tpu.memory_space<vmem>>
      tpu.enqueue_dma source(%dma_start3A_452 : memref<128x128xf32, #tpu.memory_space<vmem>>) target(%dma_start3A_448 : memref<128x128xf32, #tpu.memory_space<vmem_shared>>) target_semaphore(%run_scoped3A_440 : memref<!tpu.dma_semaphore, #tpu.memory_space<semaphore_mem>>)
      %dma_wait3A_453 = arith.constant 0 : i32
      %dma_wait3A_454 = arith.constant 0 : i32
      %dma_wait3A_455 = tpu.memref_slice %arg7[%run_scoped3A, %dma_wait3A_453, %dma_wait3A_454] : memref<2x128x128xf32, #tpu.memory_space<vmem>> -> memref<1x128x128xf32, #tpu.memory_space<vmem>>
      %dma_wait3A_456 = tpu.memref_squeeze %dma_wait3A_455 : memref<1x128x128xf32, #tpu.memory_space<vmem>> -> memref<128x128xf32, #tpu.memory_space<vmem>>
      %dma_wait3A_457 = arith.constant 0 : i32
      %dma_wait3A_458 = tpu.memref_slice %arg8[%add3A_47, %dma_wait3A_457] : memref<10240x128xf32, #tpu.memory_space<vmem_shared>> -> memref<128x128xf32, #tpu.memory_space<vmem_shared>>
      %dma_wait3A_459 = arith.constant 0 : i32
      %dma_wait3A_460 = tpu.memref_slice %arg8[%add3A_47, %dma_wait3A_459] : memref<10240x128xf32, #tpu.memory_space<vmem_shared>> -> memref<128x128xf32, #tpu.memory_space<vmem_shared>>
      %dma_wait3A_461 = arith.constant 0 : i32
      %dma_wait3A_462 = arith.constant 0 : i32
      %dma_wait3A_463 = tpu.memref_slice %arg7[%run_scoped3A, %dma_wait3A_461, %dma_wait3A_462] : memref<2x128x128xf32, #tpu.memory_space<vmem>> -> memref<1x128x128xf32, #tpu.memory_space<vmem>>
      %dma_wait3A_464 = tpu.memref_squeeze %dma_wait3A_463 : memref<1x128x128xf32, #tpu.memory_space<vmem>> -> memref<128x128xf32, #tpu.memory_space<vmem>>
      tpu.wait_dma2 semaphore(%run_scoped3A_440 : memref<!tpu.dma_semaphore, #tpu.memory_space<semaphore_mem>>) src(%dma_wait3A_464 : memref<128x128xf32, #tpu.memory_space<vmem>>) dst(%dma_wait3A_460 : memref<128x128xf32, #tpu.memory_space<vmem_shared>>)
      tpu.yield
    }) : () -> ()
    %add3A_68 = arith.constant 256 : i32
    %add3A_69 = arith.addi %mul3A_6, %add3A_68 : i32
    %dma_start3A_70 = arith.constant 0 : i32
    %dma_start3A_71 = arith.constant 0 : i32
    %dma_start3A_72 = arith.constant 0 : i32
    %dma_start3A_73 = arith.constant 0 : i32
    %dma_start3A_74 = tpu.memref_slice %arg7[%dma_start3A_70, %dma_start3A_72, %dma_start3A_73] : memref<2x128x128xf32, #tpu.memory_space<vmem>> -> memref<1x128x128xf32, #tpu.memory_space<vmem>>
    %dma_start3A_75 = tpu.memref_squeeze %dma_start3A_74 : memref<1x128x128xf32, #tpu.memory_space<vmem>> -> memref<128x128xf32, #tpu.memory_space<vmem>>
    %dma_start3A_76 = arith.constant 0 : i32
    %dma_start3A_77 = tpu.memref_slice %arg2[%arg0, %add3A_69, %dma_start3A_76] : memref<2x10240x128xf32, #tpu.memory_space<hbm>> -> memref<1x128x128xf32, #tpu.memory_space<hbm>>
    %dma_start3A_78 = tpu.memref_squeeze %dma_start3A_77 : memref<1x128x128xf32, #tpu.memory_space<hbm>> -> memref<128x128xf32, #tpu.memory_space<hbm>>
    %dma_start3A_79 = tpu.memref_slice %arg9[%dma_start3A_71] : memref<2x!tpu.dma_semaphore, #tpu.memory_space<semaphore_mem>> -> memref<1x!tpu.dma_semaphore, #tpu.memory_space<semaphore_mem>>
    %dma_start3A_80 = tpu.memref_squeeze %dma_start3A_79 : memref<1x!tpu.dma_semaphore, #tpu.memory_space<semaphore_mem>> -> memref<!tpu.dma_semaphore, #tpu.memory_space<semaphore_mem>>
    %dma_start3A_81 = arith.constant 0 : i32
    %dma_start3A_82 = arith.constant 0 : i32
    %dma_start3A_83 = tpu.memref_slice %arg7[%dma_start3A_70, %dma_start3A_81, %dma_start3A_82] : memref<2x128x128xf32, #tpu.memory_space<vmem>> -> memref<1x128x128xf32, #tpu.memory_space<vmem>>
    %dma_start3A_84 = tpu.memref_squeeze %dma_start3A_83 : memref<1x128x128xf32, #tpu.memory_space<vmem>> -> memref<128x128xf32, #tpu.memory_space<vmem>>
    %dma_start3A_85 = arith.constant 0 : i32
    %dma_start3A_86 = tpu.memref_slice %arg2[%arg0, %add3A_69, %dma_start3A_85] : memref<2x10240x128xf32, #tpu.memory_space<hbm>> -> memref<1x128x128xf32, #tpu.memory_space<hbm>>
    %dma_start3A_87 = tpu.memref_squeeze %dma_start3A_86 : memref<1x128x128xf32, #tpu.memory_space<hbm>> -> memref<128x128xf32, #tpu.memory_space<hbm>>
    tpu.enqueue_dma source(%dma_start3A_87 : memref<128x128xf32, #tpu.memory_space<hbm>>) target(%dma_start3A_84 : memref<128x128xf32, #tpu.memory_space<vmem>>) target_semaphore(%dma_start3A_80 : memref<!tpu.dma_semaphore, #tpu.memory_space<semaphore_mem>>)
    %add3A_88 = arith.constant 128 : i32
    %add3A_89 = arith.addi %mul3A_6, %add3A_88 : i32
    %dma_wait3A_90 = arith.constant 0 : i32
    %dma_wait3A_91 = arith.constant 1 : i32
    %dma_wait3A_92 = arith.constant 1 : i32
    %dma_wait3A_93 = arith.constant 0 : i32
    %dma_wait3A_94 = arith.constant 0 : i32
    %dma_wait3A_95 = tpu.memref_slice %arg7[%dma_wait3A_91, %dma_wait3A_93, %dma_wait3A_94] : memref<2x128x128xf32, #tpu.memory_space<vmem>> -> memref<1x128x128xf32, #tpu.memory_space<vmem>>
    %dma_wait3A_96 = tpu.memref_squeeze %dma_wait3A_95 : memref<1x128x128xf32, #tpu.memory_space<vmem>> -> memref<128x128xf32, #tpu.memory_space<vmem>>
    %dma_wait3A_97 = arith.constant 0 : i32
    %dma_wait3A_98 = arith.constant 0 : i32
    %dma_wait3A_99 = tpu.memref_slice %arg2[%dma_wait3A_90, %dma_wait3A_97, %dma_wait3A_98] : memref<2x10240x128xf32, #tpu.memory_space<hbm>> -> memref<1x128x128xf32, #tpu.memory_space<hbm>>
    %dma_wait3A_100 = tpu.memref_squeeze %dma_wait3A_99 : memref<1x128x128xf32, #tpu.memory_space<hbm>> -> memref<128x128xf32, #tpu.memory_space<hbm>>
    %dma_wait3A_101 = tpu.memref_slice %arg9[%dma_wait3A_92] : memref<2x!tpu.dma_semaphore, #tpu.memory_space<semaphore_mem>> -> memref<1x!tpu.dma_semaphore, #tpu.memory_space<semaphore_mem>>
    %dma_wait3A_102 = tpu.memref_squeeze %dma_wait3A_101 : memref<1x!tpu.dma_semaphore, #tpu.memory_space<semaphore_mem>> -> memref<!tpu.dma_semaphore, #tpu.memory_space<semaphore_mem>>
    %dma_wait3A_103 = arith.constant 0 : i32
    %dma_wait3A_104 = arith.constant 0 : i32
    %dma_wait3A_105 = tpu.memref_slice %arg7[%dma_wait3A_91, %dma_wait3A_103, %dma_wait3A_104] : memref<2x128x128xf32, #tpu.memory_space<vmem>> -> memref<1x128x128xf32, #tpu.memory_space<vmem>>
    %dma_wait3A_106 = tpu.memref_squeeze %dma_wait3A_105 : memref<1x128x128xf32, #tpu.memory_space<vmem>> -> memref<128x128xf32, #tpu.memory_space<vmem>>
    %dma_wait3A_107 = arith.constant 0 : i32
    %dma_wait3A_108 = arith.constant 0 : i32
    %dma_wait3A_109 = tpu.memref_slice %arg2[%dma_wait3A_90, %dma_wait3A_107, %dma_wait3A_108] : memref<2x10240x128xf32, #tpu.memory_space<hbm>> -> memref<1x128x128xf32, #tpu.memory_space<hbm>>
    %dma_wait3A_110 = tpu.memref_squeeze %dma_wait3A_109 : memref<1x128x128xf32, #tpu.memory_space<hbm>> -> memref<128x128xf32, #tpu.memory_space<hbm>>
    tpu.wait_dma2 semaphore(%dma_wait3A_102 : memref<!tpu.dma_semaphore, #tpu.memory_space<semaphore_mem>>) src(%dma_wait3A_110 : memref<128x128xf32, #tpu.memory_space<hbm>>) dst(%dma_wait3A_106 : memref<128x128xf32, #tpu.memory_space<vmem>>)
    %run_scoped3A_111 = arith.constant 1 : i32
    "tpu.region"() ({
      %run_scoped3A_440 = tpu.sem_alloc : memref<!tpu.dma_semaphore, #tpu.memory_space<semaphore_mem>>
      %dma_start3A_441 = arith.constant 0 : i32
      %dma_start3A_442 = arith.constant 0 : i32
      %dma_start3A_443 = tpu.memref_slice %arg7[%run_scoped3A_111, %dma_start3A_441, %dma_start3A_442] : memref<2x128x128xf32, #tpu.memory_space<vmem>> -> memref<1x128x128xf32, #tpu.memory_space<vmem>>
      %dma_start3A_444 = tpu.memref_squeeze %dma_start3A_443 : memref<1x128x128xf32, #tpu.memory_space<vmem>> -> memref<128x128xf32, #tpu.memory_space<vmem>>
      %dma_start3A_445 = arith.constant 0 : i32
      %dma_start3A_446 = tpu.memref_slice %arg8[%add3A_89, %dma_start3A_445] : memref<10240x128xf32, #tpu.memory_space<vmem_shared>> -> memref<128x128xf32, #tpu.memory_space<vmem_shared>>
      %dma_start3A_447 = arith.constant 0 : i32
      %dma_start3A_448 = tpu.memref_slice %arg8[%add3A_89, %dma_start3A_447] : memref<10240x128xf32, #tpu.memory_space<vmem_shared>> -> memref<128x128xf32, #tpu.memory_space<vmem_shared>>
      %dma_start3A_449 = arith.constant 0 : i32
      %dma_start3A_450 = arith.constant 0 : i32
      %dma_start3A_451 = tpu.memref_slice %arg7[%run_scoped3A_111, %dma_start3A_449, %dma_start3A_450] : memref<2x128x128xf32, #tpu.memory_space<vmem>> -> memref<1x128x128xf32, #tpu.memory_space<vmem>>
      %dma_start3A_452 = tpu.memref_squeeze %dma_start3A_451 : memref<1x128x128xf32, #tpu.memory_space<vmem>> -> memref<128x128xf32, #tpu.memory_space<vmem>>
      tpu.enqueue_dma source(%dma_start3A_452 : memref<128x128xf32, #tpu.memory_space<vmem>>) target(%dma_start3A_448 : memref<128x128xf32, #tpu.memory_space<vmem_shared>>) target_semaphore(%run_scoped3A_440 : memref<!tpu.dma_semaphore, #tpu.memory_space<semaphore_mem>>)
      %dma_wait3A_453 = arith.constant 0 : i32
      %dma_wait3A_454 = arith.constant 0 : i32
      %dma_wait3A_455 = tpu.memref_slice %arg7[%run_scoped3A_111, %dma_wait3A_453, %dma_wait3A_454] : memref<2x128x128xf32, #tpu.memory_space<vmem>> -> memref<1x128x128xf32, #tpu.memory_space<vmem>>
      %dma_wait3A_456 = tpu.memref_squeeze %dma_wait3A_455 : memref<1x128x128xf32, #tpu.memory_space<vmem>> -> memref<128x128xf32, #tpu.memory_space<vmem>>
      %dma_wait3A_457 = arith.constant 0 : i32
      %dma_wait3A_458 = tpu.memref_slice %arg8[%add3A_89, %dma_wait3A_457] : memref<10240x128xf32, #tpu.memory_space<vmem_shared>> -> memref<128x128xf32, #tpu.memory_space<vmem_shared>>
      %dma_wait3A_459 = arith.constant 0 : i32
      %dma_wait3A_460 = tpu.memref_slice %arg8[%add3A_89, %dma_wait3A_459] : memref<10240x128xf32, #tpu.memory_space<vmem_shared>> -> memref<128x128xf32, #tpu.memory_space<vmem_shared>>
      %dma_wait3A_461 = arith.constant 0 : i32
      %dma_wait3A_462 = arith.constant 0 : i32
      %dma_wait3A_463 = tpu.memref_slice %arg7[%run_scoped3A_111, %dma_wait3A_461, %dma_wait3A_462] : memref<2x128x128xf32, #tpu.memory_space<vmem>> -> memref<1x128x128xf32, #tpu.memory_space<vmem>>
      %dma_wait3A_464 = tpu.memref_squeeze %dma_wait3A_463 : memref<1x128x128xf32, #tpu.memory_space<vmem>> -> memref<128x128xf32, #tpu.memory_space<vmem>>
      tpu.wait_dma2 semaphore(%run_scoped3A_440 : memref<!tpu.dma_semaphore, #tpu.memory_space<semaphore_mem>>) src(%dma_wait3A_464 : memref<128x128xf32, #tpu.memory_space<vmem>>) dst(%dma_wait3A_460 : memref<128x128xf32, #tpu.memory_space<vmem_shared>>)
      tpu.yield
    }) : () -> ()
    %add3A_112 = arith.constant 384 : i32
    %add3A_113 = arith.addi %mul3A_6, %add3A_112 : i32
    %dma_start3A_114 = arith.constant 1 : i32
    %dma_start3A_115 = arith.constant 1 : i32
    %dma_start3A_116 = arith.constant 0 : i32
    %dma_start3A_117 = arith.constant 0 : i32
    %dma_start3A_118 = tpu.memref_slice %arg7[%dma_start3A_114, %dma_start3A_116, %dma_start3A_117] : memref<2x128x128xf32, #tpu.memory_space<vmem>> -> memref<1x128x128xf32, #tpu.memory_space<vmem>>
    %dma_start3A_119 = tpu.memref_squeeze %dma_start3A_118 : memref<1x128x128xf32, #tpu.memory_space<vmem>> -> memref<128x128xf32, #tpu.memory_space<vmem>>
    %dma_start3A_120 = arith.constant 0 : i32
    %dma_start3A_121 = tpu.memref_slice %arg2[%arg0, %add3A_113, %dma_start3A_120] : memref<2x10240x128xf32, #tpu.memory_space<hbm>> -> memref<1x128x128xf32, #tpu.memory_space<hbm>>
    %dma_start3A_122 = tpu.memref_squeeze %dma_start3A_121 : memref<1x128x128xf32, #tpu.memory_space<hbm>> -> memref<128x128xf32, #tpu.memory_space<hbm>>
    %dma_start3A_123 = tpu.memref_slice %arg9[%dma_start3A_115] : memref<2x!tpu.dma_semaphore, #tpu.memory_space<semaphore_mem>> -> memref<1x!tpu.dma_semaphore, #tpu.memory_space<semaphore_mem>>
    %dma_start3A_124 = tpu.memref_squeeze %dma_start3A_123 : memref<1x!tpu.dma_semaphore, #tpu.memory_space<semaphore_mem>> -> memref<!tpu.dma_semaphore, #tpu.memory_space<semaphore_mem>>
    %dma_start3A_125 = arith.constant 0 : i32
    %dma_start3A_126 = arith.constant 0 : i32
    %dma_start3A_127 = tpu.memref_slice %arg7[%dma_start3A_114, %dma_start3A_125, %dma_start3A_126] : memref<2x128x128xf32, #tpu.memory_space<vmem>> -> memref<1x128x128xf32, #tpu.memory_space<vmem>>
    %dma_start3A_128 = tpu.memref_squeeze %dma_start3A_127 : memref<1x128x128xf32, #tpu.memory_space<vmem>> -> memref<128x128xf32, #tpu.memory_space<vmem>>
    %dma_start3A_129 = arith.constant 0 : i32
    %dma_start3A_130 = tpu.memref_slice %arg2[%arg0, %add3A_113, %dma_start3A_129] : memref<2x10240x128xf32, #tpu.memory_space<hbm>> -> memref<1x128x128xf32, #tpu.memory_space<hbm>>
    %dma_start3A_131 = tpu.memref_squeeze %dma_start3A_130 : memref<1x128x128xf32, #tpu.memory_space<hbm>> -> memref<128x128xf32, #tpu.memory_space<hbm>>
    tpu.enqueue_dma source(%dma_start3A_131 : memref<128x128xf32, #tpu.memory_space<hbm>>) target(%dma_start3A_128 : memref<128x128xf32, #tpu.memory_space<vmem>>) target_semaphore(%dma_start3A_124 : memref<!tpu.dma_semaphore, #tpu.memory_space<semaphore_mem>>)
    %add3A_132 = arith.constant 256 : i32
    %add3A_133 = arith.addi %mul3A_6, %add3A_132 : i32
    %dma_wait3A_134 = arith.constant 0 : i32
    %dma_wait3A_135 = arith.constant 0 : i32
    %dma_wait3A_136 = arith.constant 0 : i32
    %dma_wait3A_137 = arith.constant 0 : i32
    %dma_wait3A_138 = arith.constant 0 : i32
    %dma_wait3A_139 = tpu.memref_slice %arg7[%dma_wait3A_135, %dma_wait3A_137, %dma_wait3A_138] : memref<2x128x128xf32, #tpu.memory_space<vmem>> -> memref<1x128x128xf32, #tpu.memory_space<vmem>>
    %dma_wait3A_140 = tpu.memref_squeeze %dma_wait3A_139 : memref<1x128x128xf32, #tpu.memory_space<vmem>> -> memref<128x128xf32, #tpu.memory_space<vmem>>
    %dma_wait3A_141 = arith.constant 0 : i32
    %dma_wait3A_142 = arith.constant 0 : i32
    %dma_wait3A_143 = tpu.memref_slice %arg2[%dma_wait3A_134, %dma_wait3A_141, %dma_wait3A_142] : memref<2x10240x128xf32, #tpu.memory_space<hbm>> -> memref<1x128x128xf32, #tpu.memory_space<hbm>>
    %dma_wait3A_144 = tpu.memref_squeeze %dma_wait3A_143 : memref<1x128x128xf32, #tpu.memory_space<hbm>> -> memref<128x128xf32, #tpu.memory_space<hbm>>
    %dma_wait3A_145 = tpu.memref_slice %arg9[%dma_wait3A_136] : memref<2x!tpu.dma_semaphore, #tpu.memory_space<semaphore_mem>> -> memref<1x!tpu.dma_semaphore, #tpu.memory_space<semaphore_mem>>
    %dma_wait3A_146 = tpu.memref_squeeze %dma_wait3A_145 : memref<1x!tpu.dma_semaphore, #tpu.memory_space<semaphore_mem>> -> memref<!tpu.dma_semaphore, #tpu.memory_space<semaphore_mem>>
    %dma_wait3A_147 = arith.constant 0 : i32
    %dma_wait3A_148 = arith.constant 0 : i32
    %dma_wait3A_149 = tpu.memref_slice %arg7[%dma_wait3A_135, %dma_wait3A_147, %dma_wait3A_148] : memref<2x128x128xf32, #tpu.memory_space<vmem>> -> memref<1x128x128xf32, #tpu.memory_space<vmem>>
    %dma_wait3A_150 = tpu.memref_squeeze %dma_wait3A_149 : memref<1x128x128xf32, #tpu.memory_space<vmem>> -> memref<128x128xf32, #tpu.memory_space<vmem>>
    %dma_wait3A_151 = arith.constant 0 : i32
    %dma_wait3A_152 = arith.constant 0 : i32
    %dma_wait3A_153 = tpu.memref_slice %arg2[%dma_wait3A_134, %dma_wait3A_151, %dma_wait3A_152] : memref<2x10240x128xf32, #tpu.memory_space<hbm>> -> memref<1x128x128xf32, #tpu.memory_space<hbm>>
    %dma_wait3A_154 = tpu.memref_squeeze %dma_wait3A_153 : memref<1x128x128xf32, #tpu.memory_space<hbm>> -> memref<128x128xf32, #tpu.memory_space<hbm>>
    tpu.wait_dma2 semaphore(%dma_wait3A_146 : memref<!tpu.dma_semaphore, #tpu.memory_space<semaphore_mem>>) src(%dma_wait3A_154 : memref<128x128xf32, #tpu.memory_space<hbm>>) dst(%dma_wait3A_150 : memref<128x128xf32, #tpu.memory_space<vmem>>)
    %run_scoped3A_155 = arith.constant 0 : i32
    "tpu.region"() ({
      %run_scoped3A_440 = tpu.sem_alloc : memref<!tpu.dma_semaphore, #tpu.memory_space<semaphore_mem>>
      %dma_start3A_441 = arith.constant 0 : i32
      %dma_start3A_442 = arith.constant 0 : i32
      %dma_start3A_443 = tpu.memref_slice %arg7[%run_scoped3A_155, %dma_start3A_441, %dma_start3A_442] : memref<2x128x128xf32, #tpu.memory_space<vmem>> -> memref<1x128x128xf32, #tpu.memory_space<vmem>>
      %dma_start3A_444 = tpu.memref_squeeze %dma_start3A_443 : memref<1x128x128xf32, #tpu.memory_space<vmem>> -> memref<128x128xf32, #tpu.memory_space<vmem>>
      %dma_start3A_445 = arith.constant 0 : i32
      %dma_start3A_446 = tpu.memref_slice %arg8[%add3A_133, %dma_start3A_445] : memref<10240x128xf32, #tpu.memory_space<vmem_shared>> -> memref<128x128xf32, #tpu.memory_space<vmem_shared>>
      %dma_start3A_447 = arith.constant 0 : i32
      %dma_start3A_448 = tpu.memref_slice %arg8[%add3A_133, %dma_start3A_447] : memref<10240x128xf32, #tpu.memory_space<vmem_shared>> -> memref<128x128xf32, #tpu.memory_space<vmem_shared>>
      %dma_start3A_449 = arith.constant 0 : i32
      %dma_start3A_450 = arith.constant 0 : i32
      %dma_start3A_451 = tpu.memref_slice %arg7[%run_scoped3A_155, %dma_start3A_449, %dma_start3A_450] : memref<2x128x128xf32, #tpu.memory_space<vmem>> -> memref<1x128x128xf32, #tpu.memory_space<vmem>>
      %dma_start3A_452 = tpu.memref_squeeze %dma_start3A_451 : memref<1x128x128xf32, #tpu.memory_space<vmem>> -> memref<128x128xf32, #tpu.memory_space<vmem>>
      tpu.enqueue_dma source(%dma_start3A_452 : memref<128x128xf32, #tpu.memory_space<vmem>>) target(%dma_start3A_448 : memref<128x128xf32, #tpu.memory_space<vmem_shared>>) target_semaphore(%run_scoped3A_440 : memref<!tpu.dma_semaphore, #tpu.memory_space<semaphore_mem>>)
      %dma_wait3A_453 = arith.constant 0 : i32
      %dma_wait3A_454 = arith.constant 0 : i32
      %dma_wait3A_455 = tpu.memref_slice %arg7[%run_scoped3A_155, %dma_wait3A_453, %dma_wait3A_454] : memref<2x128x128xf32, #tpu.memory_space<vmem>> -> memref<1x128x128xf32, #tpu.memory_space<vmem>>
      %dma_wait3A_456 = tpu.memref_squeeze %dma_wait3A_455 : memref<1x128x128xf32, #tpu.memory_space<vmem>> -> memref<128x128xf32, #tpu.memory_space<vmem>>
      %dma_wait3A_457 = arith.constant 0 : i32
      %dma_wait3A_458 = tpu.memref_slice %arg8[%add3A_133, %dma_wait3A_457] : memref<10240x128xf32, #tpu.memory_space<vmem_shared>> -> memref<128x128xf32, #tpu.memory_space<vmem_shared>>
      %dma_wait3A_459 = arith.constant 0 : i32
      %dma_wait3A_460 = tpu.memref_slice %arg8[%add3A_133, %dma_wait3A_459] : memref<10240x128xf32, #tpu.memory_space<vmem_shared>> -> memref<128x128xf32, #tpu.memory_space<vmem_shared>>
      %dma_wait3A_461 = arith.constant 0 : i32
      %dma_wait3A_462 = arith.constant 0 : i32
      %dma_wait3A_463 = tpu.memref_slice %arg7[%run_scoped3A_155, %dma_wait3A_461, %dma_wait3A_462] : memref<2x128x128xf32, #tpu.memory_space<vmem>> -> memref<1x128x128xf32, #tpu.memory_space<vmem>>
      %dma_wait3A_464 = tpu.memref_squeeze %dma_wait3A_463 : memref<1x128x128xf32, #tpu.memory_space<vmem>> -> memref<128x128xf32, #tpu.memory_space<vmem>>
      tpu.wait_dma2 semaphore(%run_scoped3A_440 : memref<!tpu.dma_semaphore, #tpu.memory_space<semaphore_mem>>) src(%dma_wait3A_464 : memref<128x128xf32, #tpu.memory_space<vmem>>) dst(%dma_wait3A_460 : memref<128x128xf32, #tpu.memory_space<vmem_shared>>)
      tpu.yield
    }) : () -> ()
    %add3A_156 = arith.constant 512 : i32
    %add3A_157 = arith.addi %mul3A_6, %add3A_156 : i32
    %dma_start3A_158 = arith.constant 0 : i32
    %dma_start3A_159 = arith.constant 0 : i32
    %dma_start3A_160 = arith.constant 0 : i32
    %dma_start3A_161 = arith.constant 0 : i32
    %dma_start3A_162 = tpu.memref_slice %arg7[%dma_start3A_158, %dma_start3A_160, %dma_start3A_161] : memref<2x128x128xf32, #tpu.memory_space<vmem>> -> memref<1x128x128xf32, #tpu.memory_space<vmem>>
    %dma_start3A_163 = tpu.memref_squeeze %dma_start3A_162 : memref<1x128x128xf32, #tpu.memory_space<vmem>> -> memref<128x128xf32, #tpu.memory_space<vmem>>
    %dma_start3A_164 = arith.constant 0 : i32
    %dma_start3A_165 = tpu.memref_slice %arg2[%arg0, %add3A_157, %dma_start3A_164] : memref<2x10240x128xf32, #tpu.memory_space<hbm>> -> memref<1x128x128xf32, #tpu.memory_space<hbm>>
    %dma_start3A_166 = tpu.memref_squeeze %dma_start3A_165 : memref<1x128x128xf32, #tpu.memory_space<hbm>> -> memref<128x128xf32, #tpu.memory_space<hbm>>
    %dma_start3A_167 = tpu.memref_slice %arg9[%dma_start3A_159] : memref<2x!tpu.dma_semaphore, #tpu.memory_space<semaphore_mem>> -> memref<1x!tpu.dma_semaphore, #tpu.memory_space<semaphore_mem>>
    %dma_start3A_168 = tpu.memref_squeeze %dma_start3A_167 : memref<1x!tpu.dma_semaphore, #tpu.memory_space<semaphore_mem>> -> memref<!tpu.dma_semaphore, #tpu.memory_space<semaphore_mem>>
    %dma_start3A_169 = arith.constant 0 : i32
    %dma_start3A_170 = arith.constant 0 : i32
    %dma_start3A_171 = tpu.memref_slice %arg7[%dma_start3A_158, %dma_start3A_169, %dma_start3A_170] : memref<2x128x128xf32, #tpu.memory_space<vmem>> -> memref<1x128x128xf32, #tpu.memory_space<vmem>>
    %dma_start3A_172 = tpu.memref_squeeze %dma_start3A_171 : memref<1x128x128xf32, #tpu.memory_space<vmem>> -> memref<128x128xf32, #tpu.memory_space<vmem>>
    %dma_start3A_173 = arith.constant 0 : i32
    %dma_start3A_174 = tpu.memref_slice %arg2[%arg0, %add3A_157, %dma_start3A_173] : memref<2x10240x128xf32, #tpu.memory_space<hbm>> -> memref<1x128x128xf32, #tpu.memory_space<hbm>>
    %dma_start3A_175 = tpu.memref_squeeze %dma_start3A_174 : memref<1x128x128xf32, #tpu.memory_space<hbm>> -> memref<128x128xf32, #tpu.memory_space<hbm>>
    tpu.enqueue_dma source(%dma_start3A_175 : memref<128x128xf32, #tpu.memory_space<hbm>>) target(%dma_start3A_172 : memref<128x128xf32, #tpu.memory_space<vmem>>) target_semaphore(%dma_start3A_168 : memref<!tpu.dma_semaphore, #tpu.memory_space<semaphore_mem>>)
    %add3A_176 = arith.constant 384 : i32
    %add3A_177 = arith.addi %mul3A_6, %add3A_176 : i32
    %dma_wait3A_178 = arith.constant 0 : i32
    %dma_wait3A_179 = arith.constant 1 : i32
    %dma_wait3A_180 = arith.constant 1 : i32
    %dma_wait3A_181 = arith.constant 0 : i32
    %dma_wait3A_182 = arith.constant 0 : i32
    %dma_wait3A_183 = tpu.memref_slice %arg7[%dma_wait3A_179, %dma_wait3A_181, %dma_wait3A_182] : memref<2x128x128xf32, #tpu.memory_space<vmem>> -> memref<1x128x128xf32, #tpu.memory_space<vmem>>
    %dma_wait3A_184 = tpu.memref_squeeze %dma_wait3A_183 : memref<1x128x128xf32, #tpu.memory_space<vmem>> -> memref<128x128xf32, #tpu.memory_space<vmem>>
    %dma_wait3A_185 = arith.constant 0 : i32
    %dma_wait3A_186 = arith.constant 0 : i32
    %dma_wait3A_187 = tpu.memref_slice %arg2[%dma_wait3A_178, %dma_wait3A_185, %dma_wait3A_186] : memref<2x10240x128xf32, #tpu.memory_space<hbm>> -> memref<1x128x128xf32, #tpu.memory_space<hbm>>
    %dma_wait3A_188 = tpu.memref_squeeze %dma_wait3A_187 : memref<1x128x128xf32, #tpu.memory_space<hbm>> -> memref<128x128xf32, #tpu.memory_space<hbm>>
    %dma_wait3A_189 = tpu.memref_slice %arg9[%dma_wait3A_180] : memref<2x!tpu.dma_semaphore, #tpu.memory_space<semaphore_mem>> -> memref<1x!tpu.dma_semaphore, #tpu.memory_space<semaphore_mem>>
    %dma_wait3A_190 = tpu.memref_squeeze %dma_wait3A_189 : memref<1x!tpu.dma_semaphore, #tpu.memory_space<semaphore_mem>> -> memref<!tpu.dma_semaphore, #tpu.memory_space<semaphore_mem>>
    %dma_wait3A_191 = arith.constant 0 : i32
    %dma_wait3A_192 = arith.constant 0 : i32
    %dma_wait3A_193 = tpu.memref_slice %arg7[%dma_wait3A_179, %dma_wait3A_191, %dma_wait3A_192] : memref<2x128x128xf32, #tpu.memory_space<vmem>> -> memref<1x128x128xf32, #tpu.memory_space<vmem>>
    %dma_wait3A_194 = tpu.memref_squeeze %dma_wait3A_193 : memref<1x128x128xf32, #tpu.memory_space<vmem>> -> memref<128x128xf32, #tpu.memory_space<vmem>>
    %dma_wait3A_195 = arith.constant 0 : i32
    %dma_wait3A_196 = arith.constant 0 : i32
    %dma_wait3A_197 = tpu.memref_slice %arg2[%dma_wait3A_178, %dma_wait3A_195, %dma_wait3A_196] : memref<2x10240x128xf32, #tpu.memory_space<hbm>> -> memref<1x128x128xf32, #tpu.memory_space<hbm>>
    %dma_wait3A_198 = tpu.memref_squeeze %dma_wait3A_197 : memref<1x128x128xf32, #tpu.memory_space<hbm>> -> memref<128x128xf32, #tpu.memory_space<hbm>>
    tpu.wait_dma2 semaphore(%dma_wait3A_190 : memref<!tpu.dma_semaphore, #tpu.memory_space<semaphore_mem>>) src(%dma_wait3A_198 : memref<128x128xf32, #tpu.memory_space<hbm>>) dst(%dma_wait3A_194 : memref<128x128xf32, #tpu.memory_space<vmem>>)
    %run_scoped3A_199 = arith.constant 1 : i32
    "tpu.region"() ({
      %run_scoped3A_440 = tpu.sem_alloc : memref<!tpu.dma_semaphore, #tpu.memory_space<semaphore_mem>>
      %dma_start3A_441 = arith.constant 0 : i32
      %dma_start3A_442 = arith.constant 0 : i32
      %dma_start3A_443 = tpu.memref_slice %arg7[%run_scoped3A_199, %dma_start3A_441, %dma_start3A_442] : memref<2x128x128xf32, #tpu.memory_space<vmem>> -> memref<1x128x128xf32, #tpu.memory_space<vmem>>
      %dma_start3A_444 = tpu.memref_squeeze %dma_start3A_443 : memref<1x128x128xf32, #tpu.memory_space<vmem>> -> memref<128x128xf32, #tpu.memory_space<vmem>>
      %dma_start3A_445 = arith.constant 0 : i32
      %dma_start3A_446 = tpu.memref_slice %arg8[%add3A_177, %dma_start3A_445] : memref<10240x128xf32, #tpu.memory_space<vmem_shared>> -> memref<128x128xf32, #tpu.memory_space<vmem_shared>>
      %dma_start3A_447 = arith.constant 0 : i32
      %dma_start3A_448 = tpu.memref_slice %arg8[%add3A_177, %dma_start3A_447] : memref<10240x128xf32, #tpu.memory_space<vmem_shared>> -> memref<128x128xf32, #tpu.memory_space<vmem_shared>>
      %dma_start3A_449 = arith.constant 0 : i32
      %dma_start3A_450 = arith.constant 0 : i32
      %dma_start3A_451 = tpu.memref_slice %arg7[%run_scoped3A_199, %dma_start3A_449, %dma_start3A_450] : memref<2x128x128xf32, #tpu.memory_space<vmem>> -> memref<1x128x128xf32, #tpu.memory_space<vmem>>
      %dma_start3A_452 = tpu.memref_squeeze %dma_start3A_451 : memref<1x128x128xf32, #tpu.memory_space<vmem>> -> memref<128x128xf32, #tpu.memory_space<vmem>>
      tpu.enqueue_dma source(%dma_start3A_452 : memref<128x128xf32, #tpu.memory_space<vmem>>) target(%dma_start3A_448 : memref<128x128xf32, #tpu.memory_space<vmem_shared>>) target_semaphore(%run_scoped3A_440 : memref<!tpu.dma_semaphore, #tpu.memory_space<semaphore_mem>>)
      %dma_wait3A_453 = arith.constant 0 : i32
      %dma_wait3A_454 = arith.constant 0 : i32
      %dma_wait3A_455 = tpu.memref_slice %arg7[%run_scoped3A_199, %dma_wait3A_453, %dma_wait3A_454] : memref<2x128x128xf32, #tpu.memory_space<vmem>> -> memref<1x128x128xf32, #tpu.memory_space<vmem>>
      %dma_wait3A_456 = tpu.memref_squeeze %dma_wait3A_455 : memref<1x128x128xf32, #tpu.memory_space<vmem>> -> memref<128x128xf32, #tpu.memory_space<vmem>>
      %dma_wait3A_457 = arith.constant 0 : i32
      %dma_wait3A_458 = tpu.memref_slice %arg8[%add3A_177, %dma_wait3A_457] : memref<10240x128xf32, #tpu.memory_space<vmem_shared>> -> memref<128x128xf32, #tpu.memory_space<vmem_shared>>
      %dma_wait3A_459 = arith.constant 0 : i32
      %dma_wait3A_460 = tpu.memref_slice %arg8[%add3A_177, %dma_wait3A_459] : memref<10240x128xf32, #tpu.memory_space<vmem_shared>> -> memref<128x128xf32, #tpu.memory_space<vmem_shared>>
      %dma_wait3A_461 = arith.constant 0 : i32
      %dma_wait3A_462 = arith.constant 0 : i32
      %dma_wait3A_463 = tpu.memref_slice %arg7[%run_scoped3A_199, %dma_wait3A_461, %dma_wait3A_462] : memref<2x128x128xf32, #tpu.memory_space<vmem>> -> memref<1x128x128xf32, #tpu.memory_space<vmem>>
      %dma_wait3A_464 = tpu.memref_squeeze %dma_wait3A_463 : memref<1x128x128xf32, #tpu.memory_space<vmem>> -> memref<128x128xf32, #tpu.memory_space<vmem>>
      tpu.wait_dma2 semaphore(%run_scoped3A_440 : memref<!tpu.dma_semaphore, #tpu.memory_space<semaphore_mem>>) src(%dma_wait3A_464 : memref<128x128xf32, #tpu.memory_space<vmem>>) dst(%dma_wait3A_460 : memref<128x128xf32, #tpu.memory_space<vmem_shared>>)
      tpu.yield
    }) : () -> ()
    %add3A_200 = arith.constant 512 : i32
    %add3A_201 = arith.addi %mul3A_6, %add3A_200 : i32
    %dma_wait3A_202 = arith.constant 0 : i32
    %dma_wait3A_203 = arith.constant 0 : i32
    %dma_wait3A_204 = arith.constant 0 : i32
    %dma_wait3A_205 = arith.constant 0 : i32
    %dma_wait3A_206 = arith.constant 0 : i32
    %dma_wait3A_207 = tpu.memref_slice %arg7[%dma_wait3A_203, %dma_wait3A_205, %dma_wait3A_206] : memref<2x128x128xf32, #tpu.memory_space<vmem>> -> memref<1x128x128xf32, #tpu.memory_space<vmem>>
    %dma_wait3A_208 = tpu.memref_squeeze %dma_wait3A_207 : memref<1x128x128xf32, #tpu.memory_space<vmem>> -> memref<128x128xf32, #tpu.memory_space<vmem>>
    %dma_wait3A_209 = arith.constant 0 : i32
    %dma_wait3A_210 = arith.constant 0 : i32
    %dma_wait3A_211 = tpu.memref_slice %arg2[%dma_wait3A_202, %dma_wait3A_209, %dma_wait3A_210] : memref<2x10240x128xf32, #tpu.memory_space<hbm>> -> memref<1x128x128xf32, #tpu.memory_space<hbm>>
    %dma_wait3A_212 = tpu.memref_squeeze %dma_wait3A_211 : memref<1x128x128xf32, #tpu.memory_space<hbm>> -> memref<128x128xf32, #tpu.memory_space<hbm>>
    %dma_wait3A_213 = tpu.memref_slice %arg9[%dma_wait3A_204] : memref<2x!tpu.dma_semaphore, #tpu.memory_space<semaphore_mem>> -> memref<1x!tpu.dma_semaphore, #tpu.memory_space<semaphore_mem>>
    %dma_wait3A_214 = tpu.memref_squeeze %dma_wait3A_213 : memref<1x!tpu.dma_semaphore, #tpu.memory_space<semaphore_mem>> -> memref<!tpu.dma_semaphore, #tpu.memory_space<semaphore_mem>>
    %dma_wait3A_215 = arith.constant 0 : i32
    %dma_wait3A_216 = arith.constant 0 : i32
    %dma_wait3A_217 = tpu.memref_slice %arg7[%dma_wait3A_203, %dma_wait3A_215, %dma_wait3A_216] : memref<2x128x128xf32, #tpu.memory_space<vmem>> -> memref<1x128x128xf32, #tpu.memory_space<vmem>>
    %dma_wait3A_218 = tpu.memref_squeeze %dma_wait3A_217 : memref<1x128x128xf32, #tpu.memory_space<vmem>> -> memref<128x128xf32, #tpu.memory_space<vmem>>
    %dma_wait3A_219 = arith.constant 0 : i32
    %dma_wait3A_220 = arith.constant 0 : i32
    %dma_wait3A_221 = tpu.memref_slice %arg2[%dma_wait3A_202, %dma_wait3A_219, %dma_wait3A_220] : memref<2x10240x128xf32, #tpu.memory_space<hbm>> -> memref<1x128x128xf32, #tpu.memory_space<hbm>>
    %dma_wait3A_222 = tpu.memref_squeeze %dma_wait3A_221 : memref<1x128x128xf32, #tpu.memory_space<hbm>> -> memref<128x128xf32, #tpu.memory_space<hbm>>
    tpu.wait_dma2 semaphore(%dma_wait3A_214 : memref<!tpu.dma_semaphore, #tpu.memory_space<semaphore_mem>>) src(%dma_wait3A_222 : memref<128x128xf32, #tpu.memory_space<hbm>>) dst(%dma_wait3A_218 : memref<128x128xf32, #tpu.memory_space<vmem>>)
    %run_scoped3A_223 = arith.constant 0 : i32
    "tpu.region"() ({
      %run_scoped3A_440 = tpu.sem_alloc : memref<!tpu.dma_semaphore, #tpu.memory_space<semaphore_mem>>
      %dma_start3A_441 = arith.constant 0 : i32
      %dma_start3A_442 = arith.constant 0 : i32
      %dma_start3A_443 = tpu.memref_slice %arg7[%run_scoped3A_223, %dma_start3A_441, %dma_start3A_442] : memref<2x128x128xf32, #tpu.memory_space<vmem>> -> memref<1x128x128xf32, #tpu.memory_space<vmem>>
      %dma_start3A_444 = tpu.memref_squeeze %dma_start3A_443 : memref<1x128x128xf32, #tpu.memory_space<vmem>> -> memref<128x128xf32, #tpu.memory_space<vmem>>
      %dma_start3A_445 = arith.constant 0 : i32
      %dma_start3A_446 = tpu.memref_slice %arg8[%add3A_201, %dma_start3A_445] : memref<10240x128xf32, #tpu.memory_space<vmem_shared>> -> memref<128x128xf32, #tpu.memory_space<vmem_shared>>
      %dma_start3A_447 = arith.constant 0 : i32
      %dma_start3A_448 = tpu.memref_slice %arg8[%add3A_201, %dma_start3A_447] : memref<10240x128xf32, #tpu.memory_space<vmem_shared>> -> memref<128x128xf32, #tpu.memory_space<vmem_shared>>
      %dma_start3A_449 = arith.constant 0 : i32
      %dma_start3A_450 = arith.constant 0 : i32
      %dma_start3A_451 = tpu.memref_slice %arg7[%run_scoped3A_223, %dma_start3A_449, %dma_start3A_450] : memref<2x128x128xf32, #tpu.memory_space<vmem>> -> memref<1x128x128xf32, #tpu.memory_space<vmem>>
      %dma_start3A_452 = tpu.memref_squeeze %dma_start3A_451 : memref<1x128x128xf32, #tpu.memory_space<vmem>> -> memref<128x128xf32, #tpu.memory_space<vmem>>
      tpu.enqueue_dma source(%dma_start3A_452 : memref<128x128xf32, #tpu.memory_space<vmem>>) target(%dma_start3A_448 : memref<128x128xf32, #tpu.memory_space<vmem_shared>>) target_semaphore(%run_scoped3A_440 : memref<!tpu.dma_semaphore, #tpu.memory_space<semaphore_mem>>)
      %dma_wait3A_453 = arith.constant 0 : i32
      %dma_wait3A_454 = arith.constant 0 : i32
      %dma_wait3A_455 = tpu.memref_slice %arg7[%run_scoped3A_223, %dma_wait3A_453, %dma_wait3A_454] : memref<2x128x128xf32, #tpu.memory_space<vmem>> -> memref<1x128x128xf32, #tpu.memory_space<vmem>>
      %dma_wait3A_456 = tpu.memref_squeeze %dma_wait3A_455 : memref<1x128x128xf32, #tpu.memory_space<vmem>> -> memref<128x128xf32, #tpu.memory_space<vmem>>
      %dma_wait3A_457 = arith.constant 0 : i32
      %dma_wait3A_458 = tpu.memref_slice %arg8[%add3A_201, %dma_wait3A_457] : memref<10240x128xf32, #tpu.memory_space<vmem_shared>> -> memref<128x128xf32, #tpu.memory_space<vmem_shared>>
      %dma_wait3A_459 = arith.constant 0 : i32
      %dma_wait3A_460 = tpu.memref_slice %arg8[%add3A_201, %dma_wait3A_459] : memref<10240x128xf32, #tpu.memory_space<vmem_shared>> -> memref<128x128xf32, #tpu.memory_space<vmem_shared>>
      %dma_wait3A_461 = arith.constant 0 : i32
      %dma_wait3A_462 = arith.constant 0 : i32
      %dma_wait3A_463 = tpu.memref_slice %arg7[%run_scoped3A_223, %dma_wait3A_461, %dma_wait3A_462] : memref<2x128x128xf32, #tpu.memory_space<vmem>> -> memref<1x128x128xf32, #tpu.memory_space<vmem>>
      %dma_wait3A_464 = tpu.memref_squeeze %dma_wait3A_463 : memref<1x128x128xf32, #tpu.memory_space<vmem>> -> memref<128x128xf32, #tpu.memory_space<vmem>>
      tpu.wait_dma2 semaphore(%run_scoped3A_440 : memref<!tpu.dma_semaphore, #tpu.memory_space<semaphore_mem>>) src(%dma_wait3A_464 : memref<128x128xf32, #tpu.memory_space<vmem>>) dst(%dma_wait3A_460 : memref<128x128xf32, #tpu.memory_space<vmem_shared>>)
      tpu.yield
    }) : () -> ()
    %barrier3A = arith.constant 0 : index
    tpu.barrier barrier_id(%barrier3A)
    %scan3A = arith.constant 0 : i32
    %scan3A_224 = arith.constant 0 : i32
    %scan3A_225 = arith.constant 22 : i32
    %scan3A_226 = arith.addi %scan3A_224, %scan3A_225 : i32
    %scan3A_227 = arith.constant 1 : i32
    scf.for %scan3A_440 = %scan3A_224 to %scan3A_226 step %scan3A_227  : i32 {
      %mul3A_441 = arith.constant 2 : i32
      %mul3A_442 = arith.muli %scan3A_440, %mul3A_441 : i32
      %add3A_443 = arith.constant 0 : i32
      %add3A_444 = arith.addi %mul3A_442, %add3A_443 : i32
      %lt3A = arith.cmpi slt, %add3A_444, %min3A_4 : i32
      %convert_element_type3A = arith.extui %lt3A : i1 to i32
      %cond3A = arith.constant 0 : i32
      %cond3A_445 = arith.cmpi ne, %convert_element_type3A, %cond3A : i32
      scf.if %cond3A_445 {
        %add3A_470 = arith.addi %mul3A_2, %add3A_444 : i32
        %mul3A_471 = arith.constant 128 : i32
        %mul3A_472 = arith.muli %add3A_470, %mul3A_471 : i32
        %dma_start3A_473 = arith.constant 0 : i32
        %dma_start3A_474 = arith.constant 0 : i32
        %dma_start3A_475 = arith.constant 0 : i32
        %dma_start3A_476 = arith.constant 0 : i32
        %dma_start3A_477 = tpu.memref_slice %arg7[%dma_start3A_473, %dma_start3A_475, %dma_start3A_476] : memref<2x128x128xf32, #tpu.memory_space<vmem>> -> memref<1x128x128xf32, #tpu.memory_space<vmem>>
        %dma_start3A_478 = tpu.memref_squeeze %dma_start3A_477 : memref<1x128x128xf32, #tpu.memory_space<vmem>> -> memref<128x128xf32, #tpu.memory_space<vmem>>
        %dma_start3A_479 = arith.constant 0 : i32
        %dma_start3A_480 = tpu.memref_slice %arg3[%mul3A_472, %dma_start3A_479] : memref<160000x128xf32, #tpu.memory_space<hbm>> -> memref<128x128xf32, #tpu.memory_space<hbm>>
        %dma_start3A_481 = tpu.memref_slice %arg9[%dma_start3A_474] : memref<2x!tpu.dma_semaphore, #tpu.memory_space<semaphore_mem>> -> memref<1x!tpu.dma_semaphore, #tpu.memory_space<semaphore_mem>>
        %dma_start3A_482 = tpu.memref_squeeze %dma_start3A_481 : memref<1x!tpu.dma_semaphore, #tpu.memory_space<semaphore_mem>> -> memref<!tpu.dma_semaphore, #tpu.memory_space<semaphore_mem>>
        %dma_start3A_483 = arith.constant 0 : i32
        %dma_start3A_484 = arith.constant 0 : i32
        %dma_start3A_485 = tpu.memref_slice %arg7[%dma_start3A_473, %dma_start3A_483, %dma_start3A_484] : memref<2x128x128xf32, #tpu.memory_space<vmem>> -> memref<1x128x128xf32, #tpu.memory_space<vmem>>
        %dma_start3A_486 = tpu.memref_squeeze %dma_start3A_485 : memref<1x128x128xf32, #tpu.memory_space<vmem>> -> memref<128x128xf32, #tpu.memory_space<vmem>>
        %dma_start3A_487 = arith.constant 0 : i32
        %dma_start3A_488 = tpu.memref_slice %arg3[%mul3A_472, %dma_start3A_487] : memref<160000x128xf32, #tpu.memory_space<hbm>> -> memref<128x128xf32, #tpu.memory_space<hbm>>
        tpu.enqueue_dma source(%dma_start3A_488 : memref<128x128xf32, #tpu.memory_space<hbm>>) target(%dma_start3A_486 : memref<128x128xf32, #tpu.memory_space<vmem>>) target_semaphore(%dma_start3A_482 : memref<!tpu.dma_semaphore, #tpu.memory_space<semaphore_mem>>)
        %dma_start3A_489 = arith.constant 0 : i32
        %dma_start3A_490 = arith.constant 0 : i32
        %dma_start3A_491 = arith.constant 0 : i32
        %dma_start3A_492 = tpu.memref_slice %arg6[%dma_start3A_489, %dma_start3A_491] : memref<2x128xi32, #tpu.memory_space<vmem>> -> memref<1x128xi32, #tpu.memory_space<vmem>>
        %dma_start3A_493 = tpu.memref_squeeze %dma_start3A_492 : memref<1x128xi32, #tpu.memory_space<vmem>> -> memref<128xi32, #tpu.memory_space<vmem>>
        %dma_start3A_494 = tpu.memref_slice %arg4[%mul3A_472] : memref<163840xi32, #tpu.memory_space<hbm>> -> memref<128xi32, #tpu.memory_space<hbm>>
        %dma_start3A_495 = tpu.memref_slice %arg9[%dma_start3A_490] : memref<2x!tpu.dma_semaphore, #tpu.memory_space<semaphore_mem>> -> memref<1x!tpu.dma_semaphore, #tpu.memory_space<semaphore_mem>>
        %dma_start3A_496 = tpu.memref_squeeze %dma_start3A_495 : memref<1x!tpu.dma_semaphore, #tpu.memory_space<semaphore_mem>> -> memref<!tpu.dma_semaphore, #tpu.memory_space<semaphore_mem>>
        %dma_start3A_497 = arith.constant 0 : i32
        %dma_start3A_498 = tpu.memref_slice %arg6[%dma_start3A_489, %dma_start3A_497] : memref<2x128xi32, #tpu.memory_space<vmem>> -> memref<1x128xi32, #tpu.memory_space<vmem>>
        %dma_start3A_499 = tpu.memref_squeeze %dma_start3A_498 : memref<1x128xi32, #tpu.memory_space<vmem>> -> memref<128xi32, #tpu.memory_space<vmem>>
        %dma_start3A_500 = tpu.memref_slice %arg4[%mul3A_472] : memref<163840xi32, #tpu.memory_space<hbm>> -> memref<128xi32, #tpu.memory_space<hbm>>
        tpu.enqueue_dma source(%dma_start3A_500 : memref<128xi32, #tpu.memory_space<hbm>>) target(%dma_start3A_499 : memref<128xi32, #tpu.memory_space<vmem>>) target_semaphore(%dma_start3A_496 : memref<!tpu.dma_semaphore, #tpu.memory_space<semaphore_mem>>)
      } else {
      }
      %ge3A = arith.constant 1 : i32
      %ge3A_446 = arith.cmpi sge, %add3A_444, %ge3A : i32
      %sub3A_447 = arith.constant 1 : i32
      %sub3A_448 = arith.subi %add3A_444, %sub3A_447 : i32
      %lt3A_449 = arith.cmpi slt, %sub3A_448, %min3A_4 : i32
      %and3A = arith.andi %ge3A_446, %lt3A_449 : i1
      %convert_element_type3A_450 = arith.extui %and3A : i1 to i32
      %cond3A_451 = arith.constant 0 : i32
      %cond3A_452 = arith.cmpi ne, %convert_element_type3A_450, %cond3A_451 : i32
      scf.if %cond3A_452 {
        %dma_wait3A_470 = arith.constant 1 : i32
        %dma_wait3A_471 = arith.constant 1 : i32
        %dma_wait3A_472 = arith.constant 0 : i32
        %dma_wait3A_473 = arith.constant 0 : i32
        %dma_wait3A_474 = tpu.memref_slice %arg7[%dma_wait3A_470, %dma_wait3A_472, %dma_wait3A_473] : memref<2x128x128xf32, #tpu.memory_space<vmem>> -> memref<1x128x128xf32, #tpu.memory_space<vmem>>
        %dma_wait3A_475 = tpu.memref_squeeze %dma_wait3A_474 : memref<1x128x128xf32, #tpu.memory_space<vmem>> -> memref<128x128xf32, #tpu.memory_space<vmem>>
        %dma_wait3A_476 = arith.constant 0 : i32
        %dma_wait3A_477 = arith.constant 0 : i32
        %dma_wait3A_478 = tpu.memref_slice %arg3[%dma_wait3A_476, %dma_wait3A_477] : memref<160000x128xf32, #tpu.memory_space<hbm>> -> memref<128x128xf32, #tpu.memory_space<hbm>>
        %dma_wait3A_479 = tpu.memref_slice %arg9[%dma_wait3A_471] : memref<2x!tpu.dma_semaphore, #tpu.memory_space<semaphore_mem>> -> memref<1x!tpu.dma_semaphore, #tpu.memory_space<semaphore_mem>>
        %dma_wait3A_480 = tpu.memref_squeeze %dma_wait3A_479 : memref<1x!tpu.dma_semaphore, #tpu.memory_space<semaphore_mem>> -> memref<!tpu.dma_semaphore, #tpu.memory_space<semaphore_mem>>
        %dma_wait3A_481 = arith.constant 0 : i32
        %dma_wait3A_482 = arith.constant 0 : i32
        %dma_wait3A_483 = tpu.memref_slice %arg7[%dma_wait3A_470, %dma_wait3A_481, %dma_wait3A_482] : memref<2x128x128xf32, #tpu.memory_space<vmem>> -> memref<1x128x128xf32, #tpu.memory_space<vmem>>
        %dma_wait3A_484 = tpu.memref_squeeze %dma_wait3A_483 : memref<1x128x128xf32, #tpu.memory_space<vmem>> -> memref<128x128xf32, #tpu.memory_space<vmem>>
        %dma_wait3A_485 = arith.constant 0 : i32
        %dma_wait3A_486 = arith.constant 0 : i32
        %dma_wait3A_487 = tpu.memref_slice %arg3[%dma_wait3A_485, %dma_wait3A_486] : memref<160000x128xf32, #tpu.memory_space<hbm>> -> memref<128x128xf32, #tpu.memory_space<hbm>>
        tpu.wait_dma2 semaphore(%dma_wait3A_480 : memref<!tpu.dma_semaphore, #tpu.memory_space<semaphore_mem>>) src(%dma_wait3A_487 : memref<128x128xf32, #tpu.memory_space<hbm>>) dst(%dma_wait3A_484 : memref<128x128xf32, #tpu.memory_space<vmem>>)
        %dma_wait3A_488 = arith.constant 1 : i32
        %dma_wait3A_489 = arith.constant 1 : i32
        %dma_wait3A_490 = arith.constant 0 : i32
        %dma_wait3A_491 = tpu.memref_slice %arg6[%dma_wait3A_488, %dma_wait3A_490] : memref<2x128xi32, #tpu.memory_space<vmem>> -> memref<1x128xi32, #tpu.memory_space<vmem>>
        %dma_wait3A_492 = tpu.memref_squeeze %dma_wait3A_491 : memref<1x128xi32, #tpu.memory_space<vmem>> -> memref<128xi32, #tpu.memory_space<vmem>>
        %dma_wait3A_493 = arith.constant 0 : i32
        %dma_wait3A_494 = tpu.memref_slice %arg4[%dma_wait3A_493] : memref<163840xi32, #tpu.memory_space<hbm>> -> memref<128xi32, #tpu.memory_space<hbm>>
        %dma_wait3A_495 = tpu.memref_slice %arg9[%dma_wait3A_489] : memref<2x!tpu.dma_semaphore, #tpu.memory_space<semaphore_mem>> -> memref<1x!tpu.dma_semaphore, #tpu.memory_space<semaphore_mem>>
        %dma_wait3A_496 = tpu.memref_squeeze %dma_wait3A_495 : memref<1x!tpu.dma_semaphore, #tpu.memory_space<semaphore_mem>> -> memref<!tpu.dma_semaphore, #tpu.memory_space<semaphore_mem>>
        %dma_wait3A_497 = arith.constant 0 : i32
        %dma_wait3A_498 = tpu.memref_slice %arg6[%dma_wait3A_488, %dma_wait3A_497] : memref<2x128xi32, #tpu.memory_space<vmem>> -> memref<1x128xi32, #tpu.memory_space<vmem>>
        %dma_wait3A_499 = tpu.memref_squeeze %dma_wait3A_498 : memref<1x128xi32, #tpu.memory_space<vmem>> -> memref<128xi32, #tpu.memory_space<vmem>>
        %dma_wait3A_500 = arith.constant 0 : i32
        %dma_wait3A_501 = tpu.memref_slice %arg4[%dma_wait3A_500] : memref<163840xi32, #tpu.memory_space<hbm>> -> memref<128xi32, #tpu.memory_space<hbm>>
        tpu.wait_dma2 semaphore(%dma_wait3A_496 : memref<!tpu.dma_semaphore, #tpu.memory_space<semaphore_mem>>) src(%dma_wait3A_501 : memref<128xi32, #tpu.memory_space<hbm>>) dst(%dma_wait3A_499 : memref<128xi32, #tpu.memory_space<vmem>>)
        %run_scoped3A_502 = arith.constant 1 : i32
        %run_scoped3A_503 = arith.constant 1 : i32
        "tpu.region"() ({
          %run_scoped3A_504 = tpu.sem_alloc : memref<!tpu.dma_semaphore, #tpu.memory_space<semaphore_mem>>
          %dma_start3A_505 = arith.constant 0 : i32
          %dma_start3A_506 = arith.constant 0 : i32
          %dma_start3A_507 = tpu.memref_slice %arg7[%run_scoped3A_502, %dma_start3A_505, %dma_start3A_506] : memref<2x128x128xf32, #tpu.memory_space<vmem>> -> memref<1x128x128xf32, #tpu.memory_space<vmem>>
          %dma_start3A_508 = tpu.memref_squeeze %dma_start3A_507 : memref<1x128x128xf32, #tpu.memory_space<vmem>> -> memref<128x128xf32, #tpu.memory_space<vmem>>
          %dma_start3A_509 = arith.constant 0 : i32
          %dma_start3A_510 = tpu.memref_slice %arg6[%run_scoped3A_503, %dma_start3A_509] : memref<2x128xi32, #tpu.memory_space<vmem>> -> memref<1x128xi32, #tpu.memory_space<vmem>>
          %dma_start3A_511 = tpu.memref_squeeze %dma_start3A_510 : memref<1x128xi32, #tpu.memory_space<vmem>> -> memref<128xi32, #tpu.memory_space<vmem>>
          %dma_start3A_512 = arith.constant 0 : i32
          %dma_start3A_513 = arith.constant 0 : i32
          %dma_start3A_514 = tpu.memref_slice %arg8[%dma_start3A_512, %dma_start3A_513] : memref<10240x128xf32, #tpu.memory_space<vmem_shared>> -> memref<10240x128xf32, #tpu.memory_space<vmem_shared>>
          tpu.enqueue_indirect_dma source(%dma_start3A_508 : memref<128x128xf32, #tpu.memory_space<vmem>>) target(%dma_start3A_514 : memref<10240x128xf32, #tpu.memory_space<vmem_shared>>) offsets(%dma_start3A_511 : memref<128xi32, #tpu.memory_space<vmem>>) semaphore(%run_scoped3A_504 : memref<!tpu.dma_semaphore, #tpu.memory_space<semaphore_mem>>) {add = true}
          %dma_wait3A_515 = arith.constant 0 : i32
          %dma_wait3A_516 = arith.constant 0 : i32
          %dma_wait3A_517 = tpu.memref_slice %arg7[%run_scoped3A_502, %dma_wait3A_515, %dma_wait3A_516] : memref<2x128x128xf32, #tpu.memory_space<vmem>> -> memref<1x128x128xf32, #tpu.memory_space<vmem>>
          %dma_wait3A_518 = tpu.memref_squeeze %dma_wait3A_517 : memref<1x128x128xf32, #tpu.memory_space<vmem>> -> memref<128x128xf32, #tpu.memory_space<vmem>>
          %dma_wait3A_519 = arith.constant 0 : i32
          %dma_wait3A_520 = tpu.memref_slice %arg6[%run_scoped3A_503, %dma_wait3A_519] : memref<2x128xi32, #tpu.memory_space<vmem>> -> memref<1x128xi32, #tpu.memory_space<vmem>>
          %dma_wait3A_521 = tpu.memref_squeeze %dma_wait3A_520 : memref<1x128xi32, #tpu.memory_space<vmem>> -> memref<128xi32, #tpu.memory_space<vmem>>
          %dma_wait3A_522 = arith.constant 0 : i32
          %dma_wait3A_523 = arith.constant 0 : i32
          %dma_wait3A_524 = tpu.memref_slice %arg8[%dma_wait3A_522, %dma_wait3A_523] : memref<10240x128xf32, #tpu.memory_space<vmem_shared>> -> memref<10240x128xf32, #tpu.memory_space<vmem_shared>>
          tpu.wait_indirect_dma semaphore(%run_scoped3A_504 : memref<!tpu.dma_semaphore, #tpu.memory_space<semaphore_mem>>) src(%dma_wait3A_518 : memref<128x128xf32, #tpu.memory_space<vmem>>) dst(%dma_wait3A_524 : memref<10240x128xf32, #tpu.memory_space<vmem_shared>>)
          tpu.yield
        }) : () -> ()
      } else {
      }
      %mul3A_453 = arith.constant 2 : i32
      %mul3A_454 = arith.muli %scan3A_440, %mul3A_453 : i32
      %add3A_455 = arith.constant 1 : i32
      %add3A_456 = arith.addi %mul3A_454, %add3A_455 : i32
      %lt3A_457 = arith.cmpi slt, %add3A_456, %min3A_4 : i32
      %convert_element_type3A_458 = arith.extui %lt3A_457 : i1 to i32
      %cond3A_459 = arith.constant 0 : i32
      %cond3A_460 = arith.cmpi ne, %convert_element_type3A_458, %cond3A_459 : i32
      scf.if %cond3A_460 {
        %add3A_470 = arith.addi %mul3A_2, %add3A_456 : i32
        %mul3A_471 = arith.constant 128 : i32
        %mul3A_472 = arith.muli %add3A_470, %mul3A_471 : i32
        %dma_start3A_473 = arith.constant 1 : i32
        %dma_start3A_474 = arith.constant 1 : i32
        %dma_start3A_475 = arith.constant 0 : i32
        %dma_start3A_476 = arith.constant 0 : i32
        %dma_start3A_477 = tpu.memref_slice %arg7[%dma_start3A_473, %dma_start3A_475, %dma_start3A_476] : memref<2x128x128xf32, #tpu.memory_space<vmem>> -> memref<1x128x128xf32, #tpu.memory_space<vmem>>
        %dma_start3A_478 = tpu.memref_squeeze %dma_start3A_477 : memref<1x128x128xf32, #tpu.memory_space<vmem>> -> memref<128x128xf32, #tpu.memory_space<vmem>>
        %dma_start3A_479 = arith.constant 0 : i32
        %dma_start3A_480 = tpu.memref_slice %arg3[%mul3A_472, %dma_start3A_479] : memref<160000x128xf32, #tpu.memory_space<hbm>> -> memref<128x128xf32, #tpu.memory_space<hbm>>
        %dma_start3A_481 = tpu.memref_slice %arg9[%dma_start3A_474] : memref<2x!tpu.dma_semaphore, #tpu.memory_space<semaphore_mem>> -> memref<1x!tpu.dma_semaphore, #tpu.memory_space<semaphore_mem>>
        %dma_start3A_482 = tpu.memref_squeeze %dma_start3A_481 : memref<1x!tpu.dma_semaphore, #tpu.memory_space<semaphore_mem>> -> memref<!tpu.dma_semaphore, #tpu.memory_space<semaphore_mem>>
        %dma_start3A_483 = arith.constant 0 : i32
        %dma_start3A_484 = arith.constant 0 : i32
        %dma_start3A_485 = tpu.memref_slice %arg7[%dma_start3A_473, %dma_start3A_483, %dma_start3A_484] : memref<2x128x128xf32, #tpu.memory_space<vmem>> -> memref<1x128x128xf32, #tpu.memory_space<vmem>>
        %dma_start3A_486 = tpu.memref_squeeze %dma_start3A_485 : memref<1x128x128xf32, #tpu.memory_space<vmem>> -> memref<128x128xf32, #tpu.memory_space<vmem>>
        %dma_start3A_487 = arith.constant 0 : i32
        %dma_start3A_488 = tpu.memref_slice %arg3[%mul3A_472, %dma_start3A_487] : memref<160000x128xf32, #tpu.memory_space<hbm>> -> memref<128x128xf32, #tpu.memory_space<hbm>>
        tpu.enqueue_dma source(%dma_start3A_488 : memref<128x128xf32, #tpu.memory_space<hbm>>) target(%dma_start3A_486 : memref<128x128xf32, #tpu.memory_space<vmem>>) target_semaphore(%dma_start3A_482 : memref<!tpu.dma_semaphore, #tpu.memory_space<semaphore_mem>>)
        %dma_start3A_489 = arith.constant 1 : i32
        %dma_start3A_490 = arith.constant 1 : i32
        %dma_start3A_491 = arith.constant 0 : i32
        %dma_start3A_492 = tpu.memref_slice %arg6[%dma_start3A_489, %dma_start3A_491] : memref<2x128xi32, #tpu.memory_space<vmem>> -> memref<1x128xi32, #tpu.memory_space<vmem>>
        %dma_start3A_493 = tpu.memref_squeeze %dma_start3A_492 : memref<1x128xi32, #tpu.memory_space<vmem>> -> memref<128xi32, #tpu.memory_space<vmem>>
        %dma_start3A_494 = tpu.memref_slice %arg4[%mul3A_472] : memref<163840xi32, #tpu.memory_space<hbm>> -> memref<128xi32, #tpu.memory_space<hbm>>
        %dma_start3A_495 = tpu.memref_slice %arg9[%dma_start3A_490] : memref<2x!tpu.dma_semaphore, #tpu.memory_space<semaphore_mem>> -> memref<1x!tpu.dma_semaphore, #tpu.memory_space<semaphore_mem>>
        %dma_start3A_496 = tpu.memref_squeeze %dma_start3A_495 : memref<1x!tpu.dma_semaphore, #tpu.memory_space<semaphore_mem>> -> memref<!tpu.dma_semaphore, #tpu.memory_space<semaphore_mem>>
        %dma_start3A_497 = arith.constant 0 : i32
        %dma_start3A_498 = tpu.memref_slice %arg6[%dma_start3A_489, %dma_start3A_497] : memref<2x128xi32, #tpu.memory_space<vmem>> -> memref<1x128xi32, #tpu.memory_space<vmem>>
        %dma_start3A_499 = tpu.memref_squeeze %dma_start3A_498 : memref<1x128xi32, #tpu.memory_space<vmem>> -> memref<128xi32, #tpu.memory_space<vmem>>
        %dma_start3A_500 = tpu.memref_slice %arg4[%mul3A_472] : memref<163840xi32, #tpu.memory_space<hbm>> -> memref<128xi32, #tpu.memory_space<hbm>>
        tpu.enqueue_dma source(%dma_start3A_500 : memref<128xi32, #tpu.memory_space<hbm>>) target(%dma_start3A_499 : memref<128xi32, #tpu.memory_space<vmem>>) target_semaphore(%dma_start3A_496 : memref<!tpu.dma_semaphore, #tpu.memory_space<semaphore_mem>>)
      } else {
      }
      %ge3A_461 = arith.constant 1 : i32
      %ge3A_462 = arith.cmpi sge, %add3A_456, %ge3A_461 : i32
      %sub3A_463 = arith.constant 1 : i32
      %sub3A_464 = arith.subi %add3A_456, %sub3A_463 : i32
      %lt3A_465 = arith.cmpi slt, %sub3A_464, %min3A_4 : i32
      %and3A_466 = arith.andi %ge3A_462, %lt3A_465 : i1
      %convert_element_type3A_467 = arith.extui %and3A_466 : i1 to i32
      %cond3A_468 = arith.constant 0 : i32
      %cond3A_469 = arith.cmpi ne, %convert_element_type3A_467, %cond3A_468 : i32
      scf.if %cond3A_469 {
        %dma_wait3A_470 = arith.constant 0 : i32
        %dma_wait3A_471 = arith.constant 0 : i32
        %dma_wait3A_472 = arith.constant 0 : i32
        %dma_wait3A_473 = arith.constant 0 : i32
        %dma_wait3A_474 = tpu.memref_slice %arg7[%dma_wait3A_470, %dma_wait3A_472, %dma_wait3A_473] : memref<2x128x128xf32, #tpu.memory_space<vmem>> -> memref<1x128x128xf32, #tpu.memory_space<vmem>>
        %dma_wait3A_475 = tpu.memref_squeeze %dma_wait3A_474 : memref<1x128x128xf32, #tpu.memory_space<vmem>> -> memref<128x128xf32, #tpu.memory_space<vmem>>
        %dma_wait3A_476 = arith.constant 0 : i32
        %dma_wait3A_477 = arith.constant 0 : i32
        %dma_wait3A_478 = tpu.memref_slice %arg3[%dma_wait3A_476, %dma_wait3A_477] : memref<160000x128xf32, #tpu.memory_space<hbm>> -> memref<128x128xf32, #tpu.memory_space<hbm>>
        %dma_wait3A_479 = tpu.memref_slice %arg9[%dma_wait3A_471] : memref<2x!tpu.dma_semaphore, #tpu.memory_space<semaphore_mem>> -> memref<1x!tpu.dma_semaphore, #tpu.memory_space<semaphore_mem>>
        %dma_wait3A_480 = tpu.memref_squeeze %dma_wait3A_479 : memref<1x!tpu.dma_semaphore, #tpu.memory_space<semaphore_mem>> -> memref<!tpu.dma_semaphore, #tpu.memory_space<semaphore_mem>>
        %dma_wait3A_481 = arith.constant 0 : i32
        %dma_wait3A_482 = arith.constant 0 : i32
        %dma_wait3A_483 = tpu.memref_slice %arg7[%dma_wait3A_470, %dma_wait3A_481, %dma_wait3A_482] : memref<2x128x128xf32, #tpu.memory_space<vmem>> -> memref<1x128x128xf32, #tpu.memory_space<vmem>>
        %dma_wait3A_484 = tpu.memref_squeeze %dma_wait3A_483 : memref<1x128x128xf32, #tpu.memory_space<vmem>> -> memref<128x128xf32, #tpu.memory_space<vmem>>
        %dma_wait3A_485 = arith.constant 0 : i32
        %dma_wait3A_486 = arith.constant 0 : i32
        %dma_wait3A_487 = tpu.memref_slice %arg3[%dma_wait3A_485, %dma_wait3A_486] : memref<160000x128xf32, #tpu.memory_space<hbm>> -> memref<128x128xf32, #tpu.memory_space<hbm>>
        tpu.wait_dma2 semaphore(%dma_wait3A_480 : memref<!tpu.dma_semaphore, #tpu.memory_space<semaphore_mem>>) src(%dma_wait3A_487 : memref<128x128xf32, #tpu.memory_space<hbm>>) dst(%dma_wait3A_484 : memref<128x128xf32, #tpu.memory_space<vmem>>)
        %dma_wait3A_488 = arith.constant 0 : i32
        %dma_wait3A_489 = arith.constant 0 : i32
        %dma_wait3A_490 = arith.constant 0 : i32
        %dma_wait3A_491 = tpu.memref_slice %arg6[%dma_wait3A_488, %dma_wait3A_490] : memref<2x128xi32, #tpu.memory_space<vmem>> -> memref<1x128xi32, #tpu.memory_space<vmem>>
        %dma_wait3A_492 = tpu.memref_squeeze %dma_wait3A_491 : memref<1x128xi32, #tpu.memory_space<vmem>> -> memref<128xi32, #tpu.memory_space<vmem>>
        %dma_wait3A_493 = arith.constant 0 : i32
        %dma_wait3A_494 = tpu.memref_slice %arg4[%dma_wait3A_493] : memref<163840xi32, #tpu.memory_space<hbm>> -> memref<128xi32, #tpu.memory_space<hbm>>
        %dma_wait3A_495 = tpu.memref_slice %arg9[%dma_wait3A_489] : memref<2x!tpu.dma_semaphore, #tpu.memory_space<semaphore_mem>> -> memref<1x!tpu.dma_semaphore, #tpu.memory_space<semaphore_mem>>
        %dma_wait3A_496 = tpu.memref_squeeze %dma_wait3A_495 : memref<1x!tpu.dma_semaphore, #tpu.memory_space<semaphore_mem>> -> memref<!tpu.dma_semaphore, #tpu.memory_space<semaphore_mem>>
        %dma_wait3A_497 = arith.constant 0 : i32
        %dma_wait3A_498 = tpu.memref_slice %arg6[%dma_wait3A_488, %dma_wait3A_497] : memref<2x128xi32, #tpu.memory_space<vmem>> -> memref<1x128xi32, #tpu.memory_space<vmem>>
        %dma_wait3A_499 = tpu.memref_squeeze %dma_wait3A_498 : memref<1x128xi32, #tpu.memory_space<vmem>> -> memref<128xi32, #tpu.memory_space<vmem>>
        %dma_wait3A_500 = arith.constant 0 : i32
        %dma_wait3A_501 = tpu.memref_slice %arg4[%dma_wait3A_500] : memref<163840xi32, #tpu.memory_space<hbm>> -> memref<128xi32, #tpu.memory_space<hbm>>
        tpu.wait_dma2 semaphore(%dma_wait3A_496 : memref<!tpu.dma_semaphore, #tpu.memory_space<semaphore_mem>>) src(%dma_wait3A_501 : memref<128xi32, #tpu.memory_space<hbm>>) dst(%dma_wait3A_499 : memref<128xi32, #tpu.memory_space<vmem>>)
        %run_scoped3A_502 = arith.constant 0 : i32
        %run_scoped3A_503 = arith.constant 0 : i32
        "tpu.region"() ({
          %run_scoped3A_504 = tpu.sem_alloc : memref<!tpu.dma_semaphore, #tpu.memory_space<semaphore_mem>>
          %dma_start3A_505 = arith.constant 0 : i32
          %dma_start3A_506 = arith.constant 0 : i32
          %dma_start3A_507 = tpu.memref_slice %arg7[%run_scoped3A_502, %dma_start3A_505, %dma_start3A_506] : memref<2x128x128xf32, #tpu.memory_space<vmem>> -> memref<1x128x128xf32, #tpu.memory_space<vmem>>
          %dma_start3A_508 = tpu.memref_squeeze %dma_start3A_507 : memref<1x128x128xf32, #tpu.memory_space<vmem>> -> memref<128x128xf32, #tpu.memory_space<vmem>>
          %dma_start3A_509 = arith.constant 0 : i32
          %dma_start3A_510 = tpu.memref_slice %arg6[%run_scoped3A_503, %dma_start3A_509] : memref<2x128xi32, #tpu.memory_space<vmem>> -> memref<1x128xi32, #tpu.memory_space<vmem>>
          %dma_start3A_511 = tpu.memref_squeeze %dma_start3A_510 : memref<1x128xi32, #tpu.memory_space<vmem>> -> memref<128xi32, #tpu.memory_space<vmem>>
          %dma_start3A_512 = arith.constant 0 : i32
          %dma_start3A_513 = arith.constant 0 : i32
          %dma_start3A_514 = tpu.memref_slice %arg8[%dma_start3A_512, %dma_start3A_513] : memref<10240x128xf32, #tpu.memory_space<vmem_shared>> -> memref<10240x128xf32, #tpu.memory_space<vmem_shared>>
          tpu.enqueue_indirect_dma source(%dma_start3A_508 : memref<128x128xf32, #tpu.memory_space<vmem>>) target(%dma_start3A_514 : memref<10240x128xf32, #tpu.memory_space<vmem_shared>>) offsets(%dma_start3A_511 : memref<128xi32, #tpu.memory_space<vmem>>) semaphore(%run_scoped3A_504 : memref<!tpu.dma_semaphore, #tpu.memory_space<semaphore_mem>>) {add = true}
          %dma_wait3A_515 = arith.constant 0 : i32
          %dma_wait3A_516 = arith.constant 0 : i32
          %dma_wait3A_517 = tpu.memref_slice %arg7[%run_scoped3A_502, %dma_wait3A_515, %dma_wait3A_516] : memref<2x128x128xf32, #tpu.memory_space<vmem>> -> memref<1x128x128xf32, #tpu.memory_space<vmem>>
          %dma_wait3A_518 = tpu.memref_squeeze %dma_wait3A_517 : memref<1x128x128xf32, #tpu.memory_space<vmem>> -> memref<128x128xf32, #tpu.memory_space<vmem>>
          %dma_wait3A_519 = arith.constant 0 : i32
          %dma_wait3A_520 = tpu.memref_slice %arg6[%run_scoped3A_503, %dma_wait3A_519] : memref<2x128xi32, #tpu.memory_space<vmem>> -> memref<1x128xi32, #tpu.memory_space<vmem>>
          %dma_wait3A_521 = tpu.memref_squeeze %dma_wait3A_520 : memref<1x128xi32, #tpu.memory_space<vmem>> -> memref<128xi32, #tpu.memory_space<vmem>>
          %dma_wait3A_522 = arith.constant 0 : i32
          %dma_wait3A_523 = arith.constant 0 : i32
          %dma_wait3A_524 = tpu.memref_slice %arg8[%dma_wait3A_522, %dma_wait3A_523] : memref<10240x128xf32, #tpu.memory_space<vmem_shared>> -> memref<10240x128xf32, #tpu.memory_space<vmem_shared>>
          tpu.wait_indirect_dma semaphore(%run_scoped3A_504 : memref<!tpu.dma_semaphore, #tpu.memory_space<semaphore_mem>>) src(%dma_wait3A_518 : memref<128x128xf32, #tpu.memory_space<vmem>>) dst(%dma_wait3A_524 : memref<10240x128xf32, #tpu.memory_space<vmem_shared>>)
          tpu.yield
        }) : () -> ()
      } else {
      }
    }
    %scan3A_228 = arith.constant 22 : i32
    %barrier3A_229 = arith.constant 0 : index
    tpu.barrier barrier_id(%barrier3A_229)
    %add3A_230 = arith.constant 0 : i32
    %add3A_231 = arith.addi %mul3A_6, %add3A_230 : i32
    %run_scoped3A_232 = arith.constant 0 : i32
    "tpu.region"() ({
      %run_scoped3A_440 = tpu.sem_alloc : memref<!tpu.dma_semaphore, #tpu.memory_space<semaphore_mem>>
      %dma_start3A_441 = arith.constant 0 : i32
      %dma_start3A_442 = arith.constant 0 : i32
      %dma_start3A_443 = tpu.memref_slice %arg7[%run_scoped3A_232, %dma_start3A_441, %dma_start3A_442] : memref<2x128x128xf32, #tpu.memory_space<vmem>> -> memref<1x128x128xf32, #tpu.memory_space<vmem>>
      %dma_start3A_444 = tpu.memref_squeeze %dma_start3A_443 : memref<1x128x128xf32, #tpu.memory_space<vmem>> -> memref<128x128xf32, #tpu.memory_space<vmem>>
      %dma_start3A_445 = arith.constant 0 : i32
      %dma_start3A_446 = tpu.memref_slice %arg8[%add3A_231, %dma_start3A_445] : memref<10240x128xf32, #tpu.memory_space<vmem_shared>> -> memref<128x128xf32, #tpu.memory_space<vmem_shared>>
      %dma_start3A_447 = arith.constant 0 : i32
      %dma_start3A_448 = arith.constant 0 : i32
      %dma_start3A_449 = tpu.memref_slice %arg7[%run_scoped3A_232, %dma_start3A_447, %dma_start3A_448] : memref<2x128x128xf32, #tpu.memory_space<vmem>> -> memref<1x128x128xf32, #tpu.memory_space<vmem>>
      %dma_start3A_450 = tpu.memref_squeeze %dma_start3A_449 : memref<1x128x128xf32, #tpu.memory_space<vmem>> -> memref<128x128xf32, #tpu.memory_space<vmem>>
      %dma_start3A_451 = arith.constant 0 : i32
      %dma_start3A_452 = tpu.memref_slice %arg8[%add3A_231, %dma_start3A_451] : memref<10240x128xf32, #tpu.memory_space<vmem_shared>> -> memref<128x128xf32, #tpu.memory_space<vmem_shared>>
      tpu.enqueue_dma source(%dma_start3A_452 : memref<128x128xf32, #tpu.memory_space<vmem_shared>>) target(%dma_start3A_450 : memref<128x128xf32, #tpu.memory_space<vmem>>) target_semaphore(%run_scoped3A_440 : memref<!tpu.dma_semaphore, #tpu.memory_space<semaphore_mem>>)
      %dma_wait3A_453 = arith.constant 0 : i32
      %dma_wait3A_454 = arith.constant 0 : i32
      %dma_wait3A_455 = tpu.memref_slice %arg7[%run_scoped3A_232, %dma_wait3A_453, %dma_wait3A_454] : memref<2x128x128xf32, #tpu.memory_space<vmem>> -> memref<1x128x128xf32, #tpu.memory_space<vmem>>
      %dma_wait3A_456 = tpu.memref_squeeze %dma_wait3A_455 : memref<1x128x128xf32, #tpu.memory_space<vmem>> -> memref<128x128xf32, #tpu.memory_space<vmem>>
      %dma_wait3A_457 = arith.constant 0 : i32
      %dma_wait3A_458 = tpu.memref_slice %arg8[%add3A_231, %dma_wait3A_457] : memref<10240x128xf32, #tpu.memory_space<vmem_shared>> -> memref<128x128xf32, #tpu.memory_space<vmem_shared>>
      %dma_wait3A_459 = arith.constant 0 : i32
      %dma_wait3A_460 = arith.constant 0 : i32
      %dma_wait3A_461 = tpu.memref_slice %arg7[%run_scoped3A_232, %dma_wait3A_459, %dma_wait3A_460] : memref<2x128x128xf32, #tpu.memory_space<vmem>> -> memref<1x128x128xf32, #tpu.memory_space<vmem>>
      %dma_wait3A_462 = tpu.memref_squeeze %dma_wait3A_461 : memref<1x128x128xf32, #tpu.memory_space<vmem>> -> memref<128x128xf32, #tpu.memory_space<vmem>>
      %dma_wait3A_463 = arith.constant 0 : i32
      %dma_wait3A_464 = tpu.memref_slice %arg8[%add3A_231, %dma_wait3A_463] : memref<10240x128xf32, #tpu.memory_space<vmem_shared>> -> memref<128x128xf32, #tpu.memory_space<vmem_shared>>
      tpu.wait_dma2 semaphore(%run_scoped3A_440 : memref<!tpu.dma_semaphore, #tpu.memory_space<semaphore_mem>>) src(%dma_wait3A_464 : memref<128x128xf32, #tpu.memory_space<vmem_shared>>) dst(%dma_wait3A_462 : memref<128x128xf32, #tpu.memory_space<vmem>>)
      tpu.yield
    }) : () -> ()
    %dma_start3A_233 = arith.constant 0 : i32
    %dma_start3A_234 = arith.constant 0 : i32
    %dma_start3A_235 = arith.constant 0 : i32
    %dma_start3A_236 = arith.constant 0 : i32
    %dma_start3A_237 = tpu.memref_slice %arg7[%dma_start3A_233, %dma_start3A_235, %dma_start3A_236] : memref<2x128x128xf32, #tpu.memory_space<vmem>> -> memref<1x128x128xf32, #tpu.memory_space<vmem>>
    %dma_start3A_238 = tpu.memref_squeeze %dma_start3A_237 : memref<1x128x128xf32, #tpu.memory_space<vmem>> -> memref<128x128xf32, #tpu.memory_space<vmem>>
    %dma_start3A_239 = arith.constant 0 : i32
    %dma_start3A_240 = tpu.memref_slice %arg5[%arg0, %add3A_231, %dma_start3A_239] : memref<2x10240x128xf32, #tpu.memory_space<hbm>> -> memref<1x128x128xf32, #tpu.memory_space<hbm>>
    %dma_start3A_241 = tpu.memref_squeeze %dma_start3A_240 : memref<1x128x128xf32, #tpu.memory_space<hbm>> -> memref<128x128xf32, #tpu.memory_space<hbm>>
    %dma_start3A_242 = tpu.memref_slice %arg9[%dma_start3A_234] : memref<2x!tpu.dma_semaphore, #tpu.memory_space<semaphore_mem>> -> memref<1x!tpu.dma_semaphore, #tpu.memory_space<semaphore_mem>>
    %dma_start3A_243 = tpu.memref_squeeze %dma_start3A_242 : memref<1x!tpu.dma_semaphore, #tpu.memory_space<semaphore_mem>> -> memref<!tpu.dma_semaphore, #tpu.memory_space<semaphore_mem>>
    %dma_start3A_244 = arith.constant 0 : i32
    %dma_start3A_245 = tpu.memref_slice %arg5[%arg0, %add3A_231, %dma_start3A_244] : memref<2x10240x128xf32, #tpu.memory_space<hbm>> -> memref<1x128x128xf32, #tpu.memory_space<hbm>>
    %dma_start3A_246 = tpu.memref_squeeze %dma_start3A_245 : memref<1x128x128xf32, #tpu.memory_space<hbm>> -> memref<128x128xf32, #tpu.memory_space<hbm>>
    %dma_start3A_247 = arith.constant 0 : i32
    %dma_start3A_248 = arith.constant 0 : i32
    %dma_start3A_249 = tpu.memref_slice %arg7[%dma_start3A_233, %dma_start3A_247, %dma_start3A_248] : memref<2x128x128xf32, #tpu.memory_space<vmem>> -> memref<1x128x128xf32, #tpu.memory_space<vmem>>
    %dma_start3A_250 = tpu.memref_squeeze %dma_start3A_249 : memref<1x128x128xf32, #tpu.memory_space<vmem>> -> memref<128x128xf32, #tpu.memory_space<vmem>>
    tpu.enqueue_dma source(%dma_start3A_250 : memref<128x128xf32, #tpu.memory_space<vmem>>) target(%dma_start3A_246 : memref<128x128xf32, #tpu.memory_space<hbm>>) target_semaphore(%dma_start3A_243 : memref<!tpu.dma_semaphore, #tpu.memory_space<semaphore_mem>>)
    %add3A_251 = arith.constant 128 : i32
    %add3A_252 = arith.addi %mul3A_6, %add3A_251 : i32
    %run_scoped3A_253 = arith.constant 1 : i32
    "tpu.region"() ({
      %run_scoped3A_440 = tpu.sem_alloc : memref<!tpu.dma_semaphore, #tpu.memory_space<semaphore_mem>>
      %dma_start3A_441 = arith.constant 0 : i32
      %dma_start3A_442 = arith.constant 0 : i32
      %dma_start3A_443 = tpu.memref_slice %arg7[%run_scoped3A_253, %dma_start3A_441, %dma_start3A_442] : memref<2x128x128xf32, #tpu.memory_space<vmem>> -> memref<1x128x128xf32, #tpu.memory_space<vmem>>
      %dma_start3A_444 = tpu.memref_squeeze %dma_start3A_443 : memref<1x128x128xf32, #tpu.memory_space<vmem>> -> memref<128x128xf32, #tpu.memory_space<vmem>>
      %dma_start3A_445 = arith.constant 0 : i32
      %dma_start3A_446 = tpu.memref_slice %arg8[%add3A_252, %dma_start3A_445] : memref<10240x128xf32, #tpu.memory_space<vmem_shared>> -> memref<128x128xf32, #tpu.memory_space<vmem_shared>>
      %dma_start3A_447 = arith.constant 0 : i32
      %dma_start3A_448 = arith.constant 0 : i32
      %dma_start3A_449 = tpu.memref_slice %arg7[%run_scoped3A_253, %dma_start3A_447, %dma_start3A_448] : memref<2x128x128xf32, #tpu.memory_space<vmem>> -> memref<1x128x128xf32, #tpu.memory_space<vmem>>
      %dma_start3A_450 = tpu.memref_squeeze %dma_start3A_449 : memref<1x128x128xf32, #tpu.memory_space<vmem>> -> memref<128x128xf32, #tpu.memory_space<vmem>>
      %dma_start3A_451 = arith.constant 0 : i32
      %dma_start3A_452 = tpu.memref_slice %arg8[%add3A_252, %dma_start3A_451] : memref<10240x128xf32, #tpu.memory_space<vmem_shared>> -> memref<128x128xf32, #tpu.memory_space<vmem_shared>>
      tpu.enqueue_dma source(%dma_start3A_452 : memref<128x128xf32, #tpu.memory_space<vmem_shared>>) target(%dma_start3A_450 : memref<128x128xf32, #tpu.memory_space<vmem>>) target_semaphore(%run_scoped3A_440 : memref<!tpu.dma_semaphore, #tpu.memory_space<semaphore_mem>>)
      %dma_wait3A_453 = arith.constant 0 : i32
      %dma_wait3A_454 = arith.constant 0 : i32
      %dma_wait3A_455 = tpu.memref_slice %arg7[%run_scoped3A_253, %dma_wait3A_453, %dma_wait3A_454] : memref<2x128x128xf32, #tpu.memory_space<vmem>> -> memref<1x128x128xf32, #tpu.memory_space<vmem>>
      %dma_wait3A_456 = tpu.memref_squeeze %dma_wait3A_455 : memref<1x128x128xf32, #tpu.memory_space<vmem>> -> memref<128x128xf32, #tpu.memory_space<vmem>>
      %dma_wait3A_457 = arith.constant 0 : i32
      %dma_wait3A_458 = tpu.memref_slice %arg8[%add3A_252, %dma_wait3A_457] : memref<10240x128xf32, #tpu.memory_space<vmem_shared>> -> memref<128x128xf32, #tpu.memory_space<vmem_shared>>
      %dma_wait3A_459 = arith.constant 0 : i32
      %dma_wait3A_460 = arith.constant 0 : i32
      %dma_wait3A_461 = tpu.memref_slice %arg7[%run_scoped3A_253, %dma_wait3A_459, %dma_wait3A_460] : memref<2x128x128xf32, #tpu.memory_space<vmem>> -> memref<1x128x128xf32, #tpu.memory_space<vmem>>
      %dma_wait3A_462 = tpu.memref_squeeze %dma_wait3A_461 : memref<1x128x128xf32, #tpu.memory_space<vmem>> -> memref<128x128xf32, #tpu.memory_space<vmem>>
      %dma_wait3A_463 = arith.constant 0 : i32
      %dma_wait3A_464 = tpu.memref_slice %arg8[%add3A_252, %dma_wait3A_463] : memref<10240x128xf32, #tpu.memory_space<vmem_shared>> -> memref<128x128xf32, #tpu.memory_space<vmem_shared>>
      tpu.wait_dma2 semaphore(%run_scoped3A_440 : memref<!tpu.dma_semaphore, #tpu.memory_space<semaphore_mem>>) src(%dma_wait3A_464 : memref<128x128xf32, #tpu.memory_space<vmem_shared>>) dst(%dma_wait3A_462 : memref<128x128xf32, #tpu.memory_space<vmem>>)
      tpu.yield
    }) : () -> ()
    %dma_start3A_254 = arith.constant 1 : i32
    %dma_start3A_255 = arith.constant 1 : i32
    %dma_start3A_256 = arith.constant 0 : i32
    %dma_start3A_257 = arith.constant 0 : i32
    %dma_start3A_258 = tpu.memref_slice %arg7[%dma_start3A_254, %dma_start3A_256, %dma_start3A_257] : memref<2x128x128xf32, #tpu.memory_space<vmem>> -> memref<1x128x128xf32, #tpu.memory_space<vmem>>
    %dma_start3A_259 = tpu.memref_squeeze %dma_start3A_258 : memref<1x128x128xf32, #tpu.memory_space<vmem>> -> memref<128x128xf32, #tpu.memory_space<vmem>>
    %dma_start3A_260 = arith.constant 0 : i32
    %dma_start3A_261 = tpu.memref_slice %arg5[%arg0, %add3A_252, %dma_start3A_260] : memref<2x10240x128xf32, #tpu.memory_space<hbm>> -> memref<1x128x128xf32, #tpu.memory_space<hbm>>
    %dma_start3A_262 = tpu.memref_squeeze %dma_start3A_261 : memref<1x128x128xf32, #tpu.memory_space<hbm>> -> memref<128x128xf32, #tpu.memory_space<hbm>>
    %dma_start3A_263 = tpu.memref_slice %arg9[%dma_start3A_255] : memref<2x!tpu.dma_semaphore, #tpu.memory_space<semaphore_mem>> -> memref<1x!tpu.dma_semaphore, #tpu.memory_space<semaphore_mem>>
    %dma_start3A_264 = tpu.memref_squeeze %dma_start3A_263 : memref<1x!tpu.dma_semaphore, #tpu.memory_space<semaphore_mem>> -> memref<!tpu.dma_semaphore, #tpu.memory_space<semaphore_mem>>
    %dma_start3A_265 = arith.constant 0 : i32
    %dma_start3A_266 = tpu.memref_slice %arg5[%arg0, %add3A_252, %dma_start3A_265] : memref<2x10240x128xf32, #tpu.memory_space<hbm>> -> memref<1x128x128xf32, #tpu.memory_space<hbm>>
    %dma_start3A_267 = tpu.memref_squeeze %dma_start3A_266 : memref<1x128x128xf32, #tpu.memory_space<hbm>> -> memref<128x128xf32, #tpu.memory_space<hbm>>
    %dma_start3A_268 = arith.constant 0 : i32
    %dma_start3A_269 = arith.constant 0 : i32
    %dma_start3A_270 = tpu.memref_slice %arg7[%dma_start3A_254, %dma_start3A_268, %dma_start3A_269] : memref<2x128x128xf32, #tpu.memory_space<vmem>> -> memref<1x128x128xf32, #tpu.memory_space<vmem>>
    %dma_start3A_271 = tpu.memref_squeeze %dma_start3A_270 : memref<1x128x128xf32, #tpu.memory_space<vmem>> -> memref<128x128xf32, #tpu.memory_space<vmem>>
    tpu.enqueue_dma source(%dma_start3A_271 : memref<128x128xf32, #tpu.memory_space<vmem>>) target(%dma_start3A_267 : memref<128x128xf32, #tpu.memory_space<hbm>>) target_semaphore(%dma_start3A_264 : memref<!tpu.dma_semaphore, #tpu.memory_space<semaphore_mem>>)
    %add3A_272 = arith.constant 256 : i32
    %add3A_273 = arith.addi %mul3A_6, %add3A_272 : i32
    %dma_wait3A_274 = arith.constant 0 : i32
    %dma_wait3A_275 = arith.constant 0 : i32
    %dma_wait3A_276 = arith.constant 0 : i32
    %dma_wait3A_277 = arith.constant 0 : i32
    %dma_wait3A_278 = arith.constant 0 : i32
    %dma_wait3A_279 = tpu.memref_slice %arg7[%dma_wait3A_274, %dma_wait3A_277, %dma_wait3A_278] : memref<2x128x128xf32, #tpu.memory_space<vmem>> -> memref<1x128x128xf32, #tpu.memory_space<vmem>>
    %dma_wait3A_280 = tpu.memref_squeeze %dma_wait3A_279 : memref<1x128x128xf32, #tpu.memory_space<vmem>> -> memref<128x128xf32, #tpu.memory_space<vmem>>
    %dma_wait3A_281 = arith.constant 0 : i32
    %dma_wait3A_282 = arith.constant 0 : i32
    %dma_wait3A_283 = tpu.memref_slice %arg5[%dma_wait3A_275, %dma_wait3A_281, %dma_wait3A_282] : memref<2x10240x128xf32, #tpu.memory_space<hbm>> -> memref<1x128x128xf32, #tpu.memory_space<hbm>>
    %dma_wait3A_284 = tpu.memref_squeeze %dma_wait3A_283 : memref<1x128x128xf32, #tpu.memory_space<hbm>> -> memref<128x128xf32, #tpu.memory_space<hbm>>
    %dma_wait3A_285 = tpu.memref_slice %arg9[%dma_wait3A_276] : memref<2x!tpu.dma_semaphore, #tpu.memory_space<semaphore_mem>> -> memref<1x!tpu.dma_semaphore, #tpu.memory_space<semaphore_mem>>
    %dma_wait3A_286 = tpu.memref_squeeze %dma_wait3A_285 : memref<1x!tpu.dma_semaphore, #tpu.memory_space<semaphore_mem>> -> memref<!tpu.dma_semaphore, #tpu.memory_space<semaphore_mem>>
    %dma_wait3A_287 = arith.constant 0 : i32
    %dma_wait3A_288 = arith.constant 0 : i32
    %dma_wait3A_289 = tpu.memref_slice %arg5[%dma_wait3A_275, %dma_wait3A_287, %dma_wait3A_288] : memref<2x10240x128xf32, #tpu.memory_space<hbm>> -> memref<1x128x128xf32, #tpu.memory_space<hbm>>
    %dma_wait3A_290 = tpu.memref_squeeze %dma_wait3A_289 : memref<1x128x128xf32, #tpu.memory_space<hbm>> -> memref<128x128xf32, #tpu.memory_space<hbm>>
    %dma_wait3A_291 = arith.constant 0 : i32
    %dma_wait3A_292 = arith.constant 0 : i32
    %dma_wait3A_293 = tpu.memref_slice %arg7[%dma_wait3A_274, %dma_wait3A_291, %dma_wait3A_292] : memref<2x128x128xf32, #tpu.memory_space<vmem>> -> memref<1x128x128xf32, #tpu.memory_space<vmem>>
    %dma_wait3A_294 = tpu.memref_squeeze %dma_wait3A_293 : memref<1x128x128xf32, #tpu.memory_space<vmem>> -> memref<128x128xf32, #tpu.memory_space<vmem>>
    tpu.wait_dma2 semaphore(%dma_wait3A_286 : memref<!tpu.dma_semaphore, #tpu.memory_space<semaphore_mem>>) src(%dma_wait3A_294 : memref<128x128xf32, #tpu.memory_space<vmem>>) dst(%dma_wait3A_290 : memref<128x128xf32, #tpu.memory_space<hbm>>)
    %run_scoped3A_295 = arith.constant 0 : i32
    "tpu.region"() ({
      %run_scoped3A_440 = tpu.sem_alloc : memref<!tpu.dma_semaphore, #tpu.memory_space<semaphore_mem>>
      %dma_start3A_441 = arith.constant 0 : i32
      %dma_start3A_442 = arith.constant 0 : i32
      %dma_start3A_443 = tpu.memref_slice %arg7[%run_scoped3A_295, %dma_start3A_441, %dma_start3A_442] : memref<2x128x128xf32, #tpu.memory_space<vmem>> -> memref<1x128x128xf32, #tpu.memory_space<vmem>>
      %dma_start3A_444 = tpu.memref_squeeze %dma_start3A_443 : memref<1x128x128xf32, #tpu.memory_space<vmem>> -> memref<128x128xf32, #tpu.memory_space<vmem>>
      %dma_start3A_445 = arith.constant 0 : i32
      %dma_start3A_446 = tpu.memref_slice %arg8[%add3A_273, %dma_start3A_445] : memref<10240x128xf32, #tpu.memory_space<vmem_shared>> -> memref<128x128xf32, #tpu.memory_space<vmem_shared>>
      %dma_start3A_447 = arith.constant 0 : i32
      %dma_start3A_448 = arith.constant 0 : i32
      %dma_start3A_449 = tpu.memref_slice %arg7[%run_scoped3A_295, %dma_start3A_447, %dma_start3A_448] : memref<2x128x128xf32, #tpu.memory_space<vmem>> -> memref<1x128x128xf32, #tpu.memory_space<vmem>>
      %dma_start3A_450 = tpu.memref_squeeze %dma_start3A_449 : memref<1x128x128xf32, #tpu.memory_space<vmem>> -> memref<128x128xf32, #tpu.memory_space<vmem>>
      %dma_start3A_451 = arith.constant 0 : i32
      %dma_start3A_452 = tpu.memref_slice %arg8[%add3A_273, %dma_start3A_451] : memref<10240x128xf32, #tpu.memory_space<vmem_shared>> -> memref<128x128xf32, #tpu.memory_space<vmem_shared>>
      tpu.enqueue_dma source(%dma_start3A_452 : memref<128x128xf32, #tpu.memory_space<vmem_shared>>) target(%dma_start3A_450 : memref<128x128xf32, #tpu.memory_space<vmem>>) target_semaphore(%run_scoped3A_440 : memref<!tpu.dma_semaphore, #tpu.memory_space<semaphore_mem>>)
      %dma_wait3A_453 = arith.constant 0 : i32
      %dma_wait3A_454 = arith.constant 0 : i32
      %dma_wait3A_455 = tpu.memref_slice %arg7[%run_scoped3A_295, %dma_wait3A_453, %dma_wait3A_454] : memref<2x128x128xf32, #tpu.memory_space<vmem>> -> memref<1x128x128xf32, #tpu.memory_space<vmem>>
      %dma_wait3A_456 = tpu.memref_squeeze %dma_wait3A_455 : memref<1x128x128xf32, #tpu.memory_space<vmem>> -> memref<128x128xf32, #tpu.memory_space<vmem>>
      %dma_wait3A_457 = arith.constant 0 : i32
      %dma_wait3A_458 = tpu.memref_slice %arg8[%add3A_273, %dma_wait3A_457] : memref<10240x128xf32, #tpu.memory_space<vmem_shared>> -> memref<128x128xf32, #tpu.memory_space<vmem_shared>>
      %dma_wait3A_459 = arith.constant 0 : i32
      %dma_wait3A_460 = arith.constant 0 : i32
      %dma_wait3A_461 = tpu.memref_slice %arg7[%run_scoped3A_295, %dma_wait3A_459, %dma_wait3A_460] : memref<2x128x128xf32, #tpu.memory_space<vmem>> -> memref<1x128x128xf32, #tpu.memory_space<vmem>>
      %dma_wait3A_462 = tpu.memref_squeeze %dma_wait3A_461 : memref<1x128x128xf32, #tpu.memory_space<vmem>> -> memref<128x128xf32, #tpu.memory_space<vmem>>
      %dma_wait3A_463 = arith.constant 0 : i32
      %dma_wait3A_464 = tpu.memref_slice %arg8[%add3A_273, %dma_wait3A_463] : memref<10240x128xf32, #tpu.memory_space<vmem_shared>> -> memref<128x128xf32, #tpu.memory_space<vmem_shared>>
      tpu.wait_dma2 semaphore(%run_scoped3A_440 : memref<!tpu.dma_semaphore, #tpu.memory_space<semaphore_mem>>) src(%dma_wait3A_464 : memref<128x128xf32, #tpu.memory_space<vmem_shared>>) dst(%dma_wait3A_462 : memref<128x128xf32, #tpu.memory_space<vmem>>)
      tpu.yield
    }) : () -> ()
    %dma_start3A_296 = arith.constant 0 : i32
    %dma_start3A_297 = arith.constant 0 : i32
    %dma_start3A_298 = arith.constant 0 : i32
    %dma_start3A_299 = arith.constant 0 : i32
    %dma_start3A_300 = tpu.memref_slice %arg7[%dma_start3A_296, %dma_start3A_298, %dma_start3A_299] : memref<2x128x128xf32, #tpu.memory_space<vmem>> -> memref<1x128x128xf32, #tpu.memory_space<vmem>>
    %dma_start3A_301 = tpu.memref_squeeze %dma_start3A_300 : memref<1x128x128xf32, #tpu.memory_space<vmem>> -> memref<128x128xf32, #tpu.memory_space<vmem>>
    %dma_start3A_302 = arith.constant 0 : i32
    %dma_start3A_303 = tpu.memref_slice %arg5[%arg0, %add3A_273, %dma_start3A_302] : memref<2x10240x128xf32, #tpu.memory_space<hbm>> -> memref<1x128x128xf32, #tpu.memory_space<hbm>>
    %dma_start3A_304 = tpu.memref_squeeze %dma_start3A_303 : memref<1x128x128xf32, #tpu.memory_space<hbm>> -> memref<128x128xf32, #tpu.memory_space<hbm>>
    %dma_start3A_305 = tpu.memref_slice %arg9[%dma_start3A_297] : memref<2x!tpu.dma_semaphore, #tpu.memory_space<semaphore_mem>> -> memref<1x!tpu.dma_semaphore, #tpu.memory_space<semaphore_mem>>
    %dma_start3A_306 = tpu.memref_squeeze %dma_start3A_305 : memref<1x!tpu.dma_semaphore, #tpu.memory_space<semaphore_mem>> -> memref<!tpu.dma_semaphore, #tpu.memory_space<semaphore_mem>>
    %dma_start3A_307 = arith.constant 0 : i32
    %dma_start3A_308 = tpu.memref_slice %arg5[%arg0, %add3A_273, %dma_start3A_307] : memref<2x10240x128xf32, #tpu.memory_space<hbm>> -> memref<1x128x128xf32, #tpu.memory_space<hbm>>
    %dma_start3A_309 = tpu.memref_squeeze %dma_start3A_308 : memref<1x128x128xf32, #tpu.memory_space<hbm>> -> memref<128x128xf32, #tpu.memory_space<hbm>>
    %dma_start3A_310 = arith.constant 0 : i32
    %dma_start3A_311 = arith.constant 0 : i32
    %dma_start3A_312 = tpu.memref_slice %arg7[%dma_start3A_296, %dma_start3A_310, %dma_start3A_311] : memref<2x128x128xf32, #tpu.memory_space<vmem>> -> memref<1x128x128xf32, #tpu.memory_space<vmem>>
    %dma_start3A_313 = tpu.memref_squeeze %dma_start3A_312 : memref<1x128x128xf32, #tpu.memory_space<vmem>> -> memref<128x128xf32, #tpu.memory_space<vmem>>
    tpu.enqueue_dma source(%dma_start3A_313 : memref<128x128xf32, #tpu.memory_space<vmem>>) target(%dma_start3A_309 : memref<128x128xf32, #tpu.memory_space<hbm>>) target_semaphore(%dma_start3A_306 : memref<!tpu.dma_semaphore, #tpu.memory_space<semaphore_mem>>)
    %add3A_314 = arith.constant 384 : i32
    %add3A_315 = arith.addi %mul3A_6, %add3A_314 : i32
    %dma_wait3A_316 = arith.constant 1 : i32
    %dma_wait3A_317 = arith.constant 0 : i32
    %dma_wait3A_318 = arith.constant 1 : i32
    %dma_wait3A_319 = arith.constant 0 : i32
    %dma_wait3A_320 = arith.constant 0 : i32
    %dma_wait3A_321 = tpu.memref_slice %arg7[%dma_wait3A_316, %dma_wait3A_319, %dma_wait3A_320] : memref<2x128x128xf32, #tpu.memory_space<vmem>> -> memref<1x128x128xf32, #tpu.memory_space<vmem>>
    %dma_wait3A_322 = tpu.memref_squeeze %dma_wait3A_321 : memref<1x128x128xf32, #tpu.memory_space<vmem>> -> memref<128x128xf32, #tpu.memory_space<vmem>>
    %dma_wait3A_323 = arith.constant 0 : i32
    %dma_wait3A_324 = arith.constant 0 : i32
    %dma_wait3A_325 = tpu.memref_slice %arg5[%dma_wait3A_317, %dma_wait3A_323, %dma_wait3A_324] : memref<2x10240x128xf32, #tpu.memory_space<hbm>> -> memref<1x128x128xf32, #tpu.memory_space<hbm>>
    %dma_wait3A_326 = tpu.memref_squeeze %dma_wait3A_325 : memref<1x128x128xf32, #tpu.memory_space<hbm>> -> memref<128x128xf32, #tpu.memory_space<hbm>>
    %dma_wait3A_327 = tpu.memref_slice %arg9[%dma_wait3A_318] : memref<2x!tpu.dma_semaphore, #tpu.memory_space<semaphore_mem>> -> memref<1x!tpu.dma_semaphore, #tpu.memory_space<semaphore_mem>>
    %dma_wait3A_328 = tpu.memref_squeeze %dma_wait3A_327 : memref<1x!tpu.dma_semaphore, #tpu.memory_space<semaphore_mem>> -> memref<!tpu.dma_semaphore, #tpu.memory_space<semaphore_mem>>
    %dma_wait3A_329 = arith.constant 0 : i32
    %dma_wait3A_330 = arith.constant 0 : i32
    %dma_wait3A_331 = tpu.memref_slice %arg5[%dma_wait3A_317, %dma_wait3A_329, %dma_wait3A_330] : memref<2x10240x128xf32, #tpu.memory_space<hbm>> -> memref<1x128x128xf32, #tpu.memory_space<hbm>>
    %dma_wait3A_332 = tpu.memref_squeeze %dma_wait3A_331 : memref<1x128x128xf32, #tpu.memory_space<hbm>> -> memref<128x128xf32, #tpu.memory_space<hbm>>
    %dma_wait3A_333 = arith.constant 0 : i32
    %dma_wait3A_334 = arith.constant 0 : i32
    %dma_wait3A_335 = tpu.memref_slice %arg7[%dma_wait3A_316, %dma_wait3A_333, %dma_wait3A_334] : memref<2x128x128xf32, #tpu.memory_space<vmem>> -> memref<1x128x128xf32, #tpu.memory_space<vmem>>
    %dma_wait3A_336 = tpu.memref_squeeze %dma_wait3A_335 : memref<1x128x128xf32, #tpu.memory_space<vmem>> -> memref<128x128xf32, #tpu.memory_space<vmem>>
    tpu.wait_dma2 semaphore(%dma_wait3A_328 : memref<!tpu.dma_semaphore, #tpu.memory_space<semaphore_mem>>) src(%dma_wait3A_336 : memref<128x128xf32, #tpu.memory_space<vmem>>) dst(%dma_wait3A_332 : memref<128x128xf32, #tpu.memory_space<hbm>>)
    %run_scoped3A_337 = arith.constant 1 : i32
    "tpu.region"() ({
      %run_scoped3A_440 = tpu.sem_alloc : memref<!tpu.dma_semaphore, #tpu.memory_space<semaphore_mem>>
      %dma_start3A_441 = arith.constant 0 : i32
      %dma_start3A_442 = arith.constant 0 : i32
      %dma_start3A_443 = tpu.memref_slice %arg7[%run_scoped3A_337, %dma_start3A_441, %dma_start3A_442] : memref<2x128x128xf32, #tpu.memory_space<vmem>> -> memref<1x128x128xf32, #tpu.memory_space<vmem>>
      %dma_start3A_444 = tpu.memref_squeeze %dma_start3A_443 : memref<1x128x128xf32, #tpu.memory_space<vmem>> -> memref<128x128xf32, #tpu.memory_space<vmem>>
      %dma_start3A_445 = arith.constant 0 : i32
      %dma_start3A_446 = tpu.memref_slice %arg8[%add3A_315, %dma_start3A_445] : memref<10240x128xf32, #tpu.memory_space<vmem_shared>> -> memref<128x128xf32, #tpu.memory_space<vmem_shared>>
      %dma_start3A_447 = arith.constant 0 : i32
      %dma_start3A_448 = arith.constant 0 : i32
      %dma_start3A_449 = tpu.memref_slice %arg7[%run_scoped3A_337, %dma_start3A_447, %dma_start3A_448] : memref<2x128x128xf32, #tpu.memory_space<vmem>> -> memref<1x128x128xf32, #tpu.memory_space<vmem>>
      %dma_start3A_450 = tpu.memref_squeeze %dma_start3A_449 : memref<1x128x128xf32, #tpu.memory_space<vmem>> -> memref<128x128xf32, #tpu.memory_space<vmem>>
      %dma_start3A_451 = arith.constant 0 : i32
      %dma_start3A_452 = tpu.memref_slice %arg8[%add3A_315, %dma_start3A_451] : memref<10240x128xf32, #tpu.memory_space<vmem_shared>> -> memref<128x128xf32, #tpu.memory_space<vmem_shared>>
      tpu.enqueue_dma source(%dma_start3A_452 : memref<128x128xf32, #tpu.memory_space<vmem_shared>>) target(%dma_start3A_450 : memref<128x128xf32, #tpu.memory_space<vmem>>) target_semaphore(%run_scoped3A_440 : memref<!tpu.dma_semaphore, #tpu.memory_space<semaphore_mem>>)
      %dma_wait3A_453 = arith.constant 0 : i32
      %dma_wait3A_454 = arith.constant 0 : i32
      %dma_wait3A_455 = tpu.memref_slice %arg7[%run_scoped3A_337, %dma_wait3A_453, %dma_wait3A_454] : memref<2x128x128xf32, #tpu.memory_space<vmem>> -> memref<1x128x128xf32, #tpu.memory_space<vmem>>
      %dma_wait3A_456 = tpu.memref_squeeze %dma_wait3A_455 : memref<1x128x128xf32, #tpu.memory_space<vmem>> -> memref<128x128xf32, #tpu.memory_space<vmem>>
      %dma_wait3A_457 = arith.constant 0 : i32
      %dma_wait3A_458 = tpu.memref_slice %arg8[%add3A_315, %dma_wait3A_457] : memref<10240x128xf32, #tpu.memory_space<vmem_shared>> -> memref<128x128xf32, #tpu.memory_space<vmem_shared>>
      %dma_wait3A_459 = arith.constant 0 : i32
      %dma_wait3A_460 = arith.constant 0 : i32
      %dma_wait3A_461 = tpu.memref_slice %arg7[%run_scoped3A_337, %dma_wait3A_459, %dma_wait3A_460] : memref<2x128x128xf32, #tpu.memory_space<vmem>> -> memref<1x128x128xf32, #tpu.memory_space<vmem>>
      %dma_wait3A_462 = tpu.memref_squeeze %dma_wait3A_461 : memref<1x128x128xf32, #tpu.memory_space<vmem>> -> memref<128x128xf32, #tpu.memory_space<vmem>>
      %dma_wait3A_463 = arith.constant 0 : i32
      %dma_wait3A_464 = tpu.memref_slice %arg8[%add3A_315, %dma_wait3A_463] : memref<10240x128xf32, #tpu.memory_space<vmem_shared>> -> memref<128x128xf32, #tpu.memory_space<vmem_shared>>
      tpu.wait_dma2 semaphore(%run_scoped3A_440 : memref<!tpu.dma_semaphore, #tpu.memory_space<semaphore_mem>>) src(%dma_wait3A_464 : memref<128x128xf32, #tpu.memory_space<vmem_shared>>) dst(%dma_wait3A_462 : memref<128x128xf32, #tpu.memory_space<vmem>>)
      tpu.yield
    }) : () -> ()
    %dma_start3A_338 = arith.constant 1 : i32
    %dma_start3A_339 = arith.constant 1 : i32
    %dma_start3A_340 = arith.constant 0 : i32
    %dma_start3A_341 = arith.constant 0 : i32
    %dma_start3A_342 = tpu.memref_slice %arg7[%dma_start3A_338, %dma_start3A_340, %dma_start3A_341] : memref<2x128x128xf32, #tpu.memory_space<vmem>> -> memref<1x128x128xf32, #tpu.memory_space<vmem>>
    %dma_start3A_343 = tpu.memref_squeeze %dma_start3A_342 : memref<1x128x128xf32, #tpu.memory_space<vmem>> -> memref<128x128xf32, #tpu.memory_space<vmem>>
    %dma_start3A_344 = arith.constant 0 : i32
    %dma_start3A_345 = tpu.memref_slice %arg5[%arg0, %add3A_315, %dma_start3A_344] : memref<2x10240x128xf32, #tpu.memory_space<hbm>> -> memref<1x128x128xf32, #tpu.memory_space<hbm>>
    %dma_start3A_346 = tpu.memref_squeeze %dma_start3A_345 : memref<1x128x128xf32, #tpu.memory_space<hbm>> -> memref<128x128xf32, #tpu.memory_space<hbm>>
    %dma_start3A_347 = tpu.memref_slice %arg9[%dma_start3A_339] : memref<2x!tpu.dma_semaphore, #tpu.memory_space<semaphore_mem>> -> memref<1x!tpu.dma_semaphore, #tpu.memory_space<semaphore_mem>>
    %dma_start3A_348 = tpu.memref_squeeze %dma_start3A_347 : memref<1x!tpu.dma_semaphore, #tpu.memory_space<semaphore_mem>> -> memref<!tpu.dma_semaphore, #tpu.memory_space<semaphore_mem>>
    %dma_start3A_349 = arith.constant 0 : i32
    %dma_start3A_350 = tpu.memref_slice %arg5[%arg0, %add3A_315, %dma_start3A_349] : memref<2x10240x128xf32, #tpu.memory_space<hbm>> -> memref<1x128x128xf32, #tpu.memory_space<hbm>>
    %dma_start3A_351 = tpu.memref_squeeze %dma_start3A_350 : memref<1x128x128xf32, #tpu.memory_space<hbm>> -> memref<128x128xf32, #tpu.memory_space<hbm>>
    %dma_start3A_352 = arith.constant 0 : i32
    %dma_start3A_353 = arith.constant 0 : i32
    %dma_start3A_354 = tpu.memref_slice %arg7[%dma_start3A_338, %dma_start3A_352, %dma_start3A_353] : memref<2x128x128xf32, #tpu.memory_space<vmem>> -> memref<1x128x128xf32, #tpu.memory_space<vmem>>
    %dma_start3A_355 = tpu.memref_squeeze %dma_start3A_354 : memref<1x128x128xf32, #tpu.memory_space<vmem>> -> memref<128x128xf32, #tpu.memory_space<vmem>>
    tpu.enqueue_dma source(%dma_start3A_355 : memref<128x128xf32, #tpu.memory_space<vmem>>) target(%dma_start3A_351 : memref<128x128xf32, #tpu.memory_space<hbm>>) target_semaphore(%dma_start3A_348 : memref<!tpu.dma_semaphore, #tpu.memory_space<semaphore_mem>>)
    %add3A_356 = arith.constant 512 : i32
    %add3A_357 = arith.addi %mul3A_6, %add3A_356 : i32
    %dma_wait3A_358 = arith.constant 0 : i32
    %dma_wait3A_359 = arith.constant 0 : i32
    %dma_wait3A_360 = arith.constant 0 : i32
    %dma_wait3A_361 = arith.constant 0 : i32
    %dma_wait3A_362 = arith.constant 0 : i32
    %dma_wait3A_363 = tpu.memref_slice %arg7[%dma_wait3A_358, %dma_wait3A_361, %dma_wait3A_362] : memref<2x128x128xf32, #tpu.memory_space<vmem>> -> memref<1x128x128xf32, #tpu.memory_space<vmem>>
    %dma_wait3A_364 = tpu.memref_squeeze %dma_wait3A_363 : memref<1x128x128xf32, #tpu.memory_space<vmem>> -> memref<128x128xf32, #tpu.memory_space<vmem>>
    %dma_wait3A_365 = arith.constant 0 : i32
    %dma_wait3A_366 = arith.constant 0 : i32
    %dma_wait3A_367 = tpu.memref_slice %arg5[%dma_wait3A_359, %dma_wait3A_365, %dma_wait3A_366] : memref<2x10240x128xf32, #tpu.memory_space<hbm>> -> memref<1x128x128xf32, #tpu.memory_space<hbm>>
    %dma_wait3A_368 = tpu.memref_squeeze %dma_wait3A_367 : memref<1x128x128xf32, #tpu.memory_space<hbm>> -> memref<128x128xf32, #tpu.memory_space<hbm>>
    %dma_wait3A_369 = tpu.memref_slice %arg9[%dma_wait3A_360] : memref<2x!tpu.dma_semaphore, #tpu.memory_space<semaphore_mem>> -> memref<1x!tpu.dma_semaphore, #tpu.memory_space<semaphore_mem>>
    %dma_wait3A_370 = tpu.memref_squeeze %dma_wait3A_369 : memref<1x!tpu.dma_semaphore, #tpu.memory_space<semaphore_mem>> -> memref<!tpu.dma_semaphore, #tpu.memory_space<semaphore_mem>>
    %dma_wait3A_371 = arith.constant 0 : i32
    %dma_wait3A_372 = arith.constant 0 : i32
    %dma_wait3A_373 = tpu.memref_slice %arg5[%dma_wait3A_359, %dma_wait3A_371, %dma_wait3A_372] : memref<2x10240x128xf32, #tpu.memory_space<hbm>> -> memref<1x128x128xf32, #tpu.memory_space<hbm>>
    %dma_wait3A_374 = tpu.memref_squeeze %dma_wait3A_373 : memref<1x128x128xf32, #tpu.memory_space<hbm>> -> memref<128x128xf32, #tpu.memory_space<hbm>>
    %dma_wait3A_375 = arith.constant 0 : i32
    %dma_wait3A_376 = arith.constant 0 : i32
    %dma_wait3A_377 = tpu.memref_slice %arg7[%dma_wait3A_358, %dma_wait3A_375, %dma_wait3A_376] : memref<2x128x128xf32, #tpu.memory_space<vmem>> -> memref<1x128x128xf32, #tpu.memory_space<vmem>>
    %dma_wait3A_378 = tpu.memref_squeeze %dma_wait3A_377 : memref<1x128x128xf32, #tpu.memory_space<vmem>> -> memref<128x128xf32, #tpu.memory_space<vmem>>
    tpu.wait_dma2 semaphore(%dma_wait3A_370 : memref<!tpu.dma_semaphore, #tpu.memory_space<semaphore_mem>>) src(%dma_wait3A_378 : memref<128x128xf32, #tpu.memory_space<vmem>>) dst(%dma_wait3A_374 : memref<128x128xf32, #tpu.memory_space<hbm>>)
    %run_scoped3A_379 = arith.constant 0 : i32
    "tpu.region"() ({
      %run_scoped3A_440 = tpu.sem_alloc : memref<!tpu.dma_semaphore, #tpu.memory_space<semaphore_mem>>
      %dma_start3A_441 = arith.constant 0 : i32
      %dma_start3A_442 = arith.constant 0 : i32
      %dma_start3A_443 = tpu.memref_slice %arg7[%run_scoped3A_379, %dma_start3A_441, %dma_start3A_442] : memref<2x128x128xf32, #tpu.memory_space<vmem>> -> memref<1x128x128xf32, #tpu.memory_space<vmem>>
      %dma_start3A_444 = tpu.memref_squeeze %dma_start3A_443 : memref<1x128x128xf32, #tpu.memory_space<vmem>> -> memref<128x128xf32, #tpu.memory_space<vmem>>
      %dma_start3A_445 = arith.constant 0 : i32
      %dma_start3A_446 = tpu.memref_slice %arg8[%add3A_357, %dma_start3A_445] : memref<10240x128xf32, #tpu.memory_space<vmem_shared>> -> memref<128x128xf32, #tpu.memory_space<vmem_shared>>
      %dma_start3A_447 = arith.constant 0 : i32
      %dma_start3A_448 = arith.constant 0 : i32
      %dma_start3A_449 = tpu.memref_slice %arg7[%run_scoped3A_379, %dma_start3A_447, %dma_start3A_448] : memref<2x128x128xf32, #tpu.memory_space<vmem>> -> memref<1x128x128xf32, #tpu.memory_space<vmem>>
      %dma_start3A_450 = tpu.memref_squeeze %dma_start3A_449 : memref<1x128x128xf32, #tpu.memory_space<vmem>> -> memref<128x128xf32, #tpu.memory_space<vmem>>
      %dma_start3A_451 = arith.constant 0 : i32
      %dma_start3A_452 = tpu.memref_slice %arg8[%add3A_357, %dma_start3A_451] : memref<10240x128xf32, #tpu.memory_space<vmem_shared>> -> memref<128x128xf32, #tpu.memory_space<vmem_shared>>
      tpu.enqueue_dma source(%dma_start3A_452 : memref<128x128xf32, #tpu.memory_space<vmem_shared>>) target(%dma_start3A_450 : memref<128x128xf32, #tpu.memory_space<vmem>>) target_semaphore(%run_scoped3A_440 : memref<!tpu.dma_semaphore, #tpu.memory_space<semaphore_mem>>)
      %dma_wait3A_453 = arith.constant 0 : i32
      %dma_wait3A_454 = arith.constant 0 : i32
      %dma_wait3A_455 = tpu.memref_slice %arg7[%run_scoped3A_379, %dma_wait3A_453, %dma_wait3A_454] : memref<2x128x128xf32, #tpu.memory_space<vmem>> -> memref<1x128x128xf32, #tpu.memory_space<vmem>>
      %dma_wait3A_456 = tpu.memref_squeeze %dma_wait3A_455 : memref<1x128x128xf32, #tpu.memory_space<vmem>> -> memref<128x128xf32, #tpu.memory_space<vmem>>
      %dma_wait3A_457 = arith.constant 0 : i32
      %dma_wait3A_458 = tpu.memref_slice %arg8[%add3A_357, %dma_wait3A_457] : memref<10240x128xf32, #tpu.memory_space<vmem_shared>> -> memref<128x128xf32, #tpu.memory_space<vmem_shared>>
      %dma_wait3A_459 = arith.constant 0 : i32
      %dma_wait3A_460 = arith.constant 0 : i32
      %dma_wait3A_461 = tpu.memref_slice %arg7[%run_scoped3A_379, %dma_wait3A_459, %dma_wait3A_460] : memref<2x128x128xf32, #tpu.memory_space<vmem>> -> memref<1x128x128xf32, #tpu.memory_space<vmem>>
      %dma_wait3A_462 = tpu.memref_squeeze %dma_wait3A_461 : memref<1x128x128xf32, #tpu.memory_space<vmem>> -> memref<128x128xf32, #tpu.memory_space<vmem>>
      %dma_wait3A_463 = arith.constant 0 : i32
      %dma_wait3A_464 = tpu.memref_slice %arg8[%add3A_357, %dma_wait3A_463] : memref<10240x128xf32, #tpu.memory_space<vmem_shared>> -> memref<128x128xf32, #tpu.memory_space<vmem_shared>>
      tpu.wait_dma2 semaphore(%run_scoped3A_440 : memref<!tpu.dma_semaphore, #tpu.memory_space<semaphore_mem>>) src(%dma_wait3A_464 : memref<128x128xf32, #tpu.memory_space<vmem_shared>>) dst(%dma_wait3A_462 : memref<128x128xf32, #tpu.memory_space<vmem>>)
      tpu.yield
    }) : () -> ()
    %dma_start3A_380 = arith.constant 0 : i32
    %dma_start3A_381 = arith.constant 0 : i32
    %dma_start3A_382 = arith.constant 0 : i32
    %dma_start3A_383 = arith.constant 0 : i32
    %dma_start3A_384 = tpu.memref_slice %arg7[%dma_start3A_380, %dma_start3A_382, %dma_start3A_383] : memref<2x128x128xf32, #tpu.memory_space<vmem>> -> memref<1x128x128xf32, #tpu.memory_space<vmem>>
    %dma_start3A_385 = tpu.memref_squeeze %dma_start3A_384 : memref<1x128x128xf32, #tpu.memory_space<vmem>> -> memref<128x128xf32, #tpu.memory_space<vmem>>
    %dma_start3A_386 = arith.constant 0 : i32
    %dma_start3A_387 = tpu.memref_slice %arg5[%arg0, %add3A_357, %dma_start3A_386] : memref<2x10240x128xf32, #tpu.memory_space<hbm>> -> memref<1x128x128xf32, #tpu.memory_space<hbm>>
    %dma_start3A_388 = tpu.memref_squeeze %dma_start3A_387 : memref<1x128x128xf32, #tpu.memory_space<hbm>> -> memref<128x128xf32, #tpu.memory_space<hbm>>
    %dma_start3A_389 = tpu.memref_slice %arg9[%dma_start3A_381] : memref<2x!tpu.dma_semaphore, #tpu.memory_space<semaphore_mem>> -> memref<1x!tpu.dma_semaphore, #tpu.memory_space<semaphore_mem>>
    %dma_start3A_390 = tpu.memref_squeeze %dma_start3A_389 : memref<1x!tpu.dma_semaphore, #tpu.memory_space<semaphore_mem>> -> memref<!tpu.dma_semaphore, #tpu.memory_space<semaphore_mem>>
    %dma_start3A_391 = arith.constant 0 : i32
    %dma_start3A_392 = tpu.memref_slice %arg5[%arg0, %add3A_357, %dma_start3A_391] : memref<2x10240x128xf32, #tpu.memory_space<hbm>> -> memref<1x128x128xf32, #tpu.memory_space<hbm>>
    %dma_start3A_393 = tpu.memref_squeeze %dma_start3A_392 : memref<1x128x128xf32, #tpu.memory_space<hbm>> -> memref<128x128xf32, #tpu.memory_space<hbm>>
    %dma_start3A_394 = arith.constant 0 : i32
    %dma_start3A_395 = arith.constant 0 : i32
    %dma_start3A_396 = tpu.memref_slice %arg7[%dma_start3A_380, %dma_start3A_394, %dma_start3A_395] : memref<2x128x128xf32, #tpu.memory_space<vmem>> -> memref<1x128x128xf32, #tpu.memory_space<vmem>>
    %dma_start3A_397 = tpu.memref_squeeze %dma_start3A_396 : memref<1x128x128xf32, #tpu.memory_space<vmem>> -> memref<128x128xf32, #tpu.memory_space<vmem>>
    tpu.enqueue_dma source(%dma_start3A_397 : memref<128x128xf32, #tpu.memory_space<vmem>>) target(%dma_start3A_393 : memref<128x128xf32, #tpu.memory_space<hbm>>) target_semaphore(%dma_start3A_390 : memref<!tpu.dma_semaphore, #tpu.memory_space<semaphore_mem>>)
    %dma_wait3A_398 = arith.constant 1 : i32
    %dma_wait3A_399 = arith.constant 0 : i32
    %dma_wait3A_400 = arith.constant 1 : i32
    %dma_wait3A_401 = arith.constant 0 : i32
    %dma_wait3A_402 = arith.constant 0 : i32
    %dma_wait3A_403 = tpu.memref_slice %arg7[%dma_wait3A_398, %dma_wait3A_401, %dma_wait3A_402] : memref<2x128x128xf32, #tpu.memory_space<vmem>> -> memref<1x128x128xf32, #tpu.memory_space<vmem>>
    %dma_wait3A_404 = tpu.memref_squeeze %dma_wait3A_403 : memref<1x128x128xf32, #tpu.memory_space<vmem>> -> memref<128x128xf32, #tpu.memory_space<vmem>>
    %dma_wait3A_405 = arith.constant 0 : i32
    %dma_wait3A_406 = arith.constant 0 : i32
    %dma_wait3A_407 = tpu.memref_slice %arg5[%dma_wait3A_399, %dma_wait3A_405, %dma_wait3A_406] : memref<2x10240x128xf32, #tpu.memory_space<hbm>> -> memref<1x128x128xf32, #tpu.memory_space<hbm>>
    %dma_wait3A_408 = tpu.memref_squeeze %dma_wait3A_407 : memref<1x128x128xf32, #tpu.memory_space<hbm>> -> memref<128x128xf32, #tpu.memory_space<hbm>>
    %dma_wait3A_409 = tpu.memref_slice %arg9[%dma_wait3A_400] : memref<2x!tpu.dma_semaphore, #tpu.memory_space<semaphore_mem>> -> memref<1x!tpu.dma_semaphore, #tpu.memory_space<semaphore_mem>>
    %dma_wait3A_410 = tpu.memref_squeeze %dma_wait3A_409 : memref<1x!tpu.dma_semaphore, #tpu.memory_space<semaphore_mem>> -> memref<!tpu.dma_semaphore, #tpu.memory_space<semaphore_mem>>
    %dma_wait3A_411 = arith.constant 0 : i32
    %dma_wait3A_412 = arith.constant 0 : i32
    %dma_wait3A_413 = tpu.memref_slice %arg5[%dma_wait3A_399, %dma_wait3A_411, %dma_wait3A_412] : memref<2x10240x128xf32, #tpu.memory_space<hbm>> -> memref<1x128x128xf32, #tpu.memory_space<hbm>>
    %dma_wait3A_414 = tpu.memref_squeeze %dma_wait3A_413 : memref<1x128x128xf32, #tpu.memory_space<hbm>> -> memref<128x128xf32, #tpu.memory_space<hbm>>
    %dma_wait3A_415 = arith.constant 0 : i32
    %dma_wait3A_416 = arith.constant 0 : i32
    %dma_wait3A_417 = tpu.memref_slice %arg7[%dma_wait3A_398, %dma_wait3A_415, %dma_wait3A_416] : memref<2x128x128xf32, #tpu.memory_space<vmem>> -> memref<1x128x128xf32, #tpu.memory_space<vmem>>
    %dma_wait3A_418 = tpu.memref_squeeze %dma_wait3A_417 : memref<1x128x128xf32, #tpu.memory_space<vmem>> -> memref<128x128xf32, #tpu.memory_space<vmem>>
    tpu.wait_dma2 semaphore(%dma_wait3A_410 : memref<!tpu.dma_semaphore, #tpu.memory_space<semaphore_mem>>) src(%dma_wait3A_418 : memref<128x128xf32, #tpu.memory_space<vmem>>) dst(%dma_wait3A_414 : memref<128x128xf32, #tpu.memory_space<hbm>>)
    %dma_wait3A_419 = arith.constant 0 : i32
    %dma_wait3A_420 = arith.constant 0 : i32
    %dma_wait3A_421 = arith.constant 0 : i32
    %dma_wait3A_422 = arith.constant 0 : i32
    %dma_wait3A_423 = arith.constant 0 : i32
    %dma_wait3A_424 = tpu.memref_slice %arg7[%dma_wait3A_419, %dma_wait3A_422, %dma_wait3A_423] : memref<2x128x128xf32, #tpu.memory_space<vmem>> -> memref<1x128x128xf32, #tpu.memory_space<vmem>>
    %dma_wait3A_425 = tpu.memref_squeeze %dma_wait3A_424 : memref<1x128x128xf32, #tpu.memory_space<vmem>> -> memref<128x128xf32, #tpu.memory_space<vmem>>
    %dma_wait3A_426 = arith.constant 0 : i32
    %dma_wait3A_427 = arith.constant 0 : i32
    %dma_wait3A_428 = tpu.memref_slice %arg5[%dma_wait3A_420, %dma_wait3A_426, %dma_wait3A_427] : memref<2x10240x128xf32, #tpu.memory_space<hbm>> -> memref<1x128x128xf32, #tpu.memory_space<hbm>>
    %dma_wait3A_429 = tpu.memref_squeeze %dma_wait3A_428 : memref<1x128x128xf32, #tpu.memory_space<hbm>> -> memref<128x128xf32, #tpu.memory_space<hbm>>
    %dma_wait3A_430 = tpu.memref_slice %arg9[%dma_wait3A_421] : memref<2x!tpu.dma_semaphore, #tpu.memory_space<semaphore_mem>> -> memref<1x!tpu.dma_semaphore, #tpu.memory_space<semaphore_mem>>
    %dma_wait3A_431 = tpu.memref_squeeze %dma_wait3A_430 : memref<1x!tpu.dma_semaphore, #tpu.memory_space<semaphore_mem>> -> memref<!tpu.dma_semaphore, #tpu.memory_space<semaphore_mem>>
    %dma_wait3A_432 = arith.constant 0 : i32
    %dma_wait3A_433 = arith.constant 0 : i32
    %dma_wait3A_434 = tpu.memref_slice %arg5[%dma_wait3A_420, %dma_wait3A_432, %dma_wait3A_433] : memref<2x10240x128xf32, #tpu.memory_space<hbm>> -> memref<1x128x128xf32, #tpu.memory_space<hbm>>
    %dma_wait3A_435 = tpu.memref_squeeze %dma_wait3A_434 : memref<1x128x128xf32, #tpu.memory_space<hbm>> -> memref<128x128xf32, #tpu.memory_space<hbm>>
    %dma_wait3A_436 = arith.constant 0 : i32
    %dma_wait3A_437 = arith.constant 0 : i32
    %dma_wait3A_438 = tpu.memref_slice %arg7[%dma_wait3A_419, %dma_wait3A_436, %dma_wait3A_437] : memref<2x128x128xf32, #tpu.memory_space<vmem>> -> memref<1x128x128xf32, #tpu.memory_space<vmem>>
    %dma_wait3A_439 = tpu.memref_squeeze %dma_wait3A_438 : memref<1x128x128xf32, #tpu.memory_space<vmem>> -> memref<128x128xf32, #tpu.memory_space<vmem>>
    tpu.wait_dma2 semaphore(%dma_wait3A_431 : memref<!tpu.dma_semaphore, #tpu.memory_space<semaphore_mem>>) src(%dma_wait3A_439 : memref<128x128xf32, #tpu.memory_space<vmem>>) dst(%dma_wait3A_435 : memref<128x128xf32, #tpu.memory_space<hbm>>)
    return
  }
}

#map = affine_map<(d0, d1) -> (0, 0, 0)>
#map1 = affine_map<(d0, d1) -> (0, 0)>
#map2 = affine_map<(d0, d1) -> (0)>
module attributes {stable_mosaic.version = 14 : i64} {
  func.func @_scatter_sc(%arg0: i32, %arg1: i32, %arg2: memref<2x10240x128xf32, #tpu.memory_space<hbm>>, %arg3: memref<160000x128xf32, #tpu.memory_space<hbm>>, %arg4: memref<163840xi32, #tpu.memory_space<hbm>>, %arg5: memref<2x10240x128xf32, #tpu.memory_space<hbm>>, %arg6: memref<2x128xi32, #tpu.memory_space<vmem>>, %arg7: memref<2x128x128xf32, #tpu.memory_space<vmem>>, %arg8: memref<10240x128xf32, #tpu.memory_space<vmem_shared>>, %arg9: memref<2x!tpu.dma_semaphore, #tpu.memory_space<semaphore_mem>>) attributes {dimension_semantics = [#tpu.dimension_semantics<core_parallel>, #tpu.dimension_semantics<subcore_parallel>], iteration_bounds = array<i64: 2, 16>, scalar_prefetch = 0 : i64, scratch_operands = 4 : i64, tpu.core_type = #tpu.core_type<sc_vector_subcore>, window_params = [{transform_indices = #map}, {transform_indices = #map1}, {transform_indices = #map2}, {transform_indices = #map}]} {
    %mul3A = arith.constant 2 : i32
    %mul3A_0 = arith.muli %arg1, %mul3A : i32
    %add3A = arith.addi %mul3A_0, %arg0 : i32
    %mul3A_1 = arith.constant 40 : i32
    %mul3A_2 = arith.muli %add3A, %mul3A_1 : i32
    %sub3A = arith.constant 1250 : i32
    %sub3A_3 = arith.subi %sub3A, %mul3A_2 : i32
    %min3A = arith.constant 40 : i32
    %min3A_4 = arith.minsi %sub3A_3, %min3A : i32
    %mul3A_5 = arith.constant 640 : i32
    %mul3A_6 = arith.muli %arg1, %mul3A_5 : i32
    %add3A_7 = arith.constant 0 : i32
    %add3A_8 = arith.addi %mul3A_6, %add3A_7 : i32
    %dma_start3A = arith.constant 0 : i32
    %dma_start3A_9 = arith.constant 0 : i32
    %dma_start3A_10 = arith.constant 0 : i32
    %dma_start3A_11 = arith.constant 0 : i32
    %dma_start3A_12 = tpu.memref_slice %arg7[%dma_start3A, %dma_start3A_10, %dma_start3A_11] : memref<2x128x128xf32, #tpu.memory_space<vmem>> -> memref<1x128x128xf32, #tpu.memory_space<vmem>>
    %dma_start3A_13 = tpu.memref_squeeze %dma_start3A_12 : memref<1x128x128xf32, #tpu.memory_space<vmem>> -> memref<128x128xf32, #tpu.memory_space<vmem>>
    %dma_start3A_14 = arith.constant 0 : i32
    %dma_start3A_15 = tpu.memref_slice %arg2[%arg0, %add3A_8, %dma_start3A_14] : memref<2x10240x128xf32, #tpu.memory_space<hbm>> -> memref<1x128x128xf32, #tpu.memory_space<hbm>>
    %dma_start3A_16 = tpu.memref_squeeze %dma_start3A_15 : memref<1x128x128xf32, #tpu.memory_space<hbm>> -> memref<128x128xf32, #tpu.memory_space<hbm>>
    %dma_start3A_17 = tpu.memref_slice %arg9[%dma_start3A_9] : memref<2x!tpu.dma_semaphore, #tpu.memory_space<semaphore_mem>> -> memref<1x!tpu.dma_semaphore, #tpu.memory_space<semaphore_mem>>
    %dma_start3A_18 = tpu.memref_squeeze %dma_start3A_17 : memref<1x!tpu.dma_semaphore, #tpu.memory_space<semaphore_mem>> -> memref<!tpu.dma_semaphore, #tpu.memory_space<semaphore_mem>>
    %dma_start3A_19 = arith.constant 0 : i32
    %dma_start3A_20 = arith.constant 0 : i32
    %dma_start3A_21 = tpu.memref_slice %arg7[%dma_start3A, %dma_start3A_19, %dma_start3A_20] : memref<2x128x128xf32, #tpu.memory_space<vmem>> -> memref<1x128x128xf32, #tpu.memory_space<vmem>>
    %dma_start3A_22 = tpu.memref_squeeze %dma_start3A_21 : memref<1x128x128xf32, #tpu.memory_space<vmem>> -> memref<128x128xf32, #tpu.memory_space<vmem>>
    %dma_start3A_23 = arith.constant 0 : i32
    %dma_start3A_24 = tpu.memref_slice %arg2[%arg0, %add3A_8, %dma_start3A_23] : memref<2x10240x128xf32, #tpu.memory_space<hbm>> -> memref<1x128x128xf32, #tpu.memory_space<hbm>>
    %dma_start3A_25 = tpu.memref_squeeze %dma_start3A_24 : memref<1x128x128xf32, #tpu.memory_space<hbm>> -> memref<128x128xf32, #tpu.memory_space<hbm>>
    tpu.enqueue_dma source(%dma_start3A_25 : memref<128x128xf32, #tpu.memory_space<hbm>>) target(%dma_start3A_22 : memref<128x128xf32, #tpu.memory_space<vmem>>) target_semaphore(%dma_start3A_18 : memref<!tpu.dma_semaphore, #tpu.memory_space<semaphore_mem>>)
    %add3A_26 = arith.constant 128 : i32
    %add3A_27 = arith.addi %mul3A_6, %add3A_26 : i32
    %dma_start3A_28 = arith.constant 1 : i32
    %dma_start3A_29 = arith.constant 1 : i32
    %dma_start3A_30 = arith.constant 0 : i32
    %dma_start3A_31 = arith.constant 0 : i32
    %dma_start3A_32 = tpu.memref_slice %arg7[%dma_start3A_28, %dma_start3A_30, %dma_start3A_31] : memref<2x128x128xf32, #tpu.memory_space<vmem>> -> memref<1x128x128xf32, #tpu.memory_space<vmem>>
    %dma_start3A_33 = tpu.memref_squeeze %dma_start3A_32 : memref<1x128x128xf32, #tpu.memory_space<vmem>> -> memref<128x128xf32, #tpu.memory_space<vmem>>
    %dma_start3A_34 = arith.constant 0 : i32
    %dma_start3A_35 = tpu.memref_slice %arg2[%arg0, %add3A_27, %dma_start3A_34] : memref<2x10240x128xf32, #tpu.memory_space<hbm>> -> memref<1x128x128xf32, #tpu.memory_space<hbm>>
    %dma_start3A_36 = tpu.memref_squeeze %dma_start3A_35 : memref<1x128x128xf32, #tpu.memory_space<hbm>> -> memref<128x128xf32, #tpu.memory_space<hbm>>
    %dma_start3A_37 = tpu.memref_slice %arg9[%dma_start3A_29] : memref<2x!tpu.dma_semaphore, #tpu.memory_space<semaphore_mem>> -> memref<1x!tpu.dma_semaphore, #tpu.memory_space<semaphore_mem>>
    %dma_start3A_38 = tpu.memref_squeeze %dma_start3A_37 : memref<1x!tpu.dma_semaphore, #tpu.memory_space<semaphore_mem>> -> memref<!tpu.dma_semaphore, #tpu.memory_space<semaphore_mem>>
    %dma_start3A_39 = arith.constant 0 : i32
    %dma_start3A_40 = arith.constant 0 : i32
    %dma_start3A_41 = tpu.memref_slice %arg7[%dma_start3A_28, %dma_start3A_39, %dma_start3A_40] : memref<2x128x128xf32, #tpu.memory_space<vmem>> -> memref<1x128x128xf32, #tpu.memory_space<vmem>>
    %dma_start3A_42 = tpu.memref_squeeze %dma_start3A_41 : memref<1x128x128xf32, #tpu.memory_space<vmem>> -> memref<128x128xf32, #tpu.memory_space<vmem>>
    %dma_start3A_43 = arith.constant 0 : i32
    %dma_start3A_44 = tpu.memref_slice %arg2[%arg0, %add3A_27, %dma_start3A_43] : memref<2x10240x128xf32, #tpu.memory_space<hbm>> -> memref<1x128x128xf32, #tpu.memory_space<hbm>>
    %dma_start3A_45 = tpu.memref_squeeze %dma_start3A_44 : memref<1x128x128xf32, #tpu.memory_space<hbm>> -> memref<128x128xf32, #tpu.memory_space<hbm>>
    tpu.enqueue_dma source(%dma_start3A_45 : memref<128x128xf32, #tpu.memory_space<hbm>>) target(%dma_start3A_42 : memref<128x128xf32, #tpu.memory_space<vmem>>) target_semaphore(%dma_start3A_38 : memref<!tpu.dma_semaphore, #tpu.memory_space<semaphore_mem>>)
    %add3A_46 = arith.constant 0 : i32
    %add3A_47 = arith.addi %mul3A_6, %add3A_46 : i32
    %dma_wait3A = arith.constant 0 : i32
    %dma_wait3A_48 = arith.constant 0 : i32
    %dma_wait3A_49 = arith.constant 0 : i32
    %dma_wait3A_50 = arith.constant 0 : i32
    %dma_wait3A_51 = arith.constant 0 : i32
    %dma_wait3A_52 = tpu.memref_slice %arg7[%dma_wait3A_48, %dma_wait3A_50, %dma_wait3A_51] : memref<2x128x128xf32, #tpu.memory_space<vmem>> -> memref<1x128x128xf32, #tpu.memory_space<vmem>>
    %dma_wait3A_53 = tpu.memref_squeeze %dma_wait3A_52 : memref<1x128x128xf32, #tpu.memory_space<vmem>> -> memref<128x128xf32, #tpu.memory_space<vmem>>
    %dma_wait3A_54 = arith.constant 0 : i32
    %dma_wait3A_55 = arith.constant 0 : i32
    %dma_wait3A_56 = tpu.memref_slice %arg2[%dma_wait3A, %dma_wait3A_54, %dma_wait3A_55] : memref<2x10240x128xf32, #tpu.memory_space<hbm>> -> memref<1x128x128xf32, #tpu.memory_space<hbm>>
    %dma_wait3A_57 = tpu.memref_squeeze %dma_wait3A_56 : memref<1x128x128xf32, #tpu.memory_space<hbm>> -> memref<128x128xf32, #tpu.memory_space<hbm>>
    %dma_wait3A_58 = tpu.memref_slice %arg9[%dma_wait3A_49] : memref<2x!tpu.dma_semaphore, #tpu.memory_space<semaphore_mem>> -> memref<1x!tpu.dma_semaphore, #tpu.memory_space<semaphore_mem>>
    %dma_wait3A_59 = tpu.memref_squeeze %dma_wait3A_58 : memref<1x!tpu.dma_semaphore, #tpu.memory_space<semaphore_mem>> -> memref<!tpu.dma_semaphore, #tpu.memory_space<semaphore_mem>>
    %dma_wait3A_60 = arith.constant 0 : i32
    %dma_wait3A_61 = arith.constant 0 : i32
    %dma_wait3A_62 = tpu.memref_slice %arg7[%dma_wait3A_48, %dma_wait3A_60, %dma_wait3A_61] : memref<2x128x128xf32, #tpu.memory_space<vmem>> -> memref<1x128x128xf32, #tpu.memory_space<vmem>>
    %dma_wait3A_63 = tpu.memref_squeeze %dma_wait3A_62 : memref<1x128x128xf32, #tpu.memory_space<vmem>> -> memref<128x128xf32, #tpu.memory_space<vmem>>
    %dma_wait3A_64 = arith.constant 0 : i32
    %dma_wait3A_65 = arith.constant 0 : i32
    %dma_wait3A_66 = tpu.memref_slice %arg2[%dma_wait3A, %dma_wait3A_64, %dma_wait3A_65] : memref<2x10240x128xf32, #tpu.memory_space<hbm>> -> memref<1x128x128xf32, #tpu.memory_space<hbm>>
    %dma_wait3A_67 = tpu.memref_squeeze %dma_wait3A_66 : memref<1x128x128xf32, #tpu.memory_space<hbm>> -> memref<128x128xf32, #tpu.memory_space<hbm>>
    tpu.wait_dma2 semaphore(%dma_wait3A_59 : memref<!tpu.dma_semaphore, #tpu.memory_space<semaphore_mem>>) src(%dma_wait3A_67 : memref<128x128xf32, #tpu.memory_space<hbm>>) dst(%dma_wait3A_63 : memref<128x128xf32, #tpu.memory_space<vmem>>)
    %run_scoped3A = arith.constant 0 : i32
    "tpu.region"() ({
      %run_scoped3A_440 = tpu.sem_alloc : memref<!tpu.dma_semaphore, #tpu.memory_space<semaphore_mem>>
      %dma_start3A_441 = arith.constant 0 : i32
      %dma_start3A_442 = arith.constant 0 : i32
      %dma_start3A_443 = tpu.memref_slice %arg7[%run_scoped3A, %dma_start3A_441, %dma_start3A_442] : memref<2x128x128xf32, #tpu.memory_space<vmem>> -> memref<1x128x128xf32, #tpu.memory_space<vmem>>
      %dma_start3A_444 = tpu.memref_squeeze %dma_start3A_443 : memref<1x128x128xf32, #tpu.memory_space<vmem>> -> memref<128x128xf32, #tpu.memory_space<vmem>>
      %dma_start3A_445 = arith.constant 0 : i32
      %dma_start3A_446 = tpu.memref_slice %arg8[%add3A_47, %dma_start3A_445] : memref<10240x128xf32, #tpu.memory_space<vmem_shared>> -> memref<128x128xf32, #tpu.memory_space<vmem_shared>>
      %dma_start3A_447 = arith.constant 0 : i32
      %dma_start3A_448 = tpu.memref_slice %arg8[%add3A_47, %dma_start3A_447] : memref<10240x128xf32, #tpu.memory_space<vmem_shared>> -> memref<128x128xf32, #tpu.memory_space<vmem_shared>>
      %dma_start3A_449 = arith.constant 0 : i32
      %dma_start3A_450 = arith.constant 0 : i32
      %dma_start3A_451 = tpu.memref_slice %arg7[%run_scoped3A, %dma_start3A_449, %dma_start3A_450] : memref<2x128x128xf32, #tpu.memory_space<vmem>> -> memref<1x128x128xf32, #tpu.memory_space<vmem>>
      %dma_start3A_452 = tpu.memref_squeeze %dma_start3A_451 : memref<1x128x128xf32, #tpu.memory_space<vmem>> -> memref<128x128xf32, #tpu.memory_space<vmem>>
      tpu.enqueue_dma source(%dma_start3A_452 : memref<128x128xf32, #tpu.memory_space<vmem>>) target(%dma_start3A_448 : memref<128x128xf32, #tpu.memory_space<vmem_shared>>) target_semaphore(%run_scoped3A_440 : memref<!tpu.dma_semaphore, #tpu.memory_space<semaphore_mem>>)
      %dma_wait3A_453 = arith.constant 0 : i32
      %dma_wait3A_454 = arith.constant 0 : i32
      %dma_wait3A_455 = tpu.memref_slice %arg7[%run_scoped3A, %dma_wait3A_453, %dma_wait3A_454] : memref<2x128x128xf32, #tpu.memory_space<vmem>> -> memref<1x128x128xf32, #tpu.memory_space<vmem>>
      %dma_wait3A_456 = tpu.memref_squeeze %dma_wait3A_455 : memref<1x128x128xf32, #tpu.memory_space<vmem>> -> memref<128x128xf32, #tpu.memory_space<vmem>>
      %dma_wait3A_457 = arith.constant 0 : i32
      %dma_wait3A_458 = tpu.memref_slice %arg8[%add3A_47, %dma_wait3A_457] : memref<10240x128xf32, #tpu.memory_space<vmem_shared>> -> memref<128x128xf32, #tpu.memory_space<vmem_shared>>
      %dma_wait3A_459 = arith.constant 0 : i32
      %dma_wait3A_460 = tpu.memref_slice %arg8[%add3A_47, %dma_wait3A_459] : memref<10240x128xf32, #tpu.memory_space<vmem_shared>> -> memref<128x128xf32, #tpu.memory_space<vmem_shared>>
      %dma_wait3A_461 = arith.constant 0 : i32
      %dma_wait3A_462 = arith.constant 0 : i32
      %dma_wait3A_463 = tpu.memref_slice %arg7[%run_scoped3A, %dma_wait3A_461, %dma_wait3A_462] : memref<2x128x128xf32, #tpu.memory_space<vmem>> -> memref<1x128x128xf32, #tpu.memory_space<vmem>>
      %dma_wait3A_464 = tpu.memref_squeeze %dma_wait3A_463 : memref<1x128x128xf32, #tpu.memory_space<vmem>> -> memref<128x128xf32, #tpu.memory_space<vmem>>
      tpu.wait_dma2 semaphore(%run_scoped3A_440 : memref<!tpu.dma_semaphore, #tpu.memory_space<semaphore_mem>>) src(%dma_wait3A_464 : memref<128x128xf32, #tpu.memory_space<vmem>>) dst(%dma_wait3A_460 : memref<128x128xf32, #tpu.memory_space<vmem_shared>>)
      tpu.yield
    }) : () -> ()
    %add3A_68 = arith.constant 256 : i32
    %add3A_69 = arith.addi %mul3A_6, %add3A_68 : i32
    %dma_start3A_70 = arith.constant 0 : i32
    %dma_start3A_71 = arith.constant 0 : i32
    %dma_start3A_72 = arith.constant 0 : i32
    %dma_start3A_73 = arith.constant 0 : i32
    %dma_start3A_74 = tpu.memref_slice %arg7[%dma_start3A_70, %dma_start3A_72, %dma_start3A_73] : memref<2x128x128xf32, #tpu.memory_space<vmem>> -> memref<1x128x128xf32, #tpu.memory_space<vmem>>
    %dma_start3A_75 = tpu.memref_squeeze %dma_start3A_74 : memref<1x128x128xf32, #tpu.memory_space<vmem>> -> memref<128x128xf32, #tpu.memory_space<vmem>>
    %dma_start3A_76 = arith.constant 0 : i32
    %dma_start3A_77 = tpu.memref_slice %arg2[%arg0, %add3A_69, %dma_start3A_76] : memref<2x10240x128xf32, #tpu.memory_space<hbm>> -> memref<1x128x128xf32, #tpu.memory_space<hbm>>
    %dma_start3A_78 = tpu.memref_squeeze %dma_start3A_77 : memref<1x128x128xf32, #tpu.memory_space<hbm>> -> memref<128x128xf32, #tpu.memory_space<hbm>>
    %dma_start3A_79 = tpu.memref_slice %arg9[%dma_start3A_71] : memref<2x!tpu.dma_semaphore, #tpu.memory_space<semaphore_mem>> -> memref<1x!tpu.dma_semaphore, #tpu.memory_space<semaphore_mem>>
    %dma_start3A_80 = tpu.memref_squeeze %dma_start3A_79 : memref<1x!tpu.dma_semaphore, #tpu.memory_space<semaphore_mem>> -> memref<!tpu.dma_semaphore, #tpu.memory_space<semaphore_mem>>
    %dma_start3A_81 = arith.constant 0 : i32
    %dma_start3A_82 = arith.constant 0 : i32
    %dma_start3A_83 = tpu.memref_slice %arg7[%dma_start3A_70, %dma_start3A_81, %dma_start3A_82] : memref<2x128x128xf32, #tpu.memory_space<vmem>> -> memref<1x128x128xf32, #tpu.memory_space<vmem>>
    %dma_start3A_84 = tpu.memref_squeeze %dma_start3A_83 : memref<1x128x128xf32, #tpu.memory_space<vmem>> -> memref<128x128xf32, #tpu.memory_space<vmem>>
    %dma_start3A_85 = arith.constant 0 : i32
    %dma_start3A_86 = tpu.memref_slice %arg2[%arg0, %add3A_69, %dma_start3A_85] : memref<2x10240x128xf32, #tpu.memory_space<hbm>> -> memref<1x128x128xf32, #tpu.memory_space<hbm>>
    %dma_start3A_87 = tpu.memref_squeeze %dma_start3A_86 : memref<1x128x128xf32, #tpu.memory_space<hbm>> -> memref<128x128xf32, #tpu.memory_space<hbm>>
    tpu.enqueue_dma source(%dma_start3A_87 : memref<128x128xf32, #tpu.memory_space<hbm>>) target(%dma_start3A_84 : memref<128x128xf32, #tpu.memory_space<vmem>>) target_semaphore(%dma_start3A_80 : memref<!tpu.dma_semaphore, #tpu.memory_space<semaphore_mem>>)
    %add3A_88 = arith.constant 128 : i32
    %add3A_89 = arith.addi %mul3A_6, %add3A_88 : i32
    %dma_wait3A_90 = arith.constant 0 : i32
    %dma_wait3A_91 = arith.constant 1 : i32
    %dma_wait3A_92 = arith.constant 1 : i32
    %dma_wait3A_93 = arith.constant 0 : i32
    %dma_wait3A_94 = arith.constant 0 : i32
    %dma_wait3A_95 = tpu.memref_slice %arg7[%dma_wait3A_91, %dma_wait3A_93, %dma_wait3A_94] : memref<2x128x128xf32, #tpu.memory_space<vmem>> -> memref<1x128x128xf32, #tpu.memory_space<vmem>>
    %dma_wait3A_96 = tpu.memref_squeeze %dma_wait3A_95 : memref<1x128x128xf32, #tpu.memory_space<vmem>> -> memref<128x128xf32, #tpu.memory_space<vmem>>
    %dma_wait3A_97 = arith.constant 0 : i32
    %dma_wait3A_98 = arith.constant 0 : i32
    %dma_wait3A_99 = tpu.memref_slice %arg2[%dma_wait3A_90, %dma_wait3A_97, %dma_wait3A_98] : memref<2x10240x128xf32, #tpu.memory_space<hbm>> -> memref<1x128x128xf32, #tpu.memory_space<hbm>>
    %dma_wait3A_100 = tpu.memref_squeeze %dma_wait3A_99 : memref<1x128x128xf32, #tpu.memory_space<hbm>> -> memref<128x128xf32, #tpu.memory_space<hbm>>
    %dma_wait3A_101 = tpu.memref_slice %arg9[%dma_wait3A_92] : memref<2x!tpu.dma_semaphore, #tpu.memory_space<semaphore_mem>> -> memref<1x!tpu.dma_semaphore, #tpu.memory_space<semaphore_mem>>
    %dma_wait3A_102 = tpu.memref_squeeze %dma_wait3A_101 : memref<1x!tpu.dma_semaphore, #tpu.memory_space<semaphore_mem>> -> memref<!tpu.dma_semaphore, #tpu.memory_space<semaphore_mem>>
    %dma_wait3A_103 = arith.constant 0 : i32
    %dma_wait3A_104 = arith.constant 0 : i32
    %dma_wait3A_105 = tpu.memref_slice %arg7[%dma_wait3A_91, %dma_wait3A_103, %dma_wait3A_104] : memref<2x128x128xf32, #tpu.memory_space<vmem>> -> memref<1x128x128xf32, #tpu.memory_space<vmem>>
    %dma_wait3A_106 = tpu.memref_squeeze %dma_wait3A_105 : memref<1x128x128xf32, #tpu.memory_space<vmem>> -> memref<128x128xf32, #tpu.memory_space<vmem>>
    %dma_wait3A_107 = arith.constant 0 : i32
    %dma_wait3A_108 = arith.constant 0 : i32
    %dma_wait3A_109 = tpu.memref_slice %arg2[%dma_wait3A_90, %dma_wait3A_107, %dma_wait3A_108] : memref<2x10240x128xf32, #tpu.memory_space<hbm>> -> memref<1x128x128xf32, #tpu.memory_space<hbm>>
    %dma_wait3A_110 = tpu.memref_squeeze %dma_wait3A_109 : memref<1x128x128xf32, #tpu.memory_space<hbm>> -> memref<128x128xf32, #tpu.memory_space<hbm>>
    tpu.wait_dma2 semaphore(%dma_wait3A_102 : memref<!tpu.dma_semaphore, #tpu.memory_space<semaphore_mem>>) src(%dma_wait3A_110 : memref<128x128xf32, #tpu.memory_space<hbm>>) dst(%dma_wait3A_106 : memref<128x128xf32, #tpu.memory_space<vmem>>)
    %run_scoped3A_111 = arith.constant 1 : i32
    "tpu.region"() ({
      %run_scoped3A_440 = tpu.sem_alloc : memref<!tpu.dma_semaphore, #tpu.memory_space<semaphore_mem>>
      %dma_start3A_441 = arith.constant 0 : i32
      %dma_start3A_442 = arith.constant 0 : i32
      %dma_start3A_443 = tpu.memref_slice %arg7[%run_scoped3A_111, %dma_start3A_441, %dma_start3A_442] : memref<2x128x128xf32, #tpu.memory_space<vmem>> -> memref<1x128x128xf32, #tpu.memory_space<vmem>>
      %dma_start3A_444 = tpu.memref_squeeze %dma_start3A_443 : memref<1x128x128xf32, #tpu.memory_space<vmem>> -> memref<128x128xf32, #tpu.memory_space<vmem>>
      %dma_start3A_445 = arith.constant 0 : i32
      %dma_start3A_446 = tpu.memref_slice %arg8[%add3A_89, %dma_start3A_445] : memref<10240x128xf32, #tpu.memory_space<vmem_shared>> -> memref<128x128xf32, #tpu.memory_space<vmem_shared>>
      %dma_start3A_447 = arith.constant 0 : i32
      %dma_start3A_448 = tpu.memref_slice %arg8[%add3A_89, %dma_start3A_447] : memref<10240x128xf32, #tpu.memory_space<vmem_shared>> -> memref<128x128xf32, #tpu.memory_space<vmem_shared>>
      %dma_start3A_449 = arith.constant 0 : i32
      %dma_start3A_450 = arith.constant 0 : i32
      %dma_start3A_451 = tpu.memref_slice %arg7[%run_scoped3A_111, %dma_start3A_449, %dma_start3A_450] : memref<2x128x128xf32, #tpu.memory_space<vmem>> -> memref<1x128x128xf32, #tpu.memory_space<vmem>>
      %dma_start3A_452 = tpu.memref_squeeze %dma_start3A_451 : memref<1x128x128xf32, #tpu.memory_space<vmem>> -> memref<128x128xf32, #tpu.memory_space<vmem>>
      tpu.enqueue_dma source(%dma_start3A_452 : memref<128x128xf32, #tpu.memory_space<vmem>>) target(%dma_start3A_448 : memref<128x128xf32, #tpu.memory_space<vmem_shared>>) target_semaphore(%run_scoped3A_440 : memref<!tpu.dma_semaphore, #tpu.memory_space<semaphore_mem>>)
      %dma_wait3A_453 = arith.constant 0 : i32
      %dma_wait3A_454 = arith.constant 0 : i32
      %dma_wait3A_455 = tpu.memref_slice %arg7[%run_scoped3A_111, %dma_wait3A_453, %dma_wait3A_454] : memref<2x128x128xf32, #tpu.memory_space<vmem>> -> memref<1x128x128xf32, #tpu.memory_space<vmem>>
      %dma_wait3A_456 = tpu.memref_squeeze %dma_wait3A_455 : memref<1x128x128xf32, #tpu.memory_space<vmem>> -> memref<128x128xf32, #tpu.memory_space<vmem>>
      %dma_wait3A_457 = arith.constant 0 : i32
      %dma_wait3A_458 = tpu.memref_slice %arg8[%add3A_89, %dma_wait3A_457] : memref<10240x128xf32, #tpu.memory_space<vmem_shared>> -> memref<128x128xf32, #tpu.memory_space<vmem_shared>>
      %dma_wait3A_459 = arith.constant 0 : i32
      %dma_wait3A_460 = tpu.memref_slice %arg8[%add3A_89, %dma_wait3A_459] : memref<10240x128xf32, #tpu.memory_space<vmem_shared>> -> memref<128x128xf32, #tpu.memory_space<vmem_shared>>
      %dma_wait3A_461 = arith.constant 0 : i32
      %dma_wait3A_462 = arith.constant 0 : i32
      %dma_wait3A_463 = tpu.memref_slice %arg7[%run_scoped3A_111, %dma_wait3A_461, %dma_wait3A_462] : memref<2x128x128xf32, #tpu.memory_space<vmem>> -> memref<1x128x128xf32, #tpu.memory_space<vmem>>
      %dma_wait3A_464 = tpu.memref_squeeze %dma_wait3A_463 : memref<1x128x128xf32, #tpu.memory_space<vmem>> -> memref<128x128xf32, #tpu.memory_space<vmem>>
      tpu.wait_dma2 semaphore(%run_scoped3A_440 : memref<!tpu.dma_semaphore, #tpu.memory_space<semaphore_mem>>) src(%dma_wait3A_464 : memref<128x128xf32, #tpu.memory_space<vmem>>) dst(%dma_wait3A_460 : memref<128x128xf32, #tpu.memory_space<vmem_shared>>)
      tpu.yield
    }) : () -> ()
    %add3A_112 = arith.constant 384 : i32
    %add3A_113 = arith.addi %mul3A_6, %add3A_112 : i32
    %dma_start3A_114 = arith.constant 1 : i32
    %dma_start3A_115 = arith.constant 1 : i32
    %dma_start3A_116 = arith.constant 0 : i32
    %dma_start3A_117 = arith.constant 0 : i32
    %dma_start3A_118 = tpu.memref_slice %arg7[%dma_start3A_114, %dma_start3A_116, %dma_start3A_117] : memref<2x128x128xf32, #tpu.memory_space<vmem>> -> memref<1x128x128xf32, #tpu.memory_space<vmem>>
    %dma_start3A_119 = tpu.memref_squeeze %dma_start3A_118 : memref<1x128x128xf32, #tpu.memory_space<vmem>> -> memref<128x128xf32, #tpu.memory_space<vmem>>
    %dma_start3A_120 = arith.constant 0 : i32
    %dma_start3A_121 = tpu.memref_slice %arg2[%arg0, %add3A_113, %dma_start3A_120] : memref<2x10240x128xf32, #tpu.memory_space<hbm>> -> memref<1x128x128xf32, #tpu.memory_space<hbm>>
    %dma_start3A_122 = tpu.memref_squeeze %dma_start3A_121 : memref<1x128x128xf32, #tpu.memory_space<hbm>> -> memref<128x128xf32, #tpu.memory_space<hbm>>
    %dma_start3A_123 = tpu.memref_slice %arg9[%dma_start3A_115] : memref<2x!tpu.dma_semaphore, #tpu.memory_space<semaphore_mem>> -> memref<1x!tpu.dma_semaphore, #tpu.memory_space<semaphore_mem>>
    %dma_start3A_124 = tpu.memref_squeeze %dma_start3A_123 : memref<1x!tpu.dma_semaphore, #tpu.memory_space<semaphore_mem>> -> memref<!tpu.dma_semaphore, #tpu.memory_space<semaphore_mem>>
    %dma_start3A_125 = arith.constant 0 : i32
    %dma_start3A_126 = arith.constant 0 : i32
    %dma_start3A_127 = tpu.memref_slice %arg7[%dma_start3A_114, %dma_start3A_125, %dma_start3A_126] : memref<2x128x128xf32, #tpu.memory_space<vmem>> -> memref<1x128x128xf32, #tpu.memory_space<vmem>>
    %dma_start3A_128 = tpu.memref_squeeze %dma_start3A_127 : memref<1x128x128xf32, #tpu.memory_space<vmem>> -> memref<128x128xf32, #tpu.memory_space<vmem>>
    %dma_start3A_129 = arith.constant 0 : i32
    %dma_start3A_130 = tpu.memref_slice %arg2[%arg0, %add3A_113, %dma_start3A_129] : memref<2x10240x128xf32, #tpu.memory_space<hbm>> -> memref<1x128x128xf32, #tpu.memory_space<hbm>>
    %dma_start3A_131 = tpu.memref_squeeze %dma_start3A_130 : memref<1x128x128xf32, #tpu.memory_space<hbm>> -> memref<128x128xf32, #tpu.memory_space<hbm>>
    tpu.enqueue_dma source(%dma_start3A_131 : memref<128x128xf32, #tpu.memory_space<hbm>>) target(%dma_start3A_128 : memref<128x128xf32, #tpu.memory_space<vmem>>) target_semaphore(%dma_start3A_124 : memref<!tpu.dma_semaphore, #tpu.memory_space<semaphore_mem>>)
    %add3A_132 = arith.constant 256 : i32
    %add3A_133 = arith.addi %mul3A_6, %add3A_132 : i32
    %dma_wait3A_134 = arith.constant 0 : i32
    %dma_wait3A_135 = arith.constant 0 : i32
    %dma_wait3A_136 = arith.constant 0 : i32
    %dma_wait3A_137 = arith.constant 0 : i32
    %dma_wait3A_138 = arith.constant 0 : i32
    %dma_wait3A_139 = tpu.memref_slice %arg7[%dma_wait3A_135, %dma_wait3A_137, %dma_wait3A_138] : memref<2x128x128xf32, #tpu.memory_space<vmem>> -> memref<1x128x128xf32, #tpu.memory_space<vmem>>
    %dma_wait3A_140 = tpu.memref_squeeze %dma_wait3A_139 : memref<1x128x128xf32, #tpu.memory_space<vmem>> -> memref<128x128xf32, #tpu.memory_space<vmem>>
    %dma_wait3A_141 = arith.constant 0 : i32
    %dma_wait3A_142 = arith.constant 0 : i32
    %dma_wait3A_143 = tpu.memref_slice %arg2[%dma_wait3A_134, %dma_wait3A_141, %dma_wait3A_142] : memref<2x10240x128xf32, #tpu.memory_space<hbm>> -> memref<1x128x128xf32, #tpu.memory_space<hbm>>
    %dma_wait3A_144 = tpu.memref_squeeze %dma_wait3A_143 : memref<1x128x128xf32, #tpu.memory_space<hbm>> -> memref<128x128xf32, #tpu.memory_space<hbm>>
    %dma_wait3A_145 = tpu.memref_slice %arg9[%dma_wait3A_136] : memref<2x!tpu.dma_semaphore, #tpu.memory_space<semaphore_mem>> -> memref<1x!tpu.dma_semaphore, #tpu.memory_space<semaphore_mem>>
    %dma_wait3A_146 = tpu.memref_squeeze %dma_wait3A_145 : memref<1x!tpu.dma_semaphore, #tpu.memory_space<semaphore_mem>> -> memref<!tpu.dma_semaphore, #tpu.memory_space<semaphore_mem>>
    %dma_wait3A_147 = arith.constant 0 : i32
    %dma_wait3A_148 = arith.constant 0 : i32
    %dma_wait3A_149 = tpu.memref_slice %arg7[%dma_wait3A_135, %dma_wait3A_147, %dma_wait3A_148] : memref<2x128x128xf32, #tpu.memory_space<vmem>> -> memref<1x128x128xf32, #tpu.memory_space<vmem>>
    %dma_wait3A_150 = tpu.memref_squeeze %dma_wait3A_149 : memref<1x128x128xf32, #tpu.memory_space<vmem>> -> memref<128x128xf32, #tpu.memory_space<vmem>>
    %dma_wait3A_151 = arith.constant 0 : i32
    %dma_wait3A_152 = arith.constant 0 : i32
    %dma_wait3A_153 = tpu.memref_slice %arg2[%dma_wait3A_134, %dma_wait3A_151, %dma_wait3A_152] : memref<2x10240x128xf32, #tpu.memory_space<hbm>> -> memref<1x128x128xf32, #tpu.memory_space<hbm>>
    %dma_wait3A_154 = tpu.memref_squeeze %dma_wait3A_153 : memref<1x128x128xf32, #tpu.memory_space<hbm>> -> memref<128x128xf32, #tpu.memory_space<hbm>>
    tpu.wait_dma2 semaphore(%dma_wait3A_146 : memref<!tpu.dma_semaphore, #tpu.memory_space<semaphore_mem>>) src(%dma_wait3A_154 : memref<128x128xf32, #tpu.memory_space<hbm>>) dst(%dma_wait3A_150 : memref<128x128xf32, #tpu.memory_space<vmem>>)
    %run_scoped3A_155 = arith.constant 0 : i32
    "tpu.region"() ({
      %run_scoped3A_440 = tpu.sem_alloc : memref<!tpu.dma_semaphore, #tpu.memory_space<semaphore_mem>>
      %dma_start3A_441 = arith.constant 0 : i32
      %dma_start3A_442 = arith.constant 0 : i32
      %dma_start3A_443 = tpu.memref_slice %arg7[%run_scoped3A_155, %dma_start3A_441, %dma_start3A_442] : memref<2x128x128xf32, #tpu.memory_space<vmem>> -> memref<1x128x128xf32, #tpu.memory_space<vmem>>
      %dma_start3A_444 = tpu.memref_squeeze %dma_start3A_443 : memref<1x128x128xf32, #tpu.memory_space<vmem>> -> memref<128x128xf32, #tpu.memory_space<vmem>>
      %dma_start3A_445 = arith.constant 0 : i32
      %dma_start3A_446 = tpu.memref_slice %arg8[%add3A_133, %dma_start3A_445] : memref<10240x128xf32, #tpu.memory_space<vmem_shared>> -> memref<128x128xf32, #tpu.memory_space<vmem_shared>>
      %dma_start3A_447 = arith.constant 0 : i32
      %dma_start3A_448 = tpu.memref_slice %arg8[%add3A_133, %dma_start3A_447] : memref<10240x128xf32, #tpu.memory_space<vmem_shared>> -> memref<128x128xf32, #tpu.memory_space<vmem_shared>>
      %dma_start3A_449 = arith.constant 0 : i32
      %dma_start3A_450 = arith.constant 0 : i32
      %dma_start3A_451 = tpu.memref_slice %arg7[%run_scoped3A_155, %dma_start3A_449, %dma_start3A_450] : memref<2x128x128xf32, #tpu.memory_space<vmem>> -> memref<1x128x128xf32, #tpu.memory_space<vmem>>
      %dma_start3A_452 = tpu.memref_squeeze %dma_start3A_451 : memref<1x128x128xf32, #tpu.memory_space<vmem>> -> memref<128x128xf32, #tpu.memory_space<vmem>>
      tpu.enqueue_dma source(%dma_start3A_452 : memref<128x128xf32, #tpu.memory_space<vmem>>) target(%dma_start3A_448 : memref<128x128xf32, #tpu.memory_space<vmem_shared>>) target_semaphore(%run_scoped3A_440 : memref<!tpu.dma_semaphore, #tpu.memory_space<semaphore_mem>>)
      %dma_wait3A_453 = arith.constant 0 : i32
      %dma_wait3A_454 = arith.constant 0 : i32
      %dma_wait3A_455 = tpu.memref_slice %arg7[%run_scoped3A_155, %dma_wait3A_453, %dma_wait3A_454] : memref<2x128x128xf32, #tpu.memory_space<vmem>> -> memref<1x128x128xf32, #tpu.memory_space<vmem>>
      %dma_wait3A_456 = tpu.memref_squeeze %dma_wait3A_455 : memref<1x128x128xf32, #tpu.memory_space<vmem>> -> memref<128x128xf32, #tpu.memory_space<vmem>>
      %dma_wait3A_457 = arith.constant 0 : i32
      %dma_wait3A_458 = tpu.memref_slice %arg8[%add3A_133, %dma_wait3A_457] : memref<10240x128xf32, #tpu.memory_space<vmem_shared>> -> memref<128x128xf32, #tpu.memory_space<vmem_shared>>
      %dma_wait3A_459 = arith.constant 0 : i32
      %dma_wait3A_460 = tpu.memref_slice %arg8[%add3A_133, %dma_wait3A_459] : memref<10240x128xf32, #tpu.memory_space<vmem_shared>> -> memref<128x128xf32, #tpu.memory_space<vmem_shared>>
      %dma_wait3A_461 = arith.constant 0 : i32
      %dma_wait3A_462 = arith.constant 0 : i32
      %dma_wait3A_463 = tpu.memref_slice %arg7[%run_scoped3A_155, %dma_wait3A_461, %dma_wait3A_462] : memref<2x128x128xf32, #tpu.memory_space<vmem>> -> memref<1x128x128xf32, #tpu.memory_space<vmem>>
      %dma_wait3A_464 = tpu.memref_squeeze %dma_wait3A_463 : memref<1x128x128xf32, #tpu.memory_space<vmem>> -> memref<128x128xf32, #tpu.memory_space<vmem>>
      tpu.wait_dma2 semaphore(%run_scoped3A_440 : memref<!tpu.dma_semaphore, #tpu.memory_space<semaphore_mem>>) src(%dma_wait3A_464 : memref<128x128xf32, #tpu.memory_space<vmem>>) dst(%dma_wait3A_460 : memref<128x128xf32, #tpu.memory_space<vmem_shared>>)
      tpu.yield
    }) : () -> ()
    %add3A_156 = arith.constant 512 : i32
    %add3A_157 = arith.addi %mul3A_6, %add3A_156 : i32
    %dma_start3A_158 = arith.constant 0 : i32
    %dma_start3A_159 = arith.constant 0 : i32
    %dma_start3A_160 = arith.constant 0 : i32
    %dma_start3A_161 = arith.constant 0 : i32
    %dma_start3A_162 = tpu.memref_slice %arg7[%dma_start3A_158, %dma_start3A_160, %dma_start3A_161] : memref<2x128x128xf32, #tpu.memory_space<vmem>> -> memref<1x128x128xf32, #tpu.memory_space<vmem>>
    %dma_start3A_163 = tpu.memref_squeeze %dma_start3A_162 : memref<1x128x128xf32, #tpu.memory_space<vmem>> -> memref<128x128xf32, #tpu.memory_space<vmem>>
    %dma_start3A_164 = arith.constant 0 : i32
    %dma_start3A_165 = tpu.memref_slice %arg2[%arg0, %add3A_157, %dma_start3A_164] : memref<2x10240x128xf32, #tpu.memory_space<hbm>> -> memref<1x128x128xf32, #tpu.memory_space<hbm>>
    %dma_start3A_166 = tpu.memref_squeeze %dma_start3A_165 : memref<1x128x128xf32, #tpu.memory_space<hbm>> -> memref<128x128xf32, #tpu.memory_space<hbm>>
    %dma_start3A_167 = tpu.memref_slice %arg9[%dma_start3A_159] : memref<2x!tpu.dma_semaphore, #tpu.memory_space<semaphore_mem>> -> memref<1x!tpu.dma_semaphore, #tpu.memory_space<semaphore_mem>>
    %dma_start3A_168 = tpu.memref_squeeze %dma_start3A_167 : memref<1x!tpu.dma_semaphore, #tpu.memory_space<semaphore_mem>> -> memref<!tpu.dma_semaphore, #tpu.memory_space<semaphore_mem>>
    %dma_start3A_169 = arith.constant 0 : i32
    %dma_start3A_170 = arith.constant 0 : i32
    %dma_start3A_171 = tpu.memref_slice %arg7[%dma_start3A_158, %dma_start3A_169, %dma_start3A_170] : memref<2x128x128xf32, #tpu.memory_space<vmem>> -> memref<1x128x128xf32, #tpu.memory_space<vmem>>
    %dma_start3A_172 = tpu.memref_squeeze %dma_start3A_171 : memref<1x128x128xf32, #tpu.memory_space<vmem>> -> memref<128x128xf32, #tpu.memory_space<vmem>>
    %dma_start3A_173 = arith.constant 0 : i32
    %dma_start3A_174 = tpu.memref_slice %arg2[%arg0, %add3A_157, %dma_start3A_173] : memref<2x10240x128xf32, #tpu.memory_space<hbm>> -> memref<1x128x128xf32, #tpu.memory_space<hbm>>
    %dma_start3A_175 = tpu.memref_squeeze %dma_start3A_174 : memref<1x128x128xf32, #tpu.memory_space<hbm>> -> memref<128x128xf32, #tpu.memory_space<hbm>>
    tpu.enqueue_dma source(%dma_start3A_175 : memref<128x128xf32, #tpu.memory_space<hbm>>) target(%dma_start3A_172 : memref<128x128xf32, #tpu.memory_space<vmem>>) target_semaphore(%dma_start3A_168 : memref<!tpu.dma_semaphore, #tpu.memory_space<semaphore_mem>>)
    %add3A_176 = arith.constant 384 : i32
    %add3A_177 = arith.addi %mul3A_6, %add3A_176 : i32
    %dma_wait3A_178 = arith.constant 0 : i32
    %dma_wait3A_179 = arith.constant 1 : i32
    %dma_wait3A_180 = arith.constant 1 : i32
    %dma_wait3A_181 = arith.constant 0 : i32
    %dma_wait3A_182 = arith.constant 0 : i32
    %dma_wait3A_183 = tpu.memref_slice %arg7[%dma_wait3A_179, %dma_wait3A_181, %dma_wait3A_182] : memref<2x128x128xf32, #tpu.memory_space<vmem>> -> memref<1x128x128xf32, #tpu.memory_space<vmem>>
    %dma_wait3A_184 = tpu.memref_squeeze %dma_wait3A_183 : memref<1x128x128xf32, #tpu.memory_space<vmem>> -> memref<128x128xf32, #tpu.memory_space<vmem>>
    %dma_wait3A_185 = arith.constant 0 : i32
    %dma_wait3A_186 = arith.constant 0 : i32
    %dma_wait3A_187 = tpu.memref_slice %arg2[%dma_wait3A_178, %dma_wait3A_185, %dma_wait3A_186] : memref<2x10240x128xf32, #tpu.memory_space<hbm>> -> memref<1x128x128xf32, #tpu.memory_space<hbm>>
    %dma_wait3A_188 = tpu.memref_squeeze %dma_wait3A_187 : memref<1x128x128xf32, #tpu.memory_space<hbm>> -> memref<128x128xf32, #tpu.memory_space<hbm>>
    %dma_wait3A_189 = tpu.memref_slice %arg9[%dma_wait3A_180] : memref<2x!tpu.dma_semaphore, #tpu.memory_space<semaphore_mem>> -> memref<1x!tpu.dma_semaphore, #tpu.memory_space<semaphore_mem>>
    %dma_wait3A_190 = tpu.memref_squeeze %dma_wait3A_189 : memref<1x!tpu.dma_semaphore, #tpu.memory_space<semaphore_mem>> -> memref<!tpu.dma_semaphore, #tpu.memory_space<semaphore_mem>>
    %dma_wait3A_191 = arith.constant 0 : i32
    %dma_wait3A_192 = arith.constant 0 : i32
    %dma_wait3A_193 = tpu.memref_slice %arg7[%dma_wait3A_179, %dma_wait3A_191, %dma_wait3A_192] : memref<2x128x128xf32, #tpu.memory_space<vmem>> -> memref<1x128x128xf32, #tpu.memory_space<vmem>>
    %dma_wait3A_194 = tpu.memref_squeeze %dma_wait3A_193 : memref<1x128x128xf32, #tpu.memory_space<vmem>> -> memref<128x128xf32, #tpu.memory_space<vmem>>
    %dma_wait3A_195 = arith.constant 0 : i32
    %dma_wait3A_196 = arith.constant 0 : i32
    %dma_wait3A_197 = tpu.memref_slice %arg2[%dma_wait3A_178, %dma_wait3A_195, %dma_wait3A_196] : memref<2x10240x128xf32, #tpu.memory_space<hbm>> -> memref<1x128x128xf32, #tpu.memory_space<hbm>>
    %dma_wait3A_198 = tpu.memref_squeeze %dma_wait3A_197 : memref<1x128x128xf32, #tpu.memory_space<hbm>> -> memref<128x128xf32, #tpu.memory_space<hbm>>
    tpu.wait_dma2 semaphore(%dma_wait3A_190 : memref<!tpu.dma_semaphore, #tpu.memory_space<semaphore_mem>>) src(%dma_wait3A_198 : memref<128x128xf32, #tpu.memory_space<hbm>>) dst(%dma_wait3A_194 : memref<128x128xf32, #tpu.memory_space<vmem>>)
    %run_scoped3A_199 = arith.constant 1 : i32
    "tpu.region"() ({
      %run_scoped3A_440 = tpu.sem_alloc : memref<!tpu.dma_semaphore, #tpu.memory_space<semaphore_mem>>
      %dma_start3A_441 = arith.constant 0 : i32
      %dma_start3A_442 = arith.constant 0 : i32
      %dma_start3A_443 = tpu.memref_slice %arg7[%run_scoped3A_199, %dma_start3A_441, %dma_start3A_442] : memref<2x128x128xf32, #tpu.memory_space<vmem>> -> memref<1x128x128xf32, #tpu.memory_space<vmem>>
      %dma_start3A_444 = tpu.memref_squeeze %dma_start3A_443 : memref<1x128x128xf32, #tpu.memory_space<vmem>> -> memref<128x128xf32, #tpu.memory_space<vmem>>
      %dma_start3A_445 = arith.constant 0 : i32
      %dma_start3A_446 = tpu.memref_slice %arg8[%add3A_177, %dma_start3A_445] : memref<10240x128xf32, #tpu.memory_space<vmem_shared>> -> memref<128x128xf32, #tpu.memory_space<vmem_shared>>
      %dma_start3A_447 = arith.constant 0 : i32
      %dma_start3A_448 = tpu.memref_slice %arg8[%add3A_177, %dma_start3A_447] : memref<10240x128xf32, #tpu.memory_space<vmem_shared>> -> memref<128x128xf32, #tpu.memory_space<vmem_shared>>
      %dma_start3A_449 = arith.constant 0 : i32
      %dma_start3A_450 = arith.constant 0 : i32
      %dma_start3A_451 = tpu.memref_slice %arg7[%run_scoped3A_199, %dma_start3A_449, %dma_start3A_450] : memref<2x128x128xf32, #tpu.memory_space<vmem>> -> memref<1x128x128xf32, #tpu.memory_space<vmem>>
      %dma_start3A_452 = tpu.memref_squeeze %dma_start3A_451 : memref<1x128x128xf32, #tpu.memory_space<vmem>> -> memref<128x128xf32, #tpu.memory_space<vmem>>
      tpu.enqueue_dma source(%dma_start3A_452 : memref<128x128xf32, #tpu.memory_space<vmem>>) target(%dma_start3A_448 : memref<128x128xf32, #tpu.memory_space<vmem_shared>>) target_semaphore(%run_scoped3A_440 : memref<!tpu.dma_semaphore, #tpu.memory_space<semaphore_mem>>)
      %dma_wait3A_453 = arith.constant 0 : i32
      %dma_wait3A_454 = arith.constant 0 : i32
      %dma_wait3A_455 = tpu.memref_slice %arg7[%run_scoped3A_199, %dma_wait3A_453, %dma_wait3A_454] : memref<2x128x128xf32, #tpu.memory_space<vmem>> -> memref<1x128x128xf32, #tpu.memory_space<vmem>>
      %dma_wait3A_456 = tpu.memref_squeeze %dma_wait3A_455 : memref<1x128x128xf32, #tpu.memory_space<vmem>> -> memref<128x128xf32, #tpu.memory_space<vmem>>
      %dma_wait3A_457 = arith.constant 0 : i32
      %dma_wait3A_458 = tpu.memref_slice %arg8[%add3A_177, %dma_wait3A_457] : memref<10240x128xf32, #tpu.memory_space<vmem_shared>> -> memref<128x128xf32, #tpu.memory_space<vmem_shared>>
      %dma_wait3A_459 = arith.constant 0 : i32
      %dma_wait3A_460 = tpu.memref_slice %arg8[%add3A_177, %dma_wait3A_459] : memref<10240x128xf32, #tpu.memory_space<vmem_shared>> -> memref<128x128xf32, #tpu.memory_space<vmem_shared>>
      %dma_wait3A_461 = arith.constant 0 : i32
      %dma_wait3A_462 = arith.constant 0 : i32
      %dma_wait3A_463 = tpu.memref_slice %arg7[%run_scoped3A_199, %dma_wait3A_461, %dma_wait3A_462] : memref<2x128x128xf32, #tpu.memory_space<vmem>> -> memref<1x128x128xf32, #tpu.memory_space<vmem>>
      %dma_wait3A_464 = tpu.memref_squeeze %dma_wait3A_463 : memref<1x128x128xf32, #tpu.memory_space<vmem>> -> memref<128x128xf32, #tpu.memory_space<vmem>>
      tpu.wait_dma2 semaphore(%run_scoped3A_440 : memref<!tpu.dma_semaphore, #tpu.memory_space<semaphore_mem>>) src(%dma_wait3A_464 : memref<128x128xf32, #tpu.memory_space<vmem>>) dst(%dma_wait3A_460 : memref<128x128xf32, #tpu.memory_space<vmem_shared>>)
      tpu.yield
    }) : () -> ()
    %add3A_200 = arith.constant 512 : i32
    %add3A_201 = arith.addi %mul3A_6, %add3A_200 : i32
    %dma_wait3A_202 = arith.constant 0 : i32
    %dma_wait3A_203 = arith.constant 0 : i32
    %dma_wait3A_204 = arith.constant 0 : i32
    %dma_wait3A_205 = arith.constant 0 : i32
    %dma_wait3A_206 = arith.constant 0 : i32
    %dma_wait3A_207 = tpu.memref_slice %arg7[%dma_wait3A_203, %dma_wait3A_205, %dma_wait3A_206] : memref<2x128x128xf32, #tpu.memory_space<vmem>> -> memref<1x128x128xf32, #tpu.memory_space<vmem>>
    %dma_wait3A_208 = tpu.memref_squeeze %dma_wait3A_207 : memref<1x128x128xf32, #tpu.memory_space<vmem>> -> memref<128x128xf32, #tpu.memory_space<vmem>>
    %dma_wait3A_209 = arith.constant 0 : i32
    %dma_wait3A_210 = arith.constant 0 : i32
    %dma_wait3A_211 = tpu.memref_slice %arg2[%dma_wait3A_202, %dma_wait3A_209, %dma_wait3A_210] : memref<2x10240x128xf32, #tpu.memory_space<hbm>> -> memref<1x128x128xf32, #tpu.memory_space<hbm>>
    %dma_wait3A_212 = tpu.memref_squeeze %dma_wait3A_211 : memref<1x128x128xf32, #tpu.memory_space<hbm>> -> memref<128x128xf32, #tpu.memory_space<hbm>>
    %dma_wait3A_213 = tpu.memref_slice %arg9[%dma_wait3A_204] : memref<2x!tpu.dma_semaphore, #tpu.memory_space<semaphore_mem>> -> memref<1x!tpu.dma_semaphore, #tpu.memory_space<semaphore_mem>>
    %dma_wait3A_214 = tpu.memref_squeeze %dma_wait3A_213 : memref<1x!tpu.dma_semaphore, #tpu.memory_space<semaphore_mem>> -> memref<!tpu.dma_semaphore, #tpu.memory_space<semaphore_mem>>
    %dma_wait3A_215 = arith.constant 0 : i32
    %dma_wait3A_216 = arith.constant 0 : i32
    %dma_wait3A_217 = tpu.memref_slice %arg7[%dma_wait3A_203, %dma_wait3A_215, %dma_wait3A_216] : memref<2x128x128xf32, #tpu.memory_space<vmem>> -> memref<1x128x128xf32, #tpu.memory_space<vmem>>
    %dma_wait3A_218 = tpu.memref_squeeze %dma_wait3A_217 : memref<1x128x128xf32, #tpu.memory_space<vmem>> -> memref<128x128xf32, #tpu.memory_space<vmem>>
    %dma_wait3A_219 = arith.constant 0 : i32
    %dma_wait3A_220 = arith.constant 0 : i32
    %dma_wait3A_221 = tpu.memref_slice %arg2[%dma_wait3A_202, %dma_wait3A_219, %dma_wait3A_220] : memref<2x10240x128xf32, #tpu.memory_space<hbm>> -> memref<1x128x128xf32, #tpu.memory_space<hbm>>
    %dma_wait3A_222 = tpu.memref_squeeze %dma_wait3A_221 : memref<1x128x128xf32, #tpu.memory_space<hbm>> -> memref<128x128xf32, #tpu.memory_space<hbm>>
    tpu.wait_dma2 semaphore(%dma_wait3A_214 : memref<!tpu.dma_semaphore, #tpu.memory_space<semaphore_mem>>) src(%dma_wait3A_222 : memref<128x128xf32, #tpu.memory_space<hbm>>) dst(%dma_wait3A_218 : memref<128x128xf32, #tpu.memory_space<vmem>>)
    %run_scoped3A_223 = arith.constant 0 : i32
    "tpu.region"() ({
      %run_scoped3A_440 = tpu.sem_alloc : memref<!tpu.dma_semaphore, #tpu.memory_space<semaphore_mem>>
      %dma_start3A_441 = arith.constant 0 : i32
      %dma_start3A_442 = arith.constant 0 : i32
      %dma_start3A_443 = tpu.memref_slice %arg7[%run_scoped3A_223, %dma_start3A_441, %dma_start3A_442] : memref<2x128x128xf32, #tpu.memory_space<vmem>> -> memref<1x128x128xf32, #tpu.memory_space<vmem>>
      %dma_start3A_444 = tpu.memref_squeeze %dma_start3A_443 : memref<1x128x128xf32, #tpu.memory_space<vmem>> -> memref<128x128xf32, #tpu.memory_space<vmem>>
      %dma_start3A_445 = arith.constant 0 : i32
      %dma_start3A_446 = tpu.memref_slice %arg8[%add3A_201, %dma_start3A_445] : memref<10240x128xf32, #tpu.memory_space<vmem_shared>> -> memref<128x128xf32, #tpu.memory_space<vmem_shared>>
      %dma_start3A_447 = arith.constant 0 : i32
      %dma_start3A_448 = tpu.memref_slice %arg8[%add3A_201, %dma_start3A_447] : memref<10240x128xf32, #tpu.memory_space<vmem_shared>> -> memref<128x128xf32, #tpu.memory_space<vmem_shared>>
      %dma_start3A_449 = arith.constant 0 : i32
      %dma_start3A_450 = arith.constant 0 : i32
      %dma_start3A_451 = tpu.memref_slice %arg7[%run_scoped3A_223, %dma_start3A_449, %dma_start3A_450] : memref<2x128x128xf32, #tpu.memory_space<vmem>> -> memref<1x128x128xf32, #tpu.memory_space<vmem>>
      %dma_start3A_452 = tpu.memref_squeeze %dma_start3A_451 : memref<1x128x128xf32, #tpu.memory_space<vmem>> -> memref<128x128xf32, #tpu.memory_space<vmem>>
      tpu.enqueue_dma source(%dma_start3A_452 : memref<128x128xf32, #tpu.memory_space<vmem>>) target(%dma_start3A_448 : memref<128x128xf32, #tpu.memory_space<vmem_shared>>) target_semaphore(%run_scoped3A_440 : memref<!tpu.dma_semaphore, #tpu.memory_space<semaphore_mem>>)
      %dma_wait3A_453 = arith.constant 0 : i32
      %dma_wait3A_454 = arith.constant 0 : i32
      %dma_wait3A_455 = tpu.memref_slice %arg7[%run_scoped3A_223, %dma_wait3A_453, %dma_wait3A_454] : memref<2x128x128xf32, #tpu.memory_space<vmem>> -> memref<1x128x128xf32, #tpu.memory_space<vmem>>
      %dma_wait3A_456 = tpu.memref_squeeze %dma_wait3A_455 : memref<1x128x128xf32, #tpu.memory_space<vmem>> -> memref<128x128xf32, #tpu.memory_space<vmem>>
      %dma_wait3A_457 = arith.constant 0 : i32
      %dma_wait3A_458 = tpu.memref_slice %arg8[%add3A_201, %dma_wait3A_457] : memref<10240x128xf32, #tpu.memory_space<vmem_shared>> -> memref<128x128xf32, #tpu.memory_space<vmem_shared>>
      %dma_wait3A_459 = arith.constant 0 : i32
      %dma_wait3A_460 = tpu.memref_slice %arg8[%add3A_201, %dma_wait3A_459] : memref<10240x128xf32, #tpu.memory_space<vmem_shared>> -> memref<128x128xf32, #tpu.memory_space<vmem_shared>>
      %dma_wait3A_461 = arith.constant 0 : i32
      %dma_wait3A_462 = arith.constant 0 : i32
      %dma_wait3A_463 = tpu.memref_slice %arg7[%run_scoped3A_223, %dma_wait3A_461, %dma_wait3A_462] : memref<2x128x128xf32, #tpu.memory_space<vmem>> -> memref<1x128x128xf32, #tpu.memory_space<vmem>>
      %dma_wait3A_464 = tpu.memref_squeeze %dma_wait3A_463 : memref<1x128x128xf32, #tpu.memory_space<vmem>> -> memref<128x128xf32, #tpu.memory_space<vmem>>
      tpu.wait_dma2 semaphore(%run_scoped3A_440 : memref<!tpu.dma_semaphore, #tpu.memory_space<semaphore_mem>>) src(%dma_wait3A_464 : memref<128x128xf32, #tpu.memory_space<vmem>>) dst(%dma_wait3A_460 : memref<128x128xf32, #tpu.memory_space<vmem_shared>>)
      tpu.yield
    }) : () -> ()
    %barrier3A = arith.constant 0 : index
    tpu.barrier barrier_id(%barrier3A)
    %scan3A = arith.constant 0 : i32
    %scan3A_224 = arith.constant 0 : i32
    %scan3A_225 = arith.constant 22 : i32
    %scan3A_226 = arith.addi %scan3A_224, %scan3A_225 : i32
    %scan3A_227 = arith.constant 1 : i32
    scf.for %scan3A_440 = %scan3A_224 to %scan3A_226 step %scan3A_227  : i32 {
      %mul3A_441 = arith.constant 2 : i32
      %mul3A_442 = arith.muli %scan3A_440, %mul3A_441 : i32
      %add3A_443 = arith.constant 0 : i32
      %add3A_444 = arith.addi %mul3A_442, %add3A_443 : i32
      %lt3A = arith.cmpi slt, %add3A_444, %min3A_4 : i32
      %convert_element_type3A = arith.extui %lt3A : i1 to i32
      %cond3A = arith.constant 0 : i32
      %cond3A_445 = arith.cmpi ne, %convert_element_type3A, %cond3A : i32
      scf.if %cond3A_445 {
        %add3A_470 = arith.addi %mul3A_2, %add3A_444 : i32
        %mul3A_471 = arith.constant 128 : i32
        %mul3A_472 = arith.muli %add3A_470, %mul3A_471 : i32
        %dma_start3A_473 = arith.constant 0 : i32
        %dma_start3A_474 = arith.constant 0 : i32
        %dma_start3A_475 = arith.constant 0 : i32
        %dma_start3A_476 = arith.constant 0 : i32
        %dma_start3A_477 = tpu.memref_slice %arg7[%dma_start3A_473, %dma_start3A_475, %dma_start3A_476] : memref<2x128x128xf32, #tpu.memory_space<vmem>> -> memref<1x128x128xf32, #tpu.memory_space<vmem>>
        %dma_start3A_478 = tpu.memref_squeeze %dma_start3A_477 : memref<1x128x128xf32, #tpu.memory_space<vmem>> -> memref<128x128xf32, #tpu.memory_space<vmem>>
        %dma_start3A_479 = arith.constant 0 : i32
        %dma_start3A_480 = tpu.memref_slice %arg3[%mul3A_472, %dma_start3A_479] : memref<160000x128xf32, #tpu.memory_space<hbm>> -> memref<128x128xf32, #tpu.memory_space<hbm>>
        %dma_start3A_481 = tpu.memref_slice %arg9[%dma_start3A_474] : memref<2x!tpu.dma_semaphore, #tpu.memory_space<semaphore_mem>> -> memref<1x!tpu.dma_semaphore, #tpu.memory_space<semaphore_mem>>
        %dma_start3A_482 = tpu.memref_squeeze %dma_start3A_481 : memref<1x!tpu.dma_semaphore, #tpu.memory_space<semaphore_mem>> -> memref<!tpu.dma_semaphore, #tpu.memory_space<semaphore_mem>>
        %dma_start3A_483 = arith.constant 0 : i32
        %dma_start3A_484 = arith.constant 0 : i32
        %dma_start3A_485 = tpu.memref_slice %arg7[%dma_start3A_473, %dma_start3A_483, %dma_start3A_484] : memref<2x128x128xf32, #tpu.memory_space<vmem>> -> memref<1x128x128xf32, #tpu.memory_space<vmem>>
        %dma_start3A_486 = tpu.memref_squeeze %dma_start3A_485 : memref<1x128x128xf32, #tpu.memory_space<vmem>> -> memref<128x128xf32, #tpu.memory_space<vmem>>
        %dma_start3A_487 = arith.constant 0 : i32
        %dma_start3A_488 = tpu.memref_slice %arg3[%mul3A_472, %dma_start3A_487] : memref<160000x128xf32, #tpu.memory_space<hbm>> -> memref<128x128xf32, #tpu.memory_space<hbm>>
        tpu.enqueue_dma source(%dma_start3A_488 : memref<128x128xf32, #tpu.memory_space<hbm>>) target(%dma_start3A_486 : memref<128x128xf32, #tpu.memory_space<vmem>>) target_semaphore(%dma_start3A_482 : memref<!tpu.dma_semaphore, #tpu.memory_space<semaphore_mem>>)
        %dma_start3A_489 = arith.constant 0 : i32
        %dma_start3A_490 = arith.constant 0 : i32
        %dma_start3A_491 = arith.constant 0 : i32
        %dma_start3A_492 = tpu.memref_slice %arg6[%dma_start3A_489, %dma_start3A_491] : memref<2x128xi32, #tpu.memory_space<vmem>> -> memref<1x128xi32, #tpu.memory_space<vmem>>
        %dma_start3A_493 = tpu.memref_squeeze %dma_start3A_492 : memref<1x128xi32, #tpu.memory_space<vmem>> -> memref<128xi32, #tpu.memory_space<vmem>>
        %dma_start3A_494 = tpu.memref_slice %arg4[%mul3A_472] : memref<163840xi32, #tpu.memory_space<hbm>> -> memref<128xi32, #tpu.memory_space<hbm>>
        %dma_start3A_495 = tpu.memref_slice %arg9[%dma_start3A_490] : memref<2x!tpu.dma_semaphore, #tpu.memory_space<semaphore_mem>> -> memref<1x!tpu.dma_semaphore, #tpu.memory_space<semaphore_mem>>
        %dma_start3A_496 = tpu.memref_squeeze %dma_start3A_495 : memref<1x!tpu.dma_semaphore, #tpu.memory_space<semaphore_mem>> -> memref<!tpu.dma_semaphore, #tpu.memory_space<semaphore_mem>>
        %dma_start3A_497 = arith.constant 0 : i32
        %dma_start3A_498 = tpu.memref_slice %arg6[%dma_start3A_489, %dma_start3A_497] : memref<2x128xi32, #tpu.memory_space<vmem>> -> memref<1x128xi32, #tpu.memory_space<vmem>>
        %dma_start3A_499 = tpu.memref_squeeze %dma_start3A_498 : memref<1x128xi32, #tpu.memory_space<vmem>> -> memref<128xi32, #tpu.memory_space<vmem>>
        %dma_start3A_500 = tpu.memref_slice %arg4[%mul3A_472] : memref<163840xi32, #tpu.memory_space<hbm>> -> memref<128xi32, #tpu.memory_space<hbm>>
        tpu.enqueue_dma source(%dma_start3A_500 : memref<128xi32, #tpu.memory_space<hbm>>) target(%dma_start3A_499 : memref<128xi32, #tpu.memory_space<vmem>>) target_semaphore(%dma_start3A_496 : memref<!tpu.dma_semaphore, #tpu.memory_space<semaphore_mem>>)
      } else {
      }
      %ge3A = arith.constant 1 : i32
      %ge3A_446 = arith.cmpi sge, %add3A_444, %ge3A : i32
      %sub3A_447 = arith.constant 1 : i32
      %sub3A_448 = arith.subi %add3A_444, %sub3A_447 : i32
      %lt3A_449 = arith.cmpi slt, %sub3A_448, %min3A_4 : i32
      %and3A = arith.andi %ge3A_446, %lt3A_449 : i1
      %convert_element_type3A_450 = arith.extui %and3A : i1 to i32
      %cond3A_451 = arith.constant 0 : i32
      %cond3A_452 = arith.cmpi ne, %convert_element_type3A_450, %cond3A_451 : i32
      scf.if %cond3A_452 {
        %dma_wait3A_470 = arith.constant 1 : i32
        %dma_wait3A_471 = arith.constant 1 : i32
        %dma_wait3A_472 = arith.constant 0 : i32
        %dma_wait3A_473 = arith.constant 0 : i32
        %dma_wait3A_474 = tpu.memref_slice %arg7[%dma_wait3A_470, %dma_wait3A_472, %dma_wait3A_473] : memref<2x128x128xf32, #tpu.memory_space<vmem>> -> memref<1x128x128xf32, #tpu.memory_space<vmem>>
        %dma_wait3A_475 = tpu.memref_squeeze %dma_wait3A_474 : memref<1x128x128xf32, #tpu.memory_space<vmem>> -> memref<128x128xf32, #tpu.memory_space<vmem>>
        %dma_wait3A_476 = arith.constant 0 : i32
        %dma_wait3A_477 = arith.constant 0 : i32
        %dma_wait3A_478 = tpu.memref_slice %arg3[%dma_wait3A_476, %dma_wait3A_477] : memref<160000x128xf32, #tpu.memory_space<hbm>> -> memref<128x128xf32, #tpu.memory_space<hbm>>
        %dma_wait3A_479 = tpu.memref_slice %arg9[%dma_wait3A_471] : memref<2x!tpu.dma_semaphore, #tpu.memory_space<semaphore_mem>> -> memref<1x!tpu.dma_semaphore, #tpu.memory_space<semaphore_mem>>
        %dma_wait3A_480 = tpu.memref_squeeze %dma_wait3A_479 : memref<1x!tpu.dma_semaphore, #tpu.memory_space<semaphore_mem>> -> memref<!tpu.dma_semaphore, #tpu.memory_space<semaphore_mem>>
        %dma_wait3A_481 = arith.constant 0 : i32
        %dma_wait3A_482 = arith.constant 0 : i32
        %dma_wait3A_483 = tpu.memref_slice %arg7[%dma_wait3A_470, %dma_wait3A_481, %dma_wait3A_482] : memref<2x128x128xf32, #tpu.memory_space<vmem>> -> memref<1x128x128xf32, #tpu.memory_space<vmem>>
        %dma_wait3A_484 = tpu.memref_squeeze %dma_wait3A_483 : memref<1x128x128xf32, #tpu.memory_space<vmem>> -> memref<128x128xf32, #tpu.memory_space<vmem>>
        %dma_wait3A_485 = arith.constant 0 : i32
        %dma_wait3A_486 = arith.constant 0 : i32
        %dma_wait3A_487 = tpu.memref_slice %arg3[%dma_wait3A_485, %dma_wait3A_486] : memref<160000x128xf32, #tpu.memory_space<hbm>> -> memref<128x128xf32, #tpu.memory_space<hbm>>
        tpu.wait_dma2 semaphore(%dma_wait3A_480 : memref<!tpu.dma_semaphore, #tpu.memory_space<semaphore_mem>>) src(%dma_wait3A_487 : memref<128x128xf32, #tpu.memory_space<hbm>>) dst(%dma_wait3A_484 : memref<128x128xf32, #tpu.memory_space<vmem>>)
        %dma_wait3A_488 = arith.constant 1 : i32
        %dma_wait3A_489 = arith.constant 1 : i32
        %dma_wait3A_490 = arith.constant 0 : i32
        %dma_wait3A_491 = tpu.memref_slice %arg6[%dma_wait3A_488, %dma_wait3A_490] : memref<2x128xi32, #tpu.memory_space<vmem>> -> memref<1x128xi32, #tpu.memory_space<vmem>>
        %dma_wait3A_492 = tpu.memref_squeeze %dma_wait3A_491 : memref<1x128xi32, #tpu.memory_space<vmem>> -> memref<128xi32, #tpu.memory_space<vmem>>
        %dma_wait3A_493 = arith.constant 0 : i32
        %dma_wait3A_494 = tpu.memref_slice %arg4[%dma_wait3A_493] : memref<163840xi32, #tpu.memory_space<hbm>> -> memref<128xi32, #tpu.memory_space<hbm>>
        %dma_wait3A_495 = tpu.memref_slice %arg9[%dma_wait3A_489] : memref<2x!tpu.dma_semaphore, #tpu.memory_space<semaphore_mem>> -> memref<1x!tpu.dma_semaphore, #tpu.memory_space<semaphore_mem>>
        %dma_wait3A_496 = tpu.memref_squeeze %dma_wait3A_495 : memref<1x!tpu.dma_semaphore, #tpu.memory_space<semaphore_mem>> -> memref<!tpu.dma_semaphore, #tpu.memory_space<semaphore_mem>>
        %dma_wait3A_497 = arith.constant 0 : i32
        %dma_wait3A_498 = tpu.memref_slice %arg6[%dma_wait3A_488, %dma_wait3A_497] : memref<2x128xi32, #tpu.memory_space<vmem>> -> memref<1x128xi32, #tpu.memory_space<vmem>>
        %dma_wait3A_499 = tpu.memref_squeeze %dma_wait3A_498 : memref<1x128xi32, #tpu.memory_space<vmem>> -> memref<128xi32, #tpu.memory_space<vmem>>
        %dma_wait3A_500 = arith.constant 0 : i32
        %dma_wait3A_501 = tpu.memref_slice %arg4[%dma_wait3A_500] : memref<163840xi32, #tpu.memory_space<hbm>> -> memref<128xi32, #tpu.memory_space<hbm>>
        tpu.wait_dma2 semaphore(%dma_wait3A_496 : memref<!tpu.dma_semaphore, #tpu.memory_space<semaphore_mem>>) src(%dma_wait3A_501 : memref<128xi32, #tpu.memory_space<hbm>>) dst(%dma_wait3A_499 : memref<128xi32, #tpu.memory_space<vmem>>)
        %run_scoped3A_502 = arith.constant 1 : i32
        %run_scoped3A_503 = arith.constant 1 : i32
        "tpu.region"() ({
          %run_scoped3A_504 = tpu.sem_alloc : memref<!tpu.dma_semaphore, #tpu.memory_space<semaphore_mem>>
          %dma_start3A_505 = arith.constant 0 : i32
          %dma_start3A_506 = arith.constant 0 : i32
          %dma_start3A_507 = tpu.memref_slice %arg7[%run_scoped3A_502, %dma_start3A_505, %dma_start3A_506] : memref<2x128x128xf32, #tpu.memory_space<vmem>> -> memref<1x128x128xf32, #tpu.memory_space<vmem>>
          %dma_start3A_508 = tpu.memref_squeeze %dma_start3A_507 : memref<1x128x128xf32, #tpu.memory_space<vmem>> -> memref<128x128xf32, #tpu.memory_space<vmem>>
          %dma_start3A_509 = arith.constant 0 : i32
          %dma_start3A_510 = tpu.memref_slice %arg6[%run_scoped3A_503, %dma_start3A_509] : memref<2x128xi32, #tpu.memory_space<vmem>> -> memref<1x128xi32, #tpu.memory_space<vmem>>
          %dma_start3A_511 = tpu.memref_squeeze %dma_start3A_510 : memref<1x128xi32, #tpu.memory_space<vmem>> -> memref<128xi32, #tpu.memory_space<vmem>>
          %dma_start3A_512 = arith.constant 0 : i32
          %dma_start3A_513 = arith.constant 0 : i32
          %dma_start3A_514 = tpu.memref_slice %arg8[%dma_start3A_512, %dma_start3A_513] : memref<10240x128xf32, #tpu.memory_space<vmem_shared>> -> memref<10240x128xf32, #tpu.memory_space<vmem_shared>>
          tpu.enqueue_indirect_dma source(%dma_start3A_508 : memref<128x128xf32, #tpu.memory_space<vmem>>) target(%dma_start3A_514 : memref<10240x128xf32, #tpu.memory_space<vmem_shared>>) offsets(%dma_start3A_511 : memref<128xi32, #tpu.memory_space<vmem>>) semaphore(%run_scoped3A_504 : memref<!tpu.dma_semaphore, #tpu.memory_space<semaphore_mem>>) {add = true}
          %dma_wait3A_515 = arith.constant 0 : i32
          %dma_wait3A_516 = arith.constant 0 : i32
          %dma_wait3A_517 = tpu.memref_slice %arg7[%run_scoped3A_502, %dma_wait3A_515, %dma_wait3A_516] : memref<2x128x128xf32, #tpu.memory_space<vmem>> -> memref<1x128x128xf32, #tpu.memory_space<vmem>>
          %dma_wait3A_518 = tpu.memref_squeeze %dma_wait3A_517 : memref<1x128x128xf32, #tpu.memory_space<vmem>> -> memref<128x128xf32, #tpu.memory_space<vmem>>
          %dma_wait3A_519 = arith.constant 0 : i32
          %dma_wait3A_520 = tpu.memref_slice %arg6[%run_scoped3A_503, %dma_wait3A_519] : memref<2x128xi32, #tpu.memory_space<vmem>> -> memref<1x128xi32, #tpu.memory_space<vmem>>
          %dma_wait3A_521 = tpu.memref_squeeze %dma_wait3A_520 : memref<1x128xi32, #tpu.memory_space<vmem>> -> memref<128xi32, #tpu.memory_space<vmem>>
          %dma_wait3A_522 = arith.constant 0 : i32
          %dma_wait3A_523 = arith.constant 0 : i32
          %dma_wait3A_524 = tpu.memref_slice %arg8[%dma_wait3A_522, %dma_wait3A_523] : memref<10240x128xf32, #tpu.memory_space<vmem_shared>> -> memref<10240x128xf32, #tpu.memory_space<vmem_shared>>
          tpu.wait_indirect_dma semaphore(%run_scoped3A_504 : memref<!tpu.dma_semaphore, #tpu.memory_space<semaphore_mem>>) src(%dma_wait3A_518 : memref<128x128xf32, #tpu.memory_space<vmem>>) dst(%dma_wait3A_524 : memref<10240x128xf32, #tpu.memory_space<vmem_shared>>)
          tpu.yield
        }) : () -> ()
      } else {
      }
      %mul3A_453 = arith.constant 2 : i32
      %mul3A_454 = arith.muli %scan3A_440, %mul3A_453 : i32
      %add3A_455 = arith.constant 1 : i32
      %add3A_456 = arith.addi %mul3A_454, %add3A_455 : i32
      %lt3A_457 = arith.cmpi slt, %add3A_456, %min3A_4 : i32
      %convert_element_type3A_458 = arith.extui %lt3A_457 : i1 to i32
      %cond3A_459 = arith.constant 0 : i32
      %cond3A_460 = arith.cmpi ne, %convert_element_type3A_458, %cond3A_459 : i32
      scf.if %cond3A_460 {
        %add3A_470 = arith.addi %mul3A_2, %add3A_456 : i32
        %mul3A_471 = arith.constant 128 : i32
        %mul3A_472 = arith.muli %add3A_470, %mul3A_471 : i32
        %dma_start3A_473 = arith.constant 1 : i32
        %dma_start3A_474 = arith.constant 1 : i32
        %dma_start3A_475 = arith.constant 0 : i32
        %dma_start3A_476 = arith.constant 0 : i32
        %dma_start3A_477 = tpu.memref_slice %arg7[%dma_start3A_473, %dma_start3A_475, %dma_start3A_476] : memref<2x128x128xf32, #tpu.memory_space<vmem>> -> memref<1x128x128xf32, #tpu.memory_space<vmem>>
        %dma_start3A_478 = tpu.memref_squeeze %dma_start3A_477 : memref<1x128x128xf32, #tpu.memory_space<vmem>> -> memref<128x128xf32, #tpu.memory_space<vmem>>
        %dma_start3A_479 = arith.constant 0 : i32
        %dma_start3A_480 = tpu.memref_slice %arg3[%mul3A_472, %dma_start3A_479] : memref<160000x128xf32, #tpu.memory_space<hbm>> -> memref<128x128xf32, #tpu.memory_space<hbm>>
        %dma_start3A_481 = tpu.memref_slice %arg9[%dma_start3A_474] : memref<2x!tpu.dma_semaphore, #tpu.memory_space<semaphore_mem>> -> memref<1x!tpu.dma_semaphore, #tpu.memory_space<semaphore_mem>>
        %dma_start3A_482 = tpu.memref_squeeze %dma_start3A_481 : memref<1x!tpu.dma_semaphore, #tpu.memory_space<semaphore_mem>> -> memref<!tpu.dma_semaphore, #tpu.memory_space<semaphore_mem>>
        %dma_start3A_483 = arith.constant 0 : i32
        %dma_start3A_484 = arith.constant 0 : i32
        %dma_start3A_485 = tpu.memref_slice %arg7[%dma_start3A_473, %dma_start3A_483, %dma_start3A_484] : memref<2x128x128xf32, #tpu.memory_space<vmem>> -> memref<1x128x128xf32, #tpu.memory_space<vmem>>
        %dma_start3A_486 = tpu.memref_squeeze %dma_start3A_485 : memref<1x128x128xf32, #tpu.memory_space<vmem>> -> memref<128x128xf32, #tpu.memory_space<vmem>>
        %dma_start3A_487 = arith.constant 0 : i32
        %dma_start3A_488 = tpu.memref_slice %arg3[%mul3A_472, %dma_start3A_487] : memref<160000x128xf32, #tpu.memory_space<hbm>> -> memref<128x128xf32, #tpu.memory_space<hbm>>
        tpu.enqueue_dma source(%dma_start3A_488 : memref<128x128xf32, #tpu.memory_space<hbm>>) target(%dma_start3A_486 : memref<128x128xf32, #tpu.memory_space<vmem>>) target_semaphore(%dma_start3A_482 : memref<!tpu.dma_semaphore, #tpu.memory_space<semaphore_mem>>)
        %dma_start3A_489 = arith.constant 1 : i32
        %dma_start3A_490 = arith.constant 1 : i32
        %dma_start3A_491 = arith.constant 0 : i32
        %dma_start3A_492 = tpu.memref_slice %arg6[%dma_start3A_489, %dma_start3A_491] : memref<2x128xi32, #tpu.memory_space<vmem>> -> memref<1x128xi32, #tpu.memory_space<vmem>>
        %dma_start3A_493 = tpu.memref_squeeze %dma_start3A_492 : memref<1x128xi32, #tpu.memory_space<vmem>> -> memref<128xi32, #tpu.memory_space<vmem>>
        %dma_start3A_494 = tpu.memref_slice %arg4[%mul3A_472] : memref<163840xi32, #tpu.memory_space<hbm>> -> memref<128xi32, #tpu.memory_space<hbm>>
        %dma_start3A_495 = tpu.memref_slice %arg9[%dma_start3A_490] : memref<2x!tpu.dma_semaphore, #tpu.memory_space<semaphore_mem>> -> memref<1x!tpu.dma_semaphore, #tpu.memory_space<semaphore_mem>>
        %dma_start3A_496 = tpu.memref_squeeze %dma_start3A_495 : memref<1x!tpu.dma_semaphore, #tpu.memory_space<semaphore_mem>> -> memref<!tpu.dma_semaphore, #tpu.memory_space<semaphore_mem>>
        %dma_start3A_497 = arith.constant 0 : i32
        %dma_start3A_498 = tpu.memref_slice %arg6[%dma_start3A_489, %dma_start3A_497] : memref<2x128xi32, #tpu.memory_space<vmem>> -> memref<1x128xi32, #tpu.memory_space<vmem>>
        %dma_start3A_499 = tpu.memref_squeeze %dma_start3A_498 : memref<1x128xi32, #tpu.memory_space<vmem>> -> memref<128xi32, #tpu.memory_space<vmem>>
        %dma_start3A_500 = tpu.memref_slice %arg4[%mul3A_472] : memref<163840xi32, #tpu.memory_space<hbm>> -> memref<128xi32, #tpu.memory_space<hbm>>
        tpu.enqueue_dma source(%dma_start3A_500 : memref<128xi32, #tpu.memory_space<hbm>>) target(%dma_start3A_499 : memref<128xi32, #tpu.memory_space<vmem>>) target_semaphore(%dma_start3A_496 : memref<!tpu.dma_semaphore, #tpu.memory_space<semaphore_mem>>)
      } else {
      }
      %ge3A_461 = arith.constant 1 : i32
      %ge3A_462 = arith.cmpi sge, %add3A_456, %ge3A_461 : i32
      %sub3A_463 = arith.constant 1 : i32
      %sub3A_464 = arith.subi %add3A_456, %sub3A_463 : i32
      %lt3A_465 = arith.cmpi slt, %sub3A_464, %min3A_4 : i32
      %and3A_466 = arith.andi %ge3A_462, %lt3A_465 : i1
      %convert_element_type3A_467 = arith.extui %and3A_466 : i1 to i32
      %cond3A_468 = arith.constant 0 : i32
      %cond3A_469 = arith.cmpi ne, %convert_element_type3A_467, %cond3A_468 : i32
      scf.if %cond3A_469 {
        %dma_wait3A_470 = arith.constant 0 : i32
        %dma_wait3A_471 = arith.constant 0 : i32
        %dma_wait3A_472 = arith.constant 0 : i32
        %dma_wait3A_473 = arith.constant 0 : i32
        %dma_wait3A_474 = tpu.memref_slice %arg7[%dma_wait3A_470, %dma_wait3A_472, %dma_wait3A_473] : memref<2x128x128xf32, #tpu.memory_space<vmem>> -> memref<1x128x128xf32, #tpu.memory_space<vmem>>
        %dma_wait3A_475 = tpu.memref_squeeze %dma_wait3A_474 : memref<1x128x128xf32, #tpu.memory_space<vmem>> -> memref<128x128xf32, #tpu.memory_space<vmem>>
        %dma_wait3A_476 = arith.constant 0 : i32
        %dma_wait3A_477 = arith.constant 0 : i32
        %dma_wait3A_478 = tpu.memref_slice %arg3[%dma_wait3A_476, %dma_wait3A_477] : memref<160000x128xf32, #tpu.memory_space<hbm>> -> memref<128x128xf32, #tpu.memory_space<hbm>>
        %dma_wait3A_479 = tpu.memref_slice %arg9[%dma_wait3A_471] : memref<2x!tpu.dma_semaphore, #tpu.memory_space<semaphore_mem>> -> memref<1x!tpu.dma_semaphore, #tpu.memory_space<semaphore_mem>>
        %dma_wait3A_480 = tpu.memref_squeeze %dma_wait3A_479 : memref<1x!tpu.dma_semaphore, #tpu.memory_space<semaphore_mem>> -> memref<!tpu.dma_semaphore, #tpu.memory_space<semaphore_mem>>
        %dma_wait3A_481 = arith.constant 0 : i32
        %dma_wait3A_482 = arith.constant 0 : i32
        %dma_wait3A_483 = tpu.memref_slice %arg7[%dma_wait3A_470, %dma_wait3A_481, %dma_wait3A_482] : memref<2x128x128xf32, #tpu.memory_space<vmem>> -> memref<1x128x128xf32, #tpu.memory_space<vmem>>
        %dma_wait3A_484 = tpu.memref_squeeze %dma_wait3A_483 : memref<1x128x128xf32, #tpu.memory_space<vmem>> -> memref<128x128xf32, #tpu.memory_space<vmem>>
        %dma_wait3A_485 = arith.constant 0 : i32
        %dma_wait3A_486 = arith.constant 0 : i32
        %dma_wait3A_487 = tpu.memref_slice %arg3[%dma_wait3A_485, %dma_wait3A_486] : memref<160000x128xf32, #tpu.memory_space<hbm>> -> memref<128x128xf32, #tpu.memory_space<hbm>>
        tpu.wait_dma2 semaphore(%dma_wait3A_480 : memref<!tpu.dma_semaphore, #tpu.memory_space<semaphore_mem>>) src(%dma_wait3A_487 : memref<128x128xf32, #tpu.memory_space<hbm>>) dst(%dma_wait3A_484 : memref<128x128xf32, #tpu.memory_space<vmem>>)
        %dma_wait3A_488 = arith.constant 0 : i32
        %dma_wait3A_489 = arith.constant 0 : i32
        %dma_wait3A_490 = arith.constant 0 : i32
        %dma_wait3A_491 = tpu.memref_slice %arg6[%dma_wait3A_488, %dma_wait3A_490] : memref<2x128xi32, #tpu.memory_space<vmem>> -> memref<1x128xi32, #tpu.memory_space<vmem>>
        %dma_wait3A_492 = tpu.memref_squeeze %dma_wait3A_491 : memref<1x128xi32, #tpu.memory_space<vmem>> -> memref<128xi32, #tpu.memory_space<vmem>>
        %dma_wait3A_493 = arith.constant 0 : i32
        %dma_wait3A_494 = tpu.memref_slice %arg4[%dma_wait3A_493] : memref<163840xi32, #tpu.memory_space<hbm>> -> memref<128xi32, #tpu.memory_space<hbm>>
        %dma_wait3A_495 = tpu.memref_slice %arg9[%dma_wait3A_489] : memref<2x!tpu.dma_semaphore, #tpu.memory_space<semaphore_mem>> -> memref<1x!tpu.dma_semaphore, #tpu.memory_space<semaphore_mem>>
        %dma_wait3A_496 = tpu.memref_squeeze %dma_wait3A_495 : memref<1x!tpu.dma_semaphore, #tpu.memory_space<semaphore_mem>> -> memref<!tpu.dma_semaphore, #tpu.memory_space<semaphore_mem>>
        %dma_wait3A_497 = arith.constant 0 : i32
        %dma_wait3A_498 = tpu.memref_slice %arg6[%dma_wait3A_488, %dma_wait3A_497] : memref<2x128xi32, #tpu.memory_space<vmem>> -> memref<1x128xi32, #tpu.memory_space<vmem>>
        %dma_wait3A_499 = tpu.memref_squeeze %dma_wait3A_498 : memref<1x128xi32, #tpu.memory_space<vmem>> -> memref<128xi32, #tpu.memory_space<vmem>>
        %dma_wait3A_500 = arith.constant 0 : i32
        %dma_wait3A_501 = tpu.memref_slice %arg4[%dma_wait3A_500] : memref<163840xi32, #tpu.memory_space<hbm>> -> memref<128xi32, #tpu.memory_space<hbm>>
        tpu.wait_dma2 semaphore(%dma_wait3A_496 : memref<!tpu.dma_semaphore, #tpu.memory_space<semaphore_mem>>) src(%dma_wait3A_501 : memref<128xi32, #tpu.memory_space<hbm>>) dst(%dma_wait3A_499 : memref<128xi32, #tpu.memory_space<vmem>>)
        %run_scoped3A_502 = arith.constant 0 : i32
        %run_scoped3A_503 = arith.constant 0 : i32
        "tpu.region"() ({
          %run_scoped3A_504 = tpu.sem_alloc : memref<!tpu.dma_semaphore, #tpu.memory_space<semaphore_mem>>
          %dma_start3A_505 = arith.constant 0 : i32
          %dma_start3A_506 = arith.constant 0 : i32
          %dma_start3A_507 = tpu.memref_slice %arg7[%run_scoped3A_502, %dma_start3A_505, %dma_start3A_506] : memref<2x128x128xf32, #tpu.memory_space<vmem>> -> memref<1x128x128xf32, #tpu.memory_space<vmem>>
          %dma_start3A_508 = tpu.memref_squeeze %dma_start3A_507 : memref<1x128x128xf32, #tpu.memory_space<vmem>> -> memref<128x128xf32, #tpu.memory_space<vmem>>
          %dma_start3A_509 = arith.constant 0 : i32
          %dma_start3A_510 = tpu.memref_slice %arg6[%run_scoped3A_503, %dma_start3A_509] : memref<2x128xi32, #tpu.memory_space<vmem>> -> memref<1x128xi32, #tpu.memory_space<vmem>>
          %dma_start3A_511 = tpu.memref_squeeze %dma_start3A_510 : memref<1x128xi32, #tpu.memory_space<vmem>> -> memref<128xi32, #tpu.memory_space<vmem>>
          %dma_start3A_512 = arith.constant 0 : i32
          %dma_start3A_513 = arith.constant 0 : i32
          %dma_start3A_514 = tpu.memref_slice %arg8[%dma_start3A_512, %dma_start3A_513] : memref<10240x128xf32, #tpu.memory_space<vmem_shared>> -> memref<10240x128xf32, #tpu.memory_space<vmem_shared>>
          tpu.enqueue_indirect_dma source(%dma_start3A_508 : memref<128x128xf32, #tpu.memory_space<vmem>>) target(%dma_start3A_514 : memref<10240x128xf32, #tpu.memory_space<vmem_shared>>) offsets(%dma_start3A_511 : memref<128xi32, #tpu.memory_space<vmem>>) semaphore(%run_scoped3A_504 : memref<!tpu.dma_semaphore, #tpu.memory_space<semaphore_mem>>) {add = true}
          %dma_wait3A_515 = arith.constant 0 : i32
          %dma_wait3A_516 = arith.constant 0 : i32
          %dma_wait3A_517 = tpu.memref_slice %arg7[%run_scoped3A_502, %dma_wait3A_515, %dma_wait3A_516] : memref<2x128x128xf32, #tpu.memory_space<vmem>> -> memref<1x128x128xf32, #tpu.memory_space<vmem>>
          %dma_wait3A_518 = tpu.memref_squeeze %dma_wait3A_517 : memref<1x128x128xf32, #tpu.memory_space<vmem>> -> memref<128x128xf32, #tpu.memory_space<vmem>>
          %dma_wait3A_519 = arith.constant 0 : i32
          %dma_wait3A_520 = tpu.memref_slice %arg6[%run_scoped3A_503, %dma_wait3A_519] : memref<2x128xi32, #tpu.memory_space<vmem>> -> memref<1x128xi32, #tpu.memory_space<vmem>>
          %dma_wait3A_521 = tpu.memref_squeeze %dma_wait3A_520 : memref<1x128xi32, #tpu.memory_space<vmem>> -> memref<128xi32, #tpu.memory_space<vmem>>
          %dma_wait3A_522 = arith.constant 0 : i32
          %dma_wait3A_523 = arith.constant 0 : i32
          %dma_wait3A_524 = tpu.memref_slice %arg8[%dma_wait3A_522, %dma_wait3A_523] : memref<10240x128xf32, #tpu.memory_space<vmem_shared>> -> memref<10240x128xf32, #tpu.memory_space<vmem_shared>>
          tpu.wait_indirect_dma semaphore(%run_scoped3A_504 : memref<!tpu.dma_semaphore, #tpu.memory_space<semaphore_mem>>) src(%dma_wait3A_518 : memref<128x128xf32, #tpu.memory_space<vmem>>) dst(%dma_wait3A_524 : memref<10240x128xf32, #tpu.memory_space<vmem_shared>>)
          tpu.yield
        }) : () -> ()
      } else {
      }
    }
    %scan3A_228 = arith.constant 22 : i32
    %barrier3A_229 = arith.constant 0 : index
    tpu.barrier barrier_id(%barrier3A_229)
    %add3A_230 = arith.constant 0 : i32
    %add3A_231 = arith.addi %mul3A_6, %add3A_230 : i32
    %run_scoped3A_232 = arith.constant 0 : i32
    "tpu.region"() ({
      %run_scoped3A_440 = tpu.sem_alloc : memref<!tpu.dma_semaphore, #tpu.memory_space<semaphore_mem>>
      %dma_start3A_441 = arith.constant 0 : i32
      %dma_start3A_442 = arith.constant 0 : i32
      %dma_start3A_443 = tpu.memref_slice %arg7[%run_scoped3A_232, %dma_start3A_441, %dma_start3A_442] : memref<2x128x128xf32, #tpu.memory_space<vmem>> -> memref<1x128x128xf32, #tpu.memory_space<vmem>>
      %dma_start3A_444 = tpu.memref_squeeze %dma_start3A_443 : memref<1x128x128xf32, #tpu.memory_space<vmem>> -> memref<128x128xf32, #tpu.memory_space<vmem>>
      %dma_start3A_445 = arith.constant 0 : i32
      %dma_start3A_446 = tpu.memref_slice %arg8[%add3A_231, %dma_start3A_445] : memref<10240x128xf32, #tpu.memory_space<vmem_shared>> -> memref<128x128xf32, #tpu.memory_space<vmem_shared>>
      %dma_start3A_447 = arith.constant 0 : i32
      %dma_start3A_448 = arith.constant 0 : i32
      %dma_start3A_449 = tpu.memref_slice %arg7[%run_scoped3A_232, %dma_start3A_447, %dma_start3A_448] : memref<2x128x128xf32, #tpu.memory_space<vmem>> -> memref<1x128x128xf32, #tpu.memory_space<vmem>>
      %dma_start3A_450 = tpu.memref_squeeze %dma_start3A_449 : memref<1x128x128xf32, #tpu.memory_space<vmem>> -> memref<128x128xf32, #tpu.memory_space<vmem>>
      %dma_start3A_451 = arith.constant 0 : i32
      %dma_start3A_452 = tpu.memref_slice %arg8[%add3A_231, %dma_start3A_451] : memref<10240x128xf32, #tpu.memory_space<vmem_shared>> -> memref<128x128xf32, #tpu.memory_space<vmem_shared>>
      tpu.enqueue_dma source(%dma_start3A_452 : memref<128x128xf32, #tpu.memory_space<vmem_shared>>) target(%dma_start3A_450 : memref<128x128xf32, #tpu.memory_space<vmem>>) target_semaphore(%run_scoped3A_440 : memref<!tpu.dma_semaphore, #tpu.memory_space<semaphore_mem>>)
      %dma_wait3A_453 = arith.constant 0 : i32
      %dma_wait3A_454 = arith.constant 0 : i32
      %dma_wait3A_455 = tpu.memref_slice %arg7[%run_scoped3A_232, %dma_wait3A_453, %dma_wait3A_454] : memref<2x128x128xf32, #tpu.memory_space<vmem>> -> memref<1x128x128xf32, #tpu.memory_space<vmem>>
      %dma_wait3A_456 = tpu.memref_squeeze %dma_wait3A_455 : memref<1x128x128xf32, #tpu.memory_space<vmem>> -> memref<128x128xf32, #tpu.memory_space<vmem>>
      %dma_wait3A_457 = arith.constant 0 : i32
      %dma_wait3A_458 = tpu.memref_slice %arg8[%add3A_231, %dma_wait3A_457] : memref<10240x128xf32, #tpu.memory_space<vmem_shared>> -> memref<128x128xf32, #tpu.memory_space<vmem_shared>>
      %dma_wait3A_459 = arith.constant 0 : i32
      %dma_wait3A_460 = arith.constant 0 : i32
      %dma_wait3A_461 = tpu.memref_slice %arg7[%run_scoped3A_232, %dma_wait3A_459, %dma_wait3A_460] : memref<2x128x128xf32, #tpu.memory_space<vmem>> -> memref<1x128x128xf32, #tpu.memory_space<vmem>>
      %dma_wait3A_462 = tpu.memref_squeeze %dma_wait3A_461 : memref<1x128x128xf32, #tpu.memory_space<vmem>> -> memref<128x128xf32, #tpu.memory_space<vmem>>
      %dma_wait3A_463 = arith.constant 0 : i32
      %dma_wait3A_464 = tpu.memref_slice %arg8[%add3A_231, %dma_wait3A_463] : memref<10240x128xf32, #tpu.memory_space<vmem_shared>> -> memref<128x128xf32, #tpu.memory_space<vmem_shared>>
      tpu.wait_dma2 semaphore(%run_scoped3A_440 : memref<!tpu.dma_semaphore, #tpu.memory_space<semaphore_mem>>) src(%dma_wait3A_464 : memref<128x128xf32, #tpu.memory_space<vmem_shared>>) dst(%dma_wait3A_462 : memref<128x128xf32, #tpu.memory_space<vmem>>)
      tpu.yield
    }) : () -> ()
    %dma_start3A_233 = arith.constant 0 : i32
    %dma_start3A_234 = arith.constant 0 : i32
    %dma_start3A_235 = arith.constant 0 : i32
    %dma_start3A_236 = arith.constant 0 : i32
    %dma_start3A_237 = tpu.memref_slice %arg7[%dma_start3A_233, %dma_start3A_235, %dma_start3A_236] : memref<2x128x128xf32, #tpu.memory_space<vmem>> -> memref<1x128x128xf32, #tpu.memory_space<vmem>>
    %dma_start3A_238 = tpu.memref_squeeze %dma_start3A_237 : memref<1x128x128xf32, #tpu.memory_space<vmem>> -> memref<128x128xf32, #tpu.memory_space<vmem>>
    %dma_start3A_239 = arith.constant 0 : i32
    %dma_start3A_240 = tpu.memref_slice %arg5[%arg0, %add3A_231, %dma_start3A_239] : memref<2x10240x128xf32, #tpu.memory_space<hbm>> -> memref<1x128x128xf32, #tpu.memory_space<hbm>>
    %dma_start3A_241 = tpu.memref_squeeze %dma_start3A_240 : memref<1x128x128xf32, #tpu.memory_space<hbm>> -> memref<128x128xf32, #tpu.memory_space<hbm>>
    %dma_start3A_242 = tpu.memref_slice %arg9[%dma_start3A_234] : memref<2x!tpu.dma_semaphore, #tpu.memory_space<semaphore_mem>> -> memref<1x!tpu.dma_semaphore, #tpu.memory_space<semaphore_mem>>
    %dma_start3A_243 = tpu.memref_squeeze %dma_start3A_242 : memref<1x!tpu.dma_semaphore, #tpu.memory_space<semaphore_mem>> -> memref<!tpu.dma_semaphore, #tpu.memory_space<semaphore_mem>>
    %dma_start3A_244 = arith.constant 0 : i32
    %dma_start3A_245 = tpu.memref_slice %arg5[%arg0, %add3A_231, %dma_start3A_244] : memref<2x10240x128xf32, #tpu.memory_space<hbm>> -> memref<1x128x128xf32, #tpu.memory_space<hbm>>
    %dma_start3A_246 = tpu.memref_squeeze %dma_start3A_245 : memref<1x128x128xf32, #tpu.memory_space<hbm>> -> memref<128x128xf32, #tpu.memory_space<hbm>>
    %dma_start3A_247 = arith.constant 0 : i32
    %dma_start3A_248 = arith.constant 0 : i32
    %dma_start3A_249 = tpu.memref_slice %arg7[%dma_start3A_233, %dma_start3A_247, %dma_start3A_248] : memref<2x128x128xf32, #tpu.memory_space<vmem>> -> memref<1x128x128xf32, #tpu.memory_space<vmem>>
    %dma_start3A_250 = tpu.memref_squeeze %dma_start3A_249 : memref<1x128x128xf32, #tpu.memory_space<vmem>> -> memref<128x128xf32, #tpu.memory_space<vmem>>
    tpu.enqueue_dma source(%dma_start3A_250 : memref<128x128xf32, #tpu.memory_space<vmem>>) target(%dma_start3A_246 : memref<128x128xf32, #tpu.memory_space<hbm>>) target_semaphore(%dma_start3A_243 : memref<!tpu.dma_semaphore, #tpu.memory_space<semaphore_mem>>)
    %add3A_251 = arith.constant 128 : i32
    %add3A_252 = arith.addi %mul3A_6, %add3A_251 : i32
    %run_scoped3A_253 = arith.constant 1 : i32
    "tpu.region"() ({
      %run_scoped3A_440 = tpu.sem_alloc : memref<!tpu.dma_semaphore, #tpu.memory_space<semaphore_mem>>
      %dma_start3A_441 = arith.constant 0 : i32
      %dma_start3A_442 = arith.constant 0 : i32
      %dma_start3A_443 = tpu.memref_slice %arg7[%run_scoped3A_253, %dma_start3A_441, %dma_start3A_442] : memref<2x128x128xf32, #tpu.memory_space<vmem>> -> memref<1x128x128xf32, #tpu.memory_space<vmem>>
      %dma_start3A_444 = tpu.memref_squeeze %dma_start3A_443 : memref<1x128x128xf32, #tpu.memory_space<vmem>> -> memref<128x128xf32, #tpu.memory_space<vmem>>
      %dma_start3A_445 = arith.constant 0 : i32
      %dma_start3A_446 = tpu.memref_slice %arg8[%add3A_252, %dma_start3A_445] : memref<10240x128xf32, #tpu.memory_space<vmem_shared>> -> memref<128x128xf32, #tpu.memory_space<vmem_shared>>
      %dma_start3A_447 = arith.constant 0 : i32
      %dma_start3A_448 = arith.constant 0 : i32
      %dma_start3A_449 = tpu.memref_slice %arg7[%run_scoped3A_253, %dma_start3A_447, %dma_start3A_448] : memref<2x128x128xf32, #tpu.memory_space<vmem>> -> memref<1x128x128xf32, #tpu.memory_space<vmem>>
      %dma_start3A_450 = tpu.memref_squeeze %dma_start3A_449 : memref<1x128x128xf32, #tpu.memory_space<vmem>> -> memref<128x128xf32, #tpu.memory_space<vmem>>
      %dma_start3A_451 = arith.constant 0 : i32
      %dma_start3A_452 = tpu.memref_slice %arg8[%add3A_252, %dma_start3A_451] : memref<10240x128xf32, #tpu.memory_space<vmem_shared>> -> memref<128x128xf32, #tpu.memory_space<vmem_shared>>
      tpu.enqueue_dma source(%dma_start3A_452 : memref<128x128xf32, #tpu.memory_space<vmem_shared>>) target(%dma_start3A_450 : memref<128x128xf32, #tpu.memory_space<vmem>>) target_semaphore(%run_scoped3A_440 : memref<!tpu.dma_semaphore, #tpu.memory_space<semaphore_mem>>)
      %dma_wait3A_453 = arith.constant 0 : i32
      %dma_wait3A_454 = arith.constant 0 : i32
      %dma_wait3A_455 = tpu.memref_slice %arg7[%run_scoped3A_253, %dma_wait3A_453, %dma_wait3A_454] : memref<2x128x128xf32, #tpu.memory_space<vmem>> -> memref<1x128x128xf32, #tpu.memory_space<vmem>>
      %dma_wait3A_456 = tpu.memref_squeeze %dma_wait3A_455 : memref<1x128x128xf32, #tpu.memory_space<vmem>> -> memref<128x128xf32, #tpu.memory_space<vmem>>
      %dma_wait3A_457 = arith.constant 0 : i32
      %dma_wait3A_458 = tpu.memref_slice %arg8[%add3A_252, %dma_wait3A_457] : memref<10240x128xf32, #tpu.memory_space<vmem_shared>> -> memref<128x128xf32, #tpu.memory_space<vmem_shared>>
      %dma_wait3A_459 = arith.constant 0 : i32
      %dma_wait3A_460 = arith.constant 0 : i32
      %dma_wait3A_461 = tpu.memref_slice %arg7[%run_scoped3A_253, %dma_wait3A_459, %dma_wait3A_460] : memref<2x128x128xf32, #tpu.memory_space<vmem>> -> memref<1x128x128xf32, #tpu.memory_space<vmem>>
      %dma_wait3A_462 = tpu.memref_squeeze %dma_wait3A_461 : memref<1x128x128xf32, #tpu.memory_space<vmem>> -> memref<128x128xf32, #tpu.memory_space<vmem>>
      %dma_wait3A_463 = arith.constant 0 : i32
      %dma_wait3A_464 = tpu.memref_slice %arg8[%add3A_252, %dma_wait3A_463] : memref<10240x128xf32, #tpu.memory_space<vmem_shared>> -> memref<128x128xf32, #tpu.memory_space<vmem_shared>>
      tpu.wait_dma2 semaphore(%run_scoped3A_440 : memref<!tpu.dma_semaphore, #tpu.memory_space<semaphore_mem>>) src(%dma_wait3A_464 : memref<128x128xf32, #tpu.memory_space<vmem_shared>>) dst(%dma_wait3A_462 : memref<128x128xf32, #tpu.memory_space<vmem>>)
      tpu.yield
    }) : () -> ()
    %dma_start3A_254 = arith.constant 1 : i32
    %dma_start3A_255 = arith.constant 1 : i32
    %dma_start3A_256 = arith.constant 0 : i32
    %dma_start3A_257 = arith.constant 0 : i32
    %dma_start3A_258 = tpu.memref_slice %arg7[%dma_start3A_254, %dma_start3A_256, %dma_start3A_257] : memref<2x128x128xf32, #tpu.memory_space<vmem>> -> memref<1x128x128xf32, #tpu.memory_space<vmem>>
    %dma_start3A_259 = tpu.memref_squeeze %dma_start3A_258 : memref<1x128x128xf32, #tpu.memory_space<vmem>> -> memref<128x128xf32, #tpu.memory_space<vmem>>
    %dma_start3A_260 = arith.constant 0 : i32
    %dma_start3A_261 = tpu.memref_slice %arg5[%arg0, %add3A_252, %dma_start3A_260] : memref<2x10240x128xf32, #tpu.memory_space<hbm>> -> memref<1x128x128xf32, #tpu.memory_space<hbm>>
    %dma_start3A_262 = tpu.memref_squeeze %dma_start3A_261 : memref<1x128x128xf32, #tpu.memory_space<hbm>> -> memref<128x128xf32, #tpu.memory_space<hbm>>
    %dma_start3A_263 = tpu.memref_slice %arg9[%dma_start3A_255] : memref<2x!tpu.dma_semaphore, #tpu.memory_space<semaphore_mem>> -> memref<1x!tpu.dma_semaphore, #tpu.memory_space<semaphore_mem>>
    %dma_start3A_264 = tpu.memref_squeeze %dma_start3A_263 : memref<1x!tpu.dma_semaphore, #tpu.memory_space<semaphore_mem>> -> memref<!tpu.dma_semaphore, #tpu.memory_space<semaphore_mem>>
    %dma_start3A_265 = arith.constant 0 : i32
    %dma_start3A_266 = tpu.memref_slice %arg5[%arg0, %add3A_252, %dma_start3A_265] : memref<2x10240x128xf32, #tpu.memory_space<hbm>> -> memref<1x128x128xf32, #tpu.memory_space<hbm>>
    %dma_start3A_267 = tpu.memref_squeeze %dma_start3A_266 : memref<1x128x128xf32, #tpu.memory_space<hbm>> -> memref<128x128xf32, #tpu.memory_space<hbm>>
    %dma_start3A_268 = arith.constant 0 : i32
    %dma_start3A_269 = arith.constant 0 : i32
    %dma_start3A_270 = tpu.memref_slice %arg7[%dma_start3A_254, %dma_start3A_268, %dma_start3A_269] : memref<2x128x128xf32, #tpu.memory_space<vmem>> -> memref<1x128x128xf32, #tpu.memory_space<vmem>>
    %dma_start3A_271 = tpu.memref_squeeze %dma_start3A_270 : memref<1x128x128xf32, #tpu.memory_space<vmem>> -> memref<128x128xf32, #tpu.memory_space<vmem>>
    tpu.enqueue_dma source(%dma_start3A_271 : memref<128x128xf32, #tpu.memory_space<vmem>>) target(%dma_start3A_267 : memref<128x128xf32, #tpu.memory_space<hbm>>) target_semaphore(%dma_start3A_264 : memref<!tpu.dma_semaphore, #tpu.memory_space<semaphore_mem>>)
    %add3A_272 = arith.constant 256 : i32
    %add3A_273 = arith.addi %mul3A_6, %add3A_272 : i32
    %dma_wait3A_274 = arith.constant 0 : i32
    %dma_wait3A_275 = arith.constant 0 : i32
    %dma_wait3A_276 = arith.constant 0 : i32
    %dma_wait3A_277 = arith.constant 0 : i32
    %dma_wait3A_278 = arith.constant 0 : i32
    %dma_wait3A_279 = tpu.memref_slice %arg7[%dma_wait3A_274, %dma_wait3A_277, %dma_wait3A_278] : memref<2x128x128xf32, #tpu.memory_space<vmem>> -> memref<1x128x128xf32, #tpu.memory_space<vmem>>
    %dma_wait3A_280 = tpu.memref_squeeze %dma_wait3A_279 : memref<1x128x128xf32, #tpu.memory_space<vmem>> -> memref<128x128xf32, #tpu.memory_space<vmem>>
    %dma_wait3A_281 = arith.constant 0 : i32
    %dma_wait3A_282 = arith.constant 0 : i32
    %dma_wait3A_283 = tpu.memref_slice %arg5[%dma_wait3A_275, %dma_wait3A_281, %dma_wait3A_282] : memref<2x10240x128xf32, #tpu.memory_space<hbm>> -> memref<1x128x128xf32, #tpu.memory_space<hbm>>
    %dma_wait3A_284 = tpu.memref_squeeze %dma_wait3A_283 : memref<1x128x128xf32, #tpu.memory_space<hbm>> -> memref<128x128xf32, #tpu.memory_space<hbm>>
    %dma_wait3A_285 = tpu.memref_slice %arg9[%dma_wait3A_276] : memref<2x!tpu.dma_semaphore, #tpu.memory_space<semaphore_mem>> -> memref<1x!tpu.dma_semaphore, #tpu.memory_space<semaphore_mem>>
    %dma_wait3A_286 = tpu.memref_squeeze %dma_wait3A_285 : memref<1x!tpu.dma_semaphore, #tpu.memory_space<semaphore_mem>> -> memref<!tpu.dma_semaphore, #tpu.memory_space<semaphore_mem>>
    %dma_wait3A_287 = arith.constant 0 : i32
    %dma_wait3A_288 = arith.constant 0 : i32
    %dma_wait3A_289 = tpu.memref_slice %arg5[%dma_wait3A_275, %dma_wait3A_287, %dma_wait3A_288] : memref<2x10240x128xf32, #tpu.memory_space<hbm>> -> memref<1x128x128xf32, #tpu.memory_space<hbm>>
    %dma_wait3A_290 = tpu.memref_squeeze %dma_wait3A_289 : memref<1x128x128xf32, #tpu.memory_space<hbm>> -> memref<128x128xf32, #tpu.memory_space<hbm>>
    %dma_wait3A_291 = arith.constant 0 : i32
    %dma_wait3A_292 = arith.constant 0 : i32
    %dma_wait3A_293 = tpu.memref_slice %arg7[%dma_wait3A_274, %dma_wait3A_291, %dma_wait3A_292] : memref<2x128x128xf32, #tpu.memory_space<vmem>> -> memref<1x128x128xf32, #tpu.memory_space<vmem>>
    %dma_wait3A_294 = tpu.memref_squeeze %dma_wait3A_293 : memref<1x128x128xf32, #tpu.memory_space<vmem>> -> memref<128x128xf32, #tpu.memory_space<vmem>>
    tpu.wait_dma2 semaphore(%dma_wait3A_286 : memref<!tpu.dma_semaphore, #tpu.memory_space<semaphore_mem>>) src(%dma_wait3A_294 : memref<128x128xf32, #tpu.memory_space<vmem>>) dst(%dma_wait3A_290 : memref<128x128xf32, #tpu.memory_space<hbm>>)
    %run_scoped3A_295 = arith.constant 0 : i32
    "tpu.region"() ({
      %run_scoped3A_440 = tpu.sem_alloc : memref<!tpu.dma_semaphore, #tpu.memory_space<semaphore_mem>>
      %dma_start3A_441 = arith.constant 0 : i32
      %dma_start3A_442 = arith.constant 0 : i32
      %dma_start3A_443 = tpu.memref_slice %arg7[%run_scoped3A_295, %dma_start3A_441, %dma_start3A_442] : memref<2x128x128xf32, #tpu.memory_space<vmem>> -> memref<1x128x128xf32, #tpu.memory_space<vmem>>
      %dma_start3A_444 = tpu.memref_squeeze %dma_start3A_443 : memref<1x128x128xf32, #tpu.memory_space<vmem>> -> memref<128x128xf32, #tpu.memory_space<vmem>>
      %dma_start3A_445 = arith.constant 0 : i32
      %dma_start3A_446 = tpu.memref_slice %arg8[%add3A_273, %dma_start3A_445] : memref<10240x128xf32, #tpu.memory_space<vmem_shared>> -> memref<128x128xf32, #tpu.memory_space<vmem_shared>>
      %dma_start3A_447 = arith.constant 0 : i32
      %dma_start3A_448 = arith.constant 0 : i32
      %dma_start3A_449 = tpu.memref_slice %arg7[%run_scoped3A_295, %dma_start3A_447, %dma_start3A_448] : memref<2x128x128xf32, #tpu.memory_space<vmem>> -> memref<1x128x128xf32, #tpu.memory_space<vmem>>
      %dma_start3A_450 = tpu.memref_squeeze %dma_start3A_449 : memref<1x128x128xf32, #tpu.memory_space<vmem>> -> memref<128x128xf32, #tpu.memory_space<vmem>>
      %dma_start3A_451 = arith.constant 0 : i32
      %dma_start3A_452 = tpu.memref_slice %arg8[%add3A_273, %dma_start3A_451] : memref<10240x128xf32, #tpu.memory_space<vmem_shared>> -> memref<128x128xf32, #tpu.memory_space<vmem_shared>>
      tpu.enqueue_dma source(%dma_start3A_452 : memref<128x128xf32, #tpu.memory_space<vmem_shared>>) target(%dma_start3A_450 : memref<128x128xf32, #tpu.memory_space<vmem>>) target_semaphore(%run_scoped3A_440 : memref<!tpu.dma_semaphore, #tpu.memory_space<semaphore_mem>>)
      %dma_wait3A_453 = arith.constant 0 : i32
      %dma_wait3A_454 = arith.constant 0 : i32
      %dma_wait3A_455 = tpu.memref_slice %arg7[%run_scoped3A_295, %dma_wait3A_453, %dma_wait3A_454] : memref<2x128x128xf32, #tpu.memory_space<vmem>> -> memref<1x128x128xf32, #tpu.memory_space<vmem>>
      %dma_wait3A_456 = tpu.memref_squeeze %dma_wait3A_455 : memref<1x128x128xf32, #tpu.memory_space<vmem>> -> memref<128x128xf32, #tpu.memory_space<vmem>>
      %dma_wait3A_457 = arith.constant 0 : i32
      %dma_wait3A_458 = tpu.memref_slice %arg8[%add3A_273, %dma_wait3A_457] : memref<10240x128xf32, #tpu.memory_space<vmem_shared>> -> memref<128x128xf32, #tpu.memory_space<vmem_shared>>
      %dma_wait3A_459 = arith.constant 0 : i32
      %dma_wait3A_460 = arith.constant 0 : i32
      %dma_wait3A_461 = tpu.memref_slice %arg7[%run_scoped3A_295, %dma_wait3A_459, %dma_wait3A_460] : memref<2x128x128xf32, #tpu.memory_space<vmem>> -> memref<1x128x128xf32, #tpu.memory_space<vmem>>
      %dma_wait3A_462 = tpu.memref_squeeze %dma_wait3A_461 : memref<1x128x128xf32, #tpu.memory_space<vmem>> -> memref<128x128xf32, #tpu.memory_space<vmem>>
      %dma_wait3A_463 = arith.constant 0 : i32
      %dma_wait3A_464 = tpu.memref_slice %arg8[%add3A_273, %dma_wait3A_463] : memref<10240x128xf32, #tpu.memory_space<vmem_shared>> -> memref<128x128xf32, #tpu.memory_space<vmem_shared>>
      tpu.wait_dma2 semaphore(%run_scoped3A_440 : memref<!tpu.dma_semaphore, #tpu.memory_space<semaphore_mem>>) src(%dma_wait3A_464 : memref<128x128xf32, #tpu.memory_space<vmem_shared>>) dst(%dma_wait3A_462 : memref<128x128xf32, #tpu.memory_space<vmem>>)
      tpu.yield
    }) : () -> ()
    %dma_start3A_296 = arith.constant 0 : i32
    %dma_start3A_297 = arith.constant 0 : i32
    %dma_start3A_298 = arith.constant 0 : i32
    %dma_start3A_299 = arith.constant 0 : i32
    %dma_start3A_300 = tpu.memref_slice %arg7[%dma_start3A_296, %dma_start3A_298, %dma_start3A_299] : memref<2x128x128xf32, #tpu.memory_space<vmem>> -> memref<1x128x128xf32, #tpu.memory_space<vmem>>
    %dma_start3A_301 = tpu.memref_squeeze %dma_start3A_300 : memref<1x128x128xf32, #tpu.memory_space<vmem>> -> memref<128x128xf32, #tpu.memory_space<vmem>>
    %dma_start3A_302 = arith.constant 0 : i32
    %dma_start3A_303 = tpu.memref_slice %arg5[%arg0, %add3A_273, %dma_start3A_302] : memref<2x10240x128xf32, #tpu.memory_space<hbm>> -> memref<1x128x128xf32, #tpu.memory_space<hbm>>
    %dma_start3A_304 = tpu.memref_squeeze %dma_start3A_303 : memref<1x128x128xf32, #tpu.memory_space<hbm>> -> memref<128x128xf32, #tpu.memory_space<hbm>>
    %dma_start3A_305 = tpu.memref_slice %arg9[%dma_start3A_297] : memref<2x!tpu.dma_semaphore, #tpu.memory_space<semaphore_mem>> -> memref<1x!tpu.dma_semaphore, #tpu.memory_space<semaphore_mem>>
    %dma_start3A_306 = tpu.memref_squeeze %dma_start3A_305 : memref<1x!tpu.dma_semaphore, #tpu.memory_space<semaphore_mem>> -> memref<!tpu.dma_semaphore, #tpu.memory_space<semaphore_mem>>
    %dma_start3A_307 = arith.constant 0 : i32
    %dma_start3A_308 = tpu.memref_slice %arg5[%arg0, %add3A_273, %dma_start3A_307] : memref<2x10240x128xf32, #tpu.memory_space<hbm>> -> memref<1x128x128xf32, #tpu.memory_space<hbm>>
    %dma_start3A_309 = tpu.memref_squeeze %dma_start3A_308 : memref<1x128x128xf32, #tpu.memory_space<hbm>> -> memref<128x128xf32, #tpu.memory_space<hbm>>
    %dma_start3A_310 = arith.constant 0 : i32
    %dma_start3A_311 = arith.constant 0 : i32
    %dma_start3A_312 = tpu.memref_slice %arg7[%dma_start3A_296, %dma_start3A_310, %dma_start3A_311] : memref<2x128x128xf32, #tpu.memory_space<vmem>> -> memref<1x128x128xf32, #tpu.memory_space<vmem>>
    %dma_start3A_313 = tpu.memref_squeeze %dma_start3A_312 : memref<1x128x128xf32, #tpu.memory_space<vmem>> -> memref<128x128xf32, #tpu.memory_space<vmem>>
    tpu.enqueue_dma source(%dma_start3A_313 : memref<128x128xf32, #tpu.memory_space<vmem>>) target(%dma_start3A_309 : memref<128x128xf32, #tpu.memory_space<hbm>>) target_semaphore(%dma_start3A_306 : memref<!tpu.dma_semaphore, #tpu.memory_space<semaphore_mem>>)
    %add3A_314 = arith.constant 384 : i32
    %add3A_315 = arith.addi %mul3A_6, %add3A_314 : i32
    %dma_wait3A_316 = arith.constant 1 : i32
    %dma_wait3A_317 = arith.constant 0 : i32
    %dma_wait3A_318 = arith.constant 1 : i32
    %dma_wait3A_319 = arith.constant 0 : i32
    %dma_wait3A_320 = arith.constant 0 : i32
    %dma_wait3A_321 = tpu.memref_slice %arg7[%dma_wait3A_316, %dma_wait3A_319, %dma_wait3A_320] : memref<2x128x128xf32, #tpu.memory_space<vmem>> -> memref<1x128x128xf32, #tpu.memory_space<vmem>>
    %dma_wait3A_322 = tpu.memref_squeeze %dma_wait3A_321 : memref<1x128x128xf32, #tpu.memory_space<vmem>> -> memref<128x128xf32, #tpu.memory_space<vmem>>
    %dma_wait3A_323 = arith.constant 0 : i32
    %dma_wait3A_324 = arith.constant 0 : i32
    %dma_wait3A_325 = tpu.memref_slice %arg5[%dma_wait3A_317, %dma_wait3A_323, %dma_wait3A_324] : memref<2x10240x128xf32, #tpu.memory_space<hbm>> -> memref<1x128x128xf32, #tpu.memory_space<hbm>>
    %dma_wait3A_326 = tpu.memref_squeeze %dma_wait3A_325 : memref<1x128x128xf32, #tpu.memory_space<hbm>> -> memref<128x128xf32, #tpu.memory_space<hbm>>
    %dma_wait3A_327 = tpu.memref_slice %arg9[%dma_wait3A_318] : memref<2x!tpu.dma_semaphore, #tpu.memory_space<semaphore_mem>> -> memref<1x!tpu.dma_semaphore, #tpu.memory_space<semaphore_mem>>
    %dma_wait3A_328 = tpu.memref_squeeze %dma_wait3A_327 : memref<1x!tpu.dma_semaphore, #tpu.memory_space<semaphore_mem>> -> memref<!tpu.dma_semaphore, #tpu.memory_space<semaphore_mem>>
    %dma_wait3A_329 = arith.constant 0 : i32
    %dma_wait3A_330 = arith.constant 0 : i32
    %dma_wait3A_331 = tpu.memref_slice %arg5[%dma_wait3A_317, %dma_wait3A_329, %dma_wait3A_330] : memref<2x10240x128xf32, #tpu.memory_space<hbm>> -> memref<1x128x128xf32, #tpu.memory_space<hbm>>
    %dma_wait3A_332 = tpu.memref_squeeze %dma_wait3A_331 : memref<1x128x128xf32, #tpu.memory_space<hbm>> -> memref<128x128xf32, #tpu.memory_space<hbm>>
    %dma_wait3A_333 = arith.constant 0 : i32
    %dma_wait3A_334 = arith.constant 0 : i32
    %dma_wait3A_335 = tpu.memref_slice %arg7[%dma_wait3A_316, %dma_wait3A_333, %dma_wait3A_334] : memref<2x128x128xf32, #tpu.memory_space<vmem>> -> memref<1x128x128xf32, #tpu.memory_space<vmem>>
    %dma_wait3A_336 = tpu.memref_squeeze %dma_wait3A_335 : memref<1x128x128xf32, #tpu.memory_space<vmem>> -> memref<128x128xf32, #tpu.memory_space<vmem>>
    tpu.wait_dma2 semaphore(%dma_wait3A_328 : memref<!tpu.dma_semaphore, #tpu.memory_space<semaphore_mem>>) src(%dma_wait3A_336 : memref<128x128xf32, #tpu.memory_space<vmem>>) dst(%dma_wait3A_332 : memref<128x128xf32, #tpu.memory_space<hbm>>)
    %run_scoped3A_337 = arith.constant 1 : i32
    "tpu.region"() ({
      %run_scoped3A_440 = tpu.sem_alloc : memref<!tpu.dma_semaphore, #tpu.memory_space<semaphore_mem>>
      %dma_start3A_441 = arith.constant 0 : i32
      %dma_start3A_442 = arith.constant 0 : i32
      %dma_start3A_443 = tpu.memref_slice %arg7[%run_scoped3A_337, %dma_start3A_441, %dma_start3A_442] : memref<2x128x128xf32, #tpu.memory_space<vmem>> -> memref<1x128x128xf32, #tpu.memory_space<vmem>>
      %dma_start3A_444 = tpu.memref_squeeze %dma_start3A_443 : memref<1x128x128xf32, #tpu.memory_space<vmem>> -> memref<128x128xf32, #tpu.memory_space<vmem>>
      %dma_start3A_445 = arith.constant 0 : i32
      %dma_start3A_446 = tpu.memref_slice %arg8[%add3A_315, %dma_start3A_445] : memref<10240x128xf32, #tpu.memory_space<vmem_shared>> -> memref<128x128xf32, #tpu.memory_space<vmem_shared>>
      %dma_start3A_447 = arith.constant 0 : i32
      %dma_start3A_448 = arith.constant 0 : i32
      %dma_start3A_449 = tpu.memref_slice %arg7[%run_scoped3A_337, %dma_start3A_447, %dma_start3A_448] : memref<2x128x128xf32, #tpu.memory_space<vmem>> -> memref<1x128x128xf32, #tpu.memory_space<vmem>>
      %dma_start3A_450 = tpu.memref_squeeze %dma_start3A_449 : memref<1x128x128xf32, #tpu.memory_space<vmem>> -> memref<128x128xf32, #tpu.memory_space<vmem>>
      %dma_start3A_451 = arith.constant 0 : i32
      %dma_start3A_452 = tpu.memref_slice %arg8[%add3A_315, %dma_start3A_451] : memref<10240x128xf32, #tpu.memory_space<vmem_shared>> -> memref<128x128xf32, #tpu.memory_space<vmem_shared>>
      tpu.enqueue_dma source(%dma_start3A_452 : memref<128x128xf32, #tpu.memory_space<vmem_shared>>) target(%dma_start3A_450 : memref<128x128xf32, #tpu.memory_space<vmem>>) target_semaphore(%run_scoped3A_440 : memref<!tpu.dma_semaphore, #tpu.memory_space<semaphore_mem>>)
      %dma_wait3A_453 = arith.constant 0 : i32
      %dma_wait3A_454 = arith.constant 0 : i32
      %dma_wait3A_455 = tpu.memref_slice %arg7[%run_scoped3A_337, %dma_wait3A_453, %dma_wait3A_454] : memref<2x128x128xf32, #tpu.memory_space<vmem>> -> memref<1x128x128xf32, #tpu.memory_space<vmem>>
      %dma_wait3A_456 = tpu.memref_squeeze %dma_wait3A_455 : memref<1x128x128xf32, #tpu.memory_space<vmem>> -> memref<128x128xf32, #tpu.memory_space<vmem>>
      %dma_wait3A_457 = arith.constant 0 : i32
      %dma_wait3A_458 = tpu.memref_slice %arg8[%add3A_315, %dma_wait3A_457] : memref<10240x128xf32, #tpu.memory_space<vmem_shared>> -> memref<128x128xf32, #tpu.memory_space<vmem_shared>>
      %dma_wait3A_459 = arith.constant 0 : i32
      %dma_wait3A_460 = arith.constant 0 : i32
      %dma_wait3A_461 = tpu.memref_slice %arg7[%run_scoped3A_337, %dma_wait3A_459, %dma_wait3A_460] : memref<2x128x128xf32, #tpu.memory_space<vmem>> -> memref<1x128x128xf32, #tpu.memory_space<vmem>>
      %dma_wait3A_462 = tpu.memref_squeeze %dma_wait3A_461 : memref<1x128x128xf32, #tpu.memory_space<vmem>> -> memref<128x128xf32, #tpu.memory_space<vmem>>
      %dma_wait3A_463 = arith.constant 0 : i32
      %dma_wait3A_464 = tpu.memref_slice %arg8[%add3A_315, %dma_wait3A_463] : memref<10240x128xf32, #tpu.memory_space<vmem_shared>> -> memref<128x128xf32, #tpu.memory_space<vmem_shared>>
      tpu.wait_dma2 semaphore(%run_scoped3A_440 : memref<!tpu.dma_semaphore, #tpu.memory_space<semaphore_mem>>) src(%dma_wait3A_464 : memref<128x128xf32, #tpu.memory_space<vmem_shared>>) dst(%dma_wait3A_462 : memref<128x128xf32, #tpu.memory_space<vmem>>)
      tpu.yield
    }) : () -> ()
    %dma_start3A_338 = arith.constant 1 : i32
    %dma_start3A_339 = arith.constant 1 : i32
    %dma_start3A_340 = arith.constant 0 : i32
    %dma_start3A_341 = arith.constant 0 : i32
    %dma_start3A_342 = tpu.memref_slice %arg7[%dma_start3A_338, %dma_start3A_340, %dma_start3A_341] : memref<2x128x128xf32, #tpu.memory_space<vmem>> -> memref<1x128x128xf32, #tpu.memory_space<vmem>>
    %dma_start3A_343 = tpu.memref_squeeze %dma_start3A_342 : memref<1x128x128xf32, #tpu.memory_space<vmem>> -> memref<128x128xf32, #tpu.memory_space<vmem>>
    %dma_start3A_344 = arith.constant 0 : i32
    %dma_start3A_345 = tpu.memref_slice %arg5[%arg0, %add3A_315, %dma_start3A_344] : memref<2x10240x128xf32, #tpu.memory_space<hbm>> -> memref<1x128x128xf32, #tpu.memory_space<hbm>>
    %dma_start3A_346 = tpu.memref_squeeze %dma_start3A_345 : memref<1x128x128xf32, #tpu.memory_space<hbm>> -> memref<128x128xf32, #tpu.memory_space<hbm>>
    %dma_start3A_347 = tpu.memref_slice %arg9[%dma_start3A_339] : memref<2x!tpu.dma_semaphore, #tpu.memory_space<semaphore_mem>> -> memref<1x!tpu.dma_semaphore, #tpu.memory_space<semaphore_mem>>
    %dma_start3A_348 = tpu.memref_squeeze %dma_start3A_347 : memref<1x!tpu.dma_semaphore, #tpu.memory_space<semaphore_mem>> -> memref<!tpu.dma_semaphore, #tpu.memory_space<semaphore_mem>>
    %dma_start3A_349 = arith.constant 0 : i32
    %dma_start3A_350 = tpu.memref_slice %arg5[%arg0, %add3A_315, %dma_start3A_349] : memref<2x10240x128xf32, #tpu.memory_space<hbm>> -> memref<1x128x128xf32, #tpu.memory_space<hbm>>
    %dma_start3A_351 = tpu.memref_squeeze %dma_start3A_350 : memref<1x128x128xf32, #tpu.memory_space<hbm>> -> memref<128x128xf32, #tpu.memory_space<hbm>>
    %dma_start3A_352 = arith.constant 0 : i32
    %dma_start3A_353 = arith.constant 0 : i32
    %dma_start3A_354 = tpu.memref_slice %arg7[%dma_start3A_338, %dma_start3A_352, %dma_start3A_353] : memref<2x128x128xf32, #tpu.memory_space<vmem>> -> memref<1x128x128xf32, #tpu.memory_space<vmem>>
    %dma_start3A_355 = tpu.memref_squeeze %dma_start3A_354 : memref<1x128x128xf32, #tpu.memory_space<vmem>> -> memref<128x128xf32, #tpu.memory_space<vmem>>
    tpu.enqueue_dma source(%dma_start3A_355 : memref<128x128xf32, #tpu.memory_space<vmem>>) target(%dma_start3A_351 : memref<128x128xf32, #tpu.memory_space<hbm>>) target_semaphore(%dma_start3A_348 : memref<!tpu.dma_semaphore, #tpu.memory_space<semaphore_mem>>)
    %add3A_356 = arith.constant 512 : i32
    %add3A_357 = arith.addi %mul3A_6, %add3A_356 : i32
    %dma_wait3A_358 = arith.constant 0 : i32
    %dma_wait3A_359 = arith.constant 0 : i32
    %dma_wait3A_360 = arith.constant 0 : i32
    %dma_wait3A_361 = arith.constant 0 : i32
    %dma_wait3A_362 = arith.constant 0 : i32
    %dma_wait3A_363 = tpu.memref_slice %arg7[%dma_wait3A_358, %dma_wait3A_361, %dma_wait3A_362] : memref<2x128x128xf32, #tpu.memory_space<vmem>> -> memref<1x128x128xf32, #tpu.memory_space<vmem>>
    %dma_wait3A_364 = tpu.memref_squeeze %dma_wait3A_363 : memref<1x128x128xf32, #tpu.memory_space<vmem>> -> memref<128x128xf32, #tpu.memory_space<vmem>>
    %dma_wait3A_365 = arith.constant 0 : i32
    %dma_wait3A_366 = arith.constant 0 : i32
    %dma_wait3A_367 = tpu.memref_slice %arg5[%dma_wait3A_359, %dma_wait3A_365, %dma_wait3A_366] : memref<2x10240x128xf32, #tpu.memory_space<hbm>> -> memref<1x128x128xf32, #tpu.memory_space<hbm>>
    %dma_wait3A_368 = tpu.memref_squeeze %dma_wait3A_367 : memref<1x128x128xf32, #tpu.memory_space<hbm>> -> memref<128x128xf32, #tpu.memory_space<hbm>>
    %dma_wait3A_369 = tpu.memref_slice %arg9[%dma_wait3A_360] : memref<2x!tpu.dma_semaphore, #tpu.memory_space<semaphore_mem>> -> memref<1x!tpu.dma_semaphore, #tpu.memory_space<semaphore_mem>>
    %dma_wait3A_370 = tpu.memref_squeeze %dma_wait3A_369 : memref<1x!tpu.dma_semaphore, #tpu.memory_space<semaphore_mem>> -> memref<!tpu.dma_semaphore, #tpu.memory_space<semaphore_mem>>
    %dma_wait3A_371 = arith.constant 0 : i32
    %dma_wait3A_372 = arith.constant 0 : i32
    %dma_wait3A_373 = tpu.memref_slice %arg5[%dma_wait3A_359, %dma_wait3A_371, %dma_wait3A_372] : memref<2x10240x128xf32, #tpu.memory_space<hbm>> -> memref<1x128x128xf32, #tpu.memory_space<hbm>>
    %dma_wait3A_374 = tpu.memref_squeeze %dma_wait3A_373 : memref<1x128x128xf32, #tpu.memory_space<hbm>> -> memref<128x128xf32, #tpu.memory_space<hbm>>
    %dma_wait3A_375 = arith.constant 0 : i32
    %dma_wait3A_376 = arith.constant 0 : i32
    %dma_wait3A_377 = tpu.memref_slice %arg7[%dma_wait3A_358, %dma_wait3A_375, %dma_wait3A_376] : memref<2x128x128xf32, #tpu.memory_space<vmem>> -> memref<1x128x128xf32, #tpu.memory_space<vmem>>
    %dma_wait3A_378 = tpu.memref_squeeze %dma_wait3A_377 : memref<1x128x128xf32, #tpu.memory_space<vmem>> -> memref<128x128xf32, #tpu.memory_space<vmem>>
    tpu.wait_dma2 semaphore(%dma_wait3A_370 : memref<!tpu.dma_semaphore, #tpu.memory_space<semaphore_mem>>) src(%dma_wait3A_378 : memref<128x128xf32, #tpu.memory_space<vmem>>) dst(%dma_wait3A_374 : memref<128x128xf32, #tpu.memory_space<hbm>>)
    %run_scoped3A_379 = arith.constant 0 : i32
    "tpu.region"() ({
      %run_scoped3A_440 = tpu.sem_alloc : memref<!tpu.dma_semaphore, #tpu.memory_space<semaphore_mem>>
      %dma_start3A_441 = arith.constant 0 : i32
      %dma_start3A_442 = arith.constant 0 : i32
      %dma_start3A_443 = tpu.memref_slice %arg7[%run_scoped3A_379, %dma_start3A_441, %dma_start3A_442] : memref<2x128x128xf32, #tpu.memory_space<vmem>> -> memref<1x128x128xf32, #tpu.memory_space<vmem>>
      %dma_start3A_444 = tpu.memref_squeeze %dma_start3A_443 : memref<1x128x128xf32, #tpu.memory_space<vmem>> -> memref<128x128xf32, #tpu.memory_space<vmem>>
      %dma_start3A_445 = arith.constant 0 : i32
      %dma_start3A_446 = tpu.memref_slice %arg8[%add3A_357, %dma_start3A_445] : memref<10240x128xf32, #tpu.memory_space<vmem_shared>> -> memref<128x128xf32, #tpu.memory_space<vmem_shared>>
      %dma_start3A_447 = arith.constant 0 : i32
      %dma_start3A_448 = arith.constant 0 : i32
      %dma_start3A_449 = tpu.memref_slice %arg7[%run_scoped3A_379, %dma_start3A_447, %dma_start3A_448] : memref<2x128x128xf32, #tpu.memory_space<vmem>> -> memref<1x128x128xf32, #tpu.memory_space<vmem>>
      %dma_start3A_450 = tpu.memref_squeeze %dma_start3A_449 : memref<1x128x128xf32, #tpu.memory_space<vmem>> -> memref<128x128xf32, #tpu.memory_space<vmem>>
      %dma_start3A_451 = arith.constant 0 : i32
      %dma_start3A_452 = tpu.memref_slice %arg8[%add3A_357, %dma_start3A_451] : memref<10240x128xf32, #tpu.memory_space<vmem_shared>> -> memref<128x128xf32, #tpu.memory_space<vmem_shared>>
      tpu.enqueue_dma source(%dma_start3A_452 : memref<128x128xf32, #tpu.memory_space<vmem_shared>>) target(%dma_start3A_450 : memref<128x128xf32, #tpu.memory_space<vmem>>) target_semaphore(%run_scoped3A_440 : memref<!tpu.dma_semaphore, #tpu.memory_space<semaphore_mem>>)
      %dma_wait3A_453 = arith.constant 0 : i32
      %dma_wait3A_454 = arith.constant 0 : i32
      %dma_wait3A_455 = tpu.memref_slice %arg7[%run_scoped3A_379, %dma_wait3A_453, %dma_wait3A_454] : memref<2x128x128xf32, #tpu.memory_space<vmem>> -> memref<1x128x128xf32, #tpu.memory_space<vmem>>
      %dma_wait3A_456 = tpu.memref_squeeze %dma_wait3A_455 : memref<1x128x128xf32, #tpu.memory_space<vmem>> -> memref<128x128xf32, #tpu.memory_space<vmem>>
      %dma_wait3A_457 = arith.constant 0 : i32
      %dma_wait3A_458 = tpu.memref_slice %arg8[%add3A_357, %dma_wait3A_457] : memref<10240x128xf32, #tpu.memory_space<vmem_shared>> -> memref<128x128xf32, #tpu.memory_space<vmem_shared>>
      %dma_wait3A_459 = arith.constant 0 : i32
      %dma_wait3A_460 = arith.constant 0 : i32
      %dma_wait3A_461 = tpu.memref_slice %arg7[%run_scoped3A_379, %dma_wait3A_459, %dma_wait3A_460] : memref<2x128x128xf32, #tpu.memory_space<vmem>> -> memref<1x128x128xf32, #tpu.memory_space<vmem>>
      %dma_wait3A_462 = tpu.memref_squeeze %dma_wait3A_461 : memref<1x128x128xf32, #tpu.memory_space<vmem>> -> memref<128x128xf32, #tpu.memory_space<vmem>>
      %dma_wait3A_463 = arith.constant 0 : i32
      %dma_wait3A_464 = tpu.memref_slice %arg8[%add3A_357, %dma_wait3A_463] : memref<10240x128xf32, #tpu.memory_space<vmem_shared>> -> memref<128x128xf32, #tpu.memory_space<vmem_shared>>
      tpu.wait_dma2 semaphore(%run_scoped3A_440 : memref<!tpu.dma_semaphore, #tpu.memory_space<semaphore_mem>>) src(%dma_wait3A_464 : memref<128x128xf32, #tpu.memory_space<vmem_shared>>) dst(%dma_wait3A_462 : memref<128x128xf32, #tpu.memory_space<vmem>>)
      tpu.yield
    }) : () -> ()
    %dma_start3A_380 = arith.constant 0 : i32
    %dma_start3A_381 = arith.constant 0 : i32
    %dma_start3A_382 = arith.constant 0 : i32
    %dma_start3A_383 = arith.constant 0 : i32
    %dma_start3A_384 = tpu.memref_slice %arg7[%dma_start3A_380, %dma_start3A_382, %dma_start3A_383] : memref<2x128x128xf32, #tpu.memory_space<vmem>> -> memref<1x128x128xf32, #tpu.memory_space<vmem>>
    %dma_start3A_385 = tpu.memref_squeeze %dma_start3A_384 : memref<1x128x128xf32, #tpu.memory_space<vmem>> -> memref<128x128xf32, #tpu.memory_space<vmem>>
    %dma_start3A_386 = arith.constant 0 : i32
    %dma_start3A_387 = tpu.memref_slice %arg5[%arg0, %add3A_357, %dma_start3A_386] : memref<2x10240x128xf32, #tpu.memory_space<hbm>> -> memref<1x128x128xf32, #tpu.memory_space<hbm>>
    %dma_start3A_388 = tpu.memref_squeeze %dma_start3A_387 : memref<1x128x128xf32, #tpu.memory_space<hbm>> -> memref<128x128xf32, #tpu.memory_space<hbm>>
    %dma_start3A_389 = tpu.memref_slice %arg9[%dma_start3A_381] : memref<2x!tpu.dma_semaphore, #tpu.memory_space<semaphore_mem>> -> memref<1x!tpu.dma_semaphore, #tpu.memory_space<semaphore_mem>>
    %dma_start3A_390 = tpu.memref_squeeze %dma_start3A_389 : memref<1x!tpu.dma_semaphore, #tpu.memory_space<semaphore_mem>> -> memref<!tpu.dma_semaphore, #tpu.memory_space<semaphore_mem>>
    %dma_start3A_391 = arith.constant 0 : i32
    %dma_start3A_392 = tpu.memref_slice %arg5[%arg0, %add3A_357, %dma_start3A_391] : memref<2x10240x128xf32, #tpu.memory_space<hbm>> -> memref<1x128x128xf32, #tpu.memory_space<hbm>>
    %dma_start3A_393 = tpu.memref_squeeze %dma_start3A_392 : memref<1x128x128xf32, #tpu.memory_space<hbm>> -> memref<128x128xf32, #tpu.memory_space<hbm>>
    %dma_start3A_394 = arith.constant 0 : i32
    %dma_start3A_395 = arith.constant 0 : i32
    %dma_start3A_396 = tpu.memref_slice %arg7[%dma_start3A_380, %dma_start3A_394, %dma_start3A_395] : memref<2x128x128xf32, #tpu.memory_space<vmem>> -> memref<1x128x128xf32, #tpu.memory_space<vmem>>
    %dma_start3A_397 = tpu.memref_squeeze %dma_start3A_396 : memref<1x128x128xf32, #tpu.memory_space<vmem>> -> memref<128x128xf32, #tpu.memory_space<vmem>>
    tpu.enqueue_dma source(%dma_start3A_397 : memref<128x128xf32, #tpu.memory_space<vmem>>) target(%dma_start3A_393 : memref<128x128xf32, #tpu.memory_space<hbm>>) target_semaphore(%dma_start3A_390 : memref<!tpu.dma_semaphore, #tpu.memory_space<semaphore_mem>>)
    %dma_wait3A_398 = arith.constant 1 : i32
    %dma_wait3A_399 = arith.constant 0 : i32
    %dma_wait3A_400 = arith.constant 1 : i32
    %dma_wait3A_401 = arith.constant 0 : i32
    %dma_wait3A_402 = arith.constant 0 : i32
    %dma_wait3A_403 = tpu.memref_slice %arg7[%dma_wait3A_398, %dma_wait3A_401, %dma_wait3A_402] : memref<2x128x128xf32, #tpu.memory_space<vmem>> -> memref<1x128x128xf32, #tpu.memory_space<vmem>>
    %dma_wait3A_404 = tpu.memref_squeeze %dma_wait3A_403 : memref<1x128x128xf32, #tpu.memory_space<vmem>> -> memref<128x128xf32, #tpu.memory_space<vmem>>
    %dma_wait3A_405 = arith.constant 0 : i32
    %dma_wait3A_406 = arith.constant 0 : i32
    %dma_wait3A_407 = tpu.memref_slice %arg5[%dma_wait3A_399, %dma_wait3A_405, %dma_wait3A_406] : memref<2x10240x128xf32, #tpu.memory_space<hbm>> -> memref<1x128x128xf32, #tpu.memory_space<hbm>>
    %dma_wait3A_408 = tpu.memref_squeeze %dma_wait3A_407 : memref<1x128x128xf32, #tpu.memory_space<hbm>> -> memref<128x128xf32, #tpu.memory_space<hbm>>
    %dma_wait3A_409 = tpu.memref_slice %arg9[%dma_wait3A_400] : memref<2x!tpu.dma_semaphore, #tpu.memory_space<semaphore_mem>> -> memref<1x!tpu.dma_semaphore, #tpu.memory_space<semaphore_mem>>
    %dma_wait3A_410 = tpu.memref_squeeze %dma_wait3A_409 : memref<1x!tpu.dma_semaphore, #tpu.memory_space<semaphore_mem>> -> memref<!tpu.dma_semaphore, #tpu.memory_space<semaphore_mem>>
    %dma_wait3A_411 = arith.constant 0 : i32
    %dma_wait3A_412 = arith.constant 0 : i32
    %dma_wait3A_413 = tpu.memref_slice %arg5[%dma_wait3A_399, %dma_wait3A_411, %dma_wait3A_412] : memref<2x10240x128xf32, #tpu.memory_space<hbm>> -> memref<1x128x128xf32, #tpu.memory_space<hbm>>
    %dma_wait3A_414 = tpu.memref_squeeze %dma_wait3A_413 : memref<1x128x128xf32, #tpu.memory_space<hbm>> -> memref<128x128xf32, #tpu.memory_space<hbm>>
    %dma_wait3A_415 = arith.constant 0 : i32
    %dma_wait3A_416 = arith.constant 0 : i32
    %dma_wait3A_417 = tpu.memref_slice %arg7[%dma_wait3A_398, %dma_wait3A_415, %dma_wait3A_416] : memref<2x128x128xf32, #tpu.memory_space<vmem>> -> memref<1x128x128xf32, #tpu.memory_space<vmem>>
    %dma_wait3A_418 = tpu.memref_squeeze %dma_wait3A_417 : memref<1x128x128xf32, #tpu.memory_space<vmem>> -> memref<128x128xf32, #tpu.memory_space<vmem>>
    tpu.wait_dma2 semaphore(%dma_wait3A_410 : memref<!tpu.dma_semaphore, #tpu.memory_space<semaphore_mem>>) src(%dma_wait3A_418 : memref<128x128xf32, #tpu.memory_space<vmem>>) dst(%dma_wait3A_414 : memref<128x128xf32, #tpu.memory_space<hbm>>)
    %dma_wait3A_419 = arith.constant 0 : i32
    %dma_wait3A_420 = arith.constant 0 : i32
    %dma_wait3A_421 = arith.constant 0 : i32
    %dma_wait3A_422 = arith.constant 0 : i32
    %dma_wait3A_423 = arith.constant 0 : i32
    %dma_wait3A_424 = tpu.memref_slice %arg7[%dma_wait3A_419, %dma_wait3A_422, %dma_wait3A_423] : memref<2x128x128xf32, #tpu.memory_space<vmem>> -> memref<1x128x128xf32, #tpu.memory_space<vmem>>
    %dma_wait3A_425 = tpu.memref_squeeze %dma_wait3A_424 : memref<1x128x128xf32, #tpu.memory_space<vmem>> -> memref<128x128xf32, #tpu.memory_space<vmem>>
    %dma_wait3A_426 = arith.constant 0 : i32
    %dma_wait3A_427 = arith.constant 0 : i32
    %dma_wait3A_428 = tpu.memref_slice %arg5[%dma_wait3A_420, %dma_wait3A_426, %dma_wait3A_427] : memref<2x10240x128xf32, #tpu.memory_space<hbm>> -> memref<1x128x128xf32, #tpu.memory_space<hbm>>
    %dma_wait3A_429 = tpu.memref_squeeze %dma_wait3A_428 : memref<1x128x128xf32, #tpu.memory_space<hbm>> -> memref<128x128xf32, #tpu.memory_space<hbm>>
    %dma_wait3A_430 = tpu.memref_slice %arg9[%dma_wait3A_421] : memref<2x!tpu.dma_semaphore, #tpu.memory_space<semaphore_mem>> -> memref<1x!tpu.dma_semaphore, #tpu.memory_space<semaphore_mem>>
    %dma_wait3A_431 = tpu.memref_squeeze %dma_wait3A_430 : memref<1x!tpu.dma_semaphore, #tpu.memory_space<semaphore_mem>> -> memref<!tpu.dma_semaphore, #tpu.memory_space<semaphore_mem>>
    %dma_wait3A_432 = arith.constant 0 : i32
    %dma_wait3A_433 = arith.constant 0 : i32
    %dma_wait3A_434 = tpu.memref_slice %arg5[%dma_wait3A_420, %dma_wait3A_432, %dma_wait3A_433] : memref<2x10240x128xf32, #tpu.memory_space<hbm>> -> memref<1x128x128xf32, #tpu.memory_space<hbm>>
    %dma_wait3A_435 = tpu.memref_squeeze %dma_wait3A_434 : memref<1x128x128xf32, #tpu.memory_space<hbm>> -> memref<128x128xf32, #tpu.memory_space<hbm>>
    %dma_wait3A_436 = arith.constant 0 : i32
    %dma_wait3A_437 = arith.constant 0 : i32
    %dma_wait3A_438 = tpu.memref_slice %arg7[%dma_wait3A_419, %dma_wait3A_436, %dma_wait3A_437] : memref<2x128x128xf32, #tpu.memory_space<vmem>> -> memref<1x128x128xf32, #tpu.memory_space<vmem>>
    %dma_wait3A_439 = tpu.memref_squeeze %dma_wait3A_438 : memref<1x128x128xf32, #tpu.memory_space<vmem>> -> memref<128x128xf32, #tpu.memory_space<vmem>>
    tpu.wait_dma2 semaphore(%dma_wait3A_431 : memref<!tpu.dma_semaphore, #tpu.memory_space<semaphore_mem>>) src(%dma_wait3A_439 : memref<128x128xf32, #tpu.memory_space<vmem>>) dst(%dma_wait3A_435 : memref<128x128xf32, #tpu.memory_space<hbm>>)
    return
  }
}

#map = affine_map<(d0, d1) -> (0, 0)>
#map1 = affine_map<(d0, d1) -> (0)>
module attributes {stable_mosaic.version = 14 : i64} {
  func.func @_gather_sc(%arg0: i32, %arg1: i32, %arg2: memref<10240x128xf32, #tpu.memory_space<hbm>>, %arg3: memref<163840xi32, #tpu.memory_space<hbm>>, %arg4: memref<163840xi32, #tpu.memory_space<hbm>>, %arg5: memref<160000x128xf32, #tpu.memory_space<hbm>>, %arg6: memref<160000x128xf32, #tpu.memory_space<hbm>>, %arg7: memref<5120xi32, #tpu.memory_space<vmem>>, %arg8: memref<5120xi32, #tpu.memory_space<vmem>>, %arg9: memref<3x128x128xf32, #tpu.memory_space<vmem>>, %arg10: memref<3x128x128xf32, #tpu.memory_space<vmem>>, %arg11: memref<3x!tpu.dma_semaphore, #tpu.memory_space<semaphore_mem>>, %arg12: memref<3x!tpu.dma_semaphore, #tpu.memory_space<semaphore_mem>>) attributes {dimension_semantics = [#tpu.dimension_semantics<core_parallel>, #tpu.dimension_semantics<subcore_parallel>], iteration_bounds = array<i64: 2, 16>, scalar_prefetch = 0 : i64, scratch_operands = 6 : i64, tpu.core_type = #tpu.core_type<sc_vector_subcore>, window_params = [{transform_indices = #map}, {transform_indices = #map1}, {transform_indices = #map1}, {transform_indices = #map}, {transform_indices = #map}]} {
    %mul3A = arith.constant 2 : i32
    %mul3A_0 = arith.muli %arg1, %mul3A : i32
    %add3A = arith.addi %mul3A_0, %arg0 : i32
    %mul3A_1 = arith.constant 40 : i32
    %mul3A_2 = arith.muli %add3A, %mul3A_1 : i32
    %sub3A = arith.constant 1250 : i32
    %sub3A_3 = arith.subi %sub3A, %mul3A_2 : i32
    %min3A = arith.constant 40 : i32
    %min3A_4 = arith.minsi %sub3A_3, %min3A : i32
    %mul3A_5 = arith.constant 128 : i32
    %mul3A_6 = arith.muli %mul3A_2, %mul3A_5 : i32
    "tpu.region"() ({
      %run_scoped3A = tpu.sem_alloc : memref<!tpu.dma_semaphore, #tpu.memory_space<semaphore_mem>>
      %dma_start3A = tpu.memref_slice %arg3[%mul3A_6] : memref<163840xi32, #tpu.memory_space<hbm>> -> memref<5120xi32, #tpu.memory_space<hbm>>
      %dma_start3A_14 = tpu.memref_slice %arg3[%mul3A_6] : memref<163840xi32, #tpu.memory_space<hbm>> -> memref<5120xi32, #tpu.memory_space<hbm>>
      tpu.enqueue_dma source(%dma_start3A_14 : memref<5120xi32, #tpu.memory_space<hbm>>) target(%arg7 : memref<5120xi32, #tpu.memory_space<vmem>>) target_semaphore(%run_scoped3A : memref<!tpu.dma_semaphore, #tpu.memory_space<semaphore_mem>>)
      %dma_wait3A = tpu.memref_slice %arg3[%mul3A_6] : memref<163840xi32, #tpu.memory_space<hbm>> -> memref<5120xi32, #tpu.memory_space<hbm>>
      %dma_wait3A_15 = tpu.memref_slice %arg3[%mul3A_6] : memref<163840xi32, #tpu.memory_space<hbm>> -> memref<5120xi32, #tpu.memory_space<hbm>>
      tpu.wait_dma2 semaphore(%run_scoped3A : memref<!tpu.dma_semaphore, #tpu.memory_space<semaphore_mem>>) src(%dma_wait3A_15 : memref<5120xi32, #tpu.memory_space<hbm>>) dst(%arg7 : memref<5120xi32, #tpu.memory_space<vmem>>)
      tpu.yield
    }) : () -> ()
    %mul3A_7 = arith.constant 128 : i32
    %mul3A_8 = arith.muli %mul3A_2, %mul3A_7 : i32
    "tpu.region"() ({
      %run_scoped3A = tpu.sem_alloc : memref<!tpu.dma_semaphore, #tpu.memory_space<semaphore_mem>>
      %dma_start3A = tpu.memref_slice %arg4[%mul3A_8] : memref<163840xi32, #tpu.memory_space<hbm>> -> memref<5120xi32, #tpu.memory_space<hbm>>
      %dma_start3A_14 = tpu.memref_slice %arg4[%mul3A_8] : memref<163840xi32, #tpu.memory_space<hbm>> -> memref<5120xi32, #tpu.memory_space<hbm>>
      tpu.enqueue_dma source(%dma_start3A_14 : memref<5120xi32, #tpu.memory_space<hbm>>) target(%arg8 : memref<5120xi32, #tpu.memory_space<vmem>>) target_semaphore(%run_scoped3A : memref<!tpu.dma_semaphore, #tpu.memory_space<semaphore_mem>>)
      %dma_wait3A = tpu.memref_slice %arg4[%mul3A_8] : memref<163840xi32, #tpu.memory_space<hbm>> -> memref<5120xi32, #tpu.memory_space<hbm>>
      %dma_wait3A_15 = tpu.memref_slice %arg4[%mul3A_8] : memref<163840xi32, #tpu.memory_space<hbm>> -> memref<5120xi32, #tpu.memory_space<hbm>>
      tpu.wait_dma2 semaphore(%run_scoped3A : memref<!tpu.dma_semaphore, #tpu.memory_space<semaphore_mem>>) src(%dma_wait3A_15 : memref<5120xi32, #tpu.memory_space<hbm>>) dst(%arg8 : memref<5120xi32, #tpu.memory_space<vmem>>)
      tpu.yield
    }) : () -> ()
    %scan3A = arith.constant 0 : i32
    %scan3A_9 = arith.constant 0 : i32
    %scan3A_10 = arith.constant 16 : i32
    %scan3A_11 = arith.addi %scan3A_9, %scan3A_10 : i32
    %scan3A_12 = arith.constant 1 : i32
    scf.for %scan3A_14 = %scan3A_9 to %scan3A_11 step %scan3A_12  : i32 {
      %mul3A_15 = arith.constant 3 : i32
      %mul3A_16 = arith.muli %scan3A_14, %mul3A_15 : i32
      %add3A_17 = arith.constant 0 : i32
      %add3A_18 = arith.addi %mul3A_16, %add3A_17 : i32
      %sub3A_19 = arith.constant 3 : i32
      %sub3A_20 = arith.subi %add3A_18, %sub3A_19 : i32
      %ge3A = arith.constant 0 : i32
      %ge3A_21 = arith.cmpi sge, %sub3A_20, %ge3A : i32
      %lt3A = arith.cmpi slt, %sub3A_20, %min3A_4 : i32
      %and3A = arith.andi %ge3A_21, %lt3A : i1
      %convert_element_type3A = arith.extui %and3A : i1 to i32
      %cond3A = arith.constant 0 : i32
      %cond3A_22 = arith.cmpi ne, %convert_element_type3A, %cond3A : i32
      scf.if %cond3A_22 {
        %dma_wait3A = arith.constant 0 : i32
        %dma_wait3A_88 = arith.constant 0 : i32
        %dma_wait3A_89 = arith.constant 0 : i32
        %dma_wait3A_90 = arith.constant 0 : i32
        %dma_wait3A_91 = tpu.memref_slice %arg9[%dma_wait3A, %dma_wait3A_89, %dma_wait3A_90] : memref<3x128x128xf32, #tpu.memory_space<vmem>> -> memref<1x128x128xf32, #tpu.memory_space<vmem>>
        %dma_wait3A_92 = tpu.memref_squeeze %dma_wait3A_91 : memref<1x128x128xf32, #tpu.memory_space<vmem>> -> memref<128x128xf32, #tpu.memory_space<vmem>>
        %dma_wait3A_93 = arith.constant 0 : i32
        %dma_wait3A_94 = arith.constant 0 : i32
        %dma_wait3A_95 = tpu.memref_slice %arg5[%dma_wait3A_93, %dma_wait3A_94] : memref<160000x128xf32, #tpu.memory_space<hbm>> -> memref<128x128xf32, #tpu.memory_space<hbm>>
        %dma_wait3A_96 = tpu.memref_slice %arg12[%dma_wait3A_88] : memref<3x!tpu.dma_semaphore, #tpu.memory_space<semaphore_mem>> -> memref<1x!tpu.dma_semaphore, #tpu.memory_space<semaphore_mem>>
        %dma_wait3A_97 = tpu.memref_squeeze %dma_wait3A_96 : memref<1x!tpu.dma_semaphore, #tpu.memory_space<semaphore_mem>> -> memref<!tpu.dma_semaphore, #tpu.memory_space<semaphore_mem>>
        %dma_wait3A_98 = arith.constant 0 : i32
        %dma_wait3A_99 = arith.constant 0 : i32
        %dma_wait3A_100 = tpu.memref_slice %arg5[%dma_wait3A_98, %dma_wait3A_99] : memref<160000x128xf32, #tpu.memory_space<hbm>> -> memref<128x128xf32, #tpu.memory_space<hbm>>
        %dma_wait3A_101 = arith.constant 0 : i32
        %dma_wait3A_102 = arith.constant 0 : i32
        %dma_wait3A_103 = tpu.memref_slice %arg9[%dma_wait3A, %dma_wait3A_101, %dma_wait3A_102] : memref<3x128x128xf32, #tpu.memory_space<vmem>> -> memref<1x128x128xf32, #tpu.memory_space<vmem>>
        %dma_wait3A_104 = tpu.memref_squeeze %dma_wait3A_103 : memref<1x128x128xf32, #tpu.memory_space<vmem>> -> memref<128x128xf32, #tpu.memory_space<vmem>>
        tpu.wait_dma2 semaphore(%dma_wait3A_97 : memref<!tpu.dma_semaphore, #tpu.memory_space<semaphore_mem>>) src(%dma_wait3A_104 : memref<128x128xf32, #tpu.memory_space<vmem>>) dst(%dma_wait3A_100 : memref<128x128xf32, #tpu.memory_space<hbm>>)
        %dma_wait3A_105 = arith.constant 0 : i32
        %dma_wait3A_106 = arith.constant 0 : i32
        %dma_wait3A_107 = arith.constant 0 : i32
        %dma_wait3A_108 = arith.constant 0 : i32
        %dma_wait3A_109 = tpu.memref_slice %arg10[%dma_wait3A_105, %dma_wait3A_107, %dma_wait3A_108] : memref<3x128x128xf32, #tpu.memory_space<vmem>> -> memref<1x128x128xf32, #tpu.memory_space<vmem>>
        %dma_wait3A_110 = tpu.memref_squeeze %dma_wait3A_109 : memref<1x128x128xf32, #tpu.memory_space<vmem>> -> memref<128x128xf32, #tpu.memory_space<vmem>>
        %dma_wait3A_111 = arith.constant 0 : i32
        %dma_wait3A_112 = arith.constant 0 : i32
        %dma_wait3A_113 = tpu.memref_slice %arg6[%dma_wait3A_111, %dma_wait3A_112] : memref<160000x128xf32, #tpu.memory_space<hbm>> -> memref<128x128xf32, #tpu.memory_space<hbm>>
        %dma_wait3A_114 = tpu.memref_slice %arg12[%dma_wait3A_106] : memref<3x!tpu.dma_semaphore, #tpu.memory_space<semaphore_mem>> -> memref<1x!tpu.dma_semaphore, #tpu.memory_space<semaphore_mem>>
        %dma_wait3A_115 = tpu.memref_squeeze %dma_wait3A_114 : memref<1x!tpu.dma_semaphore, #tpu.memory_space<semaphore_mem>> -> memref<!tpu.dma_semaphore, #tpu.memory_space<semaphore_mem>>
        %dma_wait3A_116 = arith.constant 0 : i32
        %dma_wait3A_117 = arith.constant 0 : i32
        %dma_wait3A_118 = tpu.memref_slice %arg6[%dma_wait3A_116, %dma_wait3A_117] : memref<160000x128xf32, #tpu.memory_space<hbm>> -> memref<128x128xf32, #tpu.memory_space<hbm>>
        %dma_wait3A_119 = arith.constant 0 : i32
        %dma_wait3A_120 = arith.constant 0 : i32
        %dma_wait3A_121 = tpu.memref_slice %arg10[%dma_wait3A_105, %dma_wait3A_119, %dma_wait3A_120] : memref<3x128x128xf32, #tpu.memory_space<vmem>> -> memref<1x128x128xf32, #tpu.memory_space<vmem>>
        %dma_wait3A_122 = tpu.memref_squeeze %dma_wait3A_121 : memref<1x128x128xf32, #tpu.memory_space<vmem>> -> memref<128x128xf32, #tpu.memory_space<vmem>>
        tpu.wait_dma2 semaphore(%dma_wait3A_115 : memref<!tpu.dma_semaphore, #tpu.memory_space<semaphore_mem>>) src(%dma_wait3A_122 : memref<128x128xf32, #tpu.memory_space<vmem>>) dst(%dma_wait3A_118 : memref<128x128xf32, #tpu.memory_space<hbm>>)
      } else {
      }
      %lt3A_23 = arith.cmpi slt, %add3A_18, %min3A_4 : i32
      %convert_element_type3A_24 = arith.extui %lt3A_23 : i1 to i32
      %cond3A_25 = arith.constant 0 : i32
      %cond3A_26 = arith.cmpi ne, %convert_element_type3A_24, %cond3A_25 : i32
      scf.if %cond3A_26 {
        %mul3A_88 = arith.constant 128 : i32
        %mul3A_89 = arith.muli %add3A_18, %mul3A_88 : i32
        %dma_start3A = arith.constant 0 : i32
        %dma_start3A_90 = arith.constant 0 : i32
        %dma_start3A_91 = arith.constant 0 : i32
        %dma_start3A_92 = arith.constant 0 : i32
        %dma_start3A_93 = tpu.memref_slice %arg9[%dma_start3A, %dma_start3A_91, %dma_start3A_92] : memref<3x128x128xf32, #tpu.memory_space<vmem>> -> memref<1x128x128xf32, #tpu.memory_space<vmem>>
        %dma_start3A_94 = tpu.memref_squeeze %dma_start3A_93 : memref<1x128x128xf32, #tpu.memory_space<vmem>> -> memref<128x128xf32, #tpu.memory_space<vmem>>
        %dma_start3A_95 = tpu.memref_slice %arg7[%mul3A_89] : memref<5120xi32, #tpu.memory_space<vmem>> -> memref<128xi32, #tpu.memory_space<vmem>>
        %dma_start3A_96 = arith.constant 0 : i32
        %dma_start3A_97 = arith.constant 0 : i32
        %dma_start3A_98 = tpu.memref_slice %arg2[%dma_start3A_96, %dma_start3A_97] : memref<10240x128xf32, #tpu.memory_space<hbm>> -> memref<10240x128xf32, #tpu.memory_space<hbm>>
        %dma_start3A_99 = tpu.memref_slice %arg11[%dma_start3A_90] : memref<3x!tpu.dma_semaphore, #tpu.memory_space<semaphore_mem>> -> memref<1x!tpu.dma_semaphore, #tpu.memory_space<semaphore_mem>>
        %dma_start3A_100 = tpu.memref_squeeze %dma_start3A_99 : memref<1x!tpu.dma_semaphore, #tpu.memory_space<semaphore_mem>> -> memref<!tpu.dma_semaphore, #tpu.memory_space<semaphore_mem>>
        tpu.enqueue_indirect_dma source(%dma_start3A_98 : memref<10240x128xf32, #tpu.memory_space<hbm>>) target(%dma_start3A_94 : memref<128x128xf32, #tpu.memory_space<vmem>>) offsets(%dma_start3A_95 : memref<128xi32, #tpu.memory_space<vmem>>) semaphore(%dma_start3A_100 : memref<!tpu.dma_semaphore, #tpu.memory_space<semaphore_mem>>)
        %mul3A_101 = arith.constant 128 : i32
        %mul3A_102 = arith.muli %add3A_18, %mul3A_101 : i32
        %dma_start3A_103 = arith.constant 0 : i32
        %dma_start3A_104 = arith.constant 0 : i32
        %dma_start3A_105 = arith.constant 0 : i32
        %dma_start3A_106 = arith.constant 0 : i32
        %dma_start3A_107 = tpu.memref_slice %arg10[%dma_start3A_103, %dma_start3A_105, %dma_start3A_106] : memref<3x128x128xf32, #tpu.memory_space<vmem>> -> memref<1x128x128xf32, #tpu.memory_space<vmem>>
        %dma_start3A_108 = tpu.memref_squeeze %dma_start3A_107 : memref<1x128x128xf32, #tpu.memory_space<vmem>> -> memref<128x128xf32, #tpu.memory_space<vmem>>
        %dma_start3A_109 = tpu.memref_slice %arg8[%mul3A_102] : memref<5120xi32, #tpu.memory_space<vmem>> -> memref<128xi32, #tpu.memory_space<vmem>>
        %dma_start3A_110 = arith.constant 0 : i32
        %dma_start3A_111 = arith.constant 0 : i32
        %dma_start3A_112 = tpu.memref_slice %arg2[%dma_start3A_110, %dma_start3A_111] : memref<10240x128xf32, #tpu.memory_space<hbm>> -> memref<10240x128xf32, #tpu.memory_space<hbm>>
        %dma_start3A_113 = tpu.memref_slice %arg11[%dma_start3A_104] : memref<3x!tpu.dma_semaphore, #tpu.memory_space<semaphore_mem>> -> memref<1x!tpu.dma_semaphore, #tpu.memory_space<semaphore_mem>>
        %dma_start3A_114 = tpu.memref_squeeze %dma_start3A_113 : memref<1x!tpu.dma_semaphore, #tpu.memory_space<semaphore_mem>> -> memref<!tpu.dma_semaphore, #tpu.memory_space<semaphore_mem>>
        tpu.enqueue_indirect_dma source(%dma_start3A_112 : memref<10240x128xf32, #tpu.memory_space<hbm>>) target(%dma_start3A_108 : memref<128x128xf32, #tpu.memory_space<vmem>>) offsets(%dma_start3A_109 : memref<128xi32, #tpu.memory_space<vmem>>) semaphore(%dma_start3A_114 : memref<!tpu.dma_semaphore, #tpu.memory_space<semaphore_mem>>)
      } else {
      }
      %ge3A_27 = arith.constant 2 : i32
      %ge3A_28 = arith.cmpi sge, %add3A_18, %ge3A_27 : i32
      %sub3A_29 = arith.constant 2 : i32
      %sub3A_30 = arith.subi %add3A_18, %sub3A_29 : i32
      %lt3A_31 = arith.cmpi slt, %sub3A_30, %min3A_4 : i32
      %and3A_32 = arith.andi %ge3A_28, %lt3A_31 : i1
      %convert_element_type3A_33 = arith.extui %and3A_32 : i1 to i32
      %cond3A_34 = arith.constant 0 : i32
      %cond3A_35 = arith.cmpi ne, %convert_element_type3A_33, %cond3A_34 : i32
      scf.if %cond3A_35 {
        %add3A_88 = arith.addi %mul3A_2, %add3A_18 : i32
        %sub3A_89 = arith.constant 2 : i32
        %sub3A_90 = arith.subi %add3A_88, %sub3A_89 : i32
        %mul3A_91 = arith.constant 128 : i32
        %mul3A_92 = arith.muli %sub3A_90, %mul3A_91 : i32
        %dma_wait3A = arith.constant 1 : i32
        %dma_wait3A_93 = arith.constant 1 : i32
        %dma_wait3A_94 = arith.constant 0 : i32
        %dma_wait3A_95 = arith.constant 0 : i32
        %dma_wait3A_96 = tpu.memref_slice %arg9[%dma_wait3A, %dma_wait3A_94, %dma_wait3A_95] : memref<3x128x128xf32, #tpu.memory_space<vmem>> -> memref<1x128x128xf32, #tpu.memory_space<vmem>>
        %dma_wait3A_97 = tpu.memref_squeeze %dma_wait3A_96 : memref<1x128x128xf32, #tpu.memory_space<vmem>> -> memref<128x128xf32, #tpu.memory_space<vmem>>
        %dma_wait3A_98 = arith.constant 0 : i32
        %dma_wait3A_99 = arith.constant 0 : i32
        %dma_wait3A_100 = tpu.memref_slice %arg2[%dma_wait3A_98, %dma_wait3A_99] : memref<10240x128xf32, #tpu.memory_space<hbm>> -> memref<128x128xf32, #tpu.memory_space<hbm>>
        %dma_wait3A_101 = tpu.memref_slice %arg11[%dma_wait3A_93] : memref<3x!tpu.dma_semaphore, #tpu.memory_space<semaphore_mem>> -> memref<1x!tpu.dma_semaphore, #tpu.memory_space<semaphore_mem>>
        %dma_wait3A_102 = tpu.memref_squeeze %dma_wait3A_101 : memref<1x!tpu.dma_semaphore, #tpu.memory_space<semaphore_mem>> -> memref<!tpu.dma_semaphore, #tpu.memory_space<semaphore_mem>>
        %dma_wait3A_103 = arith.constant 0 : i32
        %dma_wait3A_104 = arith.constant 0 : i32
        %dma_wait3A_105 = tpu.memref_slice %arg9[%dma_wait3A, %dma_wait3A_103, %dma_wait3A_104] : memref<3x128x128xf32, #tpu.memory_space<vmem>> -> memref<1x128x128xf32, #tpu.memory_space<vmem>>
        %dma_wait3A_106 = tpu.memref_squeeze %dma_wait3A_105 : memref<1x128x128xf32, #tpu.memory_space<vmem>> -> memref<128x128xf32, #tpu.memory_space<vmem>>
        %dma_wait3A_107 = arith.constant 0 : i32
        %dma_wait3A_108 = arith.constant 0 : i32
        %dma_wait3A_109 = tpu.memref_slice %arg2[%dma_wait3A_107, %dma_wait3A_108] : memref<10240x128xf32, #tpu.memory_space<hbm>> -> memref<128x128xf32, #tpu.memory_space<hbm>>
        tpu.wait_dma2 semaphore(%dma_wait3A_102 : memref<!tpu.dma_semaphore, #tpu.memory_space<semaphore_mem>>) src(%dma_wait3A_109 : memref<128x128xf32, #tpu.memory_space<hbm>>) dst(%dma_wait3A_106 : memref<128x128xf32, #tpu.memory_space<vmem>>)
        %dma_wait3A_110 = arith.constant 1 : i32
        %dma_wait3A_111 = arith.constant 1 : i32
        %dma_wait3A_112 = arith.constant 0 : i32
        %dma_wait3A_113 = arith.constant 0 : i32
        %dma_wait3A_114 = tpu.memref_slice %arg10[%dma_wait3A_110, %dma_wait3A_112, %dma_wait3A_113] : memref<3x128x128xf32, #tpu.memory_space<vmem>> -> memref<1x128x128xf32, #tpu.memory_space<vmem>>
        %dma_wait3A_115 = tpu.memref_squeeze %dma_wait3A_114 : memref<1x128x128xf32, #tpu.memory_space<vmem>> -> memref<128x128xf32, #tpu.memory_space<vmem>>
        %dma_wait3A_116 = arith.constant 0 : i32
        %dma_wait3A_117 = arith.constant 0 : i32
        %dma_wait3A_118 = tpu.memref_slice %arg2[%dma_wait3A_116, %dma_wait3A_117] : memref<10240x128xf32, #tpu.memory_space<hbm>> -> memref<128x128xf32, #tpu.memory_space<hbm>>
        %dma_wait3A_119 = tpu.memref_slice %arg11[%dma_wait3A_111] : memref<3x!tpu.dma_semaphore, #tpu.memory_space<semaphore_mem>> -> memref<1x!tpu.dma_semaphore, #tpu.memory_space<semaphore_mem>>
        %dma_wait3A_120 = tpu.memref_squeeze %dma_wait3A_119 : memref<1x!tpu.dma_semaphore, #tpu.memory_space<semaphore_mem>> -> memref<!tpu.dma_semaphore, #tpu.memory_space<semaphore_mem>>
        %dma_wait3A_121 = arith.constant 0 : i32
        %dma_wait3A_122 = arith.constant 0 : i32
        %dma_wait3A_123 = tpu.memref_slice %arg10[%dma_wait3A_110, %dma_wait3A_121, %dma_wait3A_122] : memref<3x128x128xf32, #tpu.memory_space<vmem>> -> memref<1x128x128xf32, #tpu.memory_space<vmem>>
        %dma_wait3A_124 = tpu.memref_squeeze %dma_wait3A_123 : memref<1x128x128xf32, #tpu.memory_space<vmem>> -> memref<128x128xf32, #tpu.memory_space<vmem>>
        %dma_wait3A_125 = arith.constant 0 : i32
        %dma_wait3A_126 = arith.constant 0 : i32
        %dma_wait3A_127 = tpu.memref_slice %arg2[%dma_wait3A_125, %dma_wait3A_126] : memref<10240x128xf32, #tpu.memory_space<hbm>> -> memref<128x128xf32, #tpu.memory_space<hbm>>
        tpu.wait_dma2 semaphore(%dma_wait3A_120 : memref<!tpu.dma_semaphore, #tpu.memory_space<semaphore_mem>>) src(%dma_wait3A_127 : memref<128x128xf32, #tpu.memory_space<hbm>>) dst(%dma_wait3A_124 : memref<128x128xf32, #tpu.memory_space<vmem>>)
        %dma_start3A = arith.constant 1 : i32
        %dma_start3A_128 = arith.constant 1 : i32
        %dma_start3A_129 = arith.constant 0 : i32
        %dma_start3A_130 = arith.constant 0 : i32
        %dma_start3A_131 = tpu.memref_slice %arg9[%dma_start3A, %dma_start3A_129, %dma_start3A_130] : memref<3x128x128xf32, #tpu.memory_space<vmem>> -> memref<1x128x128xf32, #tpu.memory_space<vmem>>
        %dma_start3A_132 = tpu.memref_squeeze %dma_start3A_131 : memref<1x128x128xf32, #tpu.memory_space<vmem>> -> memref<128x128xf32, #tpu.memory_space<vmem>>
        %dma_start3A_133 = arith.constant 0 : i32
        %dma_start3A_134 = tpu.memref_slice %arg5[%mul3A_92, %dma_start3A_133] : memref<160000x128xf32, #tpu.memory_space<hbm>> -> memref<128x128xf32, #tpu.memory_space<hbm>>
        %dma_start3A_135 = tpu.memref_slice %arg12[%dma_start3A_128] : memref<3x!tpu.dma_semaphore, #tpu.memory_space<semaphore_mem>> -> memref<1x!tpu.dma_semaphore, #tpu.memory_space<semaphore_mem>>
        %dma_start3A_136 = tpu.memref_squeeze %dma_start3A_135 : memref<1x!tpu.dma_semaphore, #tpu.memory_space<semaphore_mem>> -> memref<!tpu.dma_semaphore, #tpu.memory_space<semaphore_mem>>
        %dma_start3A_137 = arith.constant 0 : i32
        %dma_start3A_138 = tpu.memref_slice %arg5[%mul3A_92, %dma_start3A_137] : memref<160000x128xf32, #tpu.memory_space<hbm>> -> memref<128x128xf32, #tpu.memory_space<hbm>>
        %dma_start3A_139 = arith.constant 0 : i32
        %dma_start3A_140 = arith.constant 0 : i32
        %dma_start3A_141 = tpu.memref_slice %arg9[%dma_start3A, %dma_start3A_139, %dma_start3A_140] : memref<3x128x128xf32, #tpu.memory_space<vmem>> -> memref<1x128x128xf32, #tpu.memory_space<vmem>>
        %dma_start3A_142 = tpu.memref_squeeze %dma_start3A_141 : memref<1x128x128xf32, #tpu.memory_space<vmem>> -> memref<128x128xf32, #tpu.memory_space<vmem>>
        tpu.enqueue_dma source(%dma_start3A_142 : memref<128x128xf32, #tpu.memory_space<vmem>>) target(%dma_start3A_138 : memref<128x128xf32, #tpu.memory_space<hbm>>) target_semaphore(%dma_start3A_136 : memref<!tpu.dma_semaphore, #tpu.memory_space<semaphore_mem>>)
        %dma_start3A_143 = arith.constant 1 : i32
        %dma_start3A_144 = arith.constant 1 : i32
        %dma_start3A_145 = arith.constant 0 : i32
        %dma_start3A_146 = arith.constant 0 : i32
        %dma_start3A_147 = tpu.memref_slice %arg10[%dma_start3A_143, %dma_start3A_145, %dma_start3A_146] : memref<3x128x128xf32, #tpu.memory_space<vmem>> -> memref<1x128x128xf32, #tpu.memory_space<vmem>>
        %dma_start3A_148 = tpu.memref_squeeze %dma_start3A_147 : memref<1x128x128xf32, #tpu.memory_space<vmem>> -> memref<128x128xf32, #tpu.memory_space<vmem>>
        %dma_start3A_149 = arith.constant 0 : i32
        %dma_start3A_150 = tpu.memref_slice %arg6[%mul3A_92, %dma_start3A_149] : memref<160000x128xf32, #tpu.memory_space<hbm>> -> memref<128x128xf32, #tpu.memory_space<hbm>>
        %dma_start3A_151 = tpu.memref_slice %arg12[%dma_start3A_144] : memref<3x!tpu.dma_semaphore, #tpu.memory_space<semaphore_mem>> -> memref<1x!tpu.dma_semaphore, #tpu.memory_space<semaphore_mem>>
        %dma_start3A_152 = tpu.memref_squeeze %dma_start3A_151 : memref<1x!tpu.dma_semaphore, #tpu.memory_space<semaphore_mem>> -> memref<!tpu.dma_semaphore, #tpu.memory_space<semaphore_mem>>
        %dma_start3A_153 = arith.constant 0 : i32
        %dma_start3A_154 = tpu.memref_slice %arg6[%mul3A_92, %dma_start3A_153] : memref<160000x128xf32, #tpu.memory_space<hbm>> -> memref<128x128xf32, #tpu.memory_space<hbm>>
        %dma_start3A_155 = arith.constant 0 : i32
        %dma_start3A_156 = arith.constant 0 : i32
        %dma_start3A_157 = tpu.memref_slice %arg10[%dma_start3A_143, %dma_start3A_155, %dma_start3A_156] : memref<3x128x128xf32, #tpu.memory_space<vmem>> -> memref<1x128x128xf32, #tpu.memory_space<vmem>>
        %dma_start3A_158 = tpu.memref_squeeze %dma_start3A_157 : memref<1x128x128xf32, #tpu.memory_space<vmem>> -> memref<128x128xf32, #tpu.memory_space<vmem>>
        tpu.enqueue_dma source(%dma_start3A_158 : memref<128x128xf32, #tpu.memory_space<vmem>>) target(%dma_start3A_154 : memref<128x128xf32, #tpu.memory_space<hbm>>) target_semaphore(%dma_start3A_152 : memref<!tpu.dma_semaphore, #tpu.memory_space<semaphore_mem>>)
      } else {
      }
      %mul3A_36 = arith.constant 3 : i32
      %mul3A_37 = arith.muli %scan3A_14, %mul3A_36 : i32
      %add3A_38 = arith.constant 1 : i32
      %add3A_39 = arith.addi %mul3A_37, %add3A_38 : i32
      %sub3A_40 = arith.constant 3 : i32
      %sub3A_41 = arith.subi %add3A_39, %sub3A_40 : i32
      %ge3A_42 = arith.constant 0 : i32
      %ge3A_43 = arith.cmpi sge, %sub3A_41, %ge3A_42 : i32
      %lt3A_44 = arith.cmpi slt, %sub3A_41, %min3A_4 : i32
      %and3A_45 = arith.andi %ge3A_43, %lt3A_44 : i1
      %convert_element_type3A_46 = arith.extui %and3A_45 : i1 to i32
      %cond3A_47 = arith.constant 0 : i32
      %cond3A_48 = arith.cmpi ne, %convert_element_type3A_46, %cond3A_47 : i32
      scf.if %cond3A_48 {
        %dma_wait3A = arith.constant 1 : i32
        %dma_wait3A_88 = arith.constant 1 : i32
        %dma_wait3A_89 = arith.constant 0 : i32
        %dma_wait3A_90 = arith.constant 0 : i32
        %dma_wait3A_91 = tpu.memref_slice %arg9[%dma_wait3A, %dma_wait3A_89, %dma_wait3A_90] : memref<3x128x128xf32, #tpu.memory_space<vmem>> -> memref<1x128x128xf32, #tpu.memory_space<vmem>>
        %dma_wait3A_92 = tpu.memref_squeeze %dma_wait3A_91 : memref<1x128x128xf32, #tpu.memory_space<vmem>> -> memref<128x128xf32, #tpu.memory_space<vmem>>
        %dma_wait3A_93 = arith.constant 0 : i32
        %dma_wait3A_94 = arith.constant 0 : i32
        %dma_wait3A_95 = tpu.memref_slice %arg5[%dma_wait3A_93, %dma_wait3A_94] : memref<160000x128xf32, #tpu.memory_space<hbm>> -> memref<128x128xf32, #tpu.memory_space<hbm>>
        %dma_wait3A_96 = tpu.memref_slice %arg12[%dma_wait3A_88] : memref<3x!tpu.dma_semaphore, #tpu.memory_space<semaphore_mem>> -> memref<1x!tpu.dma_semaphore, #tpu.memory_space<semaphore_mem>>
        %dma_wait3A_97 = tpu.memref_squeeze %dma_wait3A_96 : memref<1x!tpu.dma_semaphore, #tpu.memory_space<semaphore_mem>> -> memref<!tpu.dma_semaphore, #tpu.memory_space<semaphore_mem>>
        %dma_wait3A_98 = arith.constant 0 : i32
        %dma_wait3A_99 = arith.constant 0 : i32
        %dma_wait3A_100 = tpu.memref_slice %arg5[%dma_wait3A_98, %dma_wait3A_99] : memref<160000x128xf32, #tpu.memory_space<hbm>> -> memref<128x128xf32, #tpu.memory_space<hbm>>
        %dma_wait3A_101 = arith.constant 0 : i32
        %dma_wait3A_102 = arith.constant 0 : i32
        %dma_wait3A_103 = tpu.memref_slice %arg9[%dma_wait3A, %dma_wait3A_101, %dma_wait3A_102] : memref<3x128x128xf32, #tpu.memory_space<vmem>> -> memref<1x128x128xf32, #tpu.memory_space<vmem>>
        %dma_wait3A_104 = tpu.memref_squeeze %dma_wait3A_103 : memref<1x128x128xf32, #tpu.memory_space<vmem>> -> memref<128x128xf32, #tpu.memory_space<vmem>>
        tpu.wait_dma2 semaphore(%dma_wait3A_97 : memref<!tpu.dma_semaphore, #tpu.memory_space<semaphore_mem>>) src(%dma_wait3A_104 : memref<128x128xf32, #tpu.memory_space<vmem>>) dst(%dma_wait3A_100 : memref<128x128xf32, #tpu.memory_space<hbm>>)
        %dma_wait3A_105 = arith.constant 1 : i32
        %dma_wait3A_106 = arith.constant 1 : i32
        %dma_wait3A_107 = arith.constant 0 : i32
        %dma_wait3A_108 = arith.constant 0 : i32
        %dma_wait3A_109 = tpu.memref_slice %arg10[%dma_wait3A_105, %dma_wait3A_107, %dma_wait3A_108] : memref<3x128x128xf32, #tpu.memory_space<vmem>> -> memref<1x128x128xf32, #tpu.memory_space<vmem>>
        %dma_wait3A_110 = tpu.memref_squeeze %dma_wait3A_109 : memref<1x128x128xf32, #tpu.memory_space<vmem>> -> memref<128x128xf32, #tpu.memory_space<vmem>>
        %dma_wait3A_111 = arith.constant 0 : i32
        %dma_wait3A_112 = arith.constant 0 : i32
        %dma_wait3A_113 = tpu.memref_slice %arg6[%dma_wait3A_111, %dma_wait3A_112] : memref<160000x128xf32, #tpu.memory_space<hbm>> -> memref<128x128xf32, #tpu.memory_space<hbm>>
        %dma_wait3A_114 = tpu.memref_slice %arg12[%dma_wait3A_106] : memref<3x!tpu.dma_semaphore, #tpu.memory_space<semaphore_mem>> -> memref<1x!tpu.dma_semaphore, #tpu.memory_space<semaphore_mem>>
        %dma_wait3A_115 = tpu.memref_squeeze %dma_wait3A_114 : memref<1x!tpu.dma_semaphore, #tpu.memory_space<semaphore_mem>> -> memref<!tpu.dma_semaphore, #tpu.memory_space<semaphore_mem>>
        %dma_wait3A_116 = arith.constant 0 : i32
        %dma_wait3A_117 = arith.constant 0 : i32
        %dma_wait3A_118 = tpu.memref_slice %arg6[%dma_wait3A_116, %dma_wait3A_117] : memref<160000x128xf32, #tpu.memory_space<hbm>> -> memref<128x128xf32, #tpu.memory_space<hbm>>
        %dma_wait3A_119 = arith.constant 0 : i32
        %dma_wait3A_120 = arith.constant 0 : i32
        %dma_wait3A_121 = tpu.memref_slice %arg10[%dma_wait3A_105, %dma_wait3A_119, %dma_wait3A_120] : memref<3x128x128xf32, #tpu.memory_space<vmem>> -> memref<1x128x128xf32, #tpu.memory_space<vmem>>
        %dma_wait3A_122 = tpu.memref_squeeze %dma_wait3A_121 : memref<1x128x128xf32, #tpu.memory_space<vmem>> -> memref<128x128xf32, #tpu.memory_space<vmem>>
        tpu.wait_dma2 semaphore(%dma_wait3A_115 : memref<!tpu.dma_semaphore, #tpu.memory_space<semaphore_mem>>) src(%dma_wait3A_122 : memref<128x128xf32, #tpu.memory_space<vmem>>) dst(%dma_wait3A_118 : memref<128x128xf32, #tpu.memory_space<hbm>>)
      } else {
      }
      %lt3A_49 = arith.cmpi slt, %add3A_39, %min3A_4 : i32
      %convert_element_type3A_50 = arith.extui %lt3A_49 : i1 to i32
      %cond3A_51 = arith.constant 0 : i32
      %cond3A_52 = arith.cmpi ne, %convert_element_type3A_50, %cond3A_51 : i32
      scf.if %cond3A_52 {
        %mul3A_88 = arith.constant 128 : i32
        %mul3A_89 = arith.muli %add3A_39, %mul3A_88 : i32
        %dma_start3A = arith.constant 1 : i32
        %dma_start3A_90 = arith.constant 1 : i32
        %dma_start3A_91 = arith.constant 0 : i32
        %dma_start3A_92 = arith.constant 0 : i32
        %dma_start3A_93 = tpu.memref_slice %arg9[%dma_start3A, %dma_start3A_91, %dma_start3A_92] : memref<3x128x128xf32, #tpu.memory_space<vmem>> -> memref<1x128x128xf32, #tpu.memory_space<vmem>>
        %dma_start3A_94 = tpu.memref_squeeze %dma_start3A_93 : memref<1x128x128xf32, #tpu.memory_space<vmem>> -> memref<128x128xf32, #tpu.memory_space<vmem>>
        %dma_start3A_95 = tpu.memref_slice %arg7[%mul3A_89] : memref<5120xi32, #tpu.memory_space<vmem>> -> memref<128xi32, #tpu.memory_space<vmem>>
        %dma_start3A_96 = arith.constant 0 : i32
        %dma_start3A_97 = arith.constant 0 : i32
        %dma_start3A_98 = tpu.memref_slice %arg2[%dma_start3A_96, %dma_start3A_97] : memref<10240x128xf32, #tpu.memory_space<hbm>> -> memref<10240x128xf32, #tpu.memory_space<hbm>>
        %dma_start3A_99 = tpu.memref_slice %arg11[%dma_start3A_90] : memref<3x!tpu.dma_semaphore, #tpu.memory_space<semaphore_mem>> -> memref<1x!tpu.dma_semaphore, #tpu.memory_space<semaphore_mem>>
        %dma_start3A_100 = tpu.memref_squeeze %dma_start3A_99 : memref<1x!tpu.dma_semaphore, #tpu.memory_space<semaphore_mem>> -> memref<!tpu.dma_semaphore, #tpu.memory_space<semaphore_mem>>
        tpu.enqueue_indirect_dma source(%dma_start3A_98 : memref<10240x128xf32, #tpu.memory_space<hbm>>) target(%dma_start3A_94 : memref<128x128xf32, #tpu.memory_space<vmem>>) offsets(%dma_start3A_95 : memref<128xi32, #tpu.memory_space<vmem>>) semaphore(%dma_start3A_100 : memref<!tpu.dma_semaphore, #tpu.memory_space<semaphore_mem>>)
        %mul3A_101 = arith.constant 128 : i32
        %mul3A_102 = arith.muli %add3A_39, %mul3A_101 : i32
        %dma_start3A_103 = arith.constant 1 : i32
        %dma_start3A_104 = arith.constant 1 : i32
        %dma_start3A_105 = arith.constant 0 : i32
        %dma_start3A_106 = arith.constant 0 : i32
        %dma_start3A_107 = tpu.memref_slice %arg10[%dma_start3A_103, %dma_start3A_105, %dma_start3A_106] : memref<3x128x128xf32, #tpu.memory_space<vmem>> -> memref<1x128x128xf32, #tpu.memory_space<vmem>>
        %dma_start3A_108 = tpu.memref_squeeze %dma_start3A_107 : memref<1x128x128xf32, #tpu.memory_space<vmem>> -> memref<128x128xf32, #tpu.memory_space<vmem>>
        %dma_start3A_109 = tpu.memref_slice %arg8[%mul3A_102] : memref<5120xi32, #tpu.memory_space<vmem>> -> memref<128xi32, #tpu.memory_space<vmem>>
        %dma_start3A_110 = arith.constant 0 : i32
        %dma_start3A_111 = arith.constant 0 : i32
        %dma_start3A_112 = tpu.memref_slice %arg2[%dma_start3A_110, %dma_start3A_111] : memref<10240x128xf32, #tpu.memory_space<hbm>> -> memref<10240x128xf32, #tpu.memory_space<hbm>>
        %dma_start3A_113 = tpu.memref_slice %arg11[%dma_start3A_104] : memref<3x!tpu.dma_semaphore, #tpu.memory_space<semaphore_mem>> -> memref<1x!tpu.dma_semaphore, #tpu.memory_space<semaphore_mem>>
        %dma_start3A_114 = tpu.memref_squeeze %dma_start3A_113 : memref<1x!tpu.dma_semaphore, #tpu.memory_space<semaphore_mem>> -> memref<!tpu.dma_semaphore, #tpu.memory_space<semaphore_mem>>
        tpu.enqueue_indirect_dma source(%dma_start3A_112 : memref<10240x128xf32, #tpu.memory_space<hbm>>) target(%dma_start3A_108 : memref<128x128xf32, #tpu.memory_space<vmem>>) offsets(%dma_start3A_109 : memref<128xi32, #tpu.memory_space<vmem>>) semaphore(%dma_start3A_114 : memref<!tpu.dma_semaphore, #tpu.memory_space<semaphore_mem>>)
      } else {
      }
      %ge3A_53 = arith.constant 2 : i32
      %ge3A_54 = arith.cmpi sge, %add3A_39, %ge3A_53 : i32
      %sub3A_55 = arith.constant 2 : i32
      %sub3A_56 = arith.subi %add3A_39, %sub3A_55 : i32
      %lt3A_57 = arith.cmpi slt, %sub3A_56, %min3A_4 : i32
      %and3A_58 = arith.andi %ge3A_54, %lt3A_57 : i1
      %convert_element_type3A_59 = arith.extui %and3A_58 : i1 to i32
      %cond3A_60 = arith.constant 0 : i32
      %cond3A_61 = arith.cmpi ne, %convert_element_type3A_59, %cond3A_60 : i32
      scf.if %cond3A_61 {
        %add3A_88 = arith.addi %mul3A_2, %add3A_39 : i32
        %sub3A_89 = arith.constant 2 : i32
        %sub3A_90 = arith.subi %add3A_88, %sub3A_89 : i32
        %mul3A_91 = arith.constant 128 : i32
        %mul3A_92 = arith.muli %sub3A_90, %mul3A_91 : i32
        %dma_wait3A = arith.constant 2 : i32
        %dma_wait3A_93 = arith.constant 2 : i32
        %dma_wait3A_94 = arith.constant 0 : i32
        %dma_wait3A_95 = arith.constant 0 : i32
        %dma_wait3A_96 = tpu.memref_slice %arg9[%dma_wait3A, %dma_wait3A_94, %dma_wait3A_95] : memref<3x128x128xf32, #tpu.memory_space<vmem>> -> memref<1x128x128xf32, #tpu.memory_space<vmem>>
        %dma_wait3A_97 = tpu.memref_squeeze %dma_wait3A_96 : memref<1x128x128xf32, #tpu.memory_space<vmem>> -> memref<128x128xf32, #tpu.memory_space<vmem>>
        %dma_wait3A_98 = arith.constant 0 : i32
        %dma_wait3A_99 = arith.constant 0 : i32
        %dma_wait3A_100 = tpu.memref_slice %arg2[%dma_wait3A_98, %dma_wait3A_99] : memref<10240x128xf32, #tpu.memory_space<hbm>> -> memref<128x128xf32, #tpu.memory_space<hbm>>
        %dma_wait3A_101 = tpu.memref_slice %arg11[%dma_wait3A_93] : memref<3x!tpu.dma_semaphore, #tpu.memory_space<semaphore_mem>> -> memref<1x!tpu.dma_semaphore, #tpu.memory_space<semaphore_mem>>
        %dma_wait3A_102 = tpu.memref_squeeze %dma_wait3A_101 : memref<1x!tpu.dma_semaphore, #tpu.memory_space<semaphore_mem>> -> memref<!tpu.dma_semaphore, #tpu.memory_space<semaphore_mem>>
        %dma_wait3A_103 = arith.constant 0 : i32
        %dma_wait3A_104 = arith.constant 0 : i32
        %dma_wait3A_105 = tpu.memref_slice %arg9[%dma_wait3A, %dma_wait3A_103, %dma_wait3A_104] : memref<3x128x128xf32, #tpu.memory_space<vmem>> -> memref<1x128x128xf32, #tpu.memory_space<vmem>>
        %dma_wait3A_106 = tpu.memref_squeeze %dma_wait3A_105 : memref<1x128x128xf32, #tpu.memory_space<vmem>> -> memref<128x128xf32, #tpu.memory_space<vmem>>
        %dma_wait3A_107 = arith.constant 0 : i32
        %dma_wait3A_108 = arith.constant 0 : i32
        %dma_wait3A_109 = tpu.memref_slice %arg2[%dma_wait3A_107, %dma_wait3A_108] : memref<10240x128xf32, #tpu.memory_space<hbm>> -> memref<128x128xf32, #tpu.memory_space<hbm>>
        tpu.wait_dma2 semaphore(%dma_wait3A_102 : memref<!tpu.dma_semaphore, #tpu.memory_space<semaphore_mem>>) src(%dma_wait3A_109 : memref<128x128xf32, #tpu.memory_space<hbm>>) dst(%dma_wait3A_106 : memref<128x128xf32, #tpu.memory_space<vmem>>)
        %dma_wait3A_110 = arith.constant 2 : i32
        %dma_wait3A_111 = arith.constant 2 : i32
        %dma_wait3A_112 = arith.constant 0 : i32
        %dma_wait3A_113 = arith.constant 0 : i32
        %dma_wait3A_114 = tpu.memref_slice %arg10[%dma_wait3A_110, %dma_wait3A_112, %dma_wait3A_113] : memref<3x128x128xf32, #tpu.memory_space<vmem>> -> memref<1x128x128xf32, #tpu.memory_space<vmem>>
        %dma_wait3A_115 = tpu.memref_squeeze %dma_wait3A_114 : memref<1x128x128xf32, #tpu.memory_space<vmem>> -> memref<128x128xf32, #tpu.memory_space<vmem>>
        %dma_wait3A_116 = arith.constant 0 : i32
        %dma_wait3A_117 = arith.constant 0 : i32
        %dma_wait3A_118 = tpu.memref_slice %arg2[%dma_wait3A_116, %dma_wait3A_117] : memref<10240x128xf32, #tpu.memory_space<hbm>> -> memref<128x128xf32, #tpu.memory_space<hbm>>
        %dma_wait3A_119 = tpu.memref_slice %arg11[%dma_wait3A_111] : memref<3x!tpu.dma_semaphore, #tpu.memory_space<semaphore_mem>> -> memref<1x!tpu.dma_semaphore, #tpu.memory_space<semaphore_mem>>
        %dma_wait3A_120 = tpu.memref_squeeze %dma_wait3A_119 : memref<1x!tpu.dma_semaphore, #tpu.memory_space<semaphore_mem>> -> memref<!tpu.dma_semaphore, #tpu.memory_space<semaphore_mem>>
        %dma_wait3A_121 = arith.constant 0 : i32
        %dma_wait3A_122 = arith.constant 0 : i32
        %dma_wait3A_123 = tpu.memref_slice %arg10[%dma_wait3A_110, %dma_wait3A_121, %dma_wait3A_122] : memref<3x128x128xf32, #tpu.memory_space<vmem>> -> memref<1x128x128xf32, #tpu.memory_space<vmem>>
        %dma_wait3A_124 = tpu.memref_squeeze %dma_wait3A_123 : memref<1x128x128xf32, #tpu.memory_space<vmem>> -> memref<128x128xf32, #tpu.memory_space<vmem>>
        %dma_wait3A_125 = arith.constant 0 : i32
        %dma_wait3A_126 = arith.constant 0 : i32
        %dma_wait3A_127 = tpu.memref_slice %arg2[%dma_wait3A_125, %dma_wait3A_126] : memref<10240x128xf32, #tpu.memory_space<hbm>> -> memref<128x128xf32, #tpu.memory_space<hbm>>
        tpu.wait_dma2 semaphore(%dma_wait3A_120 : memref<!tpu.dma_semaphore, #tpu.memory_space<semaphore_mem>>) src(%dma_wait3A_127 : memref<128x128xf32, #tpu.memory_space<hbm>>) dst(%dma_wait3A_124 : memref<128x128xf32, #tpu.memory_space<vmem>>)
        %dma_start3A = arith.constant 2 : i32
        %dma_start3A_128 = arith.constant 2 : i32
        %dma_start3A_129 = arith.constant 0 : i32
        %dma_start3A_130 = arith.constant 0 : i32
        %dma_start3A_131 = tpu.memref_slice %arg9[%dma_start3A, %dma_start3A_129, %dma_start3A_130] : memref<3x128x128xf32, #tpu.memory_space<vmem>> -> memref<1x128x128xf32, #tpu.memory_space<vmem>>
        %dma_start3A_132 = tpu.memref_squeeze %dma_start3A_131 : memref<1x128x128xf32, #tpu.memory_space<vmem>> -> memref<128x128xf32, #tpu.memory_space<vmem>>
        %dma_start3A_133 = arith.constant 0 : i32
        %dma_start3A_134 = tpu.memref_slice %arg5[%mul3A_92, %dma_start3A_133] : memref<160000x128xf32, #tpu.memory_space<hbm>> -> memref<128x128xf32, #tpu.memory_space<hbm>>
        %dma_start3A_135 = tpu.memref_slice %arg12[%dma_start3A_128] : memref<3x!tpu.dma_semaphore, #tpu.memory_space<semaphore_mem>> -> memref<1x!tpu.dma_semaphore, #tpu.memory_space<semaphore_mem>>
        %dma_start3A_136 = tpu.memref_squeeze %dma_start3A_135 : memref<1x!tpu.dma_semaphore, #tpu.memory_space<semaphore_mem>> -> memref<!tpu.dma_semaphore, #tpu.memory_space<semaphore_mem>>
        %dma_start3A_137 = arith.constant 0 : i32
        %dma_start3A_138 = tpu.memref_slice %arg5[%mul3A_92, %dma_start3A_137] : memref<160000x128xf32, #tpu.memory_space<hbm>> -> memref<128x128xf32, #tpu.memory_space<hbm>>
        %dma_start3A_139 = arith.constant 0 : i32
        %dma_start3A_140 = arith.constant 0 : i32
        %dma_start3A_141 = tpu.memref_slice %arg9[%dma_start3A, %dma_start3A_139, %dma_start3A_140] : memref<3x128x128xf32, #tpu.memory_space<vmem>> -> memref<1x128x128xf32, #tpu.memory_space<vmem>>
        %dma_start3A_142 = tpu.memref_squeeze %dma_start3A_141 : memref<1x128x128xf32, #tpu.memory_space<vmem>> -> memref<128x128xf32, #tpu.memory_space<vmem>>
        tpu.enqueue_dma source(%dma_start3A_142 : memref<128x128xf32, #tpu.memory_space<vmem>>) target(%dma_start3A_138 : memref<128x128xf32, #tpu.memory_space<hbm>>) target_semaphore(%dma_start3A_136 : memref<!tpu.dma_semaphore, #tpu.memory_space<semaphore_mem>>)
        %dma_start3A_143 = arith.constant 2 : i32
        %dma_start3A_144 = arith.constant 2 : i32
        %dma_start3A_145 = arith.constant 0 : i32
        %dma_start3A_146 = arith.constant 0 : i32
        %dma_start3A_147 = tpu.memref_slice %arg10[%dma_start3A_143, %dma_start3A_145, %dma_start3A_146] : memref<3x128x128xf32, #tpu.memory_space<vmem>> -> memref<1x128x128xf32, #tpu.memory_space<vmem>>
        %dma_start3A_148 = tpu.memref_squeeze %dma_start3A_147 : memref<1x128x128xf32, #tpu.memory_space<vmem>> -> memref<128x128xf32, #tpu.memory_space<vmem>>
        %dma_start3A_149 = arith.constant 0 : i32
        %dma_start3A_150 = tpu.memref_slice %arg6[%mul3A_92, %dma_start3A_149] : memref<160000x128xf32, #tpu.memory_space<hbm>> -> memref<128x128xf32, #tpu.memory_space<hbm>>
        %dma_start3A_151 = tpu.memref_slice %arg12[%dma_start3A_144] : memref<3x!tpu.dma_semaphore, #tpu.memory_space<semaphore_mem>> -> memref<1x!tpu.dma_semaphore, #tpu.memory_space<semaphore_mem>>
        %dma_start3A_152 = tpu.memref_squeeze %dma_start3A_151 : memref<1x!tpu.dma_semaphore, #tpu.memory_space<semaphore_mem>> -> memref<!tpu.dma_semaphore, #tpu.memory_space<semaphore_mem>>
        %dma_start3A_153 = arith.constant 0 : i32
        %dma_start3A_154 = tpu.memref_slice %arg6[%mul3A_92, %dma_start3A_153] : memref<160000x128xf32, #tpu.memory_space<hbm>> -> memref<128x128xf32, #tpu.memory_space<hbm>>
        %dma_start3A_155 = arith.constant 0 : i32
        %dma_start3A_156 = arith.constant 0 : i32
        %dma_start3A_157 = tpu.memref_slice %arg10[%dma_start3A_143, %dma_start3A_155, %dma_start3A_156] : memref<3x128x128xf32, #tpu.memory_space<vmem>> -> memref<1x128x128xf32, #tpu.memory_space<vmem>>
        %dma_start3A_158 = tpu.memref_squeeze %dma_start3A_157 : memref<1x128x128xf32, #tpu.memory_space<vmem>> -> memref<128x128xf32, #tpu.memory_space<vmem>>
        tpu.enqueue_dma source(%dma_start3A_158 : memref<128x128xf32, #tpu.memory_space<vmem>>) target(%dma_start3A_154 : memref<128x128xf32, #tpu.memory_space<hbm>>) target_semaphore(%dma_start3A_152 : memref<!tpu.dma_semaphore, #tpu.memory_space<semaphore_mem>>)
      } else {
      }
      %mul3A_62 = arith.constant 3 : i32
      %mul3A_63 = arith.muli %scan3A_14, %mul3A_62 : i32
      %add3A_64 = arith.constant 2 : i32
      %add3A_65 = arith.addi %mul3A_63, %add3A_64 : i32
      %sub3A_66 = arith.constant 3 : i32
      %sub3A_67 = arith.subi %add3A_65, %sub3A_66 : i32
      %ge3A_68 = arith.constant 0 : i32
      %ge3A_69 = arith.cmpi sge, %sub3A_67, %ge3A_68 : i32
      %lt3A_70 = arith.cmpi slt, %sub3A_67, %min3A_4 : i32
      %and3A_71 = arith.andi %ge3A_69, %lt3A_70 : i1
      %convert_element_type3A_72 = arith.extui %and3A_71 : i1 to i32
      %cond3A_73 = arith.constant 0 : i32
      %cond3A_74 = arith.cmpi ne, %convert_element_type3A_72, %cond3A_73 : i32
      scf.if %cond3A_74 {
        %dma_wait3A = arith.constant 2 : i32
        %dma_wait3A_88 = arith.constant 2 : i32
        %dma_wait3A_89 = arith.constant 0 : i32
        %dma_wait3A_90 = arith.constant 0 : i32
        %dma_wait3A_91 = tpu.memref_slice %arg9[%dma_wait3A, %dma_wait3A_89, %dma_wait3A_90] : memref<3x128x128xf32, #tpu.memory_space<vmem>> -> memref<1x128x128xf32, #tpu.memory_space<vmem>>
        %dma_wait3A_92 = tpu.memref_squeeze %dma_wait3A_91 : memref<1x128x128xf32, #tpu.memory_space<vmem>> -> memref<128x128xf32, #tpu.memory_space<vmem>>
        %dma_wait3A_93 = arith.constant 0 : i32
        %dma_wait3A_94 = arith.constant 0 : i32
        %dma_wait3A_95 = tpu.memref_slice %arg5[%dma_wait3A_93, %dma_wait3A_94] : memref<160000x128xf32, #tpu.memory_space<hbm>> -> memref<128x128xf32, #tpu.memory_space<hbm>>
        %dma_wait3A_96 = tpu.memref_slice %arg12[%dma_wait3A_88] : memref<3x!tpu.dma_semaphore, #tpu.memory_space<semaphore_mem>> -> memref<1x!tpu.dma_semaphore, #tpu.memory_space<semaphore_mem>>
        %dma_wait3A_97 = tpu.memref_squeeze %dma_wait3A_96 : memref<1x!tpu.dma_semaphore, #tpu.memory_space<semaphore_mem>> -> memref<!tpu.dma_semaphore, #tpu.memory_space<semaphore_mem>>
        %dma_wait3A_98 = arith.constant 0 : i32
        %dma_wait3A_99 = arith.constant 0 : i32
        %dma_wait3A_100 = tpu.memref_slice %arg5[%dma_wait3A_98, %dma_wait3A_99] : memref<160000x128xf32, #tpu.memory_space<hbm>> -> memref<128x128xf32, #tpu.memory_space<hbm>>
        %dma_wait3A_101 = arith.constant 0 : i32
        %dma_wait3A_102 = arith.constant 0 : i32
        %dma_wait3A_103 = tpu.memref_slice %arg9[%dma_wait3A, %dma_wait3A_101, %dma_wait3A_102] : memref<3x128x128xf32, #tpu.memory_space<vmem>> -> memref<1x128x128xf32, #tpu.memory_space<vmem>>
        %dma_wait3A_104 = tpu.memref_squeeze %dma_wait3A_103 : memref<1x128x128xf32, #tpu.memory_space<vmem>> -> memref<128x128xf32, #tpu.memory_space<vmem>>
        tpu.wait_dma2 semaphore(%dma_wait3A_97 : memref<!tpu.dma_semaphore, #tpu.memory_space<semaphore_mem>>) src(%dma_wait3A_104 : memref<128x128xf32, #tpu.memory_space<vmem>>) dst(%dma_wait3A_100 : memref<128x128xf32, #tpu.memory_space<hbm>>)
        %dma_wait3A_105 = arith.constant 2 : i32
        %dma_wait3A_106 = arith.constant 2 : i32
        %dma_wait3A_107 = arith.constant 0 : i32
        %dma_wait3A_108 = arith.constant 0 : i32
        %dma_wait3A_109 = tpu.memref_slice %arg10[%dma_wait3A_105, %dma_wait3A_107, %dma_wait3A_108] : memref<3x128x128xf32, #tpu.memory_space<vmem>> -> memref<1x128x128xf32, #tpu.memory_space<vmem>>
        %dma_wait3A_110 = tpu.memref_squeeze %dma_wait3A_109 : memref<1x128x128xf32, #tpu.memory_space<vmem>> -> memref<128x128xf32, #tpu.memory_space<vmem>>
        %dma_wait3A_111 = arith.constant 0 : i32
        %dma_wait3A_112 = arith.constant 0 : i32
        %dma_wait3A_113 = tpu.memref_slice %arg6[%dma_wait3A_111, %dma_wait3A_112] : memref<160000x128xf32, #tpu.memory_space<hbm>> -> memref<128x128xf32, #tpu.memory_space<hbm>>
        %dma_wait3A_114 = tpu.memref_slice %arg12[%dma_wait3A_106] : memref<3x!tpu.dma_semaphore, #tpu.memory_space<semaphore_mem>> -> memref<1x!tpu.dma_semaphore, #tpu.memory_space<semaphore_mem>>
        %dma_wait3A_115 = tpu.memref_squeeze %dma_wait3A_114 : memref<1x!tpu.dma_semaphore, #tpu.memory_space<semaphore_mem>> -> memref<!tpu.dma_semaphore, #tpu.memory_space<semaphore_mem>>
        %dma_wait3A_116 = arith.constant 0 : i32
        %dma_wait3A_117 = arith.constant 0 : i32
        %dma_wait3A_118 = tpu.memref_slice %arg6[%dma_wait3A_116, %dma_wait3A_117] : memref<160000x128xf32, #tpu.memory_space<hbm>> -> memref<128x128xf32, #tpu.memory_space<hbm>>
        %dma_wait3A_119 = arith.constant 0 : i32
        %dma_wait3A_120 = arith.constant 0 : i32
        %dma_wait3A_121 = tpu.memref_slice %arg10[%dma_wait3A_105, %dma_wait3A_119, %dma_wait3A_120] : memref<3x128x128xf32, #tpu.memory_space<vmem>> -> memref<1x128x128xf32, #tpu.memory_space<vmem>>
        %dma_wait3A_122 = tpu.memref_squeeze %dma_wait3A_121 : memref<1x128x128xf32, #tpu.memory_space<vmem>> -> memref<128x128xf32, #tpu.memory_space<vmem>>
        tpu.wait_dma2 semaphore(%dma_wait3A_115 : memref<!tpu.dma_semaphore, #tpu.memory_space<semaphore_mem>>) src(%dma_wait3A_122 : memref<128x128xf32, #tpu.memory_space<vmem>>) dst(%dma_wait3A_118 : memref<128x128xf32, #tpu.memory_space<hbm>>)
      } else {
      }
      %lt3A_75 = arith.cmpi slt, %add3A_65, %min3A_4 : i32
      %convert_element_type3A_76 = arith.extui %lt3A_75 : i1 to i32
      %cond3A_77 = arith.constant 0 : i32
      %cond3A_78 = arith.cmpi ne, %convert_element_type3A_76, %cond3A_77 : i32
      scf.if %cond3A_78 {
        %mul3A_88 = arith.constant 128 : i32
        %mul3A_89 = arith.muli %add3A_65, %mul3A_88 : i32
        %dma_start3A = arith.constant 2 : i32
        %dma_start3A_90 = arith.constant 2 : i32
        %dma_start3A_91 = arith.constant 0 : i32
        %dma_start3A_92 = arith.constant 0 : i32
        %dma_start3A_93 = tpu.memref_slice %arg9[%dma_start3A, %dma_start3A_91, %dma_start3A_92] : memref<3x128x128xf32, #tpu.memory_space<vmem>> -> memref<1x128x128xf32, #tpu.memory_space<vmem>>
        %dma_start3A_94 = tpu.memref_squeeze %dma_start3A_93 : memref<1x128x128xf32, #tpu.memory_space<vmem>> -> memref<128x128xf32, #tpu.memory_space<vmem>>
        %dma_start3A_95 = tpu.memref_slice %arg7[%mul3A_89] : memref<5120xi32, #tpu.memory_space<vmem>> -> memref<128xi32, #tpu.memory_space<vmem>>
        %dma_start3A_96 = arith.constant 0 : i32
        %dma_start3A_97 = arith.constant 0 : i32
        %dma_start3A_98 = tpu.memref_slice %arg2[%dma_start3A_96, %dma_start3A_97] : memref<10240x128xf32, #tpu.memory_space<hbm>> -> memref<10240x128xf32, #tpu.memory_space<hbm>>
        %dma_start3A_99 = tpu.memref_slice %arg11[%dma_start3A_90] : memref<3x!tpu.dma_semaphore, #tpu.memory_space<semaphore_mem>> -> memref<1x!tpu.dma_semaphore, #tpu.memory_space<semaphore_mem>>
        %dma_start3A_100 = tpu.memref_squeeze %dma_start3A_99 : memref<1x!tpu.dma_semaphore, #tpu.memory_space<semaphore_mem>> -> memref<!tpu.dma_semaphore, #tpu.memory_space<semaphore_mem>>
        tpu.enqueue_indirect_dma source(%dma_start3A_98 : memref<10240x128xf32, #tpu.memory_space<hbm>>) target(%dma_start3A_94 : memref<128x128xf32, #tpu.memory_space<vmem>>) offsets(%dma_start3A_95 : memref<128xi32, #tpu.memory_space<vmem>>) semaphore(%dma_start3A_100 : memref<!tpu.dma_semaphore, #tpu.memory_space<semaphore_mem>>)
        %mul3A_101 = arith.constant 128 : i32
        %mul3A_102 = arith.muli %add3A_65, %mul3A_101 : i32
        %dma_start3A_103 = arith.constant 2 : i32
        %dma_start3A_104 = arith.constant 2 : i32
        %dma_start3A_105 = arith.constant 0 : i32
        %dma_start3A_106 = arith.constant 0 : i32
        %dma_start3A_107 = tpu.memref_slice %arg10[%dma_start3A_103, %dma_start3A_105, %dma_start3A_106] : memref<3x128x128xf32, #tpu.memory_space<vmem>> -> memref<1x128x128xf32, #tpu.memory_space<vmem>>
        %dma_start3A_108 = tpu.memref_squeeze %dma_start3A_107 : memref<1x128x128xf32, #tpu.memory_space<vmem>> -> memref<128x128xf32, #tpu.memory_space<vmem>>
        %dma_start3A_109 = tpu.memref_slice %arg8[%mul3A_102] : memref<5120xi32, #tpu.memory_space<vmem>> -> memref<128xi32, #tpu.memory_space<vmem>>
        %dma_start3A_110 = arith.constant 0 : i32
        %dma_start3A_111 = arith.constant 0 : i32
        %dma_start3A_112 = tpu.memref_slice %arg2[%dma_start3A_110, %dma_start3A_111] : memref<10240x128xf32, #tpu.memory_space<hbm>> -> memref<10240x128xf32, #tpu.memory_space<hbm>>
        %dma_start3A_113 = tpu.memref_slice %arg11[%dma_start3A_104] : memref<3x!tpu.dma_semaphore, #tpu.memory_space<semaphore_mem>> -> memref<1x!tpu.dma_semaphore, #tpu.memory_space<semaphore_mem>>
        %dma_start3A_114 = tpu.memref_squeeze %dma_start3A_113 : memref<1x!tpu.dma_semaphore, #tpu.memory_space<semaphore_mem>> -> memref<!tpu.dma_semaphore, #tpu.memory_space<semaphore_mem>>
        tpu.enqueue_indirect_dma source(%dma_start3A_112 : memref<10240x128xf32, #tpu.memory_space<hbm>>) target(%dma_start3A_108 : memref<128x128xf32, #tpu.memory_space<vmem>>) offsets(%dma_start3A_109 : memref<128xi32, #tpu.memory_space<vmem>>) semaphore(%dma_start3A_114 : memref<!tpu.dma_semaphore, #tpu.memory_space<semaphore_mem>>)
      } else {
      }
      %ge3A_79 = arith.constant 2 : i32
      %ge3A_80 = arith.cmpi sge, %add3A_65, %ge3A_79 : i32
      %sub3A_81 = arith.constant 2 : i32
      %sub3A_82 = arith.subi %add3A_65, %sub3A_81 : i32
      %lt3A_83 = arith.cmpi slt, %sub3A_82, %min3A_4 : i32
      %and3A_84 = arith.andi %ge3A_80, %lt3A_83 : i1
      %convert_element_type3A_85 = arith.extui %and3A_84 : i1 to i32
      %cond3A_86 = arith.constant 0 : i32
      %cond3A_87 = arith.cmpi ne, %convert_element_type3A_85, %cond3A_86 : i32
      scf.if %cond3A_87 {
        %add3A_88 = arith.addi %mul3A_2, %add3A_65 : i32
        %sub3A_89 = arith.constant 2 : i32
        %sub3A_90 = arith.subi %add3A_88, %sub3A_89 : i32
        %mul3A_91 = arith.constant 128 : i32
        %mul3A_92 = arith.muli %sub3A_90, %mul3A_91 : i32
        %dma_wait3A = arith.constant 0 : i32
        %dma_wait3A_93 = arith.constant 0 : i32
        %dma_wait3A_94 = arith.constant 0 : i32
        %dma_wait3A_95 = arith.constant 0 : i32
        %dma_wait3A_96 = tpu.memref_slice %arg9[%dma_wait3A, %dma_wait3A_94, %dma_wait3A_95] : memref<3x128x128xf32, #tpu.memory_space<vmem>> -> memref<1x128x128xf32, #tpu.memory_space<vmem>>
        %dma_wait3A_97 = tpu.memref_squeeze %dma_wait3A_96 : memref<1x128x128xf32, #tpu.memory_space<vmem>> -> memref<128x128xf32, #tpu.memory_space<vmem>>
        %dma_wait3A_98 = arith.constant 0 : i32
        %dma_wait3A_99 = arith.constant 0 : i32
        %dma_wait3A_100 = tpu.memref_slice %arg2[%dma_wait3A_98, %dma_wait3A_99] : memref<10240x128xf32, #tpu.memory_space<hbm>> -> memref<128x128xf32, #tpu.memory_space<hbm>>
        %dma_wait3A_101 = tpu.memref_slice %arg11[%dma_wait3A_93] : memref<3x!tpu.dma_semaphore, #tpu.memory_space<semaphore_mem>> -> memref<1x!tpu.dma_semaphore, #tpu.memory_space<semaphore_mem>>
        %dma_wait3A_102 = tpu.memref_squeeze %dma_wait3A_101 : memref<1x!tpu.dma_semaphore, #tpu.memory_space<semaphore_mem>> -> memref<!tpu.dma_semaphore, #tpu.memory_space<semaphore_mem>>
        %dma_wait3A_103 = arith.constant 0 : i32
        %dma_wait3A_104 = arith.constant 0 : i32
        %dma_wait3A_105 = tpu.memref_slice %arg9[%dma_wait3A, %dma_wait3A_103, %dma_wait3A_104] : memref<3x128x128xf32, #tpu.memory_space<vmem>> -> memref<1x128x128xf32, #tpu.memory_space<vmem>>
        %dma_wait3A_106 = tpu.memref_squeeze %dma_wait3A_105 : memref<1x128x128xf32, #tpu.memory_space<vmem>> -> memref<128x128xf32, #tpu.memory_space<vmem>>
        %dma_wait3A_107 = arith.constant 0 : i32
        %dma_wait3A_108 = arith.constant 0 : i32
        %dma_wait3A_109 = tpu.memref_slice %arg2[%dma_wait3A_107, %dma_wait3A_108] : memref<10240x128xf32, #tpu.memory_space<hbm>> -> memref<128x128xf32, #tpu.memory_space<hbm>>
        tpu.wait_dma2 semaphore(%dma_wait3A_102 : memref<!tpu.dma_semaphore, #tpu.memory_space<semaphore_mem>>) src(%dma_wait3A_109 : memref<128x128xf32, #tpu.memory_space<hbm>>) dst(%dma_wait3A_106 : memref<128x128xf32, #tpu.memory_space<vmem>>)
        %dma_wait3A_110 = arith.constant 0 : i32
        %dma_wait3A_111 = arith.constant 0 : i32
        %dma_wait3A_112 = arith.constant 0 : i32
        %dma_wait3A_113 = arith.constant 0 : i32
        %dma_wait3A_114 = tpu.memref_slice %arg10[%dma_wait3A_110, %dma_wait3A_112, %dma_wait3A_113] : memref<3x128x128xf32, #tpu.memory_space<vmem>> -> memref<1x128x128xf32, #tpu.memory_space<vmem>>
        %dma_wait3A_115 = tpu.memref_squeeze %dma_wait3A_114 : memref<1x128x128xf32, #tpu.memory_space<vmem>> -> memref<128x128xf32, #tpu.memory_space<vmem>>
        %dma_wait3A_116 = arith.constant 0 : i32
        %dma_wait3A_117 = arith.constant 0 : i32
        %dma_wait3A_118 = tpu.memref_slice %arg2[%dma_wait3A_116, %dma_wait3A_117] : memref<10240x128xf32, #tpu.memory_space<hbm>> -> memref<128x128xf32, #tpu.memory_space<hbm>>
        %dma_wait3A_119 = tpu.memref_slice %arg11[%dma_wait3A_111] : memref<3x!tpu.dma_semaphore, #tpu.memory_space<semaphore_mem>> -> memref<1x!tpu.dma_semaphore, #tpu.memory_space<semaphore_mem>>
        %dma_wait3A_120 = tpu.memref_squeeze %dma_wait3A_119 : memref<1x!tpu.dma_semaphore, #tpu.memory_space<semaphore_mem>> -> memref<!tpu.dma_semaphore, #tpu.memory_space<semaphore_mem>>
        %dma_wait3A_121 = arith.constant 0 : i32
        %dma_wait3A_122 = arith.constant 0 : i32
        %dma_wait3A_123 = tpu.memref_slice %arg10[%dma_wait3A_110, %dma_wait3A_121, %dma_wait3A_122] : memref<3x128x128xf32, #tpu.memory_space<vmem>> -> memref<1x128x128xf32, #tpu.memory_space<vmem>>
        %dma_wait3A_124 = tpu.memref_squeeze %dma_wait3A_123 : memref<1x128x128xf32, #tpu.memory_space<vmem>> -> memref<128x128xf32, #tpu.memory_space<vmem>>
        %dma_wait3A_125 = arith.constant 0 : i32
        %dma_wait3A_126 = arith.constant 0 : i32
        %dma_wait3A_127 = tpu.memref_slice %arg2[%dma_wait3A_125, %dma_wait3A_126] : memref<10240x128xf32, #tpu.memory_space<hbm>> -> memref<128x128xf32, #tpu.memory_space<hbm>>
        tpu.wait_dma2 semaphore(%dma_wait3A_120 : memref<!tpu.dma_semaphore, #tpu.memory_space<semaphore_mem>>) src(%dma_wait3A_127 : memref<128x128xf32, #tpu.memory_space<hbm>>) dst(%dma_wait3A_124 : memref<128x128xf32, #tpu.memory_space<vmem>>)
        %dma_start3A = arith.constant 0 : i32
        %dma_start3A_128 = arith.constant 0 : i32
        %dma_start3A_129 = arith.constant 0 : i32
        %dma_start3A_130 = arith.constant 0 : i32
        %dma_start3A_131 = tpu.memref_slice %arg9[%dma_start3A, %dma_start3A_129, %dma_start3A_130] : memref<3x128x128xf32, #tpu.memory_space<vmem>> -> memref<1x128x128xf32, #tpu.memory_space<vmem>>
        %dma_start3A_132 = tpu.memref_squeeze %dma_start3A_131 : memref<1x128x128xf32, #tpu.memory_space<vmem>> -> memref<128x128xf32, #tpu.memory_space<vmem>>
        %dma_start3A_133 = arith.constant 0 : i32
        %dma_start3A_134 = tpu.memref_slice %arg5[%mul3A_92, %dma_start3A_133] : memref<160000x128xf32, #tpu.memory_space<hbm>> -> memref<128x128xf32, #tpu.memory_space<hbm>>
        %dma_start3A_135 = tpu.memref_slice %arg12[%dma_start3A_128] : memref<3x!tpu.dma_semaphore, #tpu.memory_space<semaphore_mem>> -> memref<1x!tpu.dma_semaphore, #tpu.memory_space<semaphore_mem>>
        %dma_start3A_136 = tpu.memref_squeeze %dma_start3A_135 : memref<1x!tpu.dma_semaphore, #tpu.memory_space<semaphore_mem>> -> memref<!tpu.dma_semaphore, #tpu.memory_space<semaphore_mem>>
        %dma_start3A_137 = arith.constant 0 : i32
        %dma_start3A_138 = tpu.memref_slice %arg5[%mul3A_92, %dma_start3A_137] : memref<160000x128xf32, #tpu.memory_space<hbm>> -> memref<128x128xf32, #tpu.memory_space<hbm>>
        %dma_start3A_139 = arith.constant 0 : i32
        %dma_start3A_140 = arith.constant 0 : i32
        %dma_start3A_141 = tpu.memref_slice %arg9[%dma_start3A, %dma_start3A_139, %dma_start3A_140] : memref<3x128x128xf32, #tpu.memory_space<vmem>> -> memref<1x128x128xf32, #tpu.memory_space<vmem>>
        %dma_start3A_142 = tpu.memref_squeeze %dma_start3A_141 : memref<1x128x128xf32, #tpu.memory_space<vmem>> -> memref<128x128xf32, #tpu.memory_space<vmem>>
        tpu.enqueue_dma source(%dma_start3A_142 : memref<128x128xf32, #tpu.memory_space<vmem>>) target(%dma_start3A_138 : memref<128x128xf32, #tpu.memory_space<hbm>>) target_semaphore(%dma_start3A_136 : memref<!tpu.dma_semaphore, #tpu.memory_space<semaphore_mem>>)
        %dma_start3A_143 = arith.constant 0 : i32
        %dma_start3A_144 = arith.constant 0 : i32
        %dma_start3A_145 = arith.constant 0 : i32
        %dma_start3A_146 = arith.constant 0 : i32
        %dma_start3A_147 = tpu.memref_slice %arg10[%dma_start3A_143, %dma_start3A_145, %dma_start3A_146] : memref<3x128x128xf32, #tpu.memory_space<vmem>> -> memref<1x128x128xf32, #tpu.memory_space<vmem>>
        %dma_start3A_148 = tpu.memref_squeeze %dma_start3A_147 : memref<1x128x128xf32, #tpu.memory_space<vmem>> -> memref<128x128xf32, #tpu.memory_space<vmem>>
        %dma_start3A_149 = arith.constant 0 : i32
        %dma_start3A_150 = tpu.memref_slice %arg6[%mul3A_92, %dma_start3A_149] : memref<160000x128xf32, #tpu.memory_space<hbm>> -> memref<128x128xf32, #tpu.memory_space<hbm>>
        %dma_start3A_151 = tpu.memref_slice %arg12[%dma_start3A_144] : memref<3x!tpu.dma_semaphore, #tpu.memory_space<semaphore_mem>> -> memref<1x!tpu.dma_semaphore, #tpu.memory_space<semaphore_mem>>
        %dma_start3A_152 = tpu.memref_squeeze %dma_start3A_151 : memref<1x!tpu.dma_semaphore, #tpu.memory_space<semaphore_mem>> -> memref<!tpu.dma_semaphore, #tpu.memory_space<semaphore_mem>>
        %dma_start3A_153 = arith.constant 0 : i32
        %dma_start3A_154 = tpu.memref_slice %arg6[%mul3A_92, %dma_start3A_153] : memref<160000x128xf32, #tpu.memory_space<hbm>> -> memref<128x128xf32, #tpu.memory_space<hbm>>
        %dma_start3A_155 = arith.constant 0 : i32
        %dma_start3A_156 = arith.constant 0 : i32
        %dma_start3A_157 = tpu.memref_slice %arg10[%dma_start3A_143, %dma_start3A_155, %dma_start3A_156] : memref<3x128x128xf32, #tpu.memory_space<vmem>> -> memref<1x128x128xf32, #tpu.memory_space<vmem>>
        %dma_start3A_158 = tpu.memref_squeeze %dma_start3A_157 : memref<1x128x128xf32, #tpu.memory_space<vmem>> -> memref<128x128xf32, #tpu.memory_space<vmem>>
        tpu.enqueue_dma source(%dma_start3A_158 : memref<128x128xf32, #tpu.memory_space<vmem>>) target(%dma_start3A_154 : memref<128x128xf32, #tpu.memory_space<hbm>>) target_semaphore(%dma_start3A_152 : memref<!tpu.dma_semaphore, #tpu.memory_space<semaphore_mem>>)
      } else {
      }
    }
    %scan3A_13 = arith.constant 16 : i32
    return
  }
}

module attributes {stable_mosaic.version = 14 : i64} {
  func.func @_merge_body(%arg0: i32, %arg1: memref<2x1280x128xf32, #tpu.memory_space<vmem>>, %arg2: memref<2x1280x128xf32, #tpu.memory_space<vmem>>) attributes {dimension_semantics = [#tpu.dimension_semantics<arbitrary>], iteration_bounds = array<i64: 8>, scalar_prefetch = 0 : i64, scratch_operands = 0 : i64, tpu.core_type = #tpu.core_type<tc>, window_params = [{transform_indices = @transform_0, window_bounds = array<i64: 2, 1280, 128>}, {transform_indices = @transform_1, window_bounds = array<i64: 2, 1280, 128>}]} {
    %get3A = arith.constant 0 : index
    %get3A_0 = arith.constant 0 : index
    %get3A_1 = arith.constant 0 : index
    %get3A_2 = vector.load %arg1[%get3A, %get3A_0, %get3A_1] : memref<2x1280x128xf32, #tpu.memory_space<vmem>>, vector<1x1280x128xf32>
    %get3A_3 = vector.shape_cast %get3A_2 : vector<1x1280x128xf32> to vector<1280x128xf32>
    %get3A_4 = arith.constant 1 : index
    %get3A_5 = arith.constant 0 : index
    %get3A_6 = arith.constant 0 : index
    %get3A_7 = vector.load %arg1[%get3A_4, %get3A_5, %get3A_6] : memref<2x1280x128xf32, #tpu.memory_space<vmem>>, vector<1x1280x128xf32>
    %get3A_8 = vector.shape_cast %get3A_7 : vector<1x1280x128xf32> to vector<1280x128xf32>
    %add3A = arith.addf %get3A_3, %get3A_8 : vector<1280x128xf32>
    %gt3A = arith.constant 0.000000e+00 : f32
    %gt3A_9 = vector.broadcast %gt3A : f32 to vector<1280x128xf32>
    %gt3A_10 = arith.cmpf ogt, %add3A, %gt3A_9 : vector<1280x128xf32>
    %exp3A = math.exp %add3A : vector<1280x128xf32>
    %sub3A = arith.constant 1.000000e+00 : f32
    %sub3A_11 = vector.broadcast %sub3A : f32 to vector<1280x128xf32>
    %sub3A_12 = arith.subf %exp3A, %sub3A_11 : vector<1280x128xf32>
    %select_n3A = arith.select %gt3A_10, %add3A, %sub3A_12 : vector<1280x128xi1>, vector<1280x128xf32>
    %swap3A = arith.constant 0 : index
    %swap3A_13 = arith.constant 0 : index
    %swap3A_14 = arith.constant 0 : index
    %swap3A_15 = vector.load %arg2[%swap3A, %swap3A_13, %swap3A_14] : memref<2x1280x128xf32, #tpu.memory_space<vmem>>, vector<1x1280x128xf32>
    %swap3A_16 = vector.shape_cast %swap3A_15 : vector<1x1280x128xf32> to vector<1280x128xf32>
    %swap3A_17 = vector.shape_cast %select_n3A : vector<1280x128xf32> to vector<1x1280x128xf32>
    tpu.vector_store %arg2[%swap3A, %swap3A_13, %swap3A_14], %swap3A_17 {strides = array<i32>} : memref<2x1280x128xf32, #tpu.memory_space<vmem>>, vector<1x1280x128xf32>,
    %broadcast_in_dim3A = arith.constant 0.000000e+00 : f32
    %broadcast_in_dim3A_18 = vector.broadcast %broadcast_in_dim3A : f32 to vector<1280x128xf32>
    %swap3A_19 = arith.constant 1 : index
    %swap3A_20 = arith.constant 0 : index
    %swap3A_21 = arith.constant 0 : index
    %swap3A_22 = vector.load %arg2[%swap3A_19, %swap3A_20, %swap3A_21] : memref<2x1280x128xf32, #tpu.memory_space<vmem>>, vector<1x1280x128xf32>
    %swap3A_23 = vector.shape_cast %swap3A_22 : vector<1x1280x128xf32> to vector<1280x128xf32>
    %swap3A_24 = vector.shape_cast %broadcast_in_dim3A_18 : vector<1280x128xf32> to vector<1x1280x128xf32>
    tpu.vector_store %arg2[%swap3A_19, %swap3A_20, %swap3A_21], %swap3A_24 {strides = array<i32>} : memref<2x1280x128xf32, #tpu.memory_space<vmem>>, vector<1x1280x128xf32>,
    return
  }
  func.func @transform_0(%arg0: i32) -> (i32, i32, i32) {
    %c0_i32 = arith.constant 0 : i32
    %c0_i32_0 = arith.constant 0 : i32
    %c0_i32_1 = arith.constant 0 : i32
    return %c0_i32, %arg0, %c0_i32_0 : i32, i32, i32
  }
  func.func @transform_1(%arg0: i32) -> (i32, i32, i32) {
    %c0_i32 = arith.constant 0 : i32
    %c0_i32_0 = arith.constant 0 : i32
    %c0_i32_1 = arith.constant 0 : i32
    return %c0_i32, %arg0, %c0_i32_0 : i32, i32, i32
  }
}

module attributes {stable_mosaic.version = 14 : i64} {
  func.func @_edge_body(%arg0: i32, %arg1: memref<8000x128xf32, #tpu.memory_space<vmem>>, %arg2: memref<8000x128xf32, #tpu.memory_space<vmem>>, %arg3: memref<128x128xbf16, #tpu.memory_space<vmem>>, %arg4: memref<128x128xbf16, #tpu.memory_space<vmem>>, %arg5: memref<128x128xbf16, #tpu.memory_space<vmem>>, %arg6: memref<128x128xbf16, #tpu.memory_space<vmem>>, %arg7: memref<1x128xf32, #tpu.memory_space<vmem>>, %arg8: memref<1x128xf32, #tpu.memory_space<vmem>>, %arg9: memref<8000x128xf32, #tpu.memory_space<vmem>>) attributes {dimension_semantics = [#tpu.dimension_semantics<arbitrary>], iteration_bounds = array<i64: 20>, scalar_prefetch = 0 : i64, scratch_operands = 0 : i64, tpu.core_type = #tpu.core_type<tc>, window_params = [{transform_indices = @transform_0, window_bounds = array<i64: 8000, 128>}, {transform_indices = @transform_1, window_bounds = array<i64: 8000, 128>}, {pipeline_mode = #tpu.pipeline_mode<synchronous>, transform_indices = @transform_2, window_bounds = array<i64: 128, 128>}, {pipeline_mode = #tpu.pipeline_mode<synchronous>, transform_indices = @transform_3, window_bounds = array<i64: 128, 128>}, {pipeline_mode = #tpu.pipeline_mode<synchronous>, transform_indices = @transform_4, window_bounds = array<i64: 128, 128>}, {pipeline_mode = #tpu.pipeline_mode<synchronous>, transform_indices = @transform_5, window_bounds = array<i64: 128, 128>}, {pipeline_mode = #tpu.pipeline_mode<synchronous>, transform_indices = @transform_6, window_bounds = array<i64: 1, 128>}, {pipeline_mode = #tpu.pipeline_mode<synchronous>, transform_indices = @transform_7, window_bounds = array<i64: 1, 128>}, {transform_indices = @transform_8, window_bounds = array<i64: 8000, 128>}]} {
    %get3A = arith.constant 0 : index
    %get3A_0 = arith.constant 0 : index
    %get3A_1 = vector.load %arg1[%get3A, %get3A_0] : memref<8000x128xf32, #tpu.memory_space<vmem>>, vector<8000x128xf32>
    %get3A_2 = arith.constant 0 : index
    %get3A_3 = arith.constant 0 : index
    %get3A_4 = vector.load %arg2[%get3A_2, %get3A_3] : memref<8000x128xf32, #tpu.memory_space<vmem>>, vector<8000x128xf32>
    %get3A_5 = arith.constant 0 : index
    %get3A_6 = arith.constant 0 : index
    %get3A_7 = vector.load %arg3[%get3A_5, %get3A_6] : memref<128x128xbf16, #tpu.memory_space<vmem>>, vector<128x128xbf16>
    %dot_general3A = arith.constant dense<0.000000e+00> : vector<8000x128xf32>
    %dot_general3A_8 = tpu.matmul %get3A_1, %get3A_7, %dot_general3A {dimension_numbers = #tpu.dot_dimension_numbers<[1], [0], [0], [1], [0, 0, 1, 1], [], []>, transpose_lhs_hint = false} : vector<8000x128xf32>, vector<128x128xbf16>, vector<8000x128xf32> -> vector<8000x128xf32>
    %get3A_9 = arith.constant 0 : index
    %get3A_10 = arith.constant 0 : index
    %get3A_11 = vector.load %arg4[%get3A_9, %get3A_10] : memref<128x128xbf16, #tpu.memory_space<vmem>>, vector<128x128xbf16>
    %dot_general3A_12 = arith.constant dense<0.000000e+00> : vector<8000x128xf32>
    %dot_general3A_13 = tpu.matmul %get3A_4, %get3A_11, %dot_general3A_12 {dimension_numbers = #tpu.dot_dimension_numbers<[1], [0], [0], [1], [0, 0, 1, 1], [], []>, transpose_lhs_hint = false} : vector<8000x128xf32>, vector<128x128xbf16>, vector<8000x128xf32> -> vector<8000x128xf32>
    %add3A = arith.addf %dot_general3A_8, %dot_general3A_13 : vector<8000x128xf32>
    %get3A_14 = arith.constant 0 : index
    %get3A_15 = arith.constant 0 : index
    %get3A_16 = vector.load %arg5[%get3A_14, %get3A_15] : memref<128x128xbf16, #tpu.memory_space<vmem>>, vector<128x128xbf16>
    %dot_general3A_17 = arith.constant dense<0.000000e+00> : vector<8000x128xf32>
    %dot_general3A_18 = tpu.matmul %get3A_1, %get3A_16, %dot_general3A_17 {dimension_numbers = #tpu.dot_dimension_numbers<[1], [0], [0], [1], [0, 0, 1, 1], [], []>, transpose_lhs_hint = false} : vector<8000x128xf32>, vector<128x128xbf16>, vector<8000x128xf32> -> vector<8000x128xf32>
    %get3A_19 = arith.constant 0 : index
    %get3A_20 = arith.constant 0 : index
    %get3A_21 = vector.load %arg6[%get3A_19, %get3A_20] : memref<128x128xbf16, #tpu.memory_space<vmem>>, vector<128x128xbf16>
    %dot_general3A_22 = arith.constant dense<0.000000e+00> : vector<8000x128xf32>
    %dot_general3A_23 = tpu.matmul %get3A_4, %get3A_21, %dot_general3A_22 {dimension_numbers = #tpu.dot_dimension_numbers<[1], [0], [0], [1], [0, 0, 1, 1], [], []>, transpose_lhs_hint = false} : vector<8000x128xf32>, vector<128x128xbf16>, vector<8000x128xf32> -> vector<8000x128xf32>
    %add3A_24 = arith.addf %dot_general3A_18, %dot_general3A_23 : vector<8000x128xf32>
    %get3A_25 = arith.constant 0 : index
    %get3A_26 = arith.constant 0 : index
    %get3A_27 = vector.load %arg7[%get3A_25, %get3A_26] : memref<1x128xf32, #tpu.memory_space<vmem>>, vector<1x128xf32>
    %add3A_28 = vector.broadcast %get3A_27 : vector<1x128xf32> to vector<8000x128xf32>
    %add3A_29 = arith.addf %add3A, %add3A_28 : vector<8000x128xf32>
    %neg3A = arith.constant 0.000000e+00 : f32
    %neg3A_30 = vector.broadcast %neg3A : f32 to vector<8000x128xf32>
    %neg3A_31 = arith.subf %neg3A_30, %add3A_29 : vector<8000x128xf32>
    %exp3A = math.exp %neg3A_31 : vector<8000x128xf32>
    %add3A_32 = arith.constant 1.000000e+00 : f32
    %add3A_33 = vector.broadcast %add3A_32 : f32 to vector<8000x128xf32>
    %add3A_34 = arith.addf %add3A_33, %exp3A : vector<8000x128xf32>
    %div3A = arith.constant 1.000000e+00 : f32
    %div3A_35 = vector.broadcast %div3A : f32 to vector<8000x128xf32>
    %div3A_36 = arith.divf %div3A_35, %add3A_34 : vector<8000x128xf32>
    %get3A_37 = arith.constant 0 : index
    %get3A_38 = arith.constant 0 : index
    %get3A_39 = vector.load %arg8[%get3A_37, %get3A_38] : memref<1x128xf32, #tpu.memory_space<vmem>>, vector<1x128xf32>
    %add3A_40 = vector.broadcast %get3A_39 : vector<1x128xf32> to vector<8000x128xf32>
    %add3A_41 = arith.addf %add3A_24, %add3A_40 : vector<8000x128xf32>
    %max3A = arith.constant 0.000000e+00 : f32
    %max3A_42 = vector.broadcast %max3A : f32 to vector<8000x128xf32>
    %max3A_43 = arith.maximumf %add3A_41, %max3A_42 : vector<8000x128xf32>
    %abs3A = math.absf %add3A_41 : vector<8000x128xf32>
    %neg3A_44 = arith.constant 0.000000e+00 : f32
    %neg3A_45 = vector.broadcast %neg3A_44 : f32 to vector<8000x128xf32>
    %neg3A_46 = arith.subf %neg3A_45, %abs3A : vector<8000x128xf32>
    %exp3A_47 = math.exp %neg3A_46 : vector<8000x128xf32>
    %add3A_48 = arith.constant 1.000000e+00 : f32
    %add3A_49 = vector.broadcast %add3A_48 : f32 to vector<8000x128xf32>
    %add3A_50 = arith.addf %add3A_49, %exp3A_47 : vector<8000x128xf32>
    %log3A = math.log %add3A_50 : vector<8000x128xf32>
    %add3A_51 = arith.addf %max3A_43, %log3A : vector<8000x128xf32>
    %mul3A = arith.mulf %div3A_36, %add3A_51 : vector<8000x128xf32>
    %swap3A = arith.constant 0 : index
    %swap3A_52 = arith.constant 0 : index
    %swap3A_53 = vector.load %arg9[%swap3A, %swap3A_52] : memref<8000x128xf32, #tpu.memory_space<vmem>>, vector<8000x128xf32>
    tpu.vector_store %arg9[%swap3A, %swap3A_52], %mul3A {strides = array<i32>} : memref<8000x128xf32, #tpu.memory_space<vmem>>, vector<8000x128xf32>,
    return
  }
  func.func @transform_0(%arg0: i32) -> (i32, i32) {
    %c0_i32 = arith.constant 0 : i32
    %c0_i32_0 = arith.constant 0 : i32
    return %arg0, %c0_i32 : i32, i32
  }
  func.func @transform_1(%arg0: i32) -> (i32, i32) {
    %c0_i32 = arith.constant 0 : i32
    %c0_i32_0 = arith.constant 0 : i32
    return %arg0, %c0_i32 : i32, i32
  }
  func.func @transform_2(%arg0: i32) -> (i32, i32) {
    %c0_i32 = arith.constant 0 : i32
    %c0_i32_0 = arith.constant 0 : i32
    %c0_i32_1 = arith.constant 0 : i32
    return %c0_i32, %c0_i32_0 : i32, i32
  }
  func.func @transform_3(%arg0: i32) -> (i32, i32) {
    %c0_i32 = arith.constant 0 : i32
    %c0_i32_0 = arith.constant 0 : i32
    %c0_i32_1 = arith.constant 0 : i32
    return %c0_i32, %c0_i32_0 : i32, i32
  }
  func.func @transform_4(%arg0: i32) -> (i32, i32) {
    %c0_i32 = arith.constant 0 : i32
    %c0_i32_0 = arith.constant 0 : i32
    %c0_i32_1 = arith.constant 0 : i32
    return %c0_i32, %c0_i32_0 : i32, i32
  }
  func.func @transform_5(%arg0: i32) -> (i32, i32) {
    %c0_i32 = arith.constant 0 : i32
    %c0_i32_0 = arith.constant 0 : i32
    %c0_i32_1 = arith.constant 0 : i32
    return %c0_i32, %c0_i32_0 : i32, i32
  }
  func.func @transform_6(%arg0: i32) -> (i32, i32) {
    %c0_i32 = arith.constant 0 : i32
    %c0_i32_0 = arith.constant 0 : i32
    %c0_i32_1 = arith.constant 0 : i32
    return %c0_i32, %c0_i32_0 : i32, i32
  }
  func.func @transform_7(%arg0: i32) -> (i32, i32) {
    %c0_i32 = arith.constant 0 : i32
    %c0_i32_0 = arith.constant 0 : i32
    %c0_i32_1 = arith.constant 0 : i32
    return %c0_i32, %c0_i32_0 : i32, i32
  }
  func.func @transform_8(%arg0: i32) -> (i32, i32) {
    %c0_i32 = arith.constant 0 : i32
    %c0_i32_0 = arith.constant 0 : i32
    return %arg0, %c0_i32 : i32, i32
  }
}

module attributes {stable_mosaic.version = 14 : i64} {
  func.func @_tail1_body(%arg0: i32, %arg1: memref<2x1280x128xf32, #tpu.memory_space<vmem>>, %arg2: memref<1280x128xf32, #tpu.memory_space<vmem>>, %arg3: memref<1x128xf32, #tpu.memory_space<vmem>>, %arg4: memref<128x128xf32, #tpu.memory_space<vmem>>, %arg5: memref<128x128xf32, #tpu.memory_space<vmem>>, %arg6: memref<1x128xf32, #tpu.memory_space<vmem>>, %arg7: memref<1x128xf32, #tpu.memory_space<vmem>>, %arg8: memref<128x128xf32, #tpu.memory_space<vmem>>, %arg9: memref<128x128xf32, #tpu.memory_space<vmem>>, %arg10: memref<128x128xf32, #tpu.memory_space<vmem>>) attributes {dimension_semantics = [#tpu.dimension_semantics<arbitrary>], iteration_bounds = array<i64: 8>, scalar_prefetch = 0 : i64, scratch_operands = 1 : i64, tpu.core_type = #tpu.core_type<tc>, window_params = [{transform_indices = @transform_0, window_bounds = array<i64: 2, 1280, 128>}, {transform_indices = @transform_1, window_bounds = array<i64: 1280, 128>}, {pipeline_mode = #tpu.pipeline_mode<synchronous>, transform_indices = @transform_2, window_bounds = array<i64: 1, 128>}, {pipeline_mode = #tpu.pipeline_mode<synchronous>, transform_indices = @transform_3, window_bounds = array<i64: 128, 128>}, {pipeline_mode = #tpu.pipeline_mode<synchronous>, transform_indices = @transform_4, window_bounds = array<i64: 128, 128>}, {pipeline_mode = #tpu.pipeline_mode<synchronous>, transform_indices = @transform_5, window_bounds = array<i64: 1, 128>}, {pipeline_mode = #tpu.pipeline_mode<synchronous>, transform_indices = @transform_6, window_bounds = array<i64: 1, 128>}, {pipeline_mode = #tpu.pipeline_mode<synchronous>, transform_indices = @transform_7, window_bounds = array<i64: 128, 128>}, {pipeline_mode = #tpu.pipeline_mode<synchronous>, transform_indices = @transform_8, window_bounds = array<i64: 128, 128>}]} {
    %eq3A = arith.constant 0 : i32
    %eq3A_0 = arith.cmpi eq, %arg0, %eq3A : i32
    %convert_element_type3A = arith.extui %eq3A_0 : i1 to i32
    %cond3A = arith.constant 0 : i32
    %cond3A_1 = arith.cmpi ne, %convert_element_type3A, %cond3A : i32
    scf.if %cond3A_1 {
      %broadcast_in_dim3A = arith.constant 0.000000e+00 : f32
      %broadcast_in_dim3A_30 = vector.broadcast %broadcast_in_dim3A : f32 to vector<128x128xf32>
      %swap3A_31 = arith.constant 0 : index
      %swap3A_32 = arith.constant 0 : index
      %swap3A_33 = vector.load %arg10[%swap3A_31, %swap3A_32] : memref<128x128xf32, #tpu.memory_space<vmem>>, vector<128x128xf32>
      tpu.vector_store %arg10[%swap3A_31, %swap3A_32], %broadcast_in_dim3A_30 {strides = array<i32>} : memref<128x128xf32, #tpu.memory_space<vmem>>, vector<128x128xf32>,
    } else {
    }
    %get3A = arith.constant 0 : index
    %get3A_2 = arith.constant 0 : index
    %get3A_3 = arith.constant 0 : index
    %get3A_4 = vector.load %arg1[%get3A, %get3A_2, %get3A_3] : memref<2x1280x128xf32, #tpu.memory_space<vmem>>, vector<1x1280x128xf32>
    %get3A_5 = vector.shape_cast %get3A_4 : vector<1x1280x128xf32> to vector<1280x128xf32>
    %get3A_6 = arith.constant 1 : index
    %get3A_7 = arith.constant 0 : index
    %get3A_8 = arith.constant 0 : index
    %get3A_9 = vector.load %arg1[%get3A_6, %get3A_7, %get3A_8] : memref<2x1280x128xf32, #tpu.memory_space<vmem>>, vector<1x1280x128xf32>
    %get3A_10 = vector.shape_cast %get3A_9 : vector<1x1280x128xf32> to vector<1280x128xf32>
    %add3A = arith.addf %get3A_5, %get3A_10 : vector<1280x128xf32>
    %gt3A = arith.constant 0.000000e+00 : f32
    %gt3A_11 = vector.broadcast %gt3A : f32 to vector<1280x128xf32>
    %gt3A_12 = arith.cmpf ogt, %add3A, %gt3A_11 : vector<1280x128xf32>
    %exp3A = math.exp %add3A : vector<1280x128xf32>
    %sub3A = arith.constant 1.000000e+00 : f32
    %sub3A_13 = vector.broadcast %sub3A : f32 to vector<1280x128xf32>
    %sub3A_14 = arith.subf %exp3A, %sub3A_13 : vector<1280x128xf32>
    %select_n3A = arith.select %gt3A_12, %add3A, %sub3A_14 : vector<1280x128xi1>, vector<1280x128xf32>
    %get3A_15 = arith.constant 0 : index
    %get3A_16 = arith.constant 0 : index
    %get3A_17 = vector.load %arg10[%get3A_15, %get3A_16] : memref<128x128xf32, #tpu.memory_space<vmem>>, vector<128x128xf32>
    %get3A_18 = arith.constant 0 : index
    %get3A_19 = arith.constant 0 : index
    %get3A_20 = vector.load %arg2[%get3A_18, %get3A_19] : memref<1280x128xf32, #tpu.memory_space<vmem>>, vector<1280x128xf32>
    %dot_general3A = arith.constant dense<0.000000e+00> : vector<128x128xf32>
    %dot_general3A_21 = tpu.matmul %select_n3A, %get3A_20, %dot_general3A {dimension_numbers = #tpu.dot_dimension_numbers<[0], [0], [1], [1], [0, 1, 1, 1], [], []>, transpose_lhs_hint = false} : vector<1280x128xf32>, vector<1280x128xf32>, vector<128x128xf32> -> vector<128x128xf32>
    %add3A_22 = arith.addf %get3A_17, %dot_general3A_21 : vector<128x128xf32>
    %swap3A = arith.constant 0 : index
    %swap3A_23 = arith.constant 0 : index
    %swap3A_24 = vector.load %arg10[%swap3A, %swap3A_23] : memref<128x128xf32, #tpu.memory_space<vmem>>, vector<128x128xf32>
    tpu.vector_store %arg10[%swap3A, %swap3A_23], %add3A_22 {strides = array<i32>} : memref<128x128xf32, #tpu.memory_space<vmem>>, vector<128x128xf32>,
    %eq3A_25 = arith.constant 7 : i32
    %eq3A_26 = arith.cmpi eq, %arg0, %eq3A_25 : i32
    %convert_element_type3A_27 = arith.extui %eq3A_26 : i1 to i32
    %cond3A_28 = arith.constant 0 : i32
    %cond3A_29 = arith.cmpi ne, %convert_element_type3A_27, %cond3A_28 : i32
    scf.if %cond3A_29 {
      %get3A_30 = arith.constant 0 : index
      %get3A_31 = arith.constant 0 : index
      %get3A_32 = vector.load %arg10[%get3A_30, %get3A_31] : memref<128x128xf32, #tpu.memory_space<vmem>>, vector<128x128xf32>
      %get3A_33 = arith.constant 0 : index
      %get3A_34 = arith.constant 0 : index
      %get3A_35 = vector.load %arg3[%get3A_33, %get3A_34] : memref<1x128xf32, #tpu.memory_space<vmem>>, vector<1x128xf32>
      %add3A_36 = vector.broadcast %get3A_35 : vector<1x128xf32> to vector<128x128xf32>
      %add3A_37 = arith.addf %get3A_32, %add3A_36 : vector<128x128xf32>
      %gt3A_38 = arith.constant 0.000000e+00 : f32
      %gt3A_39 = vector.broadcast %gt3A_38 : f32 to vector<128x128xf32>
      %gt3A_40 = arith.cmpf ogt, %add3A_37, %gt3A_39 : vector<128x128xf32>
      %exp3A_41 = math.exp %add3A_37 : vector<128x128xf32>
      %sub3A_42 = arith.constant 1.000000e+00 : f32
      %sub3A_43 = vector.broadcast %sub3A_42 : f32 to vector<128x128xf32>
      %sub3A_44 = arith.subf %exp3A_41, %sub3A_43 : vector<128x128xf32>
      %select_n3A_45 = arith.select %gt3A_40, %add3A_37, %sub3A_44 : vector<128x128xi1>, vector<128x128xf32>
      %get3A_46 = arith.constant 0 : index
      %get3A_47 = arith.constant 0 : index
      %get3A_48 = vector.load %arg4[%get3A_46, %get3A_47] : memref<128x128xf32, #tpu.memory_space<vmem>>, vector<128x128xf32>
      %dot_general3A_49 = arith.constant dense<0.000000e+00> : vector<128x128xf32>
      %dot_general3A_50 = tpu.matmul %select_n3A_45, %get3A_48, %dot_general3A_49 {dimension_numbers = #tpu.dot_dimension_numbers<[1], [0], [0], [1], [0, 0, 1, 1], [], []>, transpose_lhs_hint = false} : vector<128x128xf32>, vector<128x128xf32>, vector<128x128xf32> -> vector<128x128xf32>
      %get3A_51 = arith.constant 0 : index
      %get3A_52 = arith.constant 0 : index
      %get3A_53 = vector.load %arg7[%get3A_51, %get3A_52] : memref<1x128xf32, #tpu.memory_space<vmem>>, vector<1x128xf32>
      %add3A_54 = vector.broadcast %get3A_53 : vector<1x128xf32> to vector<128x128xf32>
      %add3A_55 = arith.addf %dot_general3A_50, %add3A_54 : vector<128x128xf32>
      %swap3A_56 = arith.constant 0 : index
      %swap3A_57 = arith.constant 0 : index
      %swap3A_58 = vector.load %arg8[%swap3A_56, %swap3A_57] : memref<128x128xf32, #tpu.memory_space<vmem>>, vector<128x128xf32>
      tpu.vector_store %arg8[%swap3A_56, %swap3A_57], %add3A_55 {strides = array<i32>} : memref<128x128xf32, #tpu.memory_space<vmem>>, vector<128x128xf32>,
      %get3A_59 = arith.constant 0 : index
      %get3A_60 = arith.constant 0 : index
      %get3A_61 = vector.load %arg5[%get3A_59, %get3A_60] : memref<128x128xf32, #tpu.memory_space<vmem>>, vector<128x128xf32>
      %dot_general3A_62 = arith.constant dense<0.000000e+00> : vector<128x128xf32>
      %dot_general3A_63 = tpu.matmul %add3A_55, %get3A_61, %dot_general3A_62 {dimension_numbers = #tpu.dot_dimension_numbers<[1], [0], [0], [1], [0, 0, 1, 1], [], []>, transpose_lhs_hint = false} : vector<128x128xf32>, vector<128x128xf32>, vector<128x128xf32> -> vector<128x128xf32>
      %get3A_64 = arith.constant 0 : index
      %get3A_65 = arith.constant 0 : index
      %get3A_66 = vector.load %arg6[%get3A_64, %get3A_65] : memref<1x128xf32, #tpu.memory_space<vmem>>, vector<1x128xf32>
      %add3A_67 = vector.broadcast %get3A_66 : vector<1x128xf32> to vector<128x128xf32>
      %add3A_68 = arith.addf %dot_general3A_63, %add3A_67 : vector<128x128xf32>
      %gt3A_69 = arith.constant 0.000000e+00 : f32
      %gt3A_70 = vector.broadcast %gt3A_69 : f32 to vector<128x128xf32>
      %gt3A_71 = arith.cmpf ogt, %add3A_68, %gt3A_70 : vector<128x128xf32>
      %exp3A_72 = math.exp %add3A_68 : vector<128x128xf32>
      %sub3A_73 = arith.constant 1.000000e+00 : f32
      %sub3A_74 = vector.broadcast %sub3A_73 : f32 to vector<128x128xf32>
      %sub3A_75 = arith.subf %exp3A_72, %sub3A_74 : vector<128x128xf32>
      %select_n3A_76 = arith.select %gt3A_71, %add3A_68, %sub3A_75 : vector<128x128xi1>, vector<128x128xf32>
      %swap3A_77 = arith.constant 0 : index
      %swap3A_78 = arith.constant 0 : index
      %swap3A_79 = vector.load %arg9[%swap3A_77, %swap3A_78] : memref<128x128xf32, #tpu.memory_space<vmem>>, vector<128x128xf32>
      tpu.vector_store %arg9[%swap3A_77, %swap3A_78], %select_n3A_76 {strides = array<i32>} : memref<128x128xf32, #tpu.memory_space<vmem>>, vector<128x128xf32>,
    } else {
    }
    return
  }
  func.func @transform_0(%arg0: i32) -> (i32, i32, i32) {
    %c0_i32 = arith.constant 0 : i32
    %c0_i32_0 = arith.constant 0 : i32
    %c0_i32_1 = arith.constant 0 : i32
    return %c0_i32, %arg0, %c0_i32_0 : i32, i32, i32
  }
  func.func @transform_1(%arg0: i32) -> (i32, i32) {
    %c0_i32 = arith.constant 0 : i32
    %c0_i32_0 = arith.constant 0 : i32
    return %arg0, %c0_i32 : i32, i32
  }
  func.func @transform_2(%arg0: i32) -> (i32, i32) {
    %c0_i32 = arith.constant 0 : i32
    %c0_i32_0 = arith.constant 0 : i32
    %c0_i32_1 = arith.constant 0 : i32
    return %c0_i32, %c0_i32_0 : i32, i32
  }
  func.func @transform_3(%arg0: i32) -> (i32, i32) {
    %c0_i32 = arith.constant 0 : i32
    %c0_i32_0 = arith.constant 0 : i32
    %c0_i32_1 = arith.constant 0 : i32
    return %c0_i32, %c0_i32_0 : i32, i32
  }
  func.func @transform_4(%arg0: i32) -> (i32, i32) {
    %c0_i32 = arith.constant 0 : i32
    %c0_i32_0 = arith.constant 0 : i32
    %c0_i32_1 = arith.constant 0 : i32
    return %c0_i32, %c0_i32_0 : i32, i32
  }
  func.func @transform_5(%arg0: i32) -> (i32, i32) {
    %c0_i32 = arith.constant 0 : i32
    %c0_i32_0 = arith.constant 0 : i32
    %c0_i32_1 = arith.constant 0 : i32
    return %c0_i32, %c0_i32_0 : i32, i32
  }
  func.func @transform_6(%arg0: i32) -> (i32, i32) {
    %c0_i32 = arith.constant 0 : i32
    %c0_i32_0 = arith.constant 0 : i32
    %c0_i32_1 = arith.constant 0 : i32
    return %c0_i32, %c0_i32_0 : i32, i32
  }
  func.func @transform_7(%arg0: i32) -> (i32, i32) {
    %c0_i32 = arith.constant 0 : i32
    %c0_i32_0 = arith.constant 0 : i32
    %c0_i32_1 = arith.constant 0 : i32
    return %c0_i32, %c0_i32_0 : i32, i32
  }
  func.func @transform_8(%arg0: i32) -> (i32, i32) {
    %c0_i32 = arith.constant 0 : i32
    %c0_i32_0 = arith.constant 0 : i32
    %c0_i32_1 = arith.constant 0 : i32
    return %c0_i32, %c0_i32_0 : i32, i32
  }
}

module attributes {stable_mosaic.version = 14 : i64} {
  func.func @_tail2_body(%arg0: memref<128x128xf32, #tpu.memory_space<vmem>>, %arg1: memref<128x10000xf32, #tpu.memory_space<vmem>>, %arg2: memref<1x10000xf32, #tpu.memory_space<vmem>>, %arg3: memref<128x10000xf32, #tpu.memory_space<vmem>>) attributes {dimension_semantics = [], scalar_prefetch = 0 : i64, scratch_operands = 0 : i64, tpu.core_type = #tpu.core_type<tc>} {
    %get3A = arith.constant 0 : index
    %get3A_0 = arith.constant 0 : index
    %get3A_1 = vector.load %arg0[%get3A, %get3A_0] : memref<128x128xf32, #tpu.memory_space<vmem>>, vector<128x128xf32>
    %get3A_2 = arith.constant 0 : index
    %get3A_3 = arith.constant 0 : index
    %get3A_4 = vector.load %arg1[%get3A_2, %get3A_3] : memref<128x10000xf32, #tpu.memory_space<vmem>>, vector<128x10000xf32>
    %dot_general3A = arith.constant dense<0.000000e+00> : vector<128x10000xf32>
    %dot_general3A_5 = tpu.matmul %get3A_1, %get3A_4, %dot_general3A {dimension_numbers = #tpu.dot_dimension_numbers<[1], [0], [0], [1], [0, 0, 1, 1], [], []>, transpose_lhs_hint = false} : vector<128x128xf32>, vector<128x10000xf32>, vector<128x10000xf32> -> vector<128x10000xf32>
    %get3A_6 = arith.constant 0 : index
    %get3A_7 = arith.constant 0 : index
    %get3A_8 = vector.load %arg2[%get3A_6, %get3A_7] : memref<1x10000xf32, #tpu.memory_space<vmem>>, vector<1x10000xf32>
    %add3A = vector.broadcast %get3A_8 : vector<1x10000xf32> to vector<128x10000xf32>
    %add3A_9 = arith.addf %dot_general3A_5, %add3A : vector<128x10000xf32>
    %max3A = arith.constant 0.000000e+00 : f32
    %max3A_10 = vector.broadcast %max3A : f32 to vector<128x10000xf32>
    %max3A_11 = arith.maximumf %add3A_9, %max3A_10 : vector<128x10000xf32>
    %abs3A = math.absf %add3A_9 : vector<128x10000xf32>
    %neg3A = arith.constant 0.000000e+00 : f32
    %neg3A_12 = vector.broadcast %neg3A : f32 to vector<128x10000xf32>
    %neg3A_13 = arith.subf %neg3A_12, %abs3A : vector<128x10000xf32>
    %exp3A = math.exp %neg3A_13 : vector<128x10000xf32>
    %add3A_14 = arith.constant 1.000000e+00 : f32
    %add3A_15 = vector.broadcast %add3A_14 : f32 to vector<128x10000xf32>
    %add3A_16 = arith.addf %add3A_15, %exp3A : vector<128x10000xf32>
    %log3A = math.log %add3A_16 : vector<128x10000xf32>
    %add3A_17 = arith.addf %max3A_11, %log3A : vector<128x10000xf32>
    %swap3A = arith.constant 0 : index
    %swap3A_18 = arith.constant 0 : index
    %swap3A_19 = vector.load %arg3[%swap3A, %swap3A_18] : memref<128x10000xf32, #tpu.memory_space<vmem>>, vector<128x10000xf32>
    tpu.vector_store %arg3[%swap3A, %swap3A_18], %add3A_17 {strides = array<i32>} : memref<128x10000xf32, #tpu.memory_space<vmem>>, vector<128x10000xf32>,
    return
  }
}

</mosaic_0001>

<sc_bundles>
// kernel: kernel.11.cloned.1.call-start
scs
__scs_entry_jumppad:
0x0: {  	(pc) =	sbr.rel $0x88, $3  }
0x1: {  	(tag) =	ssettag $0x0;
	lr =	simm.s32 $0x1  }
0x2: {  	[smem:$0x3F8F] =	sst lr;
	_ =	strace $0xD0000000  }
0x3: {  	_ = 	snop  }
0x4: {  	_ = 	snop  }
0x5: {  	_ = 	snop  }
0x6: {  	_ = 	snop  }
0x7: {  	_ = 	snop  }
__scs_overlays_trampoline_lowered:
0x8: {  	[smem:$0x3F9E] =	sst s0  }
0x9: {  	[smem:$0x3F9F] =	sst s1  }
0xa: {  	[smem:$0x3FA0] =	sst s2  }
0xb: {  	[smem:$0x3FA1] =	sst s3  }
0xc: {  	[smem:$0x3FA2] =	sst s4  }
0xd: {  	[smem:$0x3FA3] =	sst s5  }
0xe: {  	[smem:$0x3FA4] =	sst s6  }
0xf: {  	[smem:$0x3FA5] =	sst s7  }
0x10: {  	[smem:$0x3FA6] =	sst s8  }
0x11: {  	[smem:$0x3FA7] =	sst s9;
	s0 =	simm.s32 @!p0 $0x0  }
0x12: {  	s1 =	sld [smem:$0x3F8D];
	s0 =	simm.s32 @p0 $0x1  }
0x13: {  	[smem:$0x3FA8] =	sst s0;
	s0 =	simm.s32 @!p1 $0x0  }
0x14: {  	s2 =	sld [smem:$0x3F8C];
	s0 =	simm.s32 @p1 $0x1  }
0x15: {  	[smem:$0x3FA9] =	sst s0;
	s0 =	simm.s32 @!p2 $0x0  }
0x16: {  	s3 =	sld [smem:$0x3FDB];
	s0 =	simm.s32 @p2 $0x1  }
0x17: {  	s4 =	simm.s32 $0x1BF5;
	[smem:$0x3FAB] =	sst s0  }
0x18: {  	s0 =	sld [smem:$0x3F8E];
	_ =	swait.ge [sflag:s4], $0x0  }
0x19: {  	s7 =	sld [smem:$0x3F8F]  }
0x1a: {  	s8 =	sadd.s32 $0xFFFFE003, lr  }
0x1b: {  	s9 =	sadd.s32 $0xFFFFFEF7, lr;
	s5 =	simm.s32 $0xFFFFFFFF;
	p2 =	slt.u32 s8, $0xFFFFF086  }
0x1c: {  	p1 =	slt.u32 s9, $0xF7A;
	s5 =	simm.s32 @!p2 $0x0  }
0x1d: {  	s5 =	simm.s32 @p1 $0x1;
	p0 =	seq.s32 s7, s2  }
0x1e: {  	s7 =	smul.u32 @!p0 $0xF7A, s2;
	p2 =	seq.s32 @!p0 s5, $0x0  }
0x1f: {  	s9 =	smul.u32 $0xF7A, s1;
	s8 =	simm.s32 @!p0 $0x1BF5;
	p2 =	por !p2, p0  }
0x20: {  	[sflag:s8] =	ssyncset.s32 @!p0 $0xFFFFF086;
	s6 =	sadd.s32 @!p0 s3, s7;
	s7 =	simm.s32 @!p0 $0x108  }
0x21: {  	s3 =	sadd.s32 s3, s9;
	s6 =	sadd.s32 @!p0 $0x88, s6;
	s7 =	simm.s32 @p2 $0x1082  }
0x22: {  	[simem:s7], [sflag:s8] =	dma.local @!p0 [hbm:s6], $0xF7A  }
0x23: {  	s9 =	sor.u32 $0xD0000000, s2;
	s6 =	simm.s32 $0x108;
	_ =	swait.ge @!p0 [sflag:s8], $0x0  }
0x24: {  	s3 =	sadd.s32 $0x88, s3;
	s6 =	simm.s32 @!p1 $0x1082;
	[sflag:s4] =	ssyncset.s32 $0xFFFFF086  }
0x25: {  	[simem:s6], [sflag:s4] =	dma.local [hbm:s3], $0xF7A  }
0x26: {  	[smem:$0x3F8F] =	sst s1;
	(tag) =	ssettag s2;
	_ =	strace s9  }
0x27: {  	s1 =	sld [smem:$0x3F9F]  }
0x28: {  	s2 =	sld [smem:$0x3FA0]  }
0x29: {  	s4 =	sld [smem:$0x3FA2]  }
0x2a: {  	p0 =	seq.s32 s5, $0x0;
	s5 =	sld [smem:$0x3FA3]  }
0x2b: {  	s6 =	sld [smem:$0x3FA4]  }
0x2c: {  	s7 =	sld [smem:$0x3FA5]  }
0x2d: {  	s3 =	simm.s32 $0x108;
	s8 =	sld [smem:$0x3FA6]  }
0x2e: {  	s3 =	simm.s32 @!p0 $0x1082;
	s9 =	sld [smem:$0x3FA7]  }
0x2f: {  	lr =	sadd.s32 s0, s3;
	s0 =	sld [smem:$0x3F9E]  }
0x30: {  	s3 =	sld [smem:$0x3FA1]  }
0x31: {  	[smem:$0x3FAA] =	sst s10  }
0x32: {  	s10 =	sld [smem:$0x3FA8];
	_ =	sdelay $0x3  }
0x33: {  	p0 =	seq.s32 s10, $0x1;
	s10 =	sld [smem:$0x3FAA];
	_ =	sdelay $0x3  }
0x34: {  	[smem:$0x3FAA] =	sst s10  }
0x35: {  	s10 =	sld [smem:$0x3FA9];
	_ =	sdelay $0x3  }
0x36: {  	p1 =	seq.s32 s10, $0x1;
	s10 =	sld [smem:$0x3FAA];
	_ =	sdelay $0x3  }
0x37: {  	[smem:$0x3FAA] =	sst s10  }
0x38: {  	s10 =	sld [smem:$0x3FAB]  }
0x39: {  	_ = 	snop;
	(pc) =	sbr.ind lr, $3  }
0x3a: {  	_ = 	snop  }
0x3b: {  	_ = 	snop  }
0x3c: {  	p2 =	seq.s32 s10, $0x1;
	s10 =	sld [smem:$0x3FAA]  }
0x3d: {  	_ =	shalt  }
0x3e: {  	_ =	shalt  }
0x3f: {  	_ =	shalt  }
0x40: {  	_ =	shalt  }
0x41: {  	_ =	shalt  }
0x42: {  	_ =	shalt  }
0x43: {  	_ =	shalt  }
0x44: {  	_ =	shalt  }
0x45: {  	_ =	shalt  }
0x46: {  	_ =	shalt  }
0x47: {  	_ =	shalt  }
0x48: {  	_ =	shalt  }
0x49: {  	_ =	shalt  }
0x4a: {  	_ =	shalt  }
0x4b: {  	_ =	shalt  }
0x4c: {  	_ =	shalt  }
0x4d: {  	_ =	shalt  }
0x4e: {  	_ =	shalt  }
0x4f: {  	_ =	shalt  }
0x50: {  	_ =	shalt  }
0x51: {  	_ =	shalt  }
0x52: {  	_ =	shalt  }
0x53: {  	_ =	shalt  }
0x54: {  	_ =	shalt  }
0x55: {  	_ =	shalt  }
0x56: {  	_ =	shalt  }
0x57: {  	_ =	shalt  }
0x58: {  	_ =	shalt  }
0x59: {  	_ =	shalt  }
0x5a: {  	_ =	shalt  }
0x5b: {  	_ =	shalt  }
0x5c: {  	_ =	shalt  }
0x5d: {  	_ =	shalt  }
0x5e: {  	_ =	shalt  }
0x5f: {  	_ =	shalt  }
0x60: {  	_ =	shalt  }
0x61: {  	_ =	shalt  }
0x62: {  	_ =	shalt  }
0x63: {  	_ =	shalt  }
0x64: {  	_ =	shalt  }
0x65: {  	_ =	shalt  }
0x66: {  	_ =	shalt  }
0x67: {  	_ =	shalt  }
0x68: {  	_ =	shalt  }
0x69: {  	_ =	shalt  }
0x6a: {  	_ =	shalt  }
0x6b: {  	_ =	shalt  }
0x6c: {  	_ =	shalt  }
0x6d: {  	_ =	shalt  }
0x6e: {  	_ =	shalt  }
0x6f: {  	_ =	shalt  }
0x70: {  	_ =	shalt  }
0x71: {  	_ =	shalt  }
0x72: {  	_ =	shalt  }
0x73: {  	_ =	shalt  }
0x74: {  	_ =	shalt  }
0x75: {  	_ =	shalt  }
0x76: {  	_ =	shalt  }
0x77: {  	_ =	shalt  }
0x78: {  	_ =	shalt  }
0x79: {  	_ =	shalt  }
0x7a: {  	_ =	shalt  }
0x7b: {  	_ =	shalt  }
0x7c: {  	_ =	shalt  }
0x7d: {  	_ =	shalt  }
0x7e: {  	_ =	shalt  }
0x7f: {  	_ =	shalt  }
0x80: {  	_ =	shalt  }
0x81: {  	_ =	shalt  }
0x82: {  	_ =	shalt  }
0x83: {  	_ =	shalt  }
0x84: {  	_ =	shalt  }
0x85: {  	_ =	shalt  }
0x86: {  	_ =	shalt  }
0x87: {  	_ =	shalt  }
.Lfunc_end0:
.L_simem_size_0:
called_computation_lowered:
.L_overlay_start_0:
0x88: {  	s2 =	sld [smem:$0x3FD9]  }
0x89: {  	s3 =	sld [smem:$0x3FFE];
	_ =	sdelay $0x1  }
0x8a: {  	s1 =	srdreg.scid  }
0x8b: {  	s0 =	sand.u32 $0x1, s1  }
0x8c: {  	s14 =	sshll.u32 s0, $0xA;
	s2 =	sadd.s32 s3, s2  }
0x8d: {  	s2 =	sadd.s32 s2, s14  }
0x8e: {  	[smem:$0x3FB6] =	sst s2  }
0x8f: {  	_ = 	snop  }
0x90: {  	s2 =	sld [smem:$0x3FD0];
	_ =	sdelay $0x2  }
0x91: {  	s15 =	simm.s32 $0xA;
	s4 =	simm.s32 $0x10  }
0x92: {  	[smem:s4], [sflag:s15] =	dma.local [hbm:s2], $0x1  }
0x93: {  	_ =	swait.eq [sflag:s15], $0x1  }
0x94: {  	[sflag:s15] =	ssyncset.done $0x0  }
0x95: {  	[sflag:s15] =	ssyncadd.s32 $0xFFFFFFFF  }
0x96: {  	s16 =	sld [smem:$0x11];
	(tm) =	ssettm $0x1  }
0x97: {  	s17 =	sld [smem:$0x3FFB];
	_ =	sdelay $0x3  }
0x98: {  	_ =	strace s17  }
0x99: {  	s3 =	sld [smem:$0x3FFC];
	_ =	sdelay $0x3  }
0x9a: {  	_ =	strace s3  }
0x9b: {  	s3 =	sld [smem:$0x3FFD];
	_ =	sdelay $0x3  }
0x9c: {  	_ =	strace s3  }
0x9d: {  	_ =	strace $0x8FFFFFFF  }
0x9e: {  	s18 =	sld [smem:$0x3FDB];
	_ =	sdelay $0x1  }
0x9f: {  	s19 =	simm.s32 $_scs_section_size  }
0xa0: {  	s5 =	simm.s32 $_size__tile_overlayer_lowered;
	s6 =	simm.s32 $_tile_overlayer_lowered  }
0xa1: {  	s22 =	simm.s32 $0x1BFF;
	s21 =	sshll.u32 s6, $0x1;
	s3 =	sadd.s32 s19, s18  }
0xa2: {  	s7 =	simm.s32 $0x0;
	s20 =	sshll.u32 s5, $0x1;
	s5 =	sadd.s32 s21, s3  }
0xa3: {  	[timem:s7], [sflag:s22] =	dma.local [hbm:s5], s20  }
0xa4: {  	_ =	swait.ge [sflag:s22], s20  }
0xa5: {  	s4 =	ssub.s32 $0x0, s20;
	[sflag:s22] =	ssyncset.done $0x0  }
0xa6: {  	[sflag:s22] =	ssyncadd.s32 s4;
	_ =	sdelay $0x1  }
0xa7: {  	s23 =	simm.s32 $0x1B8B  }
0xa8: {  	_ =	swait.ge [sflag:s23], $0x1  }
0xa9: {  	[sflag:s23] =	ssyncset.done $0x0  }
0xaa: {  	s25 =	simm.s32 $0x1B8E;
	s24 =	sld [smem:$0x3FFE];
	[sflag:s23] =	ssyncadd.s32 $0xFFFFFFFF  }
0xab: {  	s26 =	simm.s32 $execute0_lowered;
	[smem:$0x3FD2] =	sst s25  }
0xac: {  	s5 =	sshll.u32 s26, $0x1;
	_ =	strace $0x80000046;
	[dreg:$0x1] =	wrdreg $0xFFFFFFFF  }
0xad: {  	s28 =	simm.s32 $_size_execute0_lowered;
	s3 =	sadd.s32 s3, s5;
	[dreg:$0x0] =	wrdreg $0x0  }
0xae: {  	s5 =	sshll.u32 s28, $0x1;
	[dreg:$0x2] =	wrdreg s3  }
0xaf: {  	[dreg:$0x3] =	wrdreg s5  }
0xb0: {  	[dreg:$0x4] =	wrdreg $0xC0  }
0xb1: {  	_ =	task [dreg:s7], $0x5FFFF  }
0xb2: {  	[dreg:$0x1] =	wrdreg $0xFFFFFFFF  }
0xb3: {  	[dreg:$0x0] =	wrdreg $0x60  }
0xb4: {  	[dreg:$0x2] =	wrdreg s24  }
0xb5: {  	[dreg:$0x3] =	wrdreg s16  }
0xb6: {  	[dreg:$0x4] =	wrdreg $0x9  }
0xb7: {  	_ =	task.clear_ibuf [dreg:s7], $0x5FFFF;
	_ =	strace $0x90000046  }
0xb8: {  	s29 =	simm.s32 $0x9;
	_ =	strace $0x80000048  }
0xb9: {  	_ =	swait.ge [sflag:s29], $0x1  }
0xba: {  	[sflag:s29] =	ssyncadd.s32 $0xFFFFFFFF  }
0xbb: {  	_ =	strace $0x90000048  }
0xbc: {  	_ =	sfence  }
0xbd: {  	s30 =	sld [smem:$0x0];
	_ =	sdelay $0x2  }
0xbe: {  	s31 =	sshll.u32 s1, $0xD;
	s1 =	sshrl.u32 s1, $0x2  }
0xbf: {  	s3 =	sand.u32 $0x4000, s31;
	s1 =	sadd.s32 s1, s30  }
0xc0: {  	s0 =	sor.u32 s3, s0;
	s1 =	sshll.u32 s1, $0x11  }
0xc1: {  	s0 =	sor.u32 s1, s0  }
0xc2: {  	s0 =	sadd.s32 $0x8F2B, s0  }
0xc3: {  	[sflag:s0] =	ssyncadd.remote.s32 $0x1  }
0xc4: {  	_ =	sfence.sel $0xFFFF  }
0xc5: {  	[dreg:$0x0] =	wrdreg $0xFFFFFFFF;
	(pc) =	sbr.abs _section_cstart, $3  }
0xc6: {  	[dreg:$0x1] =	wrdreg $0xFFFFFFFF  }
0xc7: {  	_ =	task.clear_ibuf [dreg:s7], $0x2FFFF;
	_ =	strace $0x9FFFFFFF  }
0xc8: {  	(tm) =	ssettm $0x7FFFFFFF  }
0xc9: {  	_ =	shalt  }
tec
execute0_lowered:
.L_overlay_start_1:
0x0: {  	(tag) =	ssettag $0x1  }
0x1: {  	s0 =	rddreg [dreg:$0x0]  }
0x2: {  	s7 =	rddreg [dreg:$0x1];
	s1 =	stileid.u32  }
0x3: {  	s3 =	srdreg.scid;
	s25 =	smul.u32 $0x28000, s1  }
0x4: {  	s2 =	simm.s32 $0x0;
	s10 =	sand.u32 $0x1, s3;
	s28 =	smul.u32 $0x140000, s1  }
0x5: {  	s15 =	simm.s32 $0x0;
	s21 =	sshll.u32 s1, $0x1;
	s13 =	smul.u32 $0xA0000, s10  }
0x6: {  	[smem:$0x7FF] =	sst s2;
	s4 =	sor.u32 s10, s21;
	s30 =	smul.u32 $0x14000, s10  }
0x7: {  	s3 =	sadd.s32 $0x9000, s0;
	s5 =	sadd.s32 $0x2A2000, s0;
	s8 =	smul.u32 $0x280, s4  }
0x8: {  	_ =	strace $0x80000047;
	s6 =	ssub.s32 $0x2, s10;
	s9 =	smul.u32 $0x28, s4  }
0x9: {  	s4 =	sadd.s32 $0x31000, s0;
	s12 =	sshrl.u32 s6, $0x1;
	s31 =	sadd.s32 s25, s5  }
0xa: {  	s22 =	ssub.s32 s6, s12;
	s12 =	sadd.s32 s25, s4;
	s13 =	sadd.s32 s13, s28  }
0xb: {  	s10 =	sadd.s32 s30, s31;
	s11 =	sadd.s32 s8, s0;
	s23 =	ssub.s32 $0x4E2, s9  }
0xc: {  	s24 =	sadd.s32 s7, s8;
	s9 =	smax.u32 s22, $0x1;
	s6 =	smin.u32 s23, $0x28  }
0xd: {  	[dreg:$0x5] =	wrdreg s24;
	s8 =	sadd.s32 $0x4000, s11;
	s26 =	sadd.s32 $0x3, s6  }
0xe: {  	s11 =	sadd.s32 s30, s12;
	s29 =	sadd.s32 $0x2, s6;
	[dreg:$0x3] =	wrdreg s26  }
0xf: {  	s12 =	sadd.s32 $0xFFFF8000, s13;
	s13 =	simm.s32 $0x7;
	[dreg:$0x4] =	wrdreg s29  }
.LBB2_1:
0x10: {  	s0 =	simm.s32 $0x0;
	s1 =	rddreg [dreg:$0x5]  }
0x11: {  	[tilespmem:s0], [sflag:$0x7] =	stream.linear.gather [hbm4b:s1+s0], $0x1400, $0x38;
	[tilespmem:$0x1A800] =	vst v63  }
0x12: {  	_ =	swait.ge [sflag:s13], $0x1400  }
0x13: {  	[sflag:s13] =	ssyncset.done $0x0  }
0x14: {  	s26 =	simm.s32 $0x1400;
	[sflag:s13] =	ssyncadd.s32 $0xFFFFEC00  }
0x15: {  	[tilespmem:s26], [sflag:$0x7] =	stream.linear.gather [hbm4b:s8+s0], $0x1400, $0x38;
	[tilespmem:$0x1A800] =	vst v63  }
0x16: {  	_ =	swait.ge [sflag:s13], $0x1400  }
0x17: {  	p1 =	por $0x1, $0x1;
	s0 =	rddreg [dreg:$0x3]  }
0x18: {  	p0 =	sle.u32 @!p1 s0, $0x0  }
0x19: {  	[sflag:s13] =	ssyncset.done $0x0;
	p2 =	por p0, p1  }
0x1a: {  	[sflag:s13] =	ssyncadd.s32 $0xFFFFEC00;
	s0 =	simm.s32 @!p2 $0x4  }
0x1b: {  	_ =	swait.ge @!p2 [sflag:s0], $0x4000  }
0x1c: {  	[sflag:s0] =	ssyncset.done @!p2 $0x0  }
0x1d: {  	p3 =	sle.u32 s6, $0x0;
	[sflag:s0] =	ssyncadd.s32 @!p2 $0xFFFFC000  }
0x1e: {  	s16 =	simm.s32 @!p3 $0x80;
	s21 =	simm.s32 @!p3 $0x2800;
	_ =	swait.ge @!p2 [sflag:s0], $0x4000  }
0x1f: {  	p0 =	por p3, p3;
	[sflag:s0] =	ssyncset.done @!p2 $0x0;
	s17 =	rddreg [dreg:$0x4]  }
0x20: {  	[sflag:s0] =	ssyncadd.s32 @!p2 $0xFFFFC000;
	s0 =	simm.s32 @!p0 $0x0;
	p2 =	sle.u32 @!p1 s17, $0x0  }
0x21: {  	[tilespmem:s21], [sflag:$0x1] =	stream.indirect.gather @!p0 [hbm4b:s3+s16], $0x80, s0, s16, $0xb8;
	[tilespmem:$0x1A800] =	vst v63  }
0x22: {  	p3 =	por p2, p1  }
0x23: {  	s22 =	simm.s32 @!p0 $0xE800;
	s0 =	simm.s32 @!p0 $0x1400;
	s17 =	simm.s32 @!p3 $0x2  }
0x24: {  	[tilespmem:s22], [sflag:$0x1] =	stream.indirect.gather @!p0 [hbm4b:s3+s16], $0x80, s0, s16, $0xb8;
	[tilespmem:$0x1A800] =	vst v63  }
0x25: {  	_ =	swait.ge @!p3 [sflag:s17], $0x4000  }
0x26: {  	[sflag:s17] =	ssyncset.done @!p3 $0x0  }
0x27: {  	[sflag:s17] =	ssyncadd.s32 @!p3 $0xFFFFC000  }
0x28: {  	p4 =	sle.u32 s6, $0x1;
	_ =	swait.ge @!p3 [sflag:s17], $0x4000  }
0x29: {  	s18 =	simm.s32 @!p3 $0x0;
	s0 =	sshrl.u32 @!p3 s12, $0x3;
	[sflag:s17] =	ssyncset.done @!p3 $0x0  }
0x2a: {  	s19 =	simm.s32 @!p3 $0x6800;
	s16 =	sadd.s32 @!p3 s4, s0;
	[sflag:s17] =	ssyncadd.s32 @!p3 $0xFFFFC000  }
0x2b: {  	[hbm4b:s16+s18] =	stream.linear.scatter @!p3 [tilespmem:s19], [sflag:$0x5], $0x4000, $0x38;
	[tilespmem:$0x1A800] =	vst v63  }
0x2c: {  	s0 =	sadd.s32 @!p3 s5, s0;
	s17 =	simm.s32 @!p3 $0x5;
	s16 =	simm.s32 @!p3 $0x12800  }
0x2d: {  	[hbm4b:s0+s18] =	stream.linear.scatter @!p3 [tilespmem:s16], [sflag:$0x5], $0x4000, $0x38;
	[tilespmem:$0x1A800] =	vst v63  }
0x2e: {  	s25 =	simm.s32 $0x6;
	s28 =	simm.s32 $0x0;
	_ =	swait.ge @!p3 [sflag:s17], $0x4000  }
0x2f: {  	s20 =	simm.s32 @!p4 $0x80;
	p2 =	slt.u32 @!p1 s6, $0x0;
	[sflag:s17] =	ssyncset.done @!p3 $0x0  }
0x30: {  	s23 =	simm.s32 @!p4 $0x6800;
	p2 =	por p2, p1;
	[sflag:s17] =	ssyncadd.s32 @!p3 $0xFFFFC000  }
0x31: {  	s26 =	simm.s32 $0x0;
	s24 =	sadd.s32 @!p2 $0x4000, s12;
	_ =	swait.ge @!p3 [sflag:s17], $0x4000  }
0x32: {  	s31 =	simm.s32 @!p2 $0x16800;
	s19 =	simm.s32 $0x3;
	[sflag:s17] =	ssyncset.done @!p3 $0x0  }
0x33: {  	s16 =	simm.s32 $0x600;
	s0 =	simm.s32 @!p4 $0x80;
	[sflag:s17] =	ssyncadd.s32 @!p3 $0xFFFFC000  }
0x34: {  	[tilespmem:s23], [sflag:$0x2] =	stream.indirect.gather @!p4 [hbm4b:s3+s20], $0x80, s0, s20, $0xb8;
	[tilespmem:$0x1A800] =	vst v63  }
0x35: {  	s18 =	simm.s32 @!p4 $0x12800;
	s17 =	simm.s32 @!p4 $0x1480;
	s0 =	simm.s32 @!p2 $0x3  }
0x36: {  	[tilespmem:s18], [sflag:$0x2] =	stream.indirect.gather @!p4 [hbm4b:s3+s20], $0x80, s17, s20, $0xb8;
	[tilespmem:$0x1A800] =	vst v63  }
0x37: {  	s23 =	sshrl.u32 @!p2 s24, $0x3;
	s24 =	simm.s32 $0xC00;
	_ =	swait.ge @!p2 [sflag:s0], $0x4000  }
0x38: {  	s30 =	sadd.s32 @!p2 s4, s23;
	s29 =	sadd.s32 @!p2 s5, s23;
	[sflag:s0] =	ssyncset.done @!p2 $0x0  }
0x39: {  	s23 =	smov.u32 s10;
	s20 =	sadd.s32 $0xC000, s12;
	[sflag:s0] =	ssyncadd.s32 @!p2 $0xFFFFC000  }
0x3a: {  	s18 =	smov.u32 s11;
	s17 =	smov.u32 s10;
	_ =	swait.ge @!p2 [sflag:s0], $0x4000  }
.LBB2_2:
0x3b: {  	[sflag:s0] =	ssyncset.done @!p2 $0x0  }
0x3c: {  	s14 =	simm.s32 @!p2 $0xA800;
	[sflag:s0] =	ssyncadd.s32 @!p2 $0xFFFFC000;
	s0 =	simm.s32 @!p2 $0x0  }
0x3d: {  	[hbm4b:s30+s0] =	stream.linear.scatter @!p2 [tilespmem:s14], [sflag:$0x6], $0x4000, $0x38;
	[tilespmem:$0x1A800] =	vst v63  }
0x3e: {  	s14 =	simm.s32 @!p2 $0x6  }
0x3f: {  	[hbm4b:s29+s0] =	stream.linear.scatter @!p2 [tilespmem:s31], [sflag:$0x6], $0x4000, $0x38;
	[tilespmem:$0x1A800] =	vst v63  }
0x40: {  	_ =	swait.ge @!p2 [sflag:s14], $0x4000  }
0x41: {  	s26 =	sadd.s32 $0x2, s26;
	[sflag:s14] =	ssyncset.done @!p2 $0x0  }
0x42: {  	s1 =	smov.u32 s24;
	p3 =	sge.u32 s26, s6;
	[sflag:s14] =	ssyncadd.s32 @!p2 $0xFFFFC000  }
0x43: {  	s2 =	simm.s32 @!p3 $0x80;
	s0 =	sshra.s32 @!p3 s28, $0x2;
	_ =	swait.ge @!p2 [sflag:s14], $0x4000  }
0x44: {  	s29 =	simm.s32 @!p3 $0x16800;
	s31 =	simm.s32 @!p3 $0xA800;
	[sflag:s14] =	ssyncset.done @!p2 $0x0  }
0x45: {  	s28 =	smov.u32 s16;
	s30 =	sadd.s32 @!p3 $0x100, s0;
	[sflag:s14] =	ssyncadd.s32 @!p2 $0xFFFFC000  }
0x46: {  	[tilespmem:s31], [sflag:$0x3] =	stream.indirect.gather @!p3 [hbm4b:s3+s2], $0x80, s30, s2, $0xb8;
	[tilespmem:$0x1A800] =	vst v63  }
0x47: {  	s16 =	smov.u32 s1;
	s1 =	simm.s32 @!p0 $0x1;
	s0 =	sadd.s32 @!p3 $0x1500, s0  }
0x48: {  	[tilespmem:s29], [sflag:$0x3] =	stream.indirect.gather @!p3 [hbm4b:s3+s2], $0x80, s0, s2, $0xb8;
	[tilespmem:$0x1A800] =	vst v63  }
0x49: {  	_ =	swait.ge @!p0 [sflag:s1], $0x4000  }
0x4a: {  	[sflag:s1] =	ssyncset.done @!p0 $0x0  }
0x4b: {  	[sflag:s1] =	ssyncadd.s32 @!p0 $0xFFFFC000  }
0x4c: {  	s26 =	smov.u32 s19;
	_ =	swait.ge @!p0 [sflag:s1], $0x4000  }
0x4d: {  	p2 =	seq.s32 s28, $0x0;
	s2 =	rddreg [dreg:$0x3];
	[sflag:s1] =	ssyncset.done @!p0 $0x0  }
0x4e: {  	s0 =	simm.s32 @!p0 $0x0;
	[sflag:s1] =	ssyncadd.s32 @!p0 $0xFFFFC000;
	p3 =	sge.u32 @!p2 s26, s2  }
0x4f: {  	[hbm4b:s18+s0] =	stream.linear.scatter @!p0 [tilespmem:s21], [sflag:$0x4], $0x4000, $0x38;
	[tilespmem:$0x1A800] =	vst v63  }
0x50: {  	p3 =	por p3, p2  }
0x51: {  	s1 =	simm.s32 @!p3 $0x4  }
0x52: {  	[hbm4b:s23+s0] =	stream.linear.scatter @!p0 [tilespmem:s22], [sflag:$0x4], $0x4000, $0x38;
	[tilespmem:$0x1A800] =	vst v63  }
0x53: {  	_ =	swait.ge @!p3 [sflag:s1], $0x4000  }
0x54: {  	[sflag:s1] =	ssyncset.done @!p3 $0x0  }
0x55: {  	p4 =	sge.u32 s26, s6;
	[sflag:s1] =	ssyncadd.s32 @!p3 $0xFFFFC000  }
0x56: {  	s21 =	simm.s32 @!p4 $0x2800;
	s0 =	simm.s32 @!p4 $0x80;
	_ =	swait.ge @!p3 [sflag:s1], $0x4000  }
0x57: {  	p0 =	por p4, p4;
	[sflag:s1] =	ssyncset.done @!p3 $0x0;
	s2 =	rddreg [dreg:$0x4]  }
0x58: {  	[sflag:s1] =	ssyncadd.s32 @!p3 $0xFFFFC000;
	s1 =	sshra.s32 @!p0 s28, $0x2;
	p3 =	sge.u32 @!p2 s26, s2  }
0x59: {  	[tilespmem:s21], [sflag:$0x1] =	stream.indirect.gather @!p0 [hbm4b:s3+s0], $0x80, s1, s0, $0xb8;
	[tilespmem:$0x1A800] =	vst v63  }
0x5a: {  	p3 =	por p3, p2  }
0x5b: {  	s22 =	simm.s32 @!p0 $0xE800;
	s1 =	sadd.s32 @!p0 $0x1400, s1;
	s2 =	simm.s32 @!p3 $0x2  }
0x5c: {  	[tilespmem:s22], [sflag:$0x1] =	stream.indirect.gather @!p0 [hbm4b:s3+s0], $0x80, s1, s0, $0xb8;
	[tilespmem:$0x1A800] =	vst v63  }
0x5d: {  	_ =	swait.ge @!p3 [sflag:s2], $0x4000  }
0x5e: {  	[sflag:s2] =	ssyncset.done @!p3 $0x0  }
0x5f: {  	[sflag:s2] =	ssyncadd.s32 @!p3 $0xFFFFC000  }
0x60: {  	_ =	swait.ge @!p3 [sflag:s2], $0x4000  }
0x61: {  	s14 =	sshrl.u32 @!p3 s20, $0x3;
	s29 =	simm.s32 @!p3 $0x0;
	[sflag:s2] =	ssyncset.done @!p3 $0x0  }
0x62: {  	s30 =	simm.s32 @!p3 $0x6800;
	s0 =	sadd.s32 @!p3 s4, s14;
	[sflag:s2] =	ssyncadd.s32 @!p3 $0xFFFFC000  }
0x63: {  	[hbm4b:s0+s29] =	stream.linear.scatter @!p3 [tilespmem:s30], [sflag:$0x5], $0x4000, $0x38;
	[tilespmem:$0x1A800] =	vst v63  }
0x64: {  	s14 =	sadd.s32 @!p3 s5, s14;
	s2 =	simm.s32 @!p3 $0x12800;
	s0 =	simm.s32 @!p3 $0x5  }
0x65: {  	[hbm4b:s14+s29] =	stream.linear.scatter @!p3 [tilespmem:s2], [sflag:$0x5], $0x4000, $0x38;
	[tilespmem:$0x1A800] =	vst v63  }
0x66: {  	s24 =	sadd.s32 $0x600, s24;
	_ =	swait.ge @!p3 [sflag:s0], $0x4000  }
0x67: {  	s17 =	sadd.s32 $0x1800, s17;
	p1 =	sne.s32 s24, $0x6000;
	[sflag:s0] =	ssyncset.done @!p3 $0x0  }
0x68: {  	s19 =	smov.u32 s25;
	s7 =	sadd.s32 $0x1, s26;
	[sflag:s0] =	ssyncadd.s32 @!p3 $0xFFFFC000  }
0x69: {  	p5 =	sgt.u32 @!p2 s26, s6;
	p4 =	sge.u32 s7, s6;
	_ =	swait.ge @!p3 [sflag:s0], $0x4000  }
0x6a: {  	s7 =	simm.s32 @!p4 $0x6800;
	s2 =	sshra.s32 @!p4 s28, $0x2;
	[sflag:s0] =	ssyncset.done @!p3 $0x0  }
0x6b: {  	s14 =	simm.s32 @!p4 $0x80;
	s31 =	sadd.s32 @!p4 $0x80, s2;
	[sflag:s0] =	ssyncadd.s32 @!p3 $0xFFFFC000  }
0x6c: {  	[tilespmem:s7], [sflag:$0x2] =	stream.indirect.gather @!p4 [hbm4b:s3+s14], $0x80, s31, s14, $0xb8;
	[tilespmem:$0x1A800] =	vst v63  }
0x6d: {  	p2 =	por p5, p2;
	s1 =	simm.s32 @!p4 $0x12800;
	s2 =	sadd.s32 @!p4 $0x1480, s2  }
0x6e: {  	[tilespmem:s1], [sflag:$0x2] =	stream.indirect.gather @!p4 [hbm4b:s3+s14], $0x80, s2, s14, $0xb8;
	[tilespmem:$0x1A800] =	vst v63  }
.Ltmp0:
0x6f: {  	s25 =	sadd.s32 $0x3, s25;
	s0 =	simm.s32 @!p2 $0x3;
	(pc) =	sbr.rel @p1 .LBB2_2-.Ltmp0, $4  }
0x70: {  	s18 =	sadd.s32 $0x1800, s18;
	s29 =	sadd.s32 @!p2 $0x4000, s20;
	_ =	swait.ge @!p2 [sflag:s0], $0x4000  }
0x71: {  	s23 =	smov.u32 s17;
	s29 =	sshrl.u32 @!p2 s29, $0x3;
	[sflag:s0] =	ssyncset.done @!p2 $0x0  }
0x72: {  	s20 =	sadd.s32 $0xC000, s20;
	s30 =	sadd.s32 @!p2 s4, s29;
	[sflag:s0] =	ssyncadd.s32 @!p2 $0xFFFFC000  }
0x73: {  	s29 =	sadd.s32 @!p2 s5, s29;
	s31 =	simm.s32 @!p2 $0x16800;
	_ =	swait.ge @!p2 [sflag:s0], $0x4000  }
0x74: {  	[sflag:s0] =	ssyncset.done @!p2 $0x0  }
0x75: {  	s1 =	simm.s32 @!p2 $0xA800;
	[sflag:s0] =	ssyncadd.s32 @!p2 $0xFFFFC000;
	s0 =	simm.s32 @!p2 $0x0  }
0x76: {  	[hbm4b:s30+s0] =	stream.linear.scatter @!p2 [tilespmem:s1], [sflag:$0x6], $0x4000, $0x38;
	[tilespmem:$0x1A800] =	vst v63  }
0x77: {  	s1 =	simm.s32 @!p2 $0x6  }
0x78: {  	[hbm4b:s29+s0] =	stream.linear.scatter @!p2 [tilespmem:s31], [sflag:$0x6], $0x4000, $0x38;
	[tilespmem:$0x1A800] =	vst v63  }
0x79: {  	_ =	swait.ge @!p2 [sflag:s1], $0x4000  }
0x7a: {  	[sflag:s1] =	ssyncset.done @!p2 $0x0  }
0x7b: {  	s29 =	sadd.s32 $0x2, s26;
	[sflag:s1] =	ssyncadd.s32 @!p2 $0xFFFFC000  }
0x7c: {  	p1 =	sge.u32 s29, s6;
	_ =	swait.ge @!p2 [sflag:s1], $0x4000  }
0x7d: {  	s0 =	sshra.s32 @!p1 s28, $0x2;
	s7 =	simm.s32 @!p1 $0xA800;
	[sflag:s1] =	ssyncset.done @!p2 $0x0  }
0x7e: {  	s14 =	simm.s32 @!p1 $0x80;
	s2 =	sadd.s32 @!p1 $0x100, s0;
	[sflag:s1] =	ssyncadd.s32 @!p2 $0xFFFFC000  }
0x7f: {  	[tilespmem:s7], [sflag:$0x3] =	stream.indirect.gather @!p1 [hbm4b:s3+s14], $0x80, s2, s14, $0xb8;
	[tilespmem:$0x1A800] =	vst v63  }
0x80: {  	s0 =	sadd.s32 @!p1 $0x1500, s0;
	s1 =	simm.s32 @!p1 $0x16800;
	s2 =	simm.s32 @!p0 $0x1  }
0x81: {  	[tilespmem:s1], [sflag:$0x3] =	stream.indirect.gather @!p1 [hbm4b:s3+s14], $0x80, s0, s14, $0xb8;
	[tilespmem:$0x1A800] =	vst v63  }
0x82: {  	_ =	swait.ge @!p0 [sflag:s2], $0x4000  }
0x83: {  	[sflag:s2] =	ssyncset.done @!p0 $0x0  }
0x84: {  	[sflag:s2] =	ssyncadd.s32 @!p0 $0xFFFFC000  }
0x85: {  	_ =	swait.ge @!p0 [sflag:s2], $0x4000  }
0x86: {  	p1 =	seq.s32 s16, $0x0;
	s0 =	rddreg [dreg:$0x3];
	[sflag:s2] =	ssyncset.done @!p0 $0x0  }
0x87: {  	s1 =	simm.s32 @!p0 $0x0;
	[sflag:s2] =	ssyncadd.s32 @!p0 $0xFFFFC000;
	p2 =	sge.u32 @!p1 s19, s0  }
0x88: {  	[hbm4b:s18+s1] =	stream.linear.scatter @!p0 [tilespmem:s21], [sflag:$0x4], $0x4000, $0x38;
	[tilespmem:$0x1A800] =	vst v63  }
0x89: {  	p2 =	por p2, p1  }
0x8a: {  	s0 =	simm.s32 @!p2 $0x4  }
0x8b: {  	[hbm4b:s23+s1] =	stream.linear.scatter @!p0 [tilespmem:s22], [sflag:$0x4], $0x4000, $0x38;
	[tilespmem:$0x1A800] =	vst v63  }
0x8c: {  	_ =	swait.ge @!p2 [sflag:s0], $0x4000  }
0x8d: {  	[sflag:s0] =	ssyncset.done @!p2 $0x0  }
0x8e: {  	p3 =	sge.u32 s19, s6;
	[sflag:s0] =	ssyncadd.s32 @!p2 $0xFFFFC000  }
0x8f: {  	s21 =	simm.s32 @!p3 $0x2800;
	s1 =	simm.s32 @!p3 $0x80;
	_ =	swait.ge @!p2 [sflag:s0], $0x4000  }
0x90: {  	p0 =	por p3, p3;
	[sflag:s0] =	ssyncset.done @!p2 $0x0;
	s2 =	rddreg [dreg:$0x4]  }
0x91: {  	[sflag:s0] =	ssyncadd.s32 @!p2 $0xFFFFC000;
	s0 =	sshra.s32 @!p0 s16, $0x2;
	p2 =	sge.u32 @!p1 s19, s2  }
0x92: {  	[tilespmem:s21], [sflag:$0x1] =	stream.indirect.gather @!p0 [hbm4b:s3+s1], $0x80, s0, s1, $0xb8;
	[tilespmem:$0x1A800] =	vst v63  }
0x93: {  	p2 =	por p2, p1  }
0x94: {  	s22 =	simm.s32 @!p0 $0xE800;
	s0 =	sadd.s32 @!p0 $0x1400, s0;
	s2 =	simm.s32 @!p2 $0x2  }
0x95: {  	[tilespmem:s22], [sflag:$0x1] =	stream.indirect.gather @!p0 [hbm4b:s3+s1], $0x80, s0, s1, $0xb8;
	[tilespmem:$0x1A800] =	vst v63  }
0x96: {  	_ =	swait.ge @!p2 [sflag:s2], $0x4000  }
0x97: {  	[sflag:s2] =	ssyncset.done @!p2 $0x0  }
0x98: {  	[sflag:s2] =	ssyncadd.s32 @!p2 $0xFFFFC000  }
0x99: {  	_ =	swait.ge @!p2 [sflag:s2], $0x4000  }
0x9a: {  	s7 =	simm.s32 @!p2 $0x0;
	s0 =	sshrl.u32 @!p2 s20, $0x3;
	[sflag:s2] =	ssyncset.done @!p2 $0x0  }
0x9b: {  	s14 =	simm.s32 @!p2 $0x6800;
	s1 =	sadd.s32 @!p2 s4, s0;
	[sflag:s2] =	ssyncadd.s32 @!p2 $0xFFFFC000  }
0x9c: {  	[hbm4b:s1+s7] =	stream.linear.scatter @!p2 [tilespmem:s14], [sflag:$0x5], $0x4000, $0x38;
	[tilespmem:$0x1A800] =	vst v63  }
0x9d: {  	s0 =	sadd.s32 @!p2 s5, s0;
	s2 =	simm.s32 @!p2 $0x5;
	s1 =	simm.s32 @!p2 $0x12800  }
0x9e: {  	[hbm4b:s0+s7] =	stream.linear.scatter @!p2 [tilespmem:s1], [sflag:$0x5], $0x4000, $0x38;
	[tilespmem:$0x1A800] =	vst v63  }
0x9f: {  	_ =	swait.ge @!p2 [sflag:s2], $0x4000  }
0xa0: {  	[sflag:s2] =	ssyncset.done @!p2 $0x0  }
0xa1: {  	s30 =	sadd.s32 $0x1, s19;
	p3 =	sgt.u32 @!p1 s19, s6;
	[sflag:s2] =	ssyncadd.s32 @!p2 $0xFFFFC000  }
0xa2: {  	p4 =	sge.u32 s30, s6;
	p1 =	por p3, p1;
	_ =	swait.ge @!p2 [sflag:s2], $0x4000  }
0xa3: {  	s14 =	simm.s32 @!p4 $0x6800;
	s0 =	sshra.s32 @!p4 s16, $0x2;
	[sflag:s2] =	ssyncset.done @!p2 $0x0  }
0xa4: {  	s1 =	simm.s32 @!p4 $0x80;
	s7 =	sadd.s32 @!p4 $0x80, s0;
	[sflag:s2] =	ssyncadd.s32 @!p2 $0xFFFFC000  }
0xa5: {  	[tilespmem:s14], [sflag:$0x2] =	stream.indirect.gather @!p4 [hbm4b:s3+s1], $0x80, s7, s1, $0xb8;
	[tilespmem:$0x1A800] =	vst v63  }
0xa6: {  	s0 =	sadd.s32 @!p4 $0x1480, s0;
	s2 =	simm.s32 @!p4 $0x12800;
	s7 =	simm.s32 @!p1 $0x3  }
0xa7: {  	[tilespmem:s2], [sflag:$0x2] =	stream.indirect.gather @!p4 [hbm4b:s3+s1], $0x80, s0, s1, $0xb8;
	[tilespmem:$0x1A800] =	vst v63  }
0xa8: {  	_ =	swait.ge @!p1 [sflag:s7], $0x4000  }
0xa9: {  	[sflag:s7] =	ssyncset.done @!p1 $0x0  }
0xaa: {  	[sflag:s7] =	ssyncadd.s32 @!p1 $0xFFFFC000  }
0xab: {  	s0 =	sadd.s32 @!p1 $0x4000, s20;
	_ =	swait.ge @!p1 [sflag:s7], $0x4000  }
0xac: {  	s2 =	simm.s32 @!p1 $0x0;
	s0 =	sshrl.u32 @!p1 s0, $0x3;
	[sflag:s7] =	ssyncset.done @!p1 $0x0  }
0xad: {  	s1 =	sadd.s32 @!p1 s4, s0;
	[sflag:s7] =	ssyncadd.s32 @!p1 $0xFFFFC000;
	s7 =	simm.s32 @!p1 $0xA800  }
0xae: {  	[hbm4b:s1+s2] =	stream.linear.scatter @!p1 [tilespmem:s7], [sflag:$0x6], $0x4000, $0x38;
	[tilespmem:$0x1A800] =	vst v63  }
0xaf: {  	s0 =	sadd.s32 @!p1 s5, s0;
	s1 =	simm.s32 @!p1 $0x16800;
	s7 =	simm.s32 @!p1 $0x6  }
0xb0: {  	[hbm4b:s0+s2] =	stream.linear.scatter @!p1 [tilespmem:s1], [sflag:$0x6], $0x4000, $0x38;
	[tilespmem:$0x1A800] =	vst v63  }
0xb1: {  	_ =	swait.ge @!p1 [sflag:s7], $0x4000  }
0xb2: {  	[sflag:s7] =	ssyncset.done @!p1 $0x0  }
0xb3: {  	s31 =	sadd.s32 $0x2, s19;
	[sflag:s7] =	ssyncadd.s32 @!p1 $0xFFFFC000  }
0xb4: {  	p2 =	sge.u32 s31, s6;
	_ =	swait.ge @!p1 [sflag:s7], $0x4000  }
0xb5: {  	s14 =	simm.s32 @!p2 $0x80;
	s0 =	sshra.s32 @!p2 s16, $0x2;
	[sflag:s7] =	ssyncset.done @!p1 $0x0  }
0xb6: {  	s2 =	simm.s32 @!p2 $0xA800;
	s1 =	sadd.s32 @!p2 $0x100, s0;
	[sflag:s7] =	ssyncadd.s32 @!p1 $0xFFFFC000  }
0xb7: {  	[tilespmem:s2], [sflag:$0x3] =	stream.indirect.gather @!p2 [hbm4b:s3+s14], $0x80, s1, s14, $0xb8;
	[tilespmem:$0x1A800] =	vst v63  }
0xb8: {  	s0 =	sadd.s32 @!p2 $0x1500, s0;
	s1 =	simm.s32 @!p2 $0x16800;
	s2 =	simm.s32 @!p0 $0x1  }
0xb9: {  	[tilespmem:s1], [sflag:$0x3] =	stream.indirect.gather @!p2 [hbm4b:s3+s14], $0x80, s0, s14, $0xb8;
	[tilespmem:$0x1A800] =	vst v63  }
0xba: {  	_ =	swait.ge @!p0 [sflag:s2], $0x4000  }
0xbb: {  	[sflag:s2] =	ssyncset.done @!p0 $0x0  }
0xbc: {  	[sflag:s2] =	ssyncadd.s32 @!p0 $0xFFFFC000  }
0xbd: {  	_ =	swait.ge @!p0 [sflag:s2], $0x4000  }
0xbe: {  	[sflag:s2] =	ssyncset.done @!p0 $0x0  }
0xbf: {  	s0 =	sadd.s32 $0x1800, s18;
	s1 =	simm.s32 @!p0 $0x0;
	[sflag:s2] =	ssyncadd.s32 @!p0 $0xFFFFC000  }
0xc0: {  	[hbm4b:s0+s1] =	stream.linear.scatter @!p0 [tilespmem:s21], [sflag:$0x4], $0x4000, $0x38;
	[tilespmem:$0x1A800] =	vst v63  }
0xc1: {  	s15 =	sadd.s32 $0x1, s15;
	s0 =	sadd.s32 $0x1800, s17  }
0xc2: {  	[hbm4b:s0+s1] =	stream.linear.scatter @!p0 [tilespmem:s22], [sflag:$0x4], $0x4000, $0x38;
	[tilespmem:$0x1A800] =	vst v63  }
0xc3: {  	p0 =	sne.s32 s15, s9  }
.Ltmp1:
0xc4: {  	_ = 	snop;
	(pc) =	sbr.rel @p0 .LBB2_1-.Ltmp1, $1  }
0xc5: {  	_ =	sdelay $0x3  }
0xc6: {  	_ =	sfence.sel $0x180000  }
0xc7: {  	[bflag:$0x0] =	sbarrier.arrive $0xFFFF  }
0xc8: {  	_ =	strace $0x90000047  }
0xc9: {  	s0 =	stileid.u32;
	[bflag:$0x2] =	sbarrier.arrive $0xFFFF  }
0xca: {  	p0 =	sne.s32 s0, $0x0;
	s0 =	rddreg [dreg:$0x2]  }
0xcb: {  	s0 =	sadd.s32 @!p0 $0x100000, s0  }
0xcc: {  	[sflag:s0] =	ssyncadd.tile.s32 @!p0 $0x1;
	_ =	shalt  }
.Lfunc_end2:
_tile_overlayer_lowered:
.L_overlay_start_2:
0xcd: {  	(tag) =	ssettag $0x2  }
0xce: {  	s0 =	rddreg [dreg:$0x0];
	s2 =	stileid.u32  }
0xcf: {  	s1 =	rddreg [dreg:$0x1];
	p0 =	sne.s32 s2, $0x0  }
0xd0: {  	s3 =	rddreg [dreg:$0x2];
	[bflag:$0x3] =	sbarrier.arrive $0xFFFF;
	s2 =	simm.s32 @!p0 $0x1C07  }
0xd1: {  	[timem:s3], [sflag:s2] =	dma.local @!p0 [hbm:s0], s1  }
0xd2: {  	s0 =	simm.s32 @!p0 $0x7  }
0xd3: {  	_ =	swait.ge @!p0 [sflag:s0], s1  }
0xd4: {  	s1 =	ssub.s32 @!p0 $0x0, s1;
	[sflag:s0] =	ssyncset.done @!p0 $0x0  }
0xd5: {  	[sflag:s0] =	ssyncadd.s32 @!p0 s1  }
0xd6: {  	[bflag:$0x3] =	sbarrier.arrive $0xFFFF  }
0xd7: {  	_ =	shalt  }

// kernel: kernel.14.cloned.1.call-start
scs
__scs_entry_jumppad:
0x0: {  	(pc) =	sbr.rel $0x88, $3  }
0x1: {  	(tag) =	ssettag $0x0;
	lr =	simm.s32 $0x1  }
0x2: {  	[smem:$0x3F8F] =	sst lr;
	_ =	strace $0xD0000000  }
0x3: {  	_ = 	snop  }
0x4: {  	_ = 	snop  }
0x5: {  	_ = 	snop  }
0x6: {  	_ = 	snop  }
0x7: {  	_ = 	snop  }
__scs_overlays_trampoline_lowered:
0x8: {  	[smem:$0x3F9E] =	sst s0  }
0x9: {  	[smem:$0x3F9F] =	sst s1  }
0xa: {  	[smem:$0x3FA0] =	sst s2  }
0xb: {  	[smem:$0x3FA1] =	sst s3  }
0xc: {  	[smem:$0x3FA2] =	sst s4  }
0xd: {  	[smem:$0x3FA3] =	sst s5  }
0xe: {  	[smem:$0x3FA4] =	sst s6  }
0xf: {  	[smem:$0x3FA5] =	sst s7  }
0x10: {  	[smem:$0x3FA6] =	sst s8  }
0x11: {  	[smem:$0x3FA7] =	sst s9;
	s0 =	simm.s32 @!p0 $0x0  }
0x12: {  	s1 =	sld [smem:$0x3F8D];
	s0 =	simm.s32 @p0 $0x1  }
0x13: {  	[smem:$0x3FA8] =	sst s0;
	s0 =	simm.s32 @!p1 $0x0  }
0x14: {  	s2 =	sld [smem:$0x3F8C];
	s0 =	simm.s32 @p1 $0x1  }
0x15: {  	[smem:$0x3FA9] =	sst s0;
	s0 =	simm.s32 @!p2 $0x0  }
0x16: {  	s3 =	sld [smem:$0x3FDB];
	s0 =	simm.s32 @p2 $0x1  }
0x17: {  	s4 =	simm.s32 $0x1BF5;
	[smem:$0x3FAB] =	sst s0  }
0x18: {  	s0 =	sld [smem:$0x3F8E];
	_ =	swait.ge [sflag:s4], $0x0  }
0x19: {  	s7 =	sld [smem:$0x3F8F]  }
0x1a: {  	s8 =	sadd.s32 $0xFFFFE003, lr  }
0x1b: {  	s9 =	sadd.s32 $0xFFFFFEF7, lr;
	s5 =	simm.s32 $0xFFFFFFFF;
	p2 =	slt.u32 s8, $0xFFFFF086  }
0x1c: {  	p1 =	slt.u32 s9, $0xF7A;
	s5 =	simm.s32 @!p2 $0x0  }
0x1d: {  	s5 =	simm.s32 @p1 $0x1;
	p0 =	seq.s32 s7, s2  }
0x1e: {  	s7 =	smul.u32 @!p0 $0xF7A, s2;
	p2 =	seq.s32 @!p0 s5, $0x0  }
0x1f: {  	s9 =	smul.u32 $0xF7A, s1;
	s8 =	simm.s32 @!p0 $0x1BF5;
	p2 =	por !p2, p0  }
0x20: {  	[sflag:s8] =	ssyncset.s32 @!p0 $0xFFFFF086;
	s6 =	sadd.s32 @!p0 s3, s7;
	s7 =	simm.s32 @!p0 $0x108  }
0x21: {  	s3 =	sadd.s32 s3, s9;
	s6 =	sadd.s32 @!p0 $0x88, s6;
	s7 =	simm.s32 @p2 $0x1082  }
0x22: {  	[simem:s7], [sflag:s8] =	dma.local @!p0 [hbm:s6], $0xF7A  }
0x23: {  	s9 =	sor.u32 $0xD0000000, s2;
	s6 =	simm.s32 $0x108;
	_ =	swait.ge @!p0 [sflag:s8], $0x0  }
0x24: {  	s3 =	sadd.s32 $0x88, s3;
	s6 =	simm.s32 @!p1 $0x1082;
	[sflag:s4] =	ssyncset.s32 $0xFFFFF086  }
0x25: {  	[simem:s6], [sflag:s4] =	dma.local [hbm:s3], $0xF7A  }
0x26: {  	[smem:$0x3F8F] =	sst s1;
	(tag) =	ssettag s2;
	_ =	strace s9  }
0x27: {  	s1 =	sld [smem:$0x3F9F]  }
0x28: {  	s2 =	sld [smem:$0x3FA0]  }
0x29: {  	s4 =	sld [smem:$0x3FA2]  }
0x2a: {  	p0 =	seq.s32 s5, $0x0;
	s5 =	sld [smem:$0x3FA3]  }
0x2b: {  	s6 =	sld [smem:$0x3FA4]  }
0x2c: {  	s7 =	sld [smem:$0x3FA5]  }
0x2d: {  	s3 =	simm.s32 $0x108;
	s8 =	sld [smem:$0x3FA6]  }
0x2e: {  	s3 =	simm.s32 @!p0 $0x1082;
	s9 =	sld [smem:$0x3FA7]  }
0x2f: {  	lr =	sadd.s32 s0, s3;
	s0 =	sld [smem:$0x3F9E]  }
0x30: {  	s3 =	sld [smem:$0x3FA1]  }
0x31: {  	[smem:$0x3FAA] =	sst s10  }
0x32: {  	s10 =	sld [smem:$0x3FA8];
	_ =	sdelay $0x3  }
0x33: {  	p0 =	seq.s32 s10, $0x1;
	s10 =	sld [smem:$0x3FAA];
	_ =	sdelay $0x3  }
0x34: {  	[smem:$0x3FAA] =	sst s10  }
0x35: {  	s10 =	sld [smem:$0x3FA9];
	_ =	sdelay $0x3  }
0x36: {  	p1 =	seq.s32 s10, $0x1;
	s10 =	sld [smem:$0x3FAA];
	_ =	sdelay $0x3  }
0x37: {  	[smem:$0x3FAA] =	sst s10  }
0x38: {  	s10 =	sld [smem:$0x3FAB]  }
0x39: {  	_ = 	snop;
	(pc) =	sbr.ind lr, $3  }
0x3a: {  	_ = 	snop  }
0x3b: {  	_ = 	snop  }
0x3c: {  	p2 =	seq.s32 s10, $0x1;
	s10 =	sld [smem:$0x3FAA]  }
0x3d: {  	_ =	shalt  }
0x3e: {  	_ =	shalt  }
0x3f: {  	_ =	shalt  }
0x40: {  	_ =	shalt  }
0x41: {  	_ =	shalt  }
0x42: {  	_ =	shalt  }
0x43: {  	_ =	shalt  }
0x44: {  	_ =	shalt  }
0x45: {  	_ =	shalt  }
0x46: {  	_ =	shalt  }
0x47: {  	_ =	shalt  }
0x48: {  	_ =	shalt  }
0x49: {  	_ =	shalt  }
0x4a: {  	_ =	shalt  }
0x4b: {  	_ =	shalt  }
0x4c: {  	_ =	shalt  }
0x4d: {  	_ =	shalt  }
0x4e: {  	_ =	shalt  }
0x4f: {  	_ =	shalt  }
0x50: {  	_ =	shalt  }
0x51: {  	_ =	shalt  }
0x52: {  	_ =	shalt  }
0x53: {  	_ =	shalt  }
0x54: {  	_ =	shalt  }
0x55: {  	_ =	shalt  }
0x56: {  	_ =	shalt  }
0x57: {  	_ =	shalt  }
0x58: {  	_ =	shalt  }
0x59: {  	_ =	shalt  }
0x5a: {  	_ =	shalt  }
0x5b: {  	_ =	shalt  }
0x5c: {  	_ =	shalt  }
0x5d: {  	_ =	shalt  }
0x5e: {  	_ =	shalt  }
0x5f: {  	_ =	shalt  }
0x60: {  	_ =	shalt  }
0x61: {  	_ =	shalt  }
0x62: {  	_ =	shalt  }
0x63: {  	_ =	shalt  }
0x64: {  	_ =	shalt  }
0x65: {  	_ =	shalt  }
0x66: {  	_ =	shalt  }
0x67: {  	_ =	shalt  }
0x68: {  	_ =	shalt  }
0x69: {  	_ =	shalt  }
0x6a: {  	_ =	shalt  }
0x6b: {  	_ =	shalt  }
0x6c: {  	_ =	shalt  }
0x6d: {  	_ =	shalt  }
0x6e: {  	_ =	shalt  }
0x6f: {  	_ =	shalt  }
0x70: {  	_ =	shalt  }
0x71: {  	_ =	shalt  }
0x72: {  	_ =	shalt  }
0x73: {  	_ =	shalt  }
0x74: {  	_ =	shalt  }
0x75: {  	_ =	shalt  }
0x76: {  	_ =	shalt  }
0x77: {  	_ =	shalt  }
0x78: {  	_ =	shalt  }
0x79: {  	_ =	shalt  }
0x7a: {  	_ =	shalt  }
0x7b: {  	_ =	shalt  }
0x7c: {  	_ =	shalt  }
0x7d: {  	_ =	shalt  }
0x7e: {  	_ =	shalt  }
0x7f: {  	_ =	shalt  }
0x80: {  	_ =	shalt  }
0x81: {  	_ =	shalt  }
0x82: {  	_ =	shalt  }
0x83: {  	_ =	shalt  }
0x84: {  	_ =	shalt  }
0x85: {  	_ =	shalt  }
0x86: {  	_ =	shalt  }
0x87: {  	_ =	shalt  }
.Lfunc_end0:
.L_simem_size_0:
called_computation.1_lowered:
.L_overlay_start_0:
0x88: {  	s2 =	sld [smem:$0x3FD9]  }
0x89: {  	s3 =	sld [smem:$0x3FFE];
	_ =	sdelay $0x1  }
0x8a: {  	s1 =	srdreg.scid  }
0x8b: {  	s0 =	sand.u32 $0x1, s1  }
0x8c: {  	s14 =	sshll.u32 s0, $0xA;
	s2 =	sadd.s32 s3, s2  }
0x8d: {  	s2 =	sadd.s32 s2, s14  }
0x8e: {  	[smem:$0x3FB6] =	sst s2  }
0x8f: {  	_ = 	snop  }
0x90: {  	s2 =	sld [smem:$0x3FD0];
	_ =	sdelay $0x2  }
0x91: {  	s15 =	simm.s32 $0xA;
	s4 =	simm.s32 $0x10  }
0x92: {  	[smem:s4], [sflag:s15] =	dma.local [hbm:s2], $0x1  }
0x93: {  	_ =	swait.eq [sflag:s15], $0x1  }
0x94: {  	[sflag:s15] =	ssyncset.done $0x0  }
0x95: {  	[sflag:s15] =	ssyncadd.s32 $0xFFFFFFFF  }
0x96: {  	s16 =	sld [smem:$0x11];
	(tm) =	ssettm $0x1  }
0x97: {  	s17 =	sld [smem:$0x3FFB];
	_ =	sdelay $0x3  }
0x98: {  	_ =	strace s17  }
0x99: {  	s3 =	sld [smem:$0x3FFC];
	_ =	sdelay $0x3  }
0x9a: {  	_ =	strace s3  }
0x9b: {  	s3 =	sld [smem:$0x3FFD];
	_ =	sdelay $0x3  }
0x9c: {  	_ =	strace s3  }
0x9d: {  	_ =	strace $0x8FFFFFFF  }
0x9e: {  	s18 =	sld [smem:$0x3FDB];
	_ =	sdelay $0x1  }
0x9f: {  	s19 =	simm.s32 $_scs_section_size  }
0xa0: {  	s5 =	simm.s32 $_size__tile_overlayer_lowered;
	s6 =	simm.s32 $_tile_overlayer_lowered  }
0xa1: {  	s22 =	simm.s32 $0x1BFF;
	s21 =	sshll.u32 s6, $0x1;
	s3 =	sadd.s32 s19, s18  }
0xa2: {  	s7 =	simm.s32 $0x0;
	s20 =	sshll.u32 s5, $0x1;
	s5 =	sadd.s32 s21, s3  }
0xa3: {  	[timem:s7], [sflag:s22] =	dma.local [hbm:s5], s20  }
0xa4: {  	_ =	swait.ge [sflag:s22], s20  }
0xa5: {  	s4 =	ssub.s32 $0x0, s20;
	[sflag:s22] =	ssyncset.done $0x0  }
0xa6: {  	[sflag:s22] =	ssyncadd.s32 s4;
	_ =	sdelay $0x1  }
0xa7: {  	s23 =	simm.s32 $0x1B8B  }
0xa8: {  	_ =	swait.ge [sflag:s23], $0x1  }
0xa9: {  	[sflag:s23] =	ssyncset.done $0x0  }
0xaa: {  	s25 =	simm.s32 $0x1B8E;
	s24 =	sld [smem:$0x3FFE];
	[sflag:s23] =	ssyncadd.s32 $0xFFFFFFFF  }
0xab: {  	s26 =	simm.s32 $execute0_lowered;
	[smem:$0x3FD2] =	sst s25  }
0xac: {  	s5 =	sshll.u32 s26, $0x1;
	_ =	strace $0x80000049;
	[dreg:$0x1] =	wrdreg $0xFFFFFFFF  }
0xad: {  	s28 =	simm.s32 $_size_execute0_lowered;
	s3 =	sadd.s32 s3, s5;
	[dreg:$0x0] =	wrdreg $0x0  }
0xae: {  	s5 =	sshll.u32 s28, $0x1;
	[dreg:$0x2] =	wrdreg s3  }
0xaf: {  	[dreg:$0x3] =	wrdreg s5  }
0xb0: {  	[dreg:$0x4] =	wrdreg $0xC0  }
0xb1: {  	_ =	task [dreg:s7], $0x5FFFF  }
0xb2: {  	[dreg:$0x1] =	wrdreg $0xFFFFFFFF  }
0xb3: {  	[dreg:$0x0] =	wrdreg $0x60  }
0xb4: {  	[dreg:$0x2] =	wrdreg s24  }
0xb5: {  	[dreg:$0x3] =	wrdreg s16  }
0xb6: {  	[dreg:$0x4] =	wrdreg $0x81000  }
0xb7: {  	[dreg:$0x5] =	wrdreg $0x9  }
0xb8: {  	_ =	task.clear_ibuf [dreg:s7], $0x6FFFF;
	_ =	strace $0x90000049  }
0xb9: {  	s29 =	simm.s32 $0x9;
	_ =	strace $0x8000004B  }
0xba: {  	_ =	swait.ge [sflag:s29], $0x1  }
0xbb: {  	[sflag:s29] =	ssyncadd.s32 $0xFFFFFFFF  }
0xbc: {  	_ =	strace $0x9000004B  }
0xbd: {  	_ =	sfence  }
0xbe: {  	s30 =	sld [smem:$0x0];
	_ =	sdelay $0x2  }
0xbf: {  	s31 =	sshll.u32 s1, $0xD;
	s1 =	sshrl.u32 s1, $0x2  }
0xc0: {  	s3 =	sand.u32 $0x4000, s31;
	s1 =	sadd.s32 s1, s30  }
0xc1: {  	s0 =	sor.u32 s3, s0;
	s1 =	sshll.u32 s1, $0x11  }
0xc2: {  	s0 =	sor.u32 s1, s0  }
0xc3: {  	s0 =	sadd.s32 $0x8F2B, s0  }
0xc4: {  	[sflag:s0] =	ssyncadd.remote.s32 $0x1  }
0xc5: {  	_ =	sfence.sel $0xFFFF  }
0xc6: {  	[dreg:$0x0] =	wrdreg $0xFFFFFFFF;
	(pc) =	sbr.abs _section_cstart, $3  }
0xc7: {  	[dreg:$0x1] =	wrdreg $0xFFFFFFFF  }
0xc8: {  	_ =	task.clear_ibuf [dreg:s7], $0x2FFFF;
	_ =	strace $0x9FFFFFFF  }
0xc9: {  	(tm) =	ssettm $0x7FFFFFFF  }
tec
execute0_lowered:
.L_overlay_start_1:
0x0: {  	(tag) =	ssettag $0x1  }
0x1: {  	s1 =	rddreg [dreg:$0x0]  }
0x2: {  	s2 =	rddreg [dreg:$0x1]  }
0x3: {  	s0 =	srdreg.scid;
	s19 =	stileid.u32;
	s30 =	simm.s32 $0x100  }
0x4: {  	s31 =	simm.s32 $0x4100;
	s3 =	sadd.s32 $0x513000, s1;
	s8 =	smul.u32 $0x14000, s19  }
0x5: {  	s4 =	sand.u32 $0x1, s0;
	s5 =	sshll.u32 s19, $0x1;
	s26 =	smul.u32 $0x500, s19  }
0x6: {  	s9 =	sadd.s32 $0x9000, s1;
	s23 =	smul.u32 $0x28000, s19;
	s1 =	sadd.s32 $0x563000, s1  }
0x7: {  	s0 =	ssub.s32 $0x2, s4;
	s6 =	smul.u32 $0x140000, s4;
	s5 =	sor.u32 s4, s5  }
0x8: {  	s20 =	smul.u32 $0x280, s4;
	s7 =	sshrl.u32 s0, $0x1;
	s11 =	sadd.s32 $0x4000, s8  }
0x9: {  	s12 =	sadd.s32 $0x8000, s8;
	s17 =	smul.u32 $0x14000, s5;
	s0 =	ssub.s32 s0, s7  }
0xa: {  	s7 =	smul.u32 $0x28, s5;
	s10 =	sadd.s32 s8, s6;
	s13 =	sadd.s32 s6, s11  }
0xb: {  	s14 =	sadd.s32 s6, s12;
	s5 =	smul.u32 $0x280, s5;
	s10 =	sshrl.u32 s10, $0x3  }
0xc: {  	s13 =	sshrl.u32 s13, $0x3;
	s14 =	sshrl.u32 s14, $0x3;
	s15 =	sadd.s32 s3, s10  }
0xd: {  	s0 =	smax.u32 s0, $0x1;
	s24 =	sadd.s32 s3, s13;
	[dreg:$0x4] =	wrdreg s15  }
0xe: {  	s25 =	sadd.s32 s3, s14;
	s10 =	sadd.s32 s9, s10;
	[dreg:$0x5] =	wrdreg s24  }
0xf: {  	s21 =	sadd.s32 s9, s13;
	s22 =	sadd.s32 s9, s14;
	[dreg:$0x6] =	wrdreg s25  }
0x10: {  	s13 =	smul.u32 $0x28, s4;
	s5 =	sadd.s32 s2, s5;
	[dreg:$0x9] =	wrdreg s10  }
0x11: {  	s4 =	smul.u32 $0x14000, s4;
	s15 =	sadd.s32 $0xC000, s8;
	[dreg:$0xa] =	wrdreg s21  }
0x12: {  	s8 =	sadd.s32 $0x10000, s8;
	[dreg:$0xb] =	wrdreg s22;
	s16 =	sadd.s32 s6, s15  }
0x13: {  	s25 =	sadd.s32 s26, s2;
	s6 =	sadd.s32 s6, s8;
	s16 =	sshrl.u32 s16, $0x3  }
0x14: {  	[dreg:$0xe] =	wrdreg s5;
	s6 =	sshrl.u32 s6, $0x3;
	s18 =	sadd.s32 s3, s16  }
0x15: {  	s26 =	smul.u32 $0x50, s19;
	s3 =	sadd.s32 s3, s6;
	[dreg:$0x7] =	wrdreg s18  }
0x16: {  	s24 =	sadd.s32 s9, s16;
	s6 =	sadd.s32 s9, s6;
	[dreg:$0x8] =	wrdreg s3  }
0x17: {  	s16 =	sadd.s32 s13, s26;
	s13 =	simm.s32 $0x0;
	[dreg:$0xc] =	wrdreg s24  }
0x18: {  	[dreg:$0xd] =	wrdreg s6;
	s3 =	sadd.s32 s20, s25;
	s18 =	sor.u32 $0x1, s7  }
0x19: {  	s20 =	sadd.s32 s23, s1;
	s22 =	sshll.u32 s16, $0x4;
	[smem:$0x7FF] =	sst s13  }
0x1a: {  	s23 =	sadd.s32 s1, s17;
	s5 =	sshll.u32 s16, $0xB;
	s16 =	rddreg [dreg:$0x2]  }
0x1b: {  	s24 =	smul.u32 $0x50000, s19;
	s25 =	ssub.s32 $0x4E2, s7;
	s4 =	sadd.s32 s4, s20  }
0x1c: {  	s21 =	sshll.u32 s18, $0x4;
	[dreg:$0x10] =	wrdreg s23;
	s6 =	sshll.u32 s18, $0xB  }
0x1d: {  	s18 =	smin.u32 s25, $0x28;
	s20 =	sadd.s32 s11, s16;
	s23 =	sadd.s32 s8, s16  }
0x1e: {  	s25 =	sadd.s32 $0x20, s3;
	s3 =	simm.s32 $0x0;
	s9 =	sadd.s32 s2, s21  }
0x1f: {  	s2 =	sadd.s32 s22, s2;
	s6 =	sadd.s32 s1, s6;
	s1 =	sadd.s32 s5, s1  }
0x20: {  	s26 =	sshrl.u32 s24, $0x2;
	s21 =	sadd.s32 s12, s16;
	[dreg:$0xf] =	wrdreg s9  }
0x21: {  	s22 =	sadd.s32 s15, s16;
	s15 =	simm.s32 $0x1;
	[dreg:$0x11] =	wrdreg s6  }
0x22: {  	s19 =	sadd.s32 s26, s16;
	s26 =	sadd.s32 $0x1000, s4;
	s28 =	sadd.s32 $0x30, s2  }
0x23: {  	s29 =	sadd.s32 $0x1800, s1;
	s1 =	simm.s32 $0x80;
	s2 =	simm.s32 $0x3  }
0x24: {  	_ =	strace $0x8000004A;
	[dreg:$0x12] =	wrdreg s0;
	s0 =	simm.s32 $0x2  }
.LBB2_1:
0x25: {  	s4 =	rddreg [dreg:$0x4]  }
0x26: {  	[tilespmem:s30], [sflag:$0x1] =	stream.linear.gather [hbm4b:s4+s13], $0x4000, $0x38;
	[tilespmem:$0x1C100] =	vst v63  }
0x27: {  	s8 =	rddreg [dreg:$0x5]  }
0x28: {  	[tilespmem:s31], [sflag:$0x2] =	stream.linear.gather [hbm4b:s8+s13], $0x4000, $0x38;
	[tilespmem:$0x1C100] =	vst v63  }
0x29: {  	_ =	swait.ge [sflag:s15], $0x4000  }
0x2a: {  	[sflag:s15] =	ssyncset.done $0x0  }
0x2b: {  	[sflag:s15] =	ssyncadd.s32 $0xFFFFC000  }
0x2c: {  	[spmem:s19] =	stream.linear.scatter [tilespmem:s30], [sflag:$0x3], $0x4000, $0x38;
	[tilespmem:$0x1C100] =	vst v63  }
0x2d: {  	_ =	swait.ge [sflag:s2], $0x4000  }
0x2e: {  	[sflag:s2] =	ssyncset.done $0x0  }
0x2f: {  	s9 =	rddreg [dreg:$0x6];
	[sflag:s2] =	ssyncadd.s32 $0xFFFFC000  }
0x30: {  	[tilespmem:s30], [sflag:$0x1] =	stream.linear.gather [hbm4b:s9+s13], $0x4000, $0x38;
	[tilespmem:$0x1C100] =	vst v63  }
0x31: {  	_ =	swait.ge [sflag:s0], $0x4000  }
0x32: {  	[sflag:s0] =	ssyncset.done $0x0  }
0x33: {  	[sflag:s0] =	ssyncadd.s32 $0xFFFFC000  }
0x34: {  	[spmem:s20] =	stream.linear.scatter [tilespmem:s31], [sflag:$0x3], $0x4000, $0x38;
	[tilespmem:$0x1C100] =	vst v63  }
0x35: {  	_ =	swait.ge [sflag:s2], $0x4000  }
0x36: {  	[sflag:s2] =	ssyncset.done $0x0  }
0x37: {  	s10 =	rddreg [dreg:$0x7];
	[sflag:s2] =	ssyncadd.s32 $0xFFFFC000  }
0x38: {  	[tilespmem:s31], [sflag:$0x2] =	stream.linear.gather [hbm4b:s10+s13], $0x4000, $0x38;
	[tilespmem:$0x1C100] =	vst v63  }
0x39: {  	_ =	swait.ge [sflag:s15], $0x4000  }
0x3a: {  	[sflag:s15] =	ssyncset.done $0x0  }
0x3b: {  	[sflag:s15] =	ssyncadd.s32 $0xFFFFC000  }
0x3c: {  	[spmem:s21] =	stream.linear.scatter [tilespmem:s30], [sflag:$0x3], $0x4000, $0x38;
	[tilespmem:$0x1C100] =	vst v63  }
0x3d: {  	_ =	swait.ge [sflag:s2], $0x4000  }
0x3e: {  	[sflag:s2] =	ssyncset.done $0x0  }
0x3f: {  	s11 =	rddreg [dreg:$0x8];
	[sflag:s2] =	ssyncadd.s32 $0xFFFFC000  }
0x40: {  	[tilespmem:s30], [sflag:$0x1] =	stream.linear.gather [hbm4b:s11+s13], $0x4000, $0x38;
	[tilespmem:$0x1C100] =	vst v63  }
0x41: {  	_ =	swait.ge [sflag:s0], $0x4000  }
0x42: {  	[sflag:s0] =	ssyncset.done $0x0  }
0x43: {  	[sflag:s0] =	ssyncadd.s32 $0xFFFFC000  }
0x44: {  	[spmem:s22] =	stream.linear.scatter [tilespmem:s31], [sflag:$0x3], $0x4000, $0x38;
	[tilespmem:$0x1C100] =	vst v63  }
0x45: {  	_ =	swait.ge [sflag:s2], $0x4000  }
0x46: {  	[sflag:s2] =	ssyncset.done $0x0  }
0x47: {  	[sflag:s2] =	ssyncadd.s32 $0xFFFFC000  }
0x48: {  	_ =	swait.ge [sflag:s15], $0x4000  }
0x49: {  	[sflag:s15] =	ssyncset.done $0x0  }
0x4a: {  	[sflag:s15] =	ssyncadd.s32 $0xFFFFC000  }
0x4b: {  	[spmem:s23] =	stream.linear.scatter [tilespmem:s30], [sflag:$0x3], $0x4000, $0x38;
	[tilespmem:$0x1C100] =	vst v63  }
0x4c: {  	_ =	swait.ge [sflag:s2], $0x4000  }
0x4d: {  	[sflag:s2] =	ssyncset.done $0x0  }
0x4e: {  	[sflag:s2] =	ssyncadd.s32 $0xFFFFC000  }
0x4f: {  	[bflag:$0x0] =	sbarrier.arrive $0xFFFF  }
0x50: {  	s12 =	rddreg [dreg:$0x10]  }
0x51: {  	[tilespmem:s30], [sflag:$0x1] =	stream.linear.gather [hbm4b:s12+s13], $0x4000, $0x38;
	[tilespmem:$0x1C100] =	vst v63  }
0x52: {  	s14 =	rddreg [dreg:$0xe]  }
0x53: {  	[tilespmem:s13], [sflag:$0x1] =	stream.linear.gather [hbm4b:s14+s13], $0x80, $0x38;
	[tilespmem:$0x1C100] =	vst v63  }
0x54: {  	s17 =	rddreg [dreg:$0x11]  }
0x55: {  	[tilespmem:s31], [sflag:$0x2] =	stream.linear.gather [hbm4b:s17+s13], $0x4000, $0x38;
	[tilespmem:$0x1C100] =	vst v63  }
0x56: {  	s24 =	rddreg [dreg:$0xf]  }
0x57: {  	[tilespmem:s1], [sflag:$0x2] =	stream.linear.gather [hbm4b:s24+s13], $0x80, $0x38;
	[tilespmem:$0x1C100] =	vst v63  }
0x58: {  	_ =	swait.ge [sflag:s15], $0x4000  }
0x59: {  	[sflag:s15] =	ssyncset.done $0x0  }
0x5a: {  	[sflag:s15] =	ssyncadd.s32 $0xFFFFC000  }
0x5b: {  	_ =	swait.ge [sflag:s15], $0x80  }
0x5c: {  	[sflag:s15] =	ssyncset.done $0x0  }
0x5d: {  	[sflag:s15] =	ssyncadd.s32 $0xFFFFFF80  }
0x5e: {  	[spmem:s16] =	stream.indirect.scatter.add.f32 [tilespmem:s30], [sflag:$0x3], $0x80, s13, s1, $0xb8;
	[tilespmem:$0x1C100] =	vst v63  }
0x5f: {  	_ =	swait.ge [sflag:s2], $0x4000  }
0x60: {  	p0 =	sle.u32 s18, $0x2;
	p1 =	slt.u32 s18, $0x2;
	[sflag:s2] =	ssyncset.done $0x0  }
0x61: {  	s5 =	simm.s32 @!p0 $0x0;
	s8 =	simm.s32 @!p0 $0x100;
	[sflag:s2] =	ssyncadd.s32 $0xFFFFC000  }
0x62: {  	[tilespmem:s8], [sflag:$0x1] =	stream.linear.gather @!p0 [hbm4b:s26+s5], $0x4000, $0x38;
	[tilespmem:$0x1C100] =	vst v63  }
0x63: {  	s4 =	simm.s32 @!p1 $0x2;
	p0 =	por p0, p0  }
0x64: {  	[tilespmem:s5], [sflag:$0x1] =	stream.linear.gather @!p0 [hbm4b:s25+s5], $0x80, $0x38;
	[tilespmem:$0x1C100] =	vst v63  }
0x65: {  	_ =	swait.ge @!p1 [sflag:s4], $0x4000  }
0x66: {  	[sflag:s4] =	ssyncset.done @!p1 $0x0  }
0x67: {  	[sflag:s4] =	ssyncadd.s32 @!p1 $0xFFFFC000  }
0x68: {  	_ =	swait.ge @!p1 [sflag:s4], $0x80  }
0x69: {  	s6 =	simm.s32 @!p1 $0x80;
	[sflag:s4] =	ssyncset.done @!p1 $0x0  }
0x6a: {  	s7 =	simm.s32 @!p1 $0x4100;
	[sflag:s4] =	ssyncadd.s32 @!p1 $0xFFFFFF80;
	s4 =	simm.s32 @!p1 $0x4  }
0x6b: {  	[spmem:s16] =	stream.indirect.scatter.add.f32 @!p1 [tilespmem:s7], [sflag:$0x4], $0x80, s6, s6, $0xb8;
	[tilespmem:$0x1C100] =	vst v63  }
0x6c: {  	_ =	swait.ge @!p1 [sflag:s4], $0x4000  }
0x6d: {  	p2 =	sle.u32 s18, $0x3;
	[sflag:s4] =	ssyncset.done @!p1 $0x0  }
0x6e: {  	s6 =	simm.s32 @!p2 $0x0;
	s7 =	simm.s32 @!p2 $0x4100;
	[sflag:s4] =	ssyncadd.s32 @!p1 $0xFFFFC000  }
0x6f: {  	[tilespmem:s7], [sflag:$0x2] =	stream.linear.gather @!p2 [hbm4b:s29+s6], $0x4000, $0x38;
	[tilespmem:$0x1C100] =	vst v63  }
0x70: {  	s9 =	simm.s32 @!p0 $0x1;
	s4 =	simm.s32 @!p2 $0x80  }
0x71: {  	[tilespmem:s4], [sflag:$0x2] =	stream.linear.gather @!p2 [hbm4b:s28+s6], $0x80, $0x38;
	[tilespmem:$0x1C100] =	vst v63  }
0x72: {  	_ =	swait.ge @!p0 [sflag:s9], $0x4000  }
0x73: {  	[sflag:s9] =	ssyncset.done @!p0 $0x0  }
0x74: {  	s12 =	simm.s32 $0x4;
	[sflag:s9] =	ssyncadd.s32 @!p0 $0xFFFFC000  }
0x75: {  	s10 =	simm.s32 @!p0 $0x80;
	s14 =	simm.s32 @!p0 $0x3;
	_ =	swait.ge @!p0 [sflag:s9], $0x80  }
0x76: {  	s7 =	simm.s32 $0x7;
	s6 =	simm.s32 $0x5;
	[sflag:s9] =	ssyncset.done @!p0 $0x0  }
0x77: {  	s4 =	sadd.s32 $0x1000, s29;
	[sflag:s9] =	ssyncadd.s32 @!p0 $0xFFFFFF80;
	s9 =	sadd.s32 $0x20, s25  }
0x78: {  	[spmem:s16] =	stream.indirect.scatter.add.f32 @!p0 [tilespmem:s8], [sflag:$0x3], $0x80, s5, s10, $0xb8;
	[tilespmem:$0x1C100] =	vst v63  }
0x79: {  	s5 =	sadd.s32 $0x20, s28;
	s8 =	sadd.s32 $0x1000, s26;
	_ =	swait.ge @!p0 [sflag:s14], $0x4000  }
.LBB2_2:
0x7a: {  	p3 =	sge.u32 s12, s18  }
0x7b: {  	[sflag:s14] =	ssyncset.done @!p0 $0x0;
	s17 =	smov.u32 s7;
	s7 =	sadd.s32 $0x2, s7  }
0x7c: {  	s10 =	simm.s32 @!p3 $0x0;
	s11 =	simm.s32 @!p3 $0x100;
	[sflag:s14] =	ssyncadd.s32 @!p0 $0xFFFFC000  }
0x7d: {  	[tilespmem:s11], [sflag:$0x1] =	stream.linear.gather @!p3 [hbm4b:s8+s10], $0x4000, $0x38;
	[tilespmem:$0x1C100] =	vst v63  }
0x7e: {  	p2 =	sgt.u32 s12, s18;
	p1 =	sne.s32 s7, $0x2D;
	p0 =	por p3, p3  }
0x7f: {  	[tilespmem:s10], [sflag:$0x1] =	stream.linear.gather @!p0 [hbm4b:s9+s10], $0x80, $0x38;
	[tilespmem:$0x1C100] =	vst v63  }
0x80: {  	s12 =	simm.s32 @!p2 $0x2  }
0x81: {  	_ =	swait.ge @!p2 [sflag:s12], $0x4000  }
0x82: {  	[sflag:s12] =	ssyncset.done @!p2 $0x0  }
0x83: {  	[sflag:s12] =	ssyncadd.s32 @!p2 $0xFFFFC000  }
0x84: {  	_ =	swait.ge @!p2 [sflag:s12], $0x80  }
0x85: {  	s14 =	simm.s32 @!p2 $0x80;
	s24 =	simm.s32 @!p2 $0x4100;
	[sflag:s12] =	ssyncset.done @!p2 $0x0  }
0x86: {  	[sflag:s12] =	ssyncadd.s32 @!p2 $0xFFFFFF80;
	s12 =	simm.s32 @!p2 $0x4  }
0x87: {  	[spmem:s16] =	stream.indirect.scatter.add.f32 @!p2 [tilespmem:s24], [sflag:$0x4], $0x80, s14, s14, $0xb8;
	[tilespmem:$0x1C100] =	vst v63  }
0x88: {  	p3 =	sge.u32 s6, s18;
	s6 =	smov.u32 s17;
	_ =	swait.ge @!p2 [sflag:s12], $0x4000  }
0x89: {  	s17 =	simm.s32 @!p3 $0x4100;
	s14 =	simm.s32 @!p3 $0x0;
	[sflag:s12] =	ssyncset.done @!p2 $0x0  }
0x8a: {  	[sflag:s12] =	ssyncadd.s32 @!p2 $0xFFFFC000;
	s12 =	simm.s32 @!p3 $0x80  }
0x8b: {  	[tilespmem:s17], [sflag:$0x2] =	stream.linear.gather @!p3 [hbm4b:s4+s14], $0x4000, $0x38;
	[tilespmem:$0x1C100] =	vst v63  }
0x8c: {  	s17 =	simm.s32 @!p0 $0x1  }
0x8d: {  	[tilespmem:s12], [sflag:$0x2] =	stream.linear.gather @!p3 [hbm4b:s5+s14], $0x80, $0x38;
	[tilespmem:$0x1C100] =	vst v63  }
0x8e: {  	_ =	swait.ge @!p0 [sflag:s17], $0x4000  }
0x8f: {  	[sflag:s17] =	ssyncset.done @!p0 $0x0  }
0x90: {  	[sflag:s17] =	ssyncadd.s32 @!p0 $0xFFFFC000  }
.Ltmp0:
0x91: {  	s4 =	sadd.s32 $0x1000, s4;
	_ =	swait.ge @!p0 [sflag:s17], $0x80;
	(pc) =	sbr.rel @p1 .LBB2_2-.Ltmp0, $4  }
0x92: {  	s12 =	simm.s32 @!p0 $0x80;
	s5 =	sadd.s32 $0x20, s5;
	[sflag:s17] =	ssyncset.done @!p0 $0x0  }
0x93: {  	s8 =	sadd.s32 $0x1000, s8;
	s14 =	simm.s32 @!p0 $0x3;
	[sflag:s17] =	ssyncadd.s32 @!p0 $0xFFFFFF80  }
0x94: {  	[spmem:s16] =	stream.indirect.scatter.add.f32 @!p0 [tilespmem:s11], [sflag:$0x3], $0x80, s10, s12, $0xb8;
	[tilespmem:$0x1C100] =	vst v63  }
0x95: {  	s9 =	sadd.s32 $0x20, s9;
	s12 =	sadd.s32 $0xFFFFFFFF, s6;
	_ =	swait.ge @!p0 [sflag:s14], $0x4000  }
0x96: {  	p2 =	sge.u32 s12, s18;
	[sflag:s14] =	ssyncset.done @!p0 $0x0;
	p1 =	sgt.u32 s12, s18  }
0x97: {  	s7 =	simm.s32 @!p2 $0x0;
	[sflag:s14] =	ssyncadd.s32 @!p0 $0xFFFFC000;
	s10 =	simm.s32 @!p2 $0x100  }
0x98: {  	[tilespmem:s10], [sflag:$0x1] =	stream.linear.gather @!p2 [hbm4b:s8+s7], $0x4000, $0x38;
	[tilespmem:$0x1C100] =	vst v63  }
0x99: {  	p0 =	por p2, p2;
	s8 =	simm.s32 @!p1 $0x2  }
0x9a: {  	[tilespmem:s7], [sflag:$0x1] =	stream.linear.gather @!p0 [hbm4b:s9+s7], $0x80, $0x38;
	[tilespmem:$0x1C100] =	vst v63  }
0x9b: {  	_ =	swait.ge @!p1 [sflag:s8], $0x4000  }
0x9c: {  	[sflag:s8] =	ssyncset.done @!p1 $0x0  }
0x9d: {  	[sflag:s8] =	ssyncadd.s32 @!p1 $0xFFFFC000  }
0x9e: {  	_ =	swait.ge @!p1 [sflag:s8], $0x80  }
0x9f: {  	[sflag:s8] =	ssyncset.done @!p1 $0x0  }
0xa0: {  	s9 =	simm.s32 @!p1 $0x80;
	[sflag:s8] =	ssyncadd.s32 @!p1 $0xFFFFFF80;
	s8 =	simm.s32 @!p1 $0x4100  }
0xa1: {  	[spmem:s16] =	stream.indirect.scatter.add.f32 @!p1 [tilespmem:s8], [sflag:$0x4], $0x80, s9, s9, $0xb8;
	[tilespmem:$0x1C100] =	vst v63  }
0xa2: {  	s8 =	simm.s32 @!p1 $0x4  }
0xa3: {  	_ =	swait.ge @!p1 [sflag:s8], $0x4000  }
0xa4: {  	p2 =	sge.u32 s6, s18;
	[sflag:s8] =	ssyncset.done @!p1 $0x0  }
0xa5: {  	s6 =	simm.s32 @!p2 $0x0;
	[sflag:s8] =	ssyncadd.s32 @!p1 $0xFFFFC000;
	s8 =	simm.s32 @!p2 $0x4100  }
0xa6: {  	[tilespmem:s8], [sflag:$0x2] =	stream.linear.gather @!p2 [hbm4b:s4+s6], $0x4000, $0x38;
	[tilespmem:$0x1C100] =	vst v63  }
0xa7: {  	s4 =	simm.s32 @!p2 $0x80  }
0xa8: {  	[tilespmem:s4], [sflag:$0x2] =	stream.linear.gather @!p2 [hbm4b:s5+s6], $0x80, $0x38;
	[tilespmem:$0x1C100] =	vst v63  }
0xa9: {  	s4 =	simm.s32 @!p0 $0x1  }
0xaa: {  	_ =	swait.ge @!p0 [sflag:s4], $0x4000  }
0xab: {  	[sflag:s4] =	ssyncset.done @!p0 $0x0  }
0xac: {  	[sflag:s4] =	ssyncadd.s32 @!p0 $0xFFFFC000  }
0xad: {  	_ =	swait.ge @!p0 [sflag:s4], $0x80  }
0xae: {  	[sflag:s4] =	ssyncset.done @!p0 $0x0  }
0xaf: {  	[sflag:s4] =	ssyncadd.s32 @!p0 $0xFFFFFF80;
	s4 =	simm.s32 @!p0 $0x80  }
0xb0: {  	[spmem:s16] =	stream.indirect.scatter.add.f32 @!p0 [tilespmem:s10], [sflag:$0x3], $0x80, s7, s4, $0xb8;
	[tilespmem:$0x1C100] =	vst v63  }
0xb1: {  	s4 =	simm.s32 @!p0 $0x3  }
0xb2: {  	_ =	swait.ge @!p0 [sflag:s4], $0x4000  }
0xb3: {  	[sflag:s4] =	ssyncset.done @!p0 $0x0  }
0xb4: {  	[sflag:s4] =	ssyncadd.s32 @!p0 $0xFFFFC000  }
0xb5: {  	[bflag:$0x0] =	sbarrier.arrive $0xFFFF  }
0xb6: {  	[tilespmem:s30], [sflag:$0x3] =	stream.linear.gather [spmem:s19], $0x4000, $0x38;
	[tilespmem:$0x1C100] =	vst v63  }
0xb7: {  	_ =	swait.ge [sflag:s2], $0x4000  }
0xb8: {  	[sflag:s2] =	ssyncset.done $0x0  }
0xb9: {  	s10 =	rddreg [dreg:$0x9];
	[sflag:s2] =	ssyncadd.s32 $0xFFFFC000  }
0xba: {  	[hbm4b:s10+s13] =	stream.linear.scatter [tilespmem:s30], [sflag:$0x1], $0x4000, $0x38;
	[tilespmem:$0x1C100] =	vst v63  }
0xbb: {  	_ = 	snop  }
0xbc: {  	[tilespmem:s31], [sflag:$0x3] =	stream.linear.gather [spmem:s20], $0x4000, $0x38;
	[tilespmem:$0x1C100] =	vst v63  }
0xbd: {  	_ =	swait.ge [sflag:s2], $0x4000  }
0xbe: {  	[sflag:s2] =	ssyncset.done $0x0  }
0xbf: {  	s11 =	rddreg [dreg:$0xa];
	[sflag:s2] =	ssyncadd.s32 $0xFFFFC000  }
0xc0: {  	[hbm4b:s11+s13] =	stream.linear.scatter [tilespmem:s31], [sflag:$0x2], $0x4000, $0x38;
	[tilespmem:$0x1C100] =	vst v63  }
0xc1: {  	_ =	swait.ge [sflag:s15], $0x4000  }
0xc2: {  	[sflag:s15] =	ssyncset.done $0x0  }
0xc3: {  	[sflag:s15] =	ssyncadd.s32 $0xFFFFC000  }
0xc4: {  	[tilespmem:s30], [sflag:$0x3] =	stream.linear.gather [spmem:s21], $0x4000, $0x38;
	[tilespmem:$0x1C100] =	vst v63  }
0xc5: {  	_ =	swait.ge [sflag:s2], $0x4000  }
0xc6: {  	[sflag:s2] =	ssyncset.done $0x0  }
0xc7: {  	s12 =	rddreg [dreg:$0xb];
	[sflag:s2] =	ssyncadd.s32 $0xFFFFC000  }
0xc8: {  	[hbm4b:s12+s13] =	stream.linear.scatter [tilespmem:s30], [sflag:$0x1], $0x4000, $0x38;
	[tilespmem:$0x1C100] =	vst v63  }
0xc9: {  	_ =	swait.ge [sflag:s0], $0x4000  }
0xca: {  	[sflag:s0] =	ssyncset.done $0x0  }
0xcb: {  	[sflag:s0] =	ssyncadd.s32 $0xFFFFC000  }
0xcc: {  	[tilespmem:s31], [sflag:$0x3] =	stream.linear.gather [spmem:s22], $0x4000, $0x38;
	[tilespmem:$0x1C100] =	vst v63  }
0xcd: {  	_ =	swait.ge [sflag:s2], $0x4000  }
0xce: {  	[sflag:s2] =	ssyncset.done $0x0  }
0xcf: {  	s14 =	rddreg [dreg:$0xc];
	[sflag:s2] =	ssyncadd.s32 $0xFFFFC000  }
0xd0: {  	[hbm4b:s14+s13] =	stream.linear.scatter [tilespmem:s31], [sflag:$0x2], $0x4000, $0x38;
	[tilespmem:$0x1C100] =	vst v63  }
0xd1: {  	_ =	swait.ge [sflag:s15], $0x4000  }
0xd2: {  	[sflag:s15] =	ssyncset.done $0x0  }
0xd3: {  	[sflag:s15] =	ssyncadd.s32 $0xFFFFC000  }
0xd4: {  	[tilespmem:s30], [sflag:$0x3] =	stream.linear.gather [spmem:s23], $0x4000, $0x38;
	[tilespmem:$0x1C100] =	vst v63  }
0xd5: {  	_ =	swait.ge [sflag:s2], $0x4000  }
0xd6: {  	[sflag:s2] =	ssyncset.done $0x0  }
0xd7: {  	s17 =	rddreg [dreg:$0xd];
	[sflag:s2] =	ssyncadd.s32 $0xFFFFC000  }
0xd8: {  	[hbm4b:s17+s13] =	stream.linear.scatter [tilespmem:s30], [sflag:$0x1], $0x4000, $0x38;
	[tilespmem:$0x1C100] =	vst v63  }
0xd9: {  	_ =	swait.ge [sflag:s0], $0x4000  }
0xda: {  	[sflag:s0] =	ssyncset.done $0x0  }
0xdb: {  	[sflag:s0] =	ssyncadd.s32 $0xFFFFC000  }
0xdc: {  	_ =	swait.ge [sflag:s15], $0x4000  }
0xdd: {  	s3 =	sadd.s32 $0x1, s3;
	s24 =	rddreg [dreg:$0x12]  }
0xde: {  	p0 =	sne.s32 s3, s24  }
.Ltmp1:
0xdf: {  	_ = 	snop;
	(pc) =	sbr.rel @p0 .LBB2_1-.Ltmp1, $3  }
0xe0: {  	_ =	sdelay $0x1  }
0xe1: {  	[sflag:s15] =	ssyncset.done $0x0  }
0xe2: {  	[sflag:s15] =	ssyncadd.s32 $0xFFFFC000  }
0xe3: {  	_ =	sfence.sel $0x180000  }
0xe4: {  	[bflag:$0x0] =	sbarrier.arrive $0xFFFF  }
0xe5: {  	_ =	strace $0x9000004A  }
0xe6: {  	s0 =	stileid.u32;
	[bflag:$0x2] =	sbarrier.arrive $0xFFFF  }
0xe7: {  	p0 =	sne.s32 s0, $0x0;
	s0 =	rddreg [dreg:$0x3]  }
0xe8: {  	s0 =	sadd.s32 @!p0 $0x100000, s0  }
0xe9: {  	[sflag:s0] =	ssyncadd.tile.s32 @!p0 $0x1;
	_ =	shalt  }
.Lfunc_end2:
_tile_overlayer_lowered:
.L_overlay_start_2:
0xea: {  	(tag) =	ssettag $0x2  }
0xeb: {  	s0 =	rddreg [dreg:$0x0];
	s2 =	stileid.u32  }
0xec: {  	s1 =	rddreg [dreg:$0x1];
	p0 =	sne.s32 s2, $0x0  }
0xed: {  	s3 =	rddreg [dreg:$0x2];
	[bflag:$0x3] =	sbarrier.arrive $0xFFFF;
	s2 =	simm.s32 @!p0 $0x1C03  }
0xee: {  	[timem:s3], [sflag:s2] =	dma.local @!p0 [hbm:s0], s1  }
0xef: {  	s0 =	simm.s32 @!p0 $0x3  }
0xf0: {  	_ =	swait.ge @!p0 [sflag:s0], s1  }
0xf1: {  	s1 =	ssub.s32 @!p0 $0x0, s1;
	[sflag:s0] =	ssyncset.done @!p0 $0x0  }
0xf2: {  	[sflag:s0] =	ssyncadd.s32 @!p0 s1  }
0xf3: {  	[bflag:$0x3] =	sbarrier.arrive $0xFFFF  }
0xf4: {  	_ =	shalt  }

// kernel: kernel.17.cloned.1.call-start
scs
__scs_entry_jumppad:
0x0: {  	(pc) =	sbr.rel $0x88, $3  }
0x1: {  	(tag) =	ssettag $0x0;
	lr =	simm.s32 $0x1  }
0x2: {  	[smem:$0x3F8F] =	sst lr;
	_ =	strace $0xD0000000  }
0x3: {  	_ = 	snop  }
0x4: {  	_ = 	snop  }
0x5: {  	_ = 	snop  }
0x6: {  	_ = 	snop  }
0x7: {  	_ = 	snop  }
__scs_overlays_trampoline_lowered:
0x8: {  	[smem:$0x3F9E] =	sst s0  }
0x9: {  	[smem:$0x3F9F] =	sst s1  }
0xa: {  	[smem:$0x3FA0] =	sst s2  }
0xb: {  	[smem:$0x3FA1] =	sst s3  }
0xc: {  	[smem:$0x3FA2] =	sst s4  }
0xd: {  	[smem:$0x3FA3] =	sst s5  }
0xe: {  	[smem:$0x3FA4] =	sst s6  }
0xf: {  	[smem:$0x3FA5] =	sst s7  }
0x10: {  	[smem:$0x3FA6] =	sst s8  }
0x11: {  	[smem:$0x3FA7] =	sst s9;
	s0 =	simm.s32 @!p0 $0x0  }
0x12: {  	s1 =	sld [smem:$0x3F8D];
	s0 =	simm.s32 @p0 $0x1  }
0x13: {  	[smem:$0x3FA8] =	sst s0;
	s0 =	simm.s32 @!p1 $0x0  }
0x14: {  	s2 =	sld [smem:$0x3F8C];
	s0 =	simm.s32 @p1 $0x1  }
0x15: {  	[smem:$0x3FA9] =	sst s0;
	s0 =	simm.s32 @!p2 $0x0  }
0x16: {  	s3 =	sld [smem:$0x3FDB];
	s0 =	simm.s32 @p2 $0x1  }
0x17: {  	s4 =	simm.s32 $0x1BF5;
	[smem:$0x3FAB] =	sst s0  }
0x18: {  	s0 =	sld [smem:$0x3F8E];
	_ =	swait.ge [sflag:s4], $0x0  }
0x19: {  	s7 =	sld [smem:$0x3F8F]  }
0x1a: {  	s8 =	sadd.s32 $0xFFFFE003, lr  }
0x1b: {  	s9 =	sadd.s32 $0xFFFFFEF7, lr;
	s5 =	simm.s32 $0xFFFFFFFF;
	p2 =	slt.u32 s8, $0xFFFFF086  }
0x1c: {  	p1 =	slt.u32 s9, $0xF7A;
	s5 =	simm.s32 @!p2 $0x0  }
0x1d: {  	s5 =	simm.s32 @p1 $0x1;
	p0 =	seq.s32 s7, s2  }
0x1e: {  	s7 =	smul.u32 @!p0 $0xF7A, s2;
	p2 =	seq.s32 @!p0 s5, $0x0  }
0x1f: {  	s9 =	smul.u32 $0xF7A, s1;
	s8 =	simm.s32 @!p0 $0x1BF5;
	p2 =	por !p2, p0  }
0x20: {  	[sflag:s8] =	ssyncset.s32 @!p0 $0xFFFFF086;
	s6 =	sadd.s32 @!p0 s3, s7;
	s7 =	simm.s32 @!p0 $0x108  }
0x21: {  	s3 =	sadd.s32 s3, s9;
	s6 =	sadd.s32 @!p0 $0x88, s6;
	s7 =	simm.s32 @p2 $0x1082  }
0x22: {  	[simem:s7], [sflag:s8] =	dma.local @!p0 [hbm:s6], $0xF7A  }
0x23: {  	s9 =	sor.u32 $0xD0000000, s2;
	s6 =	simm.s32 $0x108;
	_ =	swait.ge @!p0 [sflag:s8], $0x0  }
0x24: {  	s3 =	sadd.s32 $0x88, s3;
	s6 =	simm.s32 @!p1 $0x1082;
	[sflag:s4] =	ssyncset.s32 $0xFFFFF086  }
0x25: {  	[simem:s6], [sflag:s4] =	dma.local [hbm:s3], $0xF7A  }
0x26: {  	[smem:$0x3F8F] =	sst s1;
	(tag) =	ssettag s2;
	_ =	strace s9  }
0x27: {  	s1 =	sld [smem:$0x3F9F]  }
0x28: {  	s2 =	sld [smem:$0x3FA0]  }
0x29: {  	s4 =	sld [smem:$0x3FA2]  }
0x2a: {  	p0 =	seq.s32 s5, $0x0;
	s5 =	sld [smem:$0x3FA3]  }
0x2b: {  	s6 =	sld [smem:$0x3FA4]  }
0x2c: {  	s7 =	sld [smem:$0x3FA5]  }
0x2d: {  	s3 =	simm.s32 $0x108;
	s8 =	sld [smem:$0x3FA6]  }
0x2e: {  	s3 =	simm.s32 @!p0 $0x1082;
	s9 =	sld [smem:$0x3FA7]  }
0x2f: {  	lr =	sadd.s32 s0, s3;
	s0 =	sld [smem:$0x3F9E]  }
0x30: {  	s3 =	sld [smem:$0x3FA1]  }
0x31: {  	[smem:$0x3FAA] =	sst s10  }
0x32: {  	s10 =	sld [smem:$0x3FA8];
	_ =	sdelay $0x3  }
0x33: {  	p0 =	seq.s32 s10, $0x1;
	s10 =	sld [smem:$0x3FAA];
	_ =	sdelay $0x3  }
0x34: {  	[smem:$0x3FAA] =	sst s10  }
0x35: {  	s10 =	sld [smem:$0x3FA9];
	_ =	sdelay $0x3  }
0x36: {  	p1 =	seq.s32 s10, $0x1;
	s10 =	sld [smem:$0x3FAA];
	_ =	sdelay $0x3  }
0x37: {  	[smem:$0x3FAA] =	sst s10  }
0x38: {  	s10 =	sld [smem:$0x3FAB]  }
0x39: {  	_ = 	snop;
	(pc) =	sbr.ind lr, $3  }
0x3a: {  	_ = 	snop  }
0x3b: {  	_ = 	snop  }
0x3c: {  	p2 =	seq.s32 s10, $0x1;
	s10 =	sld [smem:$0x3FAA]  }
0x3d: {  	_ =	shalt  }
0x3e: {  	_ =	shalt  }
0x3f: {  	_ =	shalt  }
0x40: {  	_ =	shalt  }
0x41: {  	_ =	shalt  }
0x42: {  	_ =	shalt  }
0x43: {  	_ =	shalt  }
0x44: {  	_ =	shalt  }
0x45: {  	_ =	shalt  }
0x46: {  	_ =	shalt  }
0x47: {  	_ =	shalt  }
0x48: {  	_ =	shalt  }
0x49: {  	_ =	shalt  }
0x4a: {  	_ =	shalt  }
0x4b: {  	_ =	shalt  }
0x4c: {  	_ =	shalt  }
0x4d: {  	_ =	shalt  }
0x4e: {  	_ =	shalt  }
0x4f: {  	_ =	shalt  }
0x50: {  	_ =	shalt  }
0x51: {  	_ =	shalt  }
0x52: {  	_ =	shalt  }
0x53: {  	_ =	shalt  }
0x54: {  	_ =	shalt  }
0x55: {  	_ =	shalt  }
0x56: {  	_ =	shalt  }
0x57: {  	_ =	shalt  }
0x58: {  	_ =	shalt  }
0x59: {  	_ =	shalt  }
0x5a: {  	_ =	shalt  }
0x5b: {  	_ =	shalt  }
0x5c: {  	_ =	shalt  }
0x5d: {  	_ =	shalt  }
0x5e: {  	_ =	shalt  }
0x5f: {  	_ =	shalt  }
0x60: {  	_ =	shalt  }
0x61: {  	_ =	shalt  }
0x62: {  	_ =	shalt  }
0x63: {  	_ =	shalt  }
0x64: {  	_ =	shalt  }
0x65: {  	_ =	shalt  }
0x66: {  	_ =	shalt  }
0x67: {  	_ =	shalt  }
0x68: {  	_ =	shalt  }
0x69: {  	_ =	shalt  }
0x6a: {  	_ =	shalt  }
0x6b: {  	_ =	shalt  }
0x6c: {  	_ =	shalt  }
0x6d: {  	_ =	shalt  }
0x6e: {  	_ =	shalt  }
0x6f: {  	_ =	shalt  }
0x70: {  	_ =	shalt  }
0x71: {  	_ =	shalt  }
0x72: {  	_ =	shalt  }
0x73: {  	_ =	shalt  }
0x74: {  	_ =	shalt  }
0x75: {  	_ =	shalt  }
0x76: {  	_ =	shalt  }
0x77: {  	_ =	shalt  }
0x78: {  	_ =	shalt  }
0x79: {  	_ =	shalt  }
0x7a: {  	_ =	shalt  }
0x7b: {  	_ =	shalt  }
0x7c: {  	_ =	shalt  }
0x7d: {  	_ =	shalt  }
0x7e: {  	_ =	shalt  }
0x7f: {  	_ =	shalt  }
0x80: {  	_ =	shalt  }
0x81: {  	_ =	shalt  }
0x82: {  	_ =	shalt  }
0x83: {  	_ =	shalt  }
0x84: {  	_ =	shalt  }
0x85: {  	_ =	shalt  }
0x86: {  	_ =	shalt  }
0x87: {  	_ =	shalt  }
.Lfunc_end0:
.L_simem_size_0:
called_computation.2_lowered:
.L_overlay_start_0:
0x88: {  	s2 =	sld [smem:$0x3FD9]  }
0x89: {  	s3 =	sld [smem:$0x3FFE];
	_ =	sdelay $0x1  }
0x8a: {  	s1 =	srdreg.scid  }
0x8b: {  	s0 =	sand.u32 $0x1, s1  }
0x8c: {  	s14 =	sshll.u32 s0, $0xA;
	s2 =	sadd.s32 s3, s2  }
0x8d: {  	s2 =	sadd.s32 s2, s14  }
0x8e: {  	[smem:$0x3FB6] =	sst s2  }
0x8f: {  	_ = 	snop  }
0x90: {  	s2 =	sld [smem:$0x3FD0];
	_ =	sdelay $0x2  }
0x91: {  	s15 =	simm.s32 $0xA;
	s4 =	simm.s32 $0x10  }
0x92: {  	[smem:s4], [sflag:s15] =	dma.local [hbm:s2], $0x1  }
0x93: {  	_ =	swait.eq [sflag:s15], $0x1  }
0x94: {  	[sflag:s15] =	ssyncset.done $0x0  }
0x95: {  	[sflag:s15] =	ssyncadd.s32 $0xFFFFFFFF  }
0x96: {  	s16 =	sld [smem:$0x11];
	(tm) =	ssettm $0x1  }
0x97: {  	s17 =	sld [smem:$0x3FFB];
	_ =	sdelay $0x3  }
0x98: {  	_ =	strace s17  }
0x99: {  	s3 =	sld [smem:$0x3FFC];
	_ =	sdelay $0x3  }
0x9a: {  	_ =	strace s3  }
0x9b: {  	s3 =	sld [smem:$0x3FFD];
	_ =	sdelay $0x3  }
0x9c: {  	_ =	strace s3  }
0x9d: {  	_ =	strace $0x8FFFFFFF  }
0x9e: {  	s18 =	sld [smem:$0x3FDB];
	_ =	sdelay $0x1  }
0x9f: {  	s19 =	simm.s32 $_scs_section_size  }
0xa0: {  	s5 =	simm.s32 $_size__tile_overlayer_lowered;
	s6 =	simm.s32 $_tile_overlayer_lowered  }
0xa1: {  	s22 =	simm.s32 $0x1BFF;
	s21 =	sshll.u32 s6, $0x1;
	s3 =	sadd.s32 s19, s18  }
0xa2: {  	s7 =	simm.s32 $0x0;
	s20 =	sshll.u32 s5, $0x1;
	s5 =	sadd.s32 s21, s3  }
0xa3: {  	[timem:s7], [sflag:s22] =	dma.local [hbm:s5], s20  }
0xa4: {  	_ =	swait.ge [sflag:s22], s20  }
0xa5: {  	s4 =	ssub.s32 $0x0, s20;
	[sflag:s22] =	ssyncset.done $0x0  }
0xa6: {  	[sflag:s22] =	ssyncadd.s32 s4;
	_ =	sdelay $0x1  }
0xa7: {  	s23 =	simm.s32 $0x1B8B  }
0xa8: {  	_ =	swait.ge [sflag:s23], $0x1  }
0xa9: {  	[sflag:s23] =	ssyncset.done $0x0  }
0xaa: {  	s25 =	simm.s32 $0x1B8E;
	s24 =	sld [smem:$0x3FFE];
	[sflag:s23] =	ssyncadd.s32 $0xFFFFFFFF  }
0xab: {  	s26 =	simm.s32 $execute0_lowered;
	[smem:$0x3FD2] =	sst s25  }
0xac: {  	s5 =	sshll.u32 s26, $0x1;
	_ =	strace $0x8000004C;
	[dreg:$0x1] =	wrdreg $0xFFFFFFFF  }
0xad: {  	s28 =	simm.s32 $_size_execute0_lowered;
	s3 =	sadd.s32 s3, s5;
	[dreg:$0x0] =	wrdreg $0x0  }
0xae: {  	s5 =	sshll.u32 s28, $0x1;
	[dreg:$0x2] =	wrdreg s3  }
0xaf: {  	[dreg:$0x3] =	wrdreg s5  }
0xb0: {  	[dreg:$0x4] =	wrdreg $0xC0  }
0xb1: {  	_ =	task [dreg:s7], $0x5FFFF  }
0xb2: {  	[dreg:$0x1] =	wrdreg $0xFFFFFFFF  }
0xb3: {  	[dreg:$0x0] =	wrdreg $0x60  }
0xb4: {  	[dreg:$0x2] =	wrdreg s24  }
0xb5: {  	[dreg:$0x3] =	wrdreg s16  }
0xb6: {  	[dreg:$0x4] =	wrdreg $0x9  }
0xb7: {  	_ =	task.clear_ibuf [dreg:s7], $0x5FFFF;
	_ =	strace $0x9000004C  }
0xb8: {  	s29 =	simm.s32 $0x9;
	_ =	strace $0x8000004E  }
0xb9: {  	_ =	swait.ge [sflag:s29], $0x1  }
0xba: {  	[sflag:s29] =	ssyncadd.s32 $0xFFFFFFFF  }
0xbb: {  	_ =	strace $0x9000004E  }
0xbc: {  	_ =	sfence  }
0xbd: {  	s30 =	sld [smem:$0x0];
	_ =	sdelay $0x2  }
0xbe: {  	s31 =	sshll.u32 s1, $0xD;
	s1 =	sshrl.u32 s1, $0x2  }
0xbf: {  	s3 =	sand.u32 $0x4000, s31;
	s1 =	sadd.s32 s1, s30  }
0xc0: {  	s0 =	sor.u32 s3, s0;
	s1 =	sshll.u32 s1, $0x11  }
0xc1: {  	s0 =	sor.u32 s1, s0  }
0xc2: {  	s0 =	sadd.s32 $0x8F2B, s0  }
0xc3: {  	[sflag:s0] =	ssyncadd.remote.s32 $0x1  }
0xc4: {  	_ =	sfence.sel $0xFFFF  }
0xc5: {  	[dreg:$0x0] =	wrdreg $0xFFFFFFFF;
	(pc) =	sbr.abs _section_cstart, $3  }
0xc6: {  	[dreg:$0x1] =	wrdreg $0xFFFFFFFF  }
0xc7: {  	_ =	task.clear_ibuf [dreg:s7], $0x2FFFF;
	_ =	strace $0x9FFFFFFF  }
0xc8: {  	(tm) =	ssettm $0x7FFFFFFF  }
0xc9: {  	_ =	shalt  }
tec
execute0_lowered:
.L_overlay_start_1:
0x0: {  	(tag) =	ssettag $0x1  }
0x1: {  	s0 =	rddreg [dreg:$0x0]  }
0x2: {  	s7 =	rddreg [dreg:$0x1];
	s1 =	stileid.u32  }
0x3: {  	s3 =	srdreg.scid;
	s25 =	smul.u32 $0x28000, s1  }
0x4: {  	s2 =	simm.s32 $0x0;
	s10 =	sand.u32 $0x1, s3;
	s28 =	smul.u32 $0x140000, s1  }
0x5: {  	s15 =	simm.s32 $0x0;
	s21 =	sshll.u32 s1, $0x1;
	s13 =	smul.u32 $0xA0000, s10  }
0x6: {  	[smem:$0x7FF] =	sst s2;
	s4 =	sor.u32 s10, s21;
	s30 =	smul.u32 $0x14000, s10  }
0x7: {  	s3 =	sadd.s32 $0x59000, s0;
	s5 =	sadd.s32 $0x2F2000, s0;
	s8 =	smul.u32 $0x280, s4  }
0x8: {  	_ =	strace $0x8000004D;
	s6 =	ssub.s32 $0x2, s10;
	s9 =	smul.u32 $0x28, s4  }
0x9: {  	s4 =	sadd.s32 $0x81000, s0;
	s12 =	sshrl.u32 s6, $0x1;
	s31 =	sadd.s32 s25, s5  }
0xa: {  	s22 =	ssub.s32 s6, s12;
	s12 =	sadd.s32 s25, s4;
	s13 =	sadd.s32 s13, s28  }
0xb: {  	s10 =	sadd.s32 s30, s31;
	s11 =	sadd.s32 s8, s0;
	s23 =	ssub.s32 $0x4E2, s9  }
0xc: {  	s24 =	sadd.s32 s7, s8;
	s9 =	smax.u32 s22, $0x1;
	s6 =	smin.u32 s23, $0x28  }
0xd: {  	[dreg:$0x5] =	wrdreg s24;
	s8 =	sadd.s32 $0x4000, s11;
	s26 =	sadd.s32 $0x3, s6  }
0xe: {  	s11 =	sadd.s32 s30, s12;
	s29 =	sadd.s32 $0x2, s6;
	[dreg:$0x3] =	wrdreg s26  }
0xf: {  	s12 =	sadd.s32 $0xFFFF8000, s13;
	s13 =	simm.s32 $0x7;
	[dreg:$0x4] =	wrdreg s29  }
.LBB2_1:
0x10: {  	s0 =	simm.s32 $0x0;
	s1 =	rddreg [dreg:$0x5]  }
0x11: {  	[tilespmem:s0], [sflag:$0x7] =	stream.linear.gather [hbm4b:s1+s0], $0x1400, $0x38;
	[tilespmem:$0x1A800] =	vst v63  }
0x12: {  	_ =	swait.ge [sflag:s13], $0x1400  }
0x13: {  	[sflag:s13] =	ssyncset.done $0x0  }
0x14: {  	s26 =	simm.s32 $0x1400;
	[sflag:s13] =	ssyncadd.s32 $0xFFFFEC00  }
0x15: {  	[tilespmem:s26], [sflag:$0x7] =	stream.linear.gather [hbm4b:s8+s0], $0x1400, $0x38;
	[tilespmem:$0x1A800] =	vst v63  }
0x16: {  	_ =	swait.ge [sflag:s13], $0x1400  }
0x17: {  	p1 =	por $0x1, $0x1;
	s0 =	rddreg [dreg:$0x3]  }
0x18: {  	p0 =	sle.u32 @!p1 s0, $0x0  }
0x19: {  	[sflag:s13] =	ssyncset.done $0x0;
	p2 =	por p0, p1  }
0x1a: {  	[sflag:s13] =	ssyncadd.s32 $0xFFFFEC00;
	s0 =	simm.s32 @!p2 $0x4  }
0x1b: {  	_ =	swait.ge @!p2 [sflag:s0], $0x4000  }
0x1c: {  	[sflag:s0] =	ssyncset.done @!p2 $0x0  }
0x1d: {  	p3 =	sle.u32 s6, $0x0;
	[sflag:s0] =	ssyncadd.s32 @!p2 $0xFFFFC000  }
0x1e: {  	s16 =	simm.s32 @!p3 $0x80;
	s21 =	simm.s32 @!p3 $0x2800;
	_ =	swait.ge @!p2 [sflag:s0], $0x4000  }
0x1f: {  	p0 =	por p3, p3;
	[sflag:s0] =	ssyncset.done @!p2 $0x0;
	s17 =	rddreg [dreg:$0x4]  }
0x20: {  	[sflag:s0] =	ssyncadd.s32 @!p2 $0xFFFFC000;
	s0 =	simm.s32 @!p0 $0x0;
	p2 =	sle.u32 @!p1 s17, $0x0  }
0x21: {  	[tilespmem:s21], [sflag:$0x1] =	stream.indirect.gather @!p0 [hbm4b:s3+s16], $0x80, s0, s16, $0xb8;
	[tilespmem:$0x1A800] =	vst v63  }
0x22: {  	p3 =	por p2, p1  }
0x23: {  	s22 =	simm.s32 @!p0 $0xE800;
	s0 =	simm.s32 @!p0 $0x1400;
	s17 =	simm.s32 @!p3 $0x2  }
0x24: {  	[tilespmem:s22], [sflag:$0x1] =	stream.indirect.gather @!p0 [hbm4b:s3+s16], $0x80, s0, s16, $0xb8;
	[tilespmem:$0x1A800] =	vst v63  }
0x25: {  	_ =	swait.ge @!p3 [sflag:s17], $0x4000  }
0x26: {  	[sflag:s17] =	ssyncset.done @!p3 $0x0  }
0x27: {  	[sflag:s17] =	ssyncadd.s32 @!p3 $0xFFFFC000  }
0x28: {  	p4 =	sle.u32 s6, $0x1;
	_ =	swait.ge @!p3 [sflag:s17], $0x4000  }
0x29: {  	s18 =	simm.s32 @!p3 $0x0;
	s0 =	sshrl.u32 @!p3 s12, $0x3;
	[sflag:s17] =	ssyncset.done @!p3 $0x0  }
0x2a: {  	s19 =	simm.s32 @!p3 $0x6800;
	s16 =	sadd.s32 @!p3 s4, s0;
	[sflag:s17] =	ssyncadd.s32 @!p3 $0xFFFFC000  }
0x2b: {  	[hbm4b:s16+s18] =	stream.linear.scatter @!p3 [tilespmem:s19], [sflag:$0x5], $0x4000, $0x38;
	[tilespmem:$0x1A800] =	vst v63  }
0x2c: {  	s0 =	sadd.s32 @!p3 s5, s0;
	s17 =	simm.s32 @!p3 $0x5;
	s16 =	simm.s32 @!p3 $0x12800  }
0x2d: {  	[hbm4b:s0+s18] =	stream.linear.scatter @!p3 [tilespmem:s16], [sflag:$0x5], $0x4000, $0x38;
	[tilespmem:$0x1A800] =	vst v63  }
0x2e: {  	s25 =	simm.s32 $0x6;
	s28 =	simm.s32 $0x0;
	_ =	swait.ge @!p3 [sflag:s17], $0x4000  }
0x2f: {  	s20 =	simm.s32 @!p4 $0x80;
	p2 =	slt.u32 @!p1 s6, $0x0;
	[sflag:s17] =	ssyncset.done @!p3 $0x0  }
0x30: {  	s23 =	simm.s32 @!p4 $0x6800;
	p2 =	por p2, p1;
	[sflag:s17] =	ssyncadd.s32 @!p3 $0xFFFFC000  }
0x31: {  	s26 =	simm.s32 $0x0;
	s24 =	sadd.s32 @!p2 $0x4000, s12;
	_ =	swait.ge @!p3 [sflag:s17], $0x4000  }
0x32: {  	s31 =	simm.s32 @!p2 $0x16800;
	s19 =	simm.s32 $0x3;
	[sflag:s17] =	ssyncset.done @!p3 $0x0  }
0x33: {  	s16 =	simm.s32 $0x600;
	s0 =	simm.s32 @!p4 $0x80;
	[sflag:s17] =	ssyncadd.s32 @!p3 $0xFFFFC000  }
0x34: {  	[tilespmem:s23], [sflag:$0x2] =	stream.indirect.gather @!p4 [hbm4b:s3+s20], $0x80, s0, s20, $0xb8;
	[tilespmem:$0x1A800] =	vst v63  }
0x35: {  	s18 =	simm.s32 @!p4 $0x12800;
	s17 =	simm.s32 @!p4 $0x1480;
	s0 =	simm.s32 @!p2 $0x3  }
0x36: {  	[tilespmem:s18], [sflag:$0x2] =	stream.indirect.gather @!p4 [hbm4b:s3+s20], $0x80, s17, s20, $0xb8;
	[tilespmem:$0x1A800] =	vst v63  }
0x37: {  	s23 =	sshrl.u32 @!p2 s24, $0x3;
	s24 =	simm.s32 $0xC00;
	_ =	swait.ge @!p2 [sflag:s0], $0x4000  }
0x38: {  	s30 =	sadd.s32 @!p2 s4, s23;
	s29 =	sadd.s32 @!p2 s5, s23;
	[sflag:s0] =	ssyncset.done @!p2 $0x0  }
0x39: {  	s23 =	smov.u32 s10;
	s20 =	sadd.s32 $0xC000, s12;
	[sflag:s0] =	ssyncadd.s32 @!p2 $0xFFFFC000  }
0x3a: {  	s18 =	smov.u32 s11;
	s17 =	smov.u32 s10;
	_ =	swait.ge @!p2 [sflag:s0], $0x4000  }
.LBB2_2:
0x3b: {  	[sflag:s0] =	ssyncset.done @!p2 $0x0  }
0x3c: {  	s14 =	simm.s32 @!p2 $0xA800;
	[sflag:s0] =	ssyncadd.s32 @!p2 $0xFFFFC000;
	s0 =	simm.s32 @!p2 $0x0  }
0x3d: {  	[hbm4b:s30+s0] =	stream.linear.scatter @!p2 [tilespmem:s14], [sflag:$0x6], $0x4000, $0x38;
	[tilespmem:$0x1A800] =	vst v63  }
0x3e: {  	s14 =	simm.s32 @!p2 $0x6  }
0x3f: {  	[hbm4b:s29+s0] =	stream.linear.scatter @!p2 [tilespmem:s31], [sflag:$0x6], $0x4000, $0x38;
	[tilespmem:$0x1A800] =	vst v63  }
0x40: {  	_ =	swait.ge @!p2 [sflag:s14], $0x4000  }
0x41: {  	s26 =	sadd.s32 $0x2, s26;
	[sflag:s14] =	ssyncset.done @!p2 $0x0  }
0x42: {  	s1 =	smov.u32 s24;
	p3 =	sge.u32 s26, s6;
	[sflag:s14] =	ssyncadd.s32 @!p2 $0xFFFFC000  }
0x43: {  	s2 =	simm.s32 @!p3 $0x80;
	s0 =	sshra.s32 @!p3 s28, $0x2;
	_ =	swait.ge @!p2 [sflag:s14], $0x4000  }
0x44: {  	s29 =	simm.s32 @!p3 $0x16800;
	s31 =	simm.s32 @!p3 $0xA800;
	[sflag:s14] =	ssyncset.done @!p2 $0x0  }
0x45: {  	s28 =	smov.u32 s16;
	s30 =	sadd.s32 @!p3 $0x100, s0;
	[sflag:s14] =	ssyncadd.s32 @!p2 $0xFFFFC000  }
0x46: {  	[tilespmem:s31], [sflag:$0x3] =	stream.indirect.gather @!p3 [hbm4b:s3+s2], $0x80, s30, s2, $0xb8;
	[tilespmem:$0x1A800] =	vst v63  }
0x47: {  	s16 =	smov.u32 s1;
	s1 =	simm.s32 @!p0 $0x1;
	s0 =	sadd.s32 @!p3 $0x1500, s0  }
0x48: {  	[tilespmem:s29], [sflag:$0x3] =	stream.indirect.gather @!p3 [hbm4b:s3+s2], $0x80, s0, s2, $0xb8;
	[tilespmem:$0x1A800] =	vst v63  }
0x49: {  	_ =	swait.ge @!p0 [sflag:s1], $0x4000  }
0x4a: {  	[sflag:s1] =	ssyncset.done @!p0 $0x0  }
0x4b: {  	[sflag:s1] =	ssyncadd.s32 @!p0 $0xFFFFC000  }
0x4c: {  	s26 =	smov.u32 s19;
	_ =	swait.ge @!p0 [sflag:s1], $0x4000  }
0x4d: {  	p2 =	seq.s32 s28, $0x0;
	s2 =	rddreg [dreg:$0x3];
	[sflag:s1] =	ssyncset.done @!p0 $0x0  }
0x4e: {  	s0 =	simm.s32 @!p0 $0x0;
	[sflag:s1] =	ssyncadd.s32 @!p0 $0xFFFFC000;
	p3 =	sge.u32 @!p2 s26, s2  }
0x4f: {  	[hbm4b:s18+s0] =	stream.linear.scatter @!p0 [tilespmem:s21], [sflag:$0x4], $0x4000, $0x38;
	[tilespmem:$0x1A800] =	vst v63  }
0x50: {  	p3 =	por p3, p2  }
0x51: {  	s1 =	simm.s32 @!p3 $0x4  }
0x52: {  	[hbm4b:s23+s0] =	stream.linear.scatter @!p0 [tilespmem:s22], [sflag:$0x4], $0x4000, $0x38;
	[tilespmem:$0x1A800] =	vst v63  }
0x53: {  	_ =	swait.ge @!p3 [sflag:s1], $0x4000  }
0x54: {  	[sflag:s1] =	ssyncset.done @!p3 $0x0  }
0x55: {  	p4 =	sge.u32 s26, s6;
	[sflag:s1] =	ssyncadd.s32 @!p3 $0xFFFFC000  }
0x56: {  	s21 =	simm.s32 @!p4 $0x2800;
	s0 =	simm.s32 @!p4 $0x80;
	_ =	swait.ge @!p3 [sflag:s1], $0x4000  }
0x57: {  	p0 =	por p4, p4;
	[sflag:s1] =	ssyncset.done @!p3 $0x0;
	s2 =	rddreg [dreg:$0x4]  }
0x58: {  	[sflag:s1] =	ssyncadd.s32 @!p3 $0xFFFFC000;
	s1 =	sshra.s32 @!p0 s28, $0x2;
	p3 =	sge.u32 @!p2 s26, s2  }
0x59: {  	[tilespmem:s21], [sflag:$0x1] =	stream.indirect.gather @!p0 [hbm4b:s3+s0], $0x80, s1, s0, $0xb8;
	[tilespmem:$0x1A800] =	vst v63  }
0x5a: {  	p3 =	por p3, p2  }
0x5b: {  	s22 =	simm.s32 @!p0 $0xE800;
	s1 =	sadd.s32 @!p0 $0x1400, s1;
	s2 =	simm.s32 @!p3 $0x2  }
0x5c: {  	[tilespmem:s22], [sflag:$0x1] =	stream.indirect.gather @!p0 [hbm4b:s3+s0], $0x80, s1, s0, $0xb8;
	[tilespmem:$0x1A800] =	vst v63  }
0x5d: {  	_ =	swait.ge @!p3 [sflag:s2], $0x4000  }
0x5e: {  	[sflag:s2] =	ssyncset.done @!p3 $0x0  }
0x5f: {  	[sflag:s2] =	ssyncadd.s32 @!p3 $0xFFFFC000  }
0x60: {  	_ =	swait.ge @!p3 [sflag:s2], $0x4000  }
0x61: {  	s14 =	sshrl.u32 @!p3 s20, $0x3;
	s29 =	simm.s32 @!p3 $0x0;
	[sflag:s2] =	ssyncset.done @!p3 $0x0  }
0x62: {  	s30 =	simm.s32 @!p3 $0x6800;
	s0 =	sadd.s32 @!p3 s4, s14;
	[sflag:s2] =	ssyncadd.s32 @!p3 $0xFFFFC000  }
0x63: {  	[hbm4b:s0+s29] =	stream.linear.scatter @!p3 [tilespmem:s30], [sflag:$0x5], $0x4000, $0x38;
	[tilespmem:$0x1A800] =	vst v63  }
0x64: {  	s14 =	sadd.s32 @!p3 s5, s14;
	s2 =	simm.s32 @!p3 $0x12800;
	s0 =	simm.s32 @!p3 $0x5  }
0x65: {  	[hbm4b:s14+s29] =	stream.linear.scatter @!p3 [tilespmem:s2], [sflag:$0x5], $0x4000, $0x38;
	[tilespmem:$0x1A800] =	vst v63  }
0x66: {  	s24 =	sadd.s32 $0x600, s24;
	_ =	swait.ge @!p3 [sflag:s0], $0x4000  }
0x67: {  	s17 =	sadd.s32 $0x1800, s17;
	p1 =	sne.s32 s24, $0x6000;
	[sflag:s0] =	ssyncset.done @!p3 $0x0  }
0x68: {  	s19 =	smov.u32 s25;
	s7 =	sadd.s32 $0x1, s26;
	[sflag:s0] =	ssyncadd.s32 @!p3 $0xFFFFC000  }
0x69: {  	p5 =	sgt.u32 @!p2 s26, s6;
	p4 =	sge.u32 s7, s6;
	_ =	swait.ge @!p3 [sflag:s0], $0x4000  }
0x6a: {  	s7 =	simm.s32 @!p4 $0x6800;
	s2 =	sshra.s32 @!p4 s28, $0x2;
	[sflag:s0] =	ssyncset.done @!p3 $0x0  }
0x6b: {  	s14 =	simm.s32 @!p4 $0x80;
	s31 =	sadd.s32 @!p4 $0x80, s2;
	[sflag:s0] =	ssyncadd.s32 @!p3 $0xFFFFC000  }
0x6c: {  	[tilespmem:s7], [sflag:$0x2] =	stream.indirect.gather @!p4 [hbm4b:s3+s14], $0x80, s31, s14, $0xb8;
	[tilespmem:$0x1A800] =	vst v63  }
0x6d: {  	p2 =	por p5, p2;
	s1 =	simm.s32 @!p4 $0x12800;
	s2 =	sadd.s32 @!p4 $0x1480, s2  }
0x6e: {  	[tilespmem:s1], [sflag:$0x2] =	stream.indirect.gather @!p4 [hbm4b:s3+s14], $0x80, s2, s14, $0xb8;
	[tilespmem:$0x1A800] =	vst v63  }
.Ltmp0:
0x6f: {  	s25 =	sadd.s32 $0x3, s25;
	s0 =	simm.s32 @!p2 $0x3;
	(pc) =	sbr.rel @p1 .LBB2_2-.Ltmp0, $4  }
0x70: {  	s18 =	sadd.s32 $0x1800, s18;
	s29 =	sadd.s32 @!p2 $0x4000, s20;
	_ =	swait.ge @!p2 [sflag:s0], $0x4000  }
0x71: {  	s23 =	smov.u32 s17;
	s29 =	sshrl.u32 @!p2 s29, $0x3;
	[sflag:s0] =	ssyncset.done @!p2 $0x0  }
0x72: {  	s20 =	sadd.s32 $0xC000, s20;
	s30 =	sadd.s32 @!p2 s4, s29;
	[sflag:s0] =	ssyncadd.s32 @!p2 $0xFFFFC000  }
0x73: {  	s29 =	sadd.s32 @!p2 s5, s29;
	s31 =	simm.s32 @!p2 $0x16800;
	_ =	swait.ge @!p2 [sflag:s0], $0x4000  }
0x74: {  	[sflag:s0] =	ssyncset.done @!p2 $0x0  }
0x75: {  	s1 =	simm.s32 @!p2 $0xA800;
	[sflag:s0] =	ssyncadd.s32 @!p2 $0xFFFFC000;
	s0 =	simm.s32 @!p2 $0x0  }
0x76: {  	[hbm4b:s30+s0] =	stream.linear.scatter @!p2 [tilespmem:s1], [sflag:$0x6], $0x4000, $0x38;
	[tilespmem:$0x1A800] =	vst v63  }
0x77: {  	s1 =	simm.s32 @!p2 $0x6  }
0x78: {  	[hbm4b:s29+s0] =	stream.linear.scatter @!p2 [tilespmem:s31], [sflag:$0x6], $0x4000, $0x38;
	[tilespmem:$0x1A800] =	vst v63  }
0x79: {  	_ =	swait.ge @!p2 [sflag:s1], $0x4000  }
0x7a: {  	[sflag:s1] =	ssyncset.done @!p2 $0x0  }
0x7b: {  	s29 =	sadd.s32 $0x2, s26;
	[sflag:s1] =	ssyncadd.s32 @!p2 $0xFFFFC000  }
0x7c: {  	p1 =	sge.u32 s29, s6;
	_ =	swait.ge @!p2 [sflag:s1], $0x4000  }
0x7d: {  	s0 =	sshra.s32 @!p1 s28, $0x2;
	s7 =	simm.s32 @!p1 $0xA800;
	[sflag:s1] =	ssyncset.done @!p2 $0x0  }
0x7e: {  	s14 =	simm.s32 @!p1 $0x80;
	s2 =	sadd.s32 @!p1 $0x100, s0;
	[sflag:s1] =	ssyncadd.s32 @!p2 $0xFFFFC000  }
0x7f: {  	[tilespmem:s7], [sflag:$0x3] =	stream.indirect.gather @!p1 [hbm4b:s3+s14], $0x80, s2, s14, $0xb8;
	[tilespmem:$0x1A800] =	vst v63  }
0x80: {  	s0 =	sadd.s32 @!p1 $0x1500, s0;
	s1 =	simm.s32 @!p1 $0x16800;
	s2 =	simm.s32 @!p0 $0x1  }
0x81: {  	[tilespmem:s1], [sflag:$0x3] =	stream.indirect.gather @!p1 [hbm4b:s3+s14], $0x80, s0, s14, $0xb8;
	[tilespmem:$0x1A800] =	vst v63  }
0x82: {  	_ =	swait.ge @!p0 [sflag:s2], $0x4000  }
0x83: {  	[sflag:s2] =	ssyncset.done @!p0 $0x0  }
0x84: {  	[sflag:s2] =	ssyncadd.s32 @!p0 $0xFFFFC000  }
0x85: {  	_ =	swait.ge @!p0 [sflag:s2], $0x4000  }
0x86: {  	p1 =	seq.s32 s16, $0x0;
	s0 =	rddreg [dreg:$0x3];
	[sflag:s2] =	ssyncset.done @!p0 $0x0  }
0x87: {  	s1 =	simm.s32 @!p0 $0x0;
	[sflag:s2] =	ssyncadd.s32 @!p0 $0xFFFFC000;
	p2 =	sge.u32 @!p1 s19, s0  }
0x88: {  	[hbm4b:s18+s1] =	stream.linear.scatter @!p0 [tilespmem:s21], [sflag:$0x4], $0x4000, $0x38;
	[tilespmem:$0x1A800] =	vst v63  }
0x89: {  	p2 =	por p2, p1  }
0x8a: {  	s0 =	simm.s32 @!p2 $0x4  }
0x8b: {  	[hbm4b:s23+s1] =	stream.linear.scatter @!p0 [tilespmem:s22], [sflag:$0x4], $0x4000, $0x38;
	[tilespmem:$0x1A800] =	vst v63  }
0x8c: {  	_ =	swait.ge @!p2 [sflag:s0], $0x4000  }
0x8d: {  	[sflag:s0] =	ssyncset.done @!p2 $0x0  }
0x8e: {  	p3 =	sge.u32 s19, s6;
	[sflag:s0] =	ssyncadd.s32 @!p2 $0xFFFFC000  }
0x8f: {  	s21 =	simm.s32 @!p3 $0x2800;
	s1 =	simm.s32 @!p3 $0x80;
	_ =	swait.ge @!p2 [sflag:s0], $0x4000  }
0x90: {  	p0 =	por p3, p3;
	[sflag:s0] =	ssyncset.done @!p2 $0x0;
	s2 =	rddreg [dreg:$0x4]  }
0x91: {  	[sflag:s0] =	ssyncadd.s32 @!p2 $0xFFFFC000;
	s0 =	sshra.s32 @!p0 s16, $0x2;
	p2 =	sge.u32 @!p1 s19, s2  }
0x92: {  	[tilespmem:s21], [sflag:$0x1] =	stream.indirect.gather @!p0 [hbm4b:s3+s1], $0x80, s0, s1, $0xb8;
	[tilespmem:$0x1A800] =	vst v63  }
0x93: {  	p2 =	por p2, p1  }
0x94: {  	s22 =	simm.s32 @!p0 $0xE800;
	s0 =	sadd.s32 @!p0 $0x1400, s0;
	s2 =	simm.s32 @!p2 $0x2  }
0x95: {  	[tilespmem:s22], [sflag:$0x1] =	stream.indirect.gather @!p0 [hbm4b:s3+s1], $0x80, s0, s1, $0xb8;
	[tilespmem:$0x1A800] =	vst v63  }
0x96: {  	_ =	swait.ge @!p2 [sflag:s2], $0x4000  }
0x97: {  	[sflag:s2] =	ssyncset.done @!p2 $0x0  }
0x98: {  	[sflag:s2] =	ssyncadd.s32 @!p2 $0xFFFFC000  }
0x99: {  	_ =	swait.ge @!p2 [sflag:s2], $0x4000  }
0x9a: {  	s7 =	simm.s32 @!p2 $0x0;
	s0 =	sshrl.u32 @!p2 s20, $0x3;
	[sflag:s2] =	ssyncset.done @!p2 $0x0  }
0x9b: {  	s14 =	simm.s32 @!p2 $0x6800;
	s1 =	sadd.s32 @!p2 s4, s0;
	[sflag:s2] =	ssyncadd.s32 @!p2 $0xFFFFC000  }
0x9c: {  	[hbm4b:s1+s7] =	stream.linear.scatter @!p2 [tilespmem:s14], [sflag:$0x5], $0x4000, $0x38;
	[tilespmem:$0x1A800] =	vst v63  }
0x9d: {  	s0 =	sadd.s32 @!p2 s5, s0;
	s2 =	simm.s32 @!p2 $0x5;
	s1 =	simm.s32 @!p2 $0x12800  }
0x9e: {  	[hbm4b:s0+s7] =	stream.linear.scatter @!p2 [tilespmem:s1], [sflag:$0x5], $0x4000, $0x38;
	[tilespmem:$0x1A800] =	vst v63  }
0x9f: {  	_ =	swait.ge @!p2 [sflag:s2], $0x4000  }
0xa0: {  	[sflag:s2] =	ssyncset.done @!p2 $0x0  }
0xa1: {  	s30 =	sadd.s32 $0x1, s19;
	p3 =	sgt.u32 @!p1 s19, s6;
	[sflag:s2] =	ssyncadd.s32 @!p2 $0xFFFFC000  }
0xa2: {  	p4 =	sge.u32 s30, s6;
	p1 =	por p3, p1;
	_ =	swait.ge @!p2 [sflag:s2], $0x4000  }
0xa3: {  	s14 =	simm.s32 @!p4 $0x6800;
	s0 =	sshra.s32 @!p4 s16, $0x2;
	[sflag:s2] =	ssyncset.done @!p2 $0x0  }
0xa4: {  	s1 =	simm.s32 @!p4 $0x80;
	s7 =	sadd.s32 @!p4 $0x80, s0;
	[sflag:s2] =	ssyncadd.s32 @!p2 $0xFFFFC000  }
0xa5: {  	[tilespmem:s14], [sflag:$0x2] =	stream.indirect.gather @!p4 [hbm4b:s3+s1], $0x80, s7, s1, $0xb8;
	[tilespmem:$0x1A800] =	vst v63  }
0xa6: {  	s0 =	sadd.s32 @!p4 $0x1480, s0;
	s2 =	simm.s32 @!p4 $0x12800;
	s7 =	simm.s32 @!p1 $0x3  }
0xa7: {  	[tilespmem:s2], [sflag:$0x2] =	stream.indirect.gather @!p4 [hbm4b:s3+s1], $0x80, s0, s1, $0xb8;
	[tilespmem:$0x1A800] =	vst v63  }
0xa8: {  	_ =	swait.ge @!p1 [sflag:s7], $0x4000  }
0xa9: {  	[sflag:s7] =	ssyncset.done @!p1 $0x0  }
0xaa: {  	[sflag:s7] =	ssyncadd.s32 @!p1 $0xFFFFC000  }
0xab: {  	s0 =	sadd.s32 @!p1 $0x4000, s20;
	_ =	swait.ge @!p1 [sflag:s7], $0x4000  }
0xac: {  	s2 =	simm.s32 @!p1 $0x0;
	s0 =	sshrl.u32 @!p1 s0, $0x3;
	[sflag:s7] =	ssyncset.done @!p1 $0x0  }
0xad: {  	s1 =	sadd.s32 @!p1 s4, s0;
	[sflag:s7] =	ssyncadd.s32 @!p1 $0xFFFFC000;
	s7 =	simm.s32 @!p1 $0xA800  }
0xae: {  	[hbm4b:s1+s2] =	stream.linear.scatter @!p1 [tilespmem:s7], [sflag:$0x6], $0x4000, $0x38;
	[tilespmem:$0x1A800] =	vst v63  }
0xaf: {  	s0 =	sadd.s32 @!p1 s5, s0;
	s1 =	simm.s32 @!p1 $0x16800;
	s7 =	simm.s32 @!p1 $0x6  }
0xb0: {  	[hbm4b:s0+s2] =	stream.linear.scatter @!p1 [tilespmem:s1], [sflag:$0x6], $0x4000, $0x38;
	[tilespmem:$0x1A800] =	vst v63  }
0xb1: {  	_ =	swait.ge @!p1 [sflag:s7], $0x4000  }
0xb2: {  	[sflag:s7] =	ssyncset.done @!p1 $0x0  }
0xb3: {  	s31 =	sadd.s32 $0x2, s19;
	[sflag:s7] =	ssyncadd.s32 @!p1 $0xFFFFC000  }
0xb4: {  	p2 =	sge.u32 s31, s6;
	_ =	swait.ge @!p1 [sflag:s7], $0x4000  }
0xb5: {  	s14 =	simm.s32 @!p2 $0x80;
	s0 =	sshra.s32 @!p2 s16, $0x2;
	[sflag:s7] =	ssyncset.done @!p1 $0x0  }
0xb6: {  	s2 =	simm.s32 @!p2 $0xA800;
	s1 =	sadd.s32 @!p2 $0x100, s0;
	[sflag:s7] =	ssyncadd.s32 @!p1 $0xFFFFC000  }
0xb7: {  	[tilespmem:s2], [sflag:$0x3] =	stream.indirect.gather @!p2 [hbm4b:s3+s14], $0x80, s1, s14, $0xb8;
	[tilespmem:$0x1A800] =	vst v63  }
0xb8: {  	s0 =	sadd.s32 @!p2 $0x1500, s0;
	s1 =	simm.s32 @!p2 $0x16800;
	s2 =	simm.s32 @!p0 $0x1  }
0xb9: {  	[tilespmem:s1], [sflag:$0x3] =	stream.indirect.gather @!p2 [hbm4b:s3+s14], $0x80, s0, s14, $0xb8;
	[tilespmem:$0x1A800] =	vst v63  }
0xba: {  	_ =	swait.ge @!p0 [sflag:s2], $0x4000  }
0xbb: {  	[sflag:s2] =	ssyncset.done @!p0 $0x0  }
0xbc: {  	[sflag:s2] =	ssyncadd.s32 @!p0 $0xFFFFC000  }
0xbd: {  	_ =	swait.ge @!p0 [sflag:s2], $0x4000  }
0xbe: {  	[sflag:s2] =	ssyncset.done @!p0 $0x0  }
0xbf: {  	s0 =	sadd.s32 $0x1800, s18;
	s1 =	simm.s32 @!p0 $0x0;
	[sflag:s2] =	ssyncadd.s32 @!p0 $0xFFFFC000  }
0xc0: {  	[hbm4b:s0+s1] =	stream.linear.scatter @!p0 [tilespmem:s21], [sflag:$0x4], $0x4000, $0x38;
	[tilespmem:$0x1A800] =	vst v63  }
0xc1: {  	s15 =	sadd.s32 $0x1, s15;
	s0 =	sadd.s32 $0x1800, s17  }
0xc2: {  	[hbm4b:s0+s1] =	stream.linear.scatter @!p0 [tilespmem:s22], [sflag:$0x4], $0x4000, $0x38;
	[tilespmem:$0x1A800] =	vst v63  }
0xc3: {  	p0 =	sne.s32 s15, s9  }
.Ltmp1:
0xc4: {  	_ = 	snop;
	(pc) =	sbr.rel @p0 .LBB2_1-.Ltmp1, $1  }
0xc5: {  	_ =	sdelay $0x3  }
0xc6: {  	_ =	sfence.sel $0x180000  }
0xc7: {  	[bflag:$0x0] =	sbarrier.arrive $0xFFFF  }
0xc8: {  	_ =	strace $0x9000004D  }
0xc9: {  	s0 =	stileid.u32;
	[bflag:$0x2] =	sbarrier.arrive $0xFFFF  }
0xca: {  	p0 =	sne.s32 s0, $0x0;
	s0 =	rddreg [dreg:$0x2]  }
0xcb: {  	s0 =	sadd.s32 @!p0 $0x100000, s0  }
0xcc: {  	[sflag:s0] =	ssyncadd.tile.s32 @!p0 $0x1;
	_ =	shalt  }
.Lfunc_end2:
_tile_overlayer_lowered:
.L_overlay_start_2:
0xcd: {  	(tag) =	ssettag $0x2  }
0xce: {  	s0 =	rddreg [dreg:$0x0];
	s2 =	stileid.u32  }
0xcf: {  	s1 =	rddreg [dreg:$0x1];
	p0 =	sne.s32 s2, $0x0  }
0xd0: {  	s3 =	rddreg [dreg:$0x2];
	[bflag:$0x3] =	sbarrier.arrive $0xFFFF;
	s2 =	simm.s32 @!p0 $0x1C07  }
0xd1: {  	[timem:s3], [sflag:s2] =	dma.local @!p0 [hbm:s0], s1  }
0xd2: {  	s0 =	simm.s32 @!p0 $0x7  }
0xd3: {  	_ =	swait.ge @!p0 [sflag:s0], s1  }
0xd4: {  	s1 =	ssub.s32 @!p0 $0x0, s1;
	[sflag:s0] =	ssyncset.done @!p0 $0x0  }
0xd5: {  	[sflag:s0] =	ssyncadd.s32 @!p0 s1  }
0xd6: {  	[bflag:$0x3] =	sbarrier.arrive $0xFFFF  }
0xd7: {  	_ =	shalt  }

// kernel: kernel.20.cloned.1.call-start
scs
__scs_entry_jumppad:
0x0: {  	(pc) =	sbr.rel $0x88, $3  }
0x1: {  	(tag) =	ssettag $0x0;
	lr =	simm.s32 $0x1  }
0x2: {  	[smem:$0x3F8F] =	sst lr;
	_ =	strace $0xD0000000  }
0x3: {  	_ = 	snop  }
0x4: {  	_ = 	snop  }
0x5: {  	_ = 	snop  }
0x6: {  	_ = 	snop  }
0x7: {  	_ = 	snop  }
__scs_overlays_trampoline_lowered:
0x8: {  	[smem:$0x3F9E] =	sst s0  }
0x9: {  	[smem:$0x3F9F] =	sst s1  }
0xa: {  	[smem:$0x3FA0] =	sst s2  }
0xb: {  	[smem:$0x3FA1] =	sst s3  }
0xc: {  	[smem:$0x3FA2] =	sst s4  }
0xd: {  	[smem:$0x3FA3] =	sst s5  }
0xe: {  	[smem:$0x3FA4] =	sst s6  }
0xf: {  	[smem:$0x3FA5] =	sst s7  }
0x10: {  	[smem:$0x3FA6] =	sst s8  }
0x11: {  	[smem:$0x3FA7] =	sst s9;
	s0 =	simm.s32 @!p0 $0x0  }
0x12: {  	s1 =	sld [smem:$0x3F8D];
	s0 =	simm.s32 @p0 $0x1  }
0x13: {  	[smem:$0x3FA8] =	sst s0;
	s0 =	simm.s32 @!p1 $0x0  }
0x14: {  	s2 =	sld [smem:$0x3F8C];
	s0 =	simm.s32 @p1 $0x1  }
0x15: {  	[smem:$0x3FA9] =	sst s0;
	s0 =	simm.s32 @!p2 $0x0  }
0x16: {  	s3 =	sld [smem:$0x3FDB];
	s0 =	simm.s32 @p2 $0x1  }
0x17: {  	s4 =	simm.s32 $0x1BF5;
	[smem:$0x3FAB] =	sst s0  }
0x18: {  	s0 =	sld [smem:$0x3F8E];
	_ =	swait.ge [sflag:s4], $0x0  }
0x19: {  	s7 =	sld [smem:$0x3F8F]  }
0x1a: {  	s8 =	sadd.s32 $0xFFFFE003, lr  }
0x1b: {  	s9 =	sadd.s32 $0xFFFFFEF7, lr;
	s5 =	simm.s32 $0xFFFFFFFF;
	p2 =	slt.u32 s8, $0xFFFFF086  }
0x1c: {  	p1 =	slt.u32 s9, $0xF7A;
	s5 =	simm.s32 @!p2 $0x0  }
0x1d: {  	s5 =	simm.s32 @p1 $0x1;
	p0 =	seq.s32 s7, s2  }
0x1e: {  	s7 =	smul.u32 @!p0 $0xF7A, s2;
	p2 =	seq.s32 @!p0 s5, $0x0  }
0x1f: {  	s9 =	smul.u32 $0xF7A, s1;
	s8 =	simm.s32 @!p0 $0x1BF5;
	p2 =	por !p2, p0  }
0x20: {  	[sflag:s8] =	ssyncset.s32 @!p0 $0xFFFFF086;
	s6 =	sadd.s32 @!p0 s3, s7;
	s7 =	simm.s32 @!p0 $0x108  }
0x21: {  	s3 =	sadd.s32 s3, s9;
	s6 =	sadd.s32 @!p0 $0x88, s6;
	s7 =	simm.s32 @p2 $0x1082  }
0x22: {  	[simem:s7], [sflag:s8] =	dma.local @!p0 [hbm:s6], $0xF7A  }
0x23: {  	s9 =	sor.u32 $0xD0000000, s2;
	s6 =	simm.s32 $0x108;
	_ =	swait.ge @!p0 [sflag:s8], $0x0  }
0x24: {  	s3 =	sadd.s32 $0x88, s3;
	s6 =	simm.s32 @!p1 $0x1082;
	[sflag:s4] =	ssyncset.s32 $0xFFFFF086  }
0x25: {  	[simem:s6], [sflag:s4] =	dma.local [hbm:s3], $0xF7A  }
0x26: {  	[smem:$0x3F8F] =	sst s1;
	(tag) =	ssettag s2;
	_ =	strace s9  }
0x27: {  	s1 =	sld [smem:$0x3F9F]  }
0x28: {  	s2 =	sld [smem:$0x3FA0]  }
0x29: {  	s4 =	sld [smem:$0x3FA2]  }
0x2a: {  	p0 =	seq.s32 s5, $0x0;
	s5 =	sld [smem:$0x3FA3]  }
0x2b: {  	s6 =	sld [smem:$0x3FA4]  }
0x2c: {  	s7 =	sld [smem:$0x3FA5]  }
0x2d: {  	s3 =	simm.s32 $0x108;
	s8 =	sld [smem:$0x3FA6]  }
0x2e: {  	s3 =	simm.s32 @!p0 $0x1082;
	s9 =	sld [smem:$0x3FA7]  }
0x2f: {  	lr =	sadd.s32 s0, s3;
	s0 =	sld [smem:$0x3F9E]  }
0x30: {  	s3 =	sld [smem:$0x3FA1]  }
0x31: {  	[smem:$0x3FAA] =	sst s10  }
0x32: {  	s10 =	sld [smem:$0x3FA8];
	_ =	sdelay $0x3  }
0x33: {  	p0 =	seq.s32 s10, $0x1;
	s10 =	sld [smem:$0x3FAA];
	_ =	sdelay $0x3  }
0x34: {  	[smem:$0x3FAA] =	sst s10  }
0x35: {  	s10 =	sld [smem:$0x3FA9];
	_ =	sdelay $0x3  }
0x36: {  	p1 =	seq.s32 s10, $0x1;
	s10 =	sld [smem:$0x3FAA];
	_ =	sdelay $0x3  }
0x37: {  	[smem:$0x3FAA] =	sst s10  }
0x38: {  	s10 =	sld [smem:$0x3FAB]  }
0x39: {  	_ = 	snop;
	(pc) =	sbr.ind lr, $3  }
0x3a: {  	_ = 	snop  }
0x3b: {  	_ = 	snop  }
0x3c: {  	p2 =	seq.s32 s10, $0x1;
	s10 =	sld [smem:$0x3FAA]  }
0x3d: {  	_ =	shalt  }
0x3e: {  	_ =	shalt  }
0x3f: {  	_ =	shalt  }
0x40: {  	_ =	shalt  }
0x41: {  	_ =	shalt  }
0x42: {  	_ =	shalt  }
0x43: {  	_ =	shalt  }
0x44: {  	_ =	shalt  }
0x45: {  	_ =	shalt  }
0x46: {  	_ =	shalt  }
0x47: {  	_ =	shalt  }
0x48: {  	_ =	shalt  }
0x49: {  	_ =	shalt  }
0x4a: {  	_ =	shalt  }
0x4b: {  	_ =	shalt  }
0x4c: {  	_ =	shalt  }
0x4d: {  	_ =	shalt  }
0x4e: {  	_ =	shalt  }
0x4f: {  	_ =	shalt  }
0x50: {  	_ =	shalt  }
0x51: {  	_ =	shalt  }
0x52: {  	_ =	shalt  }
0x53: {  	_ =	shalt  }
0x54: {  	_ =	shalt  }
0x55: {  	_ =	shalt  }
0x56: {  	_ =	shalt  }
0x57: {  	_ =	shalt  }
0x58: {  	_ =	shalt  }
0x59: {  	_ =	shalt  }
0x5a: {  	_ =	shalt  }
0x5b: {  	_ =	shalt  }
0x5c: {  	_ =	shalt  }
0x5d: {  	_ =	shalt  }
0x5e: {  	_ =	shalt  }
0x5f: {  	_ =	shalt  }
0x60: {  	_ =	shalt  }
0x61: {  	_ =	shalt  }
0x62: {  	_ =	shalt  }
0x63: {  	_ =	shalt  }
0x64: {  	_ =	shalt  }
0x65: {  	_ =	shalt  }
0x66: {  	_ =	shalt  }
0x67: {  	_ =	shalt  }
0x68: {  	_ =	shalt  }
0x69: {  	_ =	shalt  }
0x6a: {  	_ =	shalt  }
0x6b: {  	_ =	shalt  }
0x6c: {  	_ =	shalt  }
0x6d: {  	_ =	shalt  }
0x6e: {  	_ =	shalt  }
0x6f: {  	_ =	shalt  }
0x70: {  	_ =	shalt  }
0x71: {  	_ =	shalt  }
0x72: {  	_ =	shalt  }
0x73: {  	_ =	shalt  }
0x74: {  	_ =	shalt  }
0x75: {  	_ =	shalt  }
0x76: {  	_ =	shalt  }
0x77: {  	_ =	shalt  }
0x78: {  	_ =	shalt  }
0x79: {  	_ =	shalt  }
0x7a: {  	_ =	shalt  }
0x7b: {  	_ =	shalt  }
0x7c: {  	_ =	shalt  }
0x7d: {  	_ =	shalt  }
0x7e: {  	_ =	shalt  }
0x7f: {  	_ =	shalt  }
0x80: {  	_ =	shalt  }
0x81: {  	_ =	shalt  }
0x82: {  	_ =	shalt  }
0x83: {  	_ =	shalt  }
0x84: {  	_ =	shalt  }
0x85: {  	_ =	shalt  }
0x86: {  	_ =	shalt  }
0x87: {  	_ =	shalt  }
.Lfunc_end0:
.L_simem_size_0:
called_computation.3_lowered:
.L_overlay_start_0:
0x88: {  	s2 =	sld [smem:$0x3FD9]  }
0x89: {  	s3 =	sld [smem:$0x3FFE];
	_ =	sdelay $0x1  }
0x8a: {  	s1 =	srdreg.scid  }
0x8b: {  	s0 =	sand.u32 $0x1, s1  }
0x8c: {  	s14 =	sshll.u32 s0, $0xA;
	s2 =	sadd.s32 s3, s2  }
0x8d: {  	s2 =	sadd.s32 s2, s14  }
0x8e: {  	[smem:$0x3FB6] =	sst s2  }
0x8f: {  	_ = 	snop  }
0x90: {  	s2 =	sld [smem:$0x3FD0];
	_ =	sdelay $0x2  }
0x91: {  	s15 =	simm.s32 $0xA;
	s4 =	simm.s32 $0x10  }
0x92: {  	[smem:s4], [sflag:s15] =	dma.local [hbm:s2], $0x1  }
0x93: {  	_ =	swait.eq [sflag:s15], $0x1  }
0x94: {  	[sflag:s15] =	ssyncset.done $0x0  }
0x95: {  	[sflag:s15] =	ssyncadd.s32 $0xFFFFFFFF  }
0x96: {  	s16 =	sld [smem:$0x11];
	(tm) =	ssettm $0x1  }
0x97: {  	s17 =	sld [smem:$0x3FFB];
	_ =	sdelay $0x3  }
0x98: {  	_ =	strace s17  }
0x99: {  	s3 =	sld [smem:$0x3FFC];
	_ =	sdelay $0x3  }
0x9a: {  	_ =	strace s3  }
0x9b: {  	s3 =	sld [smem:$0x3FFD];
	_ =	sdelay $0x3  }
0x9c: {  	_ =	strace s3  }
0x9d: {  	_ =	strace $0x8FFFFFFF  }
0x9e: {  	s18 =	sld [smem:$0x3FDB];
	_ =	sdelay $0x1  }
0x9f: {  	s19 =	simm.s32 $_scs_section_size  }
0xa0: {  	s5 =	simm.s32 $_size__tile_overlayer_lowered;
	s6 =	simm.s32 $_tile_overlayer_lowered  }
0xa1: {  	s22 =	simm.s32 $0x1BFF;
	s21 =	sshll.u32 s6, $0x1;
	s3 =	sadd.s32 s19, s18  }
0xa2: {  	s7 =	simm.s32 $0x0;
	s20 =	sshll.u32 s5, $0x1;
	s5 =	sadd.s32 s21, s3  }
0xa3: {  	[timem:s7], [sflag:s22] =	dma.local [hbm:s5], s20  }
0xa4: {  	_ =	swait.ge [sflag:s22], s20  }
0xa5: {  	s4 =	ssub.s32 $0x0, s20;
	[sflag:s22] =	ssyncset.done $0x0  }
0xa6: {  	[sflag:s22] =	ssyncadd.s32 s4;
	_ =	sdelay $0x1  }
0xa7: {  	s23 =	simm.s32 $0x1B8B  }
0xa8: {  	_ =	swait.ge [sflag:s23], $0x1  }
0xa9: {  	[sflag:s23] =	ssyncset.done $0x0  }
0xaa: {  	s25 =	simm.s32 $0x1B8E;
	s24 =	sld [smem:$0x3FFE];
	[sflag:s23] =	ssyncadd.s32 $0xFFFFFFFF  }
0xab: {  	s26 =	simm.s32 $execute0_lowered;
	[smem:$0x3FD2] =	sst s25  }
0xac: {  	s5 =	sshll.u32 s26, $0x1;
	_ =	strace $0x8000004F;
	[dreg:$0x1] =	wrdreg $0xFFFFFFFF  }
0xad: {  	s28 =	simm.s32 $_size_execute0_lowered;
	s3 =	sadd.s32 s3, s5;
	[dreg:$0x0] =	wrdreg $0x0  }
0xae: {  	s5 =	sshll.u32 s28, $0x1;
	[dreg:$0x2] =	wrdreg s3  }
0xaf: {  	[dreg:$0x3] =	wrdreg s5  }
0xb0: {  	[dreg:$0x4] =	wrdreg $0xC0  }
0xb1: {  	_ =	task [dreg:s7], $0x5FFFF  }
0xb2: {  	[dreg:$0x1] =	wrdreg $0xFFFFFFFF  }
0xb3: {  	[dreg:$0x0] =	wrdreg $0x60  }
0xb4: {  	[dreg:$0x2] =	wrdreg s24  }
0xb5: {  	[dreg:$0x3] =	wrdreg s16  }
0xb6: {  	[dreg:$0x4] =	wrdreg $0x81000  }
0xb7: {  	[dreg:$0x5] =	wrdreg $0x9  }
0xb8: {  	_ =	task.clear_ibuf [dreg:s7], $0x6FFFF;
	_ =	strace $0x9000004F  }
0xb9: {  	s29 =	simm.s32 $0x9;
	_ =	strace $0x80000051  }
0xba: {  	_ =	swait.ge [sflag:s29], $0x1  }
0xbb: {  	[sflag:s29] =	ssyncadd.s32 $0xFFFFFFFF  }
0xbc: {  	_ =	strace $0x90000051  }
0xbd: {  	_ =	sfence  }
0xbe: {  	s30 =	sld [smem:$0x0];
	_ =	sdelay $0x2  }
0xbf: {  	s31 =	sshll.u32 s1, $0xD;
	s1 =	sshrl.u32 s1, $0x2  }
0xc0: {  	s3 =	sand.u32 $0x4000, s31;
	s1 =	sadd.s32 s1, s30  }
0xc1: {  	s0 =	sor.u32 s3, s0;
	s1 =	sshll.u32 s1, $0x11  }
0xc2: {  	s0 =	sor.u32 s1, s0  }
0xc3: {  	s0 =	sadd.s32 $0x8F2B, s0  }
0xc4: {  	[sflag:s0] =	ssyncadd.remote.s32 $0x1  }
0xc5: {  	_ =	sfence.sel $0xFFFF  }
0xc6: {  	[dreg:$0x0] =	wrdreg $0xFFFFFFFF;
	(pc) =	sbr.abs _section_cstart, $3  }
0xc7: {  	[dreg:$0x1] =	wrdreg $0xFFFFFFFF  }
0xc8: {  	_ =	task.clear_ibuf [dreg:s7], $0x2FFFF;
	_ =	strace $0x9FFFFFFF  }
0xc9: {  	(tm) =	ssettm $0x7FFFFFFF  }
tec
execute0_lowered:
.L_overlay_start_1:
0x0: {  	(tag) =	ssettag $0x1  }
0x1: {  	s1 =	rddreg [dreg:$0x0]  }
0x2: {  	s2 =	rddreg [dreg:$0x1]  }
0x3: {  	s0 =	srdreg.scid;
	s19 =	stileid.u32;
	s30 =	simm.s32 $0x100  }
0x4: {  	s31 =	simm.s32 $0x4100;
	s3 =	sadd.s32 $0x9000, s1;
	s8 =	smul.u32 $0x14000, s19  }
0x5: {  	s4 =	sand.u32 $0x1, s0;
	s5 =	sshll.u32 s19, $0x1;
	s26 =	smul.u32 $0x500, s19  }
0x6: {  	s9 =	sadd.s32 $0x59000, s1;
	s23 =	smul.u32 $0x28000, s19;
	s1 =	sadd.s32 $0x563000, s1  }
0x7: {  	s0 =	ssub.s32 $0x2, s4;
	s6 =	smul.u32 $0x140000, s4;
	s5 =	sor.u32 s4, s5  }
0x8: {  	s20 =	smul.u32 $0x280, s4;
	s7 =	sshrl.u32 s0, $0x1;
	s11 =	sadd.s32 $0x4000, s8  }
0x9: {  	s12 =	sadd.s32 $0x8000, s8;
	s17 =	smul.u32 $0x14000, s5;
	s0 =	ssub.s32 s0, s7  }
0xa: {  	s7 =	smul.u32 $0x28, s5;
	s10 =	sadd.s32 s8, s6;
	s13 =	sadd.s32 s6, s11  }
0xb: {  	s14 =	sadd.s32 s6, s12;
	s5 =	smul.u32 $0x280, s5;
	s10 =	sshrl.u32 s10, $0x3  }
0xc: {  	s13 =	sshrl.u32 s13, $0x3;
	s14 =	sshrl.u32 s14, $0x3;
	s15 =	sadd.s32 s3, s10  }
0xd: {  	s0 =	smax.u32 s0, $0x1;
	s24 =	sadd.s32 s3, s13;
	[dreg:$0x4] =	wrdreg s15  }
0xe: {  	s25 =	sadd.s32 s3, s14;
	s10 =	sadd.s32 s9, s10;
	[dreg:$0x5] =	wrdreg s24  }
0xf: {  	s21 =	sadd.s32 s9, s13;
	s22 =	sadd.s32 s9, s14;
	[dreg:$0x6] =	wrdreg s25  }
0x10: {  	s13 =	smul.u32 $0x28, s4;
	s5 =	sadd.s32 s2, s5;
	[dreg:$0x9] =	wrdreg s10  }
0x11: {  	s4 =	smul.u32 $0x14000, s4;
	s15 =	sadd.s32 $0xC000, s8;
	[dreg:$0xa] =	wrdreg s21  }
0x12: {  	s8 =	sadd.s32 $0x10000, s8;
	[dreg:$0xb] =	wrdreg s22;
	s16 =	sadd.s32 s6, s15  }
0x13: {  	s25 =	sadd.s32 s26, s2;
	s6 =	sadd.s32 s6, s8;
	s16 =	sshrl.u32 s16, $0x3  }
0x14: {  	[dreg:$0xe] =	wrdreg s5;
	s6 =	sshrl.u32 s6, $0x3;
	s18 =	sadd.s32 s3, s16  }
0x15: {  	s26 =	smul.u32 $0x50, s19;
	s3 =	sadd.s32 s3, s6;
	[dreg:$0x7] =	wrdreg s18  }
0x16: {  	s24 =	sadd.s32 s9, s16;
	s6 =	sadd.s32 s9, s6;
	[dreg:$0x8] =	wrdreg s3  }
0x17: {  	s16 =	sadd.s32 s13, s26;
	s13 =	simm.s32 $0x0;
	[dreg:$0xc] =	wrdreg s24  }
0x18: {  	[dreg:$0xd] =	wrdreg s6;
	s3 =	sadd.s32 s20, s25;
	s18 =	sor.u32 $0x1, s7  }
0x19: {  	s20 =	sadd.s32 s23, s1;
	s22 =	sshll.u32 s16, $0x4;
	[smem:$0x7FF] =	sst s13  }
0x1a: {  	s23 =	sadd.s32 s1, s17;
	s5 =	sshll.u32 s16, $0xB;
	s16 =	rddreg [dreg:$0x2]  }
0x1b: {  	s24 =	smul.u32 $0x50000, s19;
	s25 =	ssub.s32 $0x4E2, s7;
	s4 =	sadd.s32 s4, s20  }
0x1c: {  	s21 =	sshll.u32 s18, $0x4;
	[dreg:$0x10] =	wrdreg s23;
	s6 =	sshll.u32 s18, $0xB  }
0x1d: {  	s18 =	smin.u32 s25, $0x28;
	s20 =	sadd.s32 s11, s16;
	s23 =	sadd.s32 s8, s16  }
0x1e: {  	s25 =	sadd.s32 $0x20, s3;
	s3 =	simm.s32 $0x0;
	s9 =	sadd.s32 s2, s21  }
0x1f: {  	s2 =	sadd.s32 s22, s2;
	s6 =	sadd.s32 s1, s6;
	s1 =	sadd.s32 s5, s1  }
0x20: {  	s26 =	sshrl.u32 s24, $0x2;
	s21 =	sadd.s32 s12, s16;
	[dreg:$0xf] =	wrdreg s9  }
0x21: {  	s22 =	sadd.s32 s15, s16;
	s15 =	simm.s32 $0x1;
	[dreg:$0x11] =	wrdreg s6  }
0x22: {  	s19 =	sadd.s32 s26, s16;
	s26 =	sadd.s32 $0x1000, s4;
	s28 =	sadd.s32 $0x30, s2  }
0x23: {  	s29 =	sadd.s32 $0x1800, s1;
	s1 =	simm.s32 $0x80;
	s2 =	simm.s32 $0x3  }
0x24: {  	_ =	strace $0x80000050;
	[dreg:$0x12] =	wrdreg s0;
	s0 =	simm.s32 $0x2  }
.LBB2_1:
0x25: {  	s4 =	rddreg [dreg:$0x4]  }
0x26: {  	[tilespmem:s30], [sflag:$0x1] =	stream.linear.gather [hbm4b:s4+s13], $0x4000, $0x38;
	[tilespmem:$0x1C100] =	vst v63  }
0x27: {  	s8 =	rddreg [dreg:$0x5]  }
0x28: {  	[tilespmem:s31], [sflag:$0x2] =	stream.linear.gather [hbm4b:s8+s13], $0x4000, $0x38;
	[tilespmem:$0x1C100] =	vst v63  }
0x29: {  	_ =	swait.ge [sflag:s15], $0x4000  }
0x2a: {  	[sflag:s15] =	ssyncset.done $0x0  }
0x2b: {  	[sflag:s15] =	ssyncadd.s32 $0xFFFFC000  }
0x2c: {  	[spmem:s19] =	stream.linear.scatter [tilespmem:s30], [sflag:$0x3], $0x4000, $0x38;
	[tilespmem:$0x1C100] =	vst v63  }
0x2d: {  	_ =	swait.ge [sflag:s2], $0x4000  }
0x2e: {  	[sflag:s2] =	ssyncset.done $0x0  }
0x2f: {  	s9 =	rddreg [dreg:$0x6];
	[sflag:s2] =	ssyncadd.s32 $0xFFFFC000  }
0x30: {  	[tilespmem:s30], [sflag:$0x1] =	stream.linear.gather [hbm4b:s9+s13], $0x4000, $0x38;
	[tilespmem:$0x1C100] =	vst v63  }
0x31: {  	_ =	swait.ge [sflag:s0], $0x4000  }
0x32: {  	[sflag:s0] =	ssyncset.done $0x0  }
0x33: {  	[sflag:s0] =	ssyncadd.s32 $0xFFFFC000  }
0x34: {  	[spmem:s20] =	stream.linear.scatter [tilespmem:s31], [sflag:$0x3], $0x4000, $0x38;
	[tilespmem:$0x1C100] =	vst v63  }
0x35: {  	_ =	swait.ge [sflag:s2], $0x4000  }
0x36: {  	[sflag:s2] =	ssyncset.done $0x0  }
0x37: {  	s10 =	rddreg [dreg:$0x7];
	[sflag:s2] =	ssyncadd.s32 $0xFFFFC000  }
0x38: {  	[tilespmem:s31], [sflag:$0x2] =	stream.linear.gather [hbm4b:s10+s13], $0x4000, $0x38;
	[tilespmem:$0x1C100] =	vst v63  }
0x39: {  	_ =	swait.ge [sflag:s15], $0x4000  }
0x3a: {  	[sflag:s15] =	ssyncset.done $0x0  }
0x3b: {  	[sflag:s15] =	ssyncadd.s32 $0xFFFFC000  }
0x3c: {  	[spmem:s21] =	stream.linear.scatter [tilespmem:s30], [sflag:$0x3], $0x4000, $0x38;
	[tilespmem:$0x1C100] =	vst v63  }
0x3d: {  	_ =	swait.ge [sflag:s2], $0x4000  }
0x3e: {  	[sflag:s2] =	ssyncset.done $0x0  }
0x3f: {  	s11 =	rddreg [dreg:$0x8];
	[sflag:s2] =	ssyncadd.s32 $0xFFFFC000  }
0x40: {  	[tilespmem:s30], [sflag:$0x1] =	stream.linear.gather [hbm4b:s11+s13], $0x4000, $0x38;
	[tilespmem:$0x1C100] =	vst v63  }
0x41: {  	_ =	swait.ge [sflag:s0], $0x4000  }
0x42: {  	[sflag:s0] =	ssyncset.done $0x0  }
0x43: {  	[sflag:s0] =	ssyncadd.s32 $0xFFFFC000  }
0x44: {  	[spmem:s22] =	stream.linear.scatter [tilespmem:s31], [sflag:$0x3], $0x4000, $0x38;
	[tilespmem:$0x1C100] =	vst v63  }
0x45: {  	_ =	swait.ge [sflag:s2], $0x4000  }
0x46: {  	[sflag:s2] =	ssyncset.done $0x0  }
0x47: {  	[sflag:s2] =	ssyncadd.s32 $0xFFFFC000  }
0x48: {  	_ =	swait.ge [sflag:s15], $0x4000  }
0x49: {  	[sflag:s15] =	ssyncset.done $0x0  }
0x4a: {  	[sflag:s15] =	ssyncadd.s32 $0xFFFFC000  }
0x4b: {  	[spmem:s23] =	stream.linear.scatter [tilespmem:s30], [sflag:$0x3], $0x4000, $0x38;
	[tilespmem:$0x1C100] =	vst v63  }
0x4c: {  	_ =	swait.ge [sflag:s2], $0x4000  }
0x4d: {  	[sflag:s2] =	ssyncset.done $0x0  }
0x4e: {  	[sflag:s2] =	ssyncadd.s32 $0xFFFFC000  }
0x4f: {  	[bflag:$0x0] =	sbarrier.arrive $0xFFFF  }
0x50: {  	s12 =	rddreg [dreg:$0x10]  }
0x51: {  	[tilespmem:s30], [sflag:$0x1] =	stream.linear.gather [hbm4b:s12+s13], $0x4000, $0x38;
	[tilespmem:$0x1C100] =	vst v63  }
0x52: {  	s14 =	rddreg [dreg:$0xe]  }
0x53: {  	[tilespmem:s13], [sflag:$0x1] =	stream.linear.gather [hbm4b:s14+s13], $0x80, $0x38;
	[tilespmem:$0x1C100] =	vst v63  }
0x54: {  	s17 =	rddreg [dreg:$0x11]  }
0x55: {  	[tilespmem:s31], [sflag:$0x2] =	stream.linear.gather [hbm4b:s17+s13], $0x4000, $0x38;
	[tilespmem:$0x1C100] =	vst v63  }
0x56: {  	s24 =	rddreg [dreg:$0xf]  }
0x57: {  	[tilespmem:s1], [sflag:$0x2] =	stream.linear.gather [hbm4b:s24+s13], $0x80, $0x38;
	[tilespmem:$0x1C100] =	vst v63  }
0x58: {  	_ =	swait.ge [sflag:s15], $0x4000  }
0x59: {  	[sflag:s15] =	ssyncset.done $0x0  }
0x5a: {  	[sflag:s15] =	ssyncadd.s32 $0xFFFFC000  }
0x5b: {  	_ =	swait.ge [sflag:s15], $0x80  }
0x5c: {  	[sflag:s15] =	ssyncset.done $0x0  }
0x5d: {  	[sflag:s15] =	ssyncadd.s32 $0xFFFFFF80  }
0x5e: {  	[spmem:s16] =	stream.indirect.scatter.add.f32 [tilespmem:s30], [sflag:$0x3], $0x80, s13, s1, $0xb8;
	[tilespmem:$0x1C100] =	vst v63  }
0x5f: {  	_ =	swait.ge [sflag:s2], $0x4000  }
0x60: {  	p0 =	sle.u32 s18, $0x2;
	p1 =	slt.u32 s18, $0x2;
	[sflag:s2] =	ssyncset.done $0x0  }
0x61: {  	s5 =	simm.s32 @!p0 $0x0;
	s8 =	simm.s32 @!p0 $0x100;
	[sflag:s2] =	ssyncadd.s32 $0xFFFFC000  }
0x62: {  	[tilespmem:s8], [sflag:$0x1] =	stream.linear.gather @!p0 [hbm4b:s26+s5], $0x4000, $0x38;
	[tilespmem:$0x1C100] =	vst v63  }
0x63: {  	s4 =	simm.s32 @!p1 $0x2;
	p0 =	por p0, p0  }
0x64: {  	[tilespmem:s5], [sflag:$0x1] =	stream.linear.gather @!p0 [hbm4b:s25+s5], $0x80, $0x38;
	[tilespmem:$0x1C100] =	vst v63  }
0x65: {  	_ =	swait.ge @!p1 [sflag:s4], $0x4000  }
0x66: {  	[sflag:s4] =	ssyncset.done @!p1 $0x0  }
0x67: {  	[sflag:s4] =	ssyncadd.s32 @!p1 $0xFFFFC000  }
0x68: {  	_ =	swait.ge @!p1 [sflag:s4], $0x80  }
0x69: {  	s6 =	simm.s32 @!p1 $0x80;
	[sflag:s4] =	ssyncset.done @!p1 $0x0  }
0x6a: {  	s7 =	simm.s32 @!p1 $0x4100;
	[sflag:s4] =	ssyncadd.s32 @!p1 $0xFFFFFF80;
	s4 =	simm.s32 @!p1 $0x4  }
0x6b: {  	[spmem:s16] =	stream.indirect.scatter.add.f32 @!p1 [tilespmem:s7], [sflag:$0x4], $0x80, s6, s6, $0xb8;
	[tilespmem:$0x1C100] =	vst v63  }
0x6c: {  	_ =	swait.ge @!p1 [sflag:s4], $0x4000  }
0x6d: {  	p2 =	sle.u32 s18, $0x3;
	[sflag:s4] =	ssyncset.done @!p1 $0x0  }
0x6e: {  	s6 =	simm.s32 @!p2 $0x0;
	s7 =	simm.s32 @!p2 $0x4100;
	[sflag:s4] =	ssyncadd.s32 @!p1 $0xFFFFC000  }
0x6f: {  	[tilespmem:s7], [sflag:$0x2] =	stream.linear.gather @!p2 [hbm4b:s29+s6], $0x4000, $0x38;
	[tilespmem:$0x1C100] =	vst v63  }
0x70: {  	s9 =	simm.s32 @!p0 $0x1;
	s4 =	simm.s32 @!p2 $0x80  }
0x71: {  	[tilespmem:s4], [sflag:$0x2] =	stream.linear.gather @!p2 [hbm4b:s28+s6], $0x80, $0x38;
	[tilespmem:$0x1C100] =	vst v63  }
0x72: {  	_ =	swait.ge @!p0 [sflag:s9], $0x4000  }
0x73: {  	[sflag:s9] =	ssyncset.done @!p0 $0x0  }
0x74: {  	s12 =	simm.s32 $0x4;
	[sflag:s9] =	ssyncadd.s32 @!p0 $0xFFFFC000  }
0x75: {  	s10 =	simm.s32 @!p0 $0x80;
	s14 =	simm.s32 @!p0 $0x3;
	_ =	swait.ge @!p0 [sflag:s9], $0x80  }
0x76: {  	s7 =	simm.s32 $0x7;
	s6 =	simm.s32 $0x5;
	[sflag:s9] =	ssyncset.done @!p0 $0x0  }
0x77: {  	s4 =	sadd.s32 $0x1000, s29;
	[sflag:s9] =	ssyncadd.s32 @!p0 $0xFFFFFF80;
	s9 =	sadd.s32 $0x20, s25  }
0x78: {  	[spmem:s16] =	stream.indirect.scatter.add.f32 @!p0 [tilespmem:s8], [sflag:$0x3], $0x80, s5, s10, $0xb8;
	[tilespmem:$0x1C100] =	vst v63  }
0x79: {  	s5 =	sadd.s32 $0x20, s28;
	s8 =	sadd.s32 $0x1000, s26;
	_ =	swait.ge @!p0 [sflag:s14], $0x4000  }
.LBB2_2:
0x7a: {  	p3 =	sge.u32 s12, s18  }
0x7b: {  	[sflag:s14] =	ssyncset.done @!p0 $0x0;
	s17 =	smov.u32 s7;
	s7 =	sadd.s32 $0x2, s7  }
0x7c: {  	s10 =	simm.s32 @!p3 $0x0;
	s11 =	simm.s32 @!p3 $0x100;
	[sflag:s14] =	ssyncadd.s32 @!p0 $0xFFFFC000  }
0x7d: {  	[tilespmem:s11], [sflag:$0x1] =	stream.linear.gather @!p3 [hbm4b:s8+s10], $0x4000, $0x38;
	[tilespmem:$0x1C100] =	vst v63  }
0x7e: {  	p2 =	sgt.u32 s12, s18;
	p1 =	sne.s32 s7, $0x2D;
	p0 =	por p3, p3  }
0x7f: {  	[tilespmem:s10], [sflag:$0x1] =	stream.linear.gather @!p0 [hbm4b:s9+s10], $0x80, $0x38;
	[tilespmem:$0x1C100] =	vst v63  }
0x80: {  	s12 =	simm.s32 @!p2 $0x2  }
0x81: {  	_ =	swait.ge @!p2 [sflag:s12], $0x4000  }
0x82: {  	[sflag:s12] =	ssyncset.done @!p2 $0x0  }
0x83: {  	[sflag:s12] =	ssyncadd.s32 @!p2 $0xFFFFC000  }
0x84: {  	_ =	swait.ge @!p2 [sflag:s12], $0x80  }
0x85: {  	s14 =	simm.s32 @!p2 $0x80;
	s24 =	simm.s32 @!p2 $0x4100;
	[sflag:s12] =	ssyncset.done @!p2 $0x0  }
0x86: {  	[sflag:s12] =	ssyncadd.s32 @!p2 $0xFFFFFF80;
	s12 =	simm.s32 @!p2 $0x4  }
0x87: {  	[spmem:s16] =	stream.indirect.scatter.add.f32 @!p2 [tilespmem:s24], [sflag:$0x4], $0x80, s14, s14, $0xb8;
	[tilespmem:$0x1C100] =	vst v63  }
0x88: {  	p3 =	sge.u32 s6, s18;
	s6 =	smov.u32 s17;
	_ =	swait.ge @!p2 [sflag:s12], $0x4000  }
0x89: {  	s17 =	simm.s32 @!p3 $0x4100;
	s14 =	simm.s32 @!p3 $0x0;
	[sflag:s12] =	ssyncset.done @!p2 $0x0  }
0x8a: {  	[sflag:s12] =	ssyncadd.s32 @!p2 $0xFFFFC000;
	s12 =	simm.s32 @!p3 $0x80  }
0x8b: {  	[tilespmem:s17], [sflag:$0x2] =	stream.linear.gather @!p3 [hbm4b:s4+s14], $0x4000, $0x38;
	[tilespmem:$0x1C100] =	vst v63  }
0x8c: {  	s17 =	simm.s32 @!p0 $0x1  }
0x8d: {  	[tilespmem:s12], [sflag:$0x2] =	stream.linear.gather @!p3 [hbm4b:s5+s14], $0x80, $0x38;
	[tilespmem:$0x1C100] =	vst v63  }
0x8e: {  	_ =	swait.ge @!p0 [sflag:s17], $0x4000  }
0x8f: {  	[sflag:s17] =	ssyncset.done @!p0 $0x0  }
0x90: {  	[sflag:s17] =	ssyncadd.s32 @!p0 $0xFFFFC000  }
.Ltmp0:
0x91: {  	s4 =	sadd.s32 $0x1000, s4;
	_ =	swait.ge @!p0 [sflag:s17], $0x80;
	(pc) =	sbr.rel @p1 .LBB2_2-.Ltmp0, $4  }
0x92: {  	s12 =	simm.s32 @!p0 $0x80;
	s5 =	sadd.s32 $0x20, s5;
	[sflag:s17] =	ssyncset.done @!p0 $0x0  }
0x93: {  	s8 =	sadd.s32 $0x1000, s8;
	s14 =	simm.s32 @!p0 $0x3;
	[sflag:s17] =	ssyncadd.s32 @!p0 $0xFFFFFF80  }
0x94: {  	[spmem:s16] =	stream.indirect.scatter.add.f32 @!p0 [tilespmem:s11], [sflag:$0x3], $0x80, s10, s12, $0xb8;
	[tilespmem:$0x1C100] =	vst v63  }
0x95: {  	s9 =	sadd.s32 $0x20, s9;
	s12 =	sadd.s32 $0xFFFFFFFF, s6;
	_ =	swait.ge @!p0 [sflag:s14], $0x4000  }
0x96: {  	p2 =	sge.u32 s12, s18;
	[sflag:s14] =	ssyncset.done @!p0 $0x0;
	p1 =	sgt.u32 s12, s18  }
0x97: {  	s7 =	simm.s32 @!p2 $0x0;
	[sflag:s14] =	ssyncadd.s32 @!p0 $0xFFFFC000;
	s10 =	simm.s32 @!p2 $0x100  }
0x98: {  	[tilespmem:s10], [sflag:$0x1] =	stream.linear.gather @!p2 [hbm4b:s8+s7], $0x4000, $0x38;
	[tilespmem:$0x1C100] =	vst v63  }
0x99: {  	p0 =	por p2, p2;
	s8 =	simm.s32 @!p1 $0x2  }
0x9a: {  	[tilespmem:s7], [sflag:$0x1] =	stream.linear.gather @!p0 [hbm4b:s9+s7], $0x80, $0x38;
	[tilespmem:$0x1C100] =	vst v63  }
0x9b: {  	_ =	swait.ge @!p1 [sflag:s8], $0x4000  }
0x9c: {  	[sflag:s8] =	ssyncset.done @!p1 $0x0  }
0x9d: {  	[sflag:s8] =	ssyncadd.s32 @!p1 $0xFFFFC000  }
0x9e: {  	_ =	swait.ge @!p1 [sflag:s8], $0x80  }
0x9f: {  	[sflag:s8] =	ssyncset.done @!p1 $0x0  }
0xa0: {  	s9 =	simm.s32 @!p1 $0x80;
	[sflag:s8] =	ssyncadd.s32 @!p1 $0xFFFFFF80;
	s8 =	simm.s32 @!p1 $0x4100  }
0xa1: {  	[spmem:s16] =	stream.indirect.scatter.add.f32 @!p1 [tilespmem:s8], [sflag:$0x4], $0x80, s9, s9, $0xb8;
	[tilespmem:$0x1C100] =	vst v63  }
0xa2: {  	s8 =	simm.s32 @!p1 $0x4  }
0xa3: {  	_ =	swait.ge @!p1 [sflag:s8], $0x4000  }
0xa4: {  	p2 =	sge.u32 s6, s18;
	[sflag:s8] =	ssyncset.done @!p1 $0x0  }
0xa5: {  	s6 =	simm.s32 @!p2 $0x0;
	[sflag:s8] =	ssyncadd.s32 @!p1 $0xFFFFC000;
	s8 =	simm.s32 @!p2 $0x4100  }
0xa6: {  	[tilespmem:s8], [sflag:$0x2] =	stream.linear.gather @!p2 [hbm4b:s4+s6], $0x4000, $0x38;
	[tilespmem:$0x1C100] =	vst v63  }
0xa7: {  	s4 =	simm.s32 @!p2 $0x80  }
0xa8: {  	[tilespmem:s4], [sflag:$0x2] =	stream.linear.gather @!p2 [hbm4b:s5+s6], $0x80, $0x38;
	[tilespmem:$0x1C100] =	vst v63  }
0xa9: {  	s4 =	simm.s32 @!p0 $0x1  }
0xaa: {  	_ =	swait.ge @!p0 [sflag:s4], $0x4000  }
0xab: {  	[sflag:s4] =	ssyncset.done @!p0 $0x0  }
0xac: {  	[sflag:s4] =	ssyncadd.s32 @!p0 $0xFFFFC000  }
0xad: {  	_ =	swait.ge @!p0 [sflag:s4], $0x80  }
0xae: {  	[sflag:s4] =	ssyncset.done @!p0 $0x0  }
0xaf: {  	[sflag:s4] =	ssyncadd.s32 @!p0 $0xFFFFFF80;
	s4 =	simm.s32 @!p0 $0x80  }
0xb0: {  	[spmem:s16] =	stream.indirect.scatter.add.f32 @!p0 [tilespmem:s10], [sflag:$0x3], $0x80, s7, s4, $0xb8;
	[tilespmem:$0x1C100] =	vst v63  }
0xb1: {  	s4 =	simm.s32 @!p0 $0x3  }
0xb2: {  	_ =	swait.ge @!p0 [sflag:s4], $0x4000  }
0xb3: {  	[sflag:s4] =	ssyncset.done @!p0 $0x0  }
0xb4: {  	[sflag:s4] =	ssyncadd.s32 @!p0 $0xFFFFC000  }
0xb5: {  	[bflag:$0x0] =	sbarrier.arrive $0xFFFF  }
0xb6: {  	[tilespmem:s30], [sflag:$0x3] =	stream.linear.gather [spmem:s19], $0x4000, $0x38;
	[tilespmem:$0x1C100] =	vst v63  }
0xb7: {  	_ =	swait.ge [sflag:s2], $0x4000  }
0xb8: {  	[sflag:s2] =	ssyncset.done $0x0  }
0xb9: {  	s10 =	rddreg [dreg:$0x9];
	[sflag:s2] =	ssyncadd.s32 $0xFFFFC000  }
0xba: {  	[hbm4b:s10+s13] =	stream.linear.scatter [tilespmem:s30], [sflag:$0x1], $0x4000, $0x38;
	[tilespmem:$0x1C100] =	vst v63  }
0xbb: {  	_ = 	snop  }
0xbc: {  	[tilespmem:s31], [sflag:$0x3] =	stream.linear.gather [spmem:s20], $0x4000, $0x38;
	[tilespmem:$0x1C100] =	vst v63  }
0xbd: {  	_ =	swait.ge [sflag:s2], $0x4000  }
0xbe: {  	[sflag:s2] =	ssyncset.done $0x0  }
0xbf: {  	s11 =	rddreg [dreg:$0xa];
	[sflag:s2] =	ssyncadd.s32 $0xFFFFC000  }
0xc0: {  	[hbm4b:s11+s13] =	stream.linear.scatter [tilespmem:s31], [sflag:$0x2], $0x4000, $0x38;
	[tilespmem:$0x1C100] =	vst v63  }
0xc1: {  	_ =	swait.ge [sflag:s15], $0x4000  }
0xc2: {  	[sflag:s15] =	ssyncset.done $0x0  }
0xc3: {  	[sflag:s15] =	ssyncadd.s32 $0xFFFFC000  }
0xc4: {  	[tilespmem:s30], [sflag:$0x3] =	stream.linear.gather [spmem:s21], $0x4000, $0x38;
	[tilespmem:$0x1C100] =	vst v63  }
0xc5: {  	_ =	swait.ge [sflag:s2], $0x4000  }
0xc6: {  	[sflag:s2] =	ssyncset.done $0x0  }
0xc7: {  	s12 =	rddreg [dreg:$0xb];
	[sflag:s2] =	ssyncadd.s32 $0xFFFFC000  }
0xc8: {  	[hbm4b:s12+s13] =	stream.linear.scatter [tilespmem:s30], [sflag:$0x1], $0x4000, $0x38;
	[tilespmem:$0x1C100] =	vst v63  }
0xc9: {  	_ =	swait.ge [sflag:s0], $0x4000  }
0xca: {  	[sflag:s0] =	ssyncset.done $0x0  }
0xcb: {  	[sflag:s0] =	ssyncadd.s32 $0xFFFFC000  }
0xcc: {  	[tilespmem:s31], [sflag:$0x3] =	stream.linear.gather [spmem:s22], $0x4000, $0x38;
	[tilespmem:$0x1C100] =	vst v63  }
0xcd: {  	_ =	swait.ge [sflag:s2], $0x4000  }
0xce: {  	[sflag:s2] =	ssyncset.done $0x0  }
0xcf: {  	s14 =	rddreg [dreg:$0xc];
	[sflag:s2] =	ssyncadd.s32 $0xFFFFC000  }
0xd0: {  	[hbm4b:s14+s13] =	stream.linear.scatter [tilespmem:s31], [sflag:$0x2], $0x4000, $0x38;
	[tilespmem:$0x1C100] =	vst v63  }
0xd1: {  	_ =	swait.ge [sflag:s15], $0x4000  }
0xd2: {  	[sflag:s15] =	ssyncset.done $0x0  }
0xd3: {  	[sflag:s15] =	ssyncadd.s32 $0xFFFFC000  }
0xd4: {  	[tilespmem:s30], [sflag:$0x3] =	stream.linear.gather [spmem:s23], $0x4000, $0x38;
	[tilespmem:$0x1C100] =	vst v63  }
0xd5: {  	_ =	swait.ge [sflag:s2], $0x4000  }
0xd6: {  	[sflag:s2] =	ssyncset.done $0x0  }
0xd7: {  	s17 =	rddreg [dreg:$0xd];
	[sflag:s2] =	ssyncadd.s32 $0xFFFFC000  }
0xd8: {  	[hbm4b:s17+s13] =	stream.linear.scatter [tilespmem:s30], [sflag:$0x1], $0x4000, $0x38;
	[tilespmem:$0x1C100] =	vst v63  }
0xd9: {  	_ =	swait.ge [sflag:s0], $0x4000  }
0xda: {  	[sflag:s0] =	ssyncset.done $0x0  }
0xdb: {  	[sflag:s0] =	ssyncadd.s32 $0xFFFFC000  }
0xdc: {  	_ =	swait.ge [sflag:s15], $0x4000  }
0xdd: {  	s3 =	sadd.s32 $0x1, s3;
	s24 =	rddreg [dreg:$0x12]  }
0xde: {  	p0 =	sne.s32 s3, s24  }
.Ltmp1:
0xdf: {  	_ = 	snop;
	(pc) =	sbr.rel @p0 .LBB2_1-.Ltmp1, $3  }
0xe0: {  	_ =	sdelay $0x1  }
0xe1: {  	[sflag:s15] =	ssyncset.done $0x0  }
0xe2: {  	[sflag:s15] =	ssyncadd.s32 $0xFFFFC000  }
0xe3: {  	_ =	sfence.sel $0x180000  }
0xe4: {  	[bflag:$0x0] =	sbarrier.arrive $0xFFFF  }
0xe5: {  	_ =	strace $0x90000050  }
0xe6: {  	s0 =	stileid.u32;
	[bflag:$0x2] =	sbarrier.arrive $0xFFFF  }
0xe7: {  	p0 =	sne.s32 s0, $0x0;
	s0 =	rddreg [dreg:$0x3]  }
0xe8: {  	s0 =	sadd.s32 @!p0 $0x100000, s0  }
0xe9: {  	[sflag:s0] =	ssyncadd.tile.s32 @!p0 $0x1;
	_ =	shalt  }
.Lfunc_end2:
_tile_overlayer_lowered:
.L_overlay_start_2:
0xea: {  	(tag) =	ssettag $0x2  }
0xeb: {  	s0 =	rddreg [dreg:$0x0];
	s2 =	stileid.u32  }
0xec: {  	s1 =	rddreg [dreg:$0x1];
	p0 =	sne.s32 s2, $0x0  }
0xed: {  	s3 =	rddreg [dreg:$0x2];
	[bflag:$0x3] =	sbarrier.arrive $0xFFFF;
	s2 =	simm.s32 @!p0 $0x1C03  }
0xee: {  	[timem:s3], [sflag:s2] =	dma.local @!p0 [hbm:s0], s1  }
0xef: {  	s0 =	simm.s32 @!p0 $0x3  }
0xf0: {  	_ =	swait.ge @!p0 [sflag:s0], s1  }
0xf1: {  	s1 =	ssub.s32 @!p0 $0x0, s1;
	[sflag:s0] =	ssyncset.done @!p0 $0x0  }
0xf2: {  	[sflag:s0] =	ssyncadd.s32 @!p0 s1  }
0xf3: {  	[bflag:$0x3] =	sbarrier.arrive $0xFFFF  }
0xf4: {  	_ =	shalt  }

</sc_bundles>
